<compile_context>
chip_gen: v7x
topology: tpu7x:2x2x1
jax: 0.10.2.dev20260603
libtpu: 0.0.44.dev20260713+nightly
codegen_flags: <defaults>
</compile_context>

<pallas_src>
import functools

import jax
import jax.numpy as jnp
from jax import lax
from jax.experimental import pallas as pl
from jax.experimental.pallas import tpu as pltpu
from jax.experimental.pallas import tpu_sc as plsc

V = 50000
EXT = 51000
D = 128
H = 256
S = 400
B = 4
A = 3
T = 32
BT = B * T
VT = 2048
NT = -(-EXT // VT)
ZP = 51200

NC = 2
NS = 16
NW = NC * NS

NGA = B * A * S
GPW = NGA // 30
NGP = 160


def _gather_sc(table, idx_art, idx_prev_pad):
    mesh = plsc.VectorSubcoreMesh(core_axis_name="c", subcore_axis_name="s")
    half = GPW // 2

    @functools.partial(
        pl.kernel,
        out_type=[jax.ShapeDtypeStruct((NGA, D), jnp.float32),
                  jax.ShapeDtypeStruct((NGP, D), jnp.float32)],
        mesh=mesh,
        scratch_types=[
            pltpu.VMEM((half,), jnp.int32),
            pltpu.VMEM((half,), jnp.int32),
            pltpu.VMEM((GPW, D), jnp.float32),
            pltpu.SemaphoreType.DMA,
            pltpu.SemaphoreType.DMA,
        ],
    )
    def k(table_hbm, ia_hbm, ip_hbm, oa_hbm, op_hbm,
          idx_a, idx_b, rows_v, sem_a, sem_b):
        wid = lax.axis_index("s") * NC + lax.axis_index("c")

        @pl.when(wid < 30)
        def _():
            base = wid * GPW
            pltpu.sync_copy(ia_hbm.at[pl.ds(base, half)], idx_a)
            c1 = pltpu.async_copy(table_hbm.at[idx_a],
                                  rows_v.at[pl.ds(0, half)], sem_a)
            pltpu.sync_copy(ia_hbm.at[pl.ds(base + half, half)], idx_b)
            c2 = pltpu.async_copy(table_hbm.at[idx_b],
                                  rows_v.at[pl.ds(half, half)], sem_b)
            c1.wait()
            c2.wait()
            pltpu.sync_copy(rows_v, oa_hbm.at[pl.ds(base, GPW)])

        @pl.when(wid >= 30)
        def _():
            base = (wid - 30) * half
            pltpu.sync_copy(ip_hbm.at[pl.ds(base, half)], idx_a)
            pltpu.async_copy(table_hbm.at[idx_a],
                             rows_v.at[pl.ds(0, half)], sem_a).wait()
            pltpu.sync_copy(rows_v.at[pl.ds(0, half)],
                            op_hbm.at[pl.ds(base, half)])

    return k(table, idx_art, idx_prev_pad)


def _attention_tc(emb_art, emb_prev2d, W_enc, W_dec, W_attn, wgen_row,
                  wagent_row, lengths, prev_len):

    def body(emb_art_ref, emb_prev_ref, wenc_ref, wdec_ref, wattn_ref,
             wgen_ref, wagent_ref, len_ref, plen_ref,
             dec_ref, gmix_ref, cw_ref):
        dec2d = jnp.tanh(jnp.dot(emb_prev_ref[0:BT, :], wdec_ref[...],
                                 preferred_element_type=jnp.float32))
        proj = jnp.dot(dec2d, wattn_ref[...], preferred_element_type=jnp.float32)
        dec_ref[...] = dec2d
        for b in range(B):
            proj_b = proj[b * T:(b + 1) * T]
            dec_b = dec2d[b * T:(b + 1) * T]
            attns, ges, gas = [], [], []
            for a in range(A):
                enc = jnp.tanh(jnp.dot(emb_art_ref[b, a], wenc_ref[...],
                                       preferred_element_type=jnp.float32))
                sc = lax.dot_general(proj_b, enc, (((1,), (1,)), ((), ())),
                                     preferred_element_type=jnp.float32)
                iota_s = lax.broadcasted_iota(jnp.int32, (T, S), 1)
                sc = jnp.where(iota_s < len_ref[b * A + a], sc, -1e9)
                m = jnp.max(sc, axis=1, keepdims=True)
                e = jnp.exp(sc - m)
                attn = e / jnp.sum(e, axis=1, keepdims=True)
                ctx = jnp.dot(attn, enc, preferred_element_type=jnp.float32)
                comb = ctx + dec_b
                ge = 1.0 / (1.0 + jnp.exp(-jnp.sum(comb * wgen_ref[...],
                                                   axis=1, keepdims=True)))
                ga = jnp.sum(comb * wagent_ref[...], axis=1, keepdims=True)
                attns.append(attn)
                ges.append(ge)
                gas.append(ga)
            m = jnp.maximum(jnp.maximum(gas[0], gas[1]), gas[2])
            es = [jnp.exp(g - m) for g in gas]
            den = es[0] + es[1] + es[2]
            iota_t = lax.broadcasted_iota(jnp.int32, (T, 1), 0)
            tgt = (iota_t < plen_ref[b]).astype(jnp.float32)
            aas = [e / den for e in es]
            gmix_ref[b * T:(b + 1) * T, :] = (
                aas[0] * ges[0] + aas[1] * ges[1] + aas[2] * ges[2]) * tgt
            for a in range(A):
                cw_ref[a, b * T:(b + 1) * T, :] = (
                    aas[a] * (1.0 - ges[a]) * tgt) * attns[a]

    return pl.pallas_call(
        body,
        out_shape=[
            jax.ShapeDtypeStruct((BT, H), jnp.float32),
            jax.ShapeDtypeStruct((BT, 1), jnp.float32),
            jax.ShapeDtypeStruct((A, BT, S), jnp.float32),
        ],
        in_specs=[pl.BlockSpec(memory_space=pltpu.VMEM)] * 7
        + [pl.BlockSpec(memory_space=pltpu.SMEM)] * 2,
        out_specs=[pl.BlockSpec(memory_space=pltpu.VMEM)] * 3,
    )(emb_art, emb_prev2d, W_enc, W_dec, W_attn, wgen_row, wagent_row,
      lengths, prev_len)


def _scatter_sc(cw, art_bas):
    mesh = plsc.VectorSubcoreMesh(core_axis_name="c", subcore_axis_name="s")

    rpw = BT // NW

    @functools.partial(
        pl.kernel,
        out_type=jax.ShapeDtypeStruct((BT * ZP,), jnp.float32),
        mesh=mesh,
        compiler_params=pltpu.CompilerParams(needs_layout_passes=False),
        scratch_types=[
            pltpu.VMEM((A * S,), jnp.int32),
            pltpu.VMEM((rpw * A * S,), jnp.float32),
            pltpu.VMEM((ZP,), jnp.float32),
            pltpu.VMEM((ZP,), jnp.float32),
            pltpu.SemaphoreType.DMA,
            pltpu.SemaphoreType.DMA,
            pltpu.SemaphoreType.DMA,
        ],
    )
    def k(cw_hbm, art_hbm, out_hbm, idx_v, val_v, buf0, buf1,
          sem0, sem1, semv):
        wid = lax.axis_index("s") * NC + lax.axis_index("c")
        b = wid // (NW // B)
        pltpu.sync_copy(art_hbm.at[pl.ds(b * A * S, A * S)], idx_v)
        vcopies = []
        for r in range(rpw):
            row = wid * rpw + r
            for a in range(A):
                vcopies.append(pltpu.async_copy(
                    cw_hbm.at[pl.ds((a * BT + row) * S, S)],
                    val_v.at[pl.ds((r * A + a) * S, S)], semv))
        zero16 = jnp.zeros((16,), jnp.float32)

        def zbody(i, carry):
            base = i * 128
            for k2 in range(8):
                buf0[pl.ds(base + k2 * 16, 16)] = zero16
                buf1[pl.ds(base + k2 * 16, 16)] = zero16
            return carry

        lax.fori_loop(0, ZP // 128, zbody, 0)
        for c in vcopies:
            c.wait()
        bufs = [buf0, buf1]
        sems = [sem0, sem1]
        dmas = [None, None]
        for r in range(rpw):
            row = wid * rpw + r
            buf = bufs[r % 2]
            if dmas[r % 2] is not None:
                dmas[r % 2].wait()
                for c in range(A * S // 16):
                    plsc.store_scatter(buf, [idx_v[pl.ds(c * 16, 16)]], zero16)
            for c in range(A * S // 16):
                plsc.addupdate_scatter(
                    buf,
                    [idx_v[pl.ds(c * 16, 16)]],
                    val_v[pl.ds((r * A * S) + c * 16, 16)])
            dmas[r % 2] = pltpu.async_copy(
                buf, out_hbm.at[pl.ds(row * ZP, ZP)], sems[r % 2])
        dmas[0].wait()
        dmas[1].wait()

    return k(cw.reshape(-1), art_bas.reshape(-1))


def _vocab_p0_tc(dec2d, W_out_T):

    def body(dec_ref, wout_ref, e_ref, acc_ref):
        j = pl.program_id(0)

        @pl.when(j == 0)
        def _():
            acc_ref[...] = jnp.zeros_like(acc_ref)

        l = lax.dot_general(dec_ref[...], wout_ref[...],
                            (((1,), (1,)), ((), ())),
                            preferred_element_type=jnp.float32)
        gcol = j * VT + lax.broadcasted_iota(jnp.int32, (BT, VT), 1)
        e = jnp.where(gcol < V, jnp.exp(l), 0.0)
        e_ref[...] = e.astype(jnp.bfloat16)
        acc_ref[...] = acc_ref[...] + jnp.sum(e, axis=1, keepdims=True)

    return pl.pallas_call(
        body,
        grid=(NT,),
        in_specs=[
            pl.BlockSpec((BT, H), lambda j: (0, 0)),
            pl.BlockSpec((VT, H), lambda j: (jnp.minimum(j, (V - 1) // VT), 0)),
        ],
        out_specs=[pl.BlockSpec((BT, VT), lambda j: (0, j)),
                   pl.BlockSpec((BT, 1), lambda j: (0, 0))],
        out_shape=[jax.ShapeDtypeStruct((BT, NT * VT), jnp.bfloat16),
                   jax.ShapeDtypeStruct((BT, 1), jnp.float32)],
    )(dec2d, W_out_T)


def _vocab_p1_tc(e_bf, acc, gmix, scat):

    def body(e_ref, acc_ref, gmix_ref, scat_ref, out_ref, inv_ref):
        j = pl.program_id(0)

        @pl.when(j == 0)
        def _():
            inv_ref[...] = gmix_ref[...] / acc_ref[...]

        scat_t = jnp.concatenate(
            [jnp.reshape(scat_ref[:, :, 0, jj, :], (BT, 128))
             for jj in range(VT // 128)], axis=1)
        out_ref[...] = (inv_ref[...] * e_ref[...].astype(jnp.float32)
                        + scat_t)

    return pl.pallas_call(
        body,
        grid=(NT,),
        in_specs=[
            pl.BlockSpec((BT, VT), lambda j: (0, j)),
            pl.BlockSpec((BT, 1), lambda j: (0, 0)),
            pl.BlockSpec((BT, 1), lambda j: (0, 0)),
            pl.BlockSpec((BT // 8, 8, 1, VT // 128, 128),
                         lambda j: (0, 0, j, 0, 0)),
        ],
        out_specs=pl.BlockSpec((BT, VT), lambda j: (0, j)),
        out_shape=jax.ShapeDtypeStruct((BT, EXT), jnp.float32),
        scratch_shapes=[pltpu.VMEM((BT, 1), jnp.float32)],
    )(e_bf, acc, gmix, scat)


def kernel(article, article_length, prev_input, prev_input_length, table,
           W_enc, W_dec, W_attn, w_gen, w_agent, W_out):
    art_bas = article.transpose(1, 2, 0).astype(jnp.int32)
    idx_art = art_bas.reshape(-1)
    idx_prev = jnp.concatenate(
        [prev_input.transpose(1, 0).reshape(-1),
         jnp.zeros((NGP - BT,), jnp.int32)])
    emb_art_2d, emb_prev_pad = _gather_sc(table, idx_art, idx_prev)
    emb_art = emb_art_2d.reshape(B, A, S, D)

    lengths = jnp.maximum(article_length, 1).astype(jnp.int32)
    prev_len = jnp.maximum(prev_input_length, 1).astype(jnp.int32)

    dec2d, gmix, cw = _attention_tc(
        emb_art, emb_prev_pad, W_enc, W_dec, W_attn,
        w_gen.reshape(1, H), w_agent.reshape(1, H), lengths, prev_len)

    scat = _scatter_sc(cw, art_bas).reshape(BT // 8, 8, ZP // VT, VT // 128, 128)
    e_bf, acc = _vocab_p0_tc(dec2d, W_out.T)
    out = _vocab_p1_tc(e_bf, acc, gmix, scat)
    return out.reshape(B, T, EXT)

# --- scband reference (transcript-rebuilt; emitter-appended) ---
"""Pipeline reference for scband-multi-agents-summarizer-42726334660798 (READ-ONLY COPY).

The authoritative reference and input builder live on the scoring server;
editing this copy changes nothing except your own understanding.
"""

import jax, jax.numpy as jnp
import numpy as np

VOCAB = 50000
EXT = 51000
D = 128
H = 256
S = 400
B = 4
A = 3
T = 32


def setup_inputs(seed: int = 0) -> dict:
    key = jax.random.key(seed)
    ks = jax.random.split(key, 12)
    article = jax.random.randint(ks[0], (S, B, A), 0, VOCAB, dtype=jnp.int32)
    article_length = jax.random.randint(ks[1], (B * A,), 1, S + 1, dtype=jnp.int32)
    prev_input = jax.random.randint(ks[2], (T, B), 0, VOCAB, dtype=jnp.int32)
    prev_input_length = jax.random.randint(ks[3], (B,), 1, T + 1, dtype=jnp.int32)
    table = jax.random.normal(ks[4], (VOCAB, D), dtype=jnp.float32) * 0.02
    W_enc = jax.random.normal(ks[5], (D, H), dtype=jnp.float32) * 0.05
    W_dec = jax.random.normal(ks[6], (D, H), dtype=jnp.float32) * 0.05
    W_attn = jax.random.normal(ks[7], (H, H), dtype=jnp.float32) * 0.05
    w_gen = jax.random.normal(ks[8], (H,), dtype=jnp.float32) * 0.05
    w_agent = jax.random.normal(ks[9], (H,), dtype=jnp.float32) * 0.05
    W_out = jax.random.normal(ks[10], (H, VOCAB), dtype=jnp.float32) * 0.02
    return {
        'article': article,
        'article_length': article_length,
        'prev_input': prev_input,
        'prev_input_length': prev_input_length,
        'table': table,
        'W_enc': W_enc,
        'W_dec': W_dec,
        'W_attn': W_attn,
        'w_gen': w_gen,
        'w_agent': w_agent,
        'W_out': W_out,
    }


def reference(article, article_length, prev_input, prev_input_length,
              table, W_enc, W_dec, W_attn, w_gen, w_agent, W_out):
    s, b, a = article.shape
    t = prev_input.shape[0]
    ext = EXT
    # embedding lookups (gather)
    emb_art = jnp.take(table, article, axis=0)            # [S,B,A,D]
    enc = jnp.tanh(emb_art @ W_enc)                       # [S,B,A,H] multi-agent encoder
    emb_prev = jnp.take(table, prev_input, axis=0)        # [T,B,D]
    dec = jnp.tanh(emb_prev @ W_dec)                      # [T,B,H] decoder states
    # agentwise attention over source positions
    proj = dec @ W_attn                                   # [T,B,H]
    scores = jnp.einsum('tbh,sbah->btas', proj, enc)      # [B,T,A,S]
    lengths = jnp.maximum(article_length, 1).reshape(b, a)
    src_mask = jnp.arange(s)[None, None, :] < lengths[:, :, None]   # [B,A,S]
    scores = jnp.where(src_mask[:, None, :, :], scores, -1e9)
    agentwise_attn = jax.nn.softmax(scores, axis=-1)      # [B,T,A,S]
    context = jnp.einsum('btas,sbah->btah', agentwise_attn, enc)    # [B,T,A,H]
    dec_bt = jnp.transpose(dec, (1, 0, 2))                # [B,T,H]
    combine = context + dec_bt[:, :, None, :]             # [B,T,A,H]
    generation_probs = jax.nn.sigmoid(combine @ w_gen)    # [B,T,A]
    agent_attn = jax.nn.softmax(combine @ w_agent, axis=-1)  # [B,T,A]
    vocab_probs = jax.nn.softmax(dec_bt @ W_out, axis=-1) # [B,T,V]
    # pointer-generator mixture
    voc_gen_probs = generation_probs[..., None] * vocab_probs[:, :, None, :]  # [B,T,A,V]
    agt_ext = jnp.concatenate(
        [voc_gen_probs, jnp.zeros((b, t, a, ext - VOCAB), voc_gen_probs.dtype)], axis=-1)
    copy_prob_weighted_attn = (1.0 - generation_probs)[..., None] * agentwise_attn  # [B,T,A,S]
    # scatter-add copy probabilities into extended vocab by article token id
    art_bas = jnp.transpose(article, (1, 2, 0)).astype(jnp.int32)  # [B,A,S]
    base = ((jnp.arange(b)[:, None, None, None] * t
             + jnp.arange(t)[None, :, None, None]) * a
            + jnp.arange(a)[None, None, :, None]) * ext            # [B,T,A,1]
    lin = base + art_bas[:, None, :, :]                            # [B,T,A,S]
    scat = jnp.zeros((b * t * a * ext,), copy_prob_weighted_attn.dtype)
    scat = scat.at[lin.ravel()].add(copy_prob_weighted_attn.ravel())
    agt_ext = agt_ext + scat.reshape(b, t, a, ext)
    extended_voc_probs = jnp.sum(agent_attn[..., None] * agt_ext, axis=2)  # [B,T,EXT]
    tgt_mask = (jnp.arange(t)[None, :] < jnp.maximum(prev_input_length, 1)[:, None]).astype(extended_voc_probs.dtype)
    return extended_voc_probs * tgt_mask[..., None]


if False:  # reference __main__ guard neutralized (emitter)
    inp = setup_inputs()
    out = reference(**inp)
    print(out.shape)

if __name__ == "__main__":
    import jax
    _d = setup_inputs()
    print(jax.jit(kernel)(*tuple(_d.values())))

</pallas_src>

<mosaic_0001>
#map = affine_map<(d0, d1) -> (0)>
module attributes {stable_mosaic.version = 14 : i64} {
  func.func @k(%arg0: i32, %arg1: i32, %arg2: memref<153600xf32, #tpu.memory_space<hbm>>, %arg3: memref<4800xi32, #tpu.memory_space<hbm>>, %arg4: memref<6553600xf32, #tpu.memory_space<hbm>>, %arg5: memref<1200xi32, #tpu.memory_space<vmem>>, %arg6: memref<4800xf32, #tpu.memory_space<vmem>>, %arg7: memref<51200xf32, #tpu.memory_space<vmem>>, %arg8: memref<51200xf32, #tpu.memory_space<vmem>>, %arg9: memref<!tpu.dma_semaphore, #tpu.memory_space<semaphore_mem>>, %arg10: memref<!tpu.dma_semaphore, #tpu.memory_space<semaphore_mem>>, %arg11: memref<!tpu.dma_semaphore, #tpu.memory_space<semaphore_mem>>) attributes {dimension_semantics = [#tpu.dimension_semantics<core_parallel>, #tpu.dimension_semantics<subcore_parallel>], iteration_bounds = array<i64: 2, 16>, scalar_prefetch = 0 : i64, scratch_operands = 7 : i64, tpu.core_type = #tpu.core_type<sc_vector_subcore>, window_params = [{transform_indices = #map}, {transform_indices = #map}, {transform_indices = #map}]} {
    %mul3A = arith.constant 2 : i32
    %mul3A_0 = arith.muli %arg1, %mul3A : i32
    %add3A = arith.addi %mul3A_0, %arg0 : i32
    %jit3A = arith.constant 8 : i32
    %div3A = arith.divsi %add3A, %jit3A : i32
    %sign3A = arith.constant 0 : i32
    %sign3A_1 = arith.cmpi sgt, %add3A, %sign3A : i32
    %sign3A_2 = arith.extui %sign3A_1 : i1 to i32
    %sign3A_3 = arith.constant 0 : i32
    %sign3A_4 = arith.cmpi slt, %add3A, %sign3A_3 : i32
    %sign3A_5 = arith.extui %sign3A_4 : i1 to i32
    %sign3A_6 = arith.subi %sign3A_2, %sign3A_5 : i32
    %sign3A_7 = arith.constant 0 : i32
    %sign3A_8 = arith.cmpi sgt, %jit3A, %sign3A_7 : i32
    %sign3A_9 = arith.extui %sign3A_8 : i1 to i32
    %sign3A_10 = arith.constant 0 : i32
    %sign3A_11 = arith.cmpi slt, %jit3A, %sign3A_10 : i32
    %sign3A_12 = arith.extui %sign3A_11 : i1 to i32
    %sign3A_13 = arith.subi %sign3A_9, %sign3A_12 : i32
    %ne3A = arith.cmpi ne, %sign3A_6, %sign3A_13 : i32
    %rem3A = arith.remsi %add3A, %jit3A : i32
    %ne3A_14 = arith.constant 0 : i32
    %ne3A_15 = arith.cmpi ne, %rem3A, %ne3A_14 : i32
    %and3A = arith.andi %ne3A, %ne3A_15 : i1
    %sub3A = arith.constant 1 : i32
    %sub3A_16 = arith.subi %div3A, %sub3A : i32
    %select_n3A = arith.select %and3A, %sub3A_16, %div3A : i32
    %mul3A_17 = arith.constant 3 : i32
    %mul3A_18 = arith.muli %select_n3A, %mul3A_17 : i32
    %mul3A_19 = arith.constant 400 : i32
    %mul3A_20 = arith.muli %mul3A_18, %mul3A_19 : i32
    "tpu.region"() ({
      %run_scoped3A = tpu.sem_alloc : memref<!tpu.dma_semaphore, #tpu.memory_space<semaphore_mem>>
      %dma_start3A_1772 = tpu.memref_slice %arg3[%mul3A_20] : memref<4800xi32, #tpu.memory_space<hbm>> -> memref<1200xi32, #tpu.memory_space<hbm>>
      %dma_start3A_1773 = tpu.memref_slice %arg3[%mul3A_20] : memref<4800xi32, #tpu.memory_space<hbm>> -> memref<1200xi32, #tpu.memory_space<hbm>>
      tpu.enqueue_dma source(%dma_start3A_1773 : memref<1200xi32, #tpu.memory_space<hbm>>) target(%arg5 : memref<1200xi32, #tpu.memory_space<vmem>>) target_semaphore(%run_scoped3A : memref<!tpu.dma_semaphore, #tpu.memory_space<semaphore_mem>>)
      %dma_wait3A_1774 = tpu.memref_slice %arg3[%mul3A_20] : memref<4800xi32, #tpu.memory_space<hbm>> -> memref<1200xi32, #tpu.memory_space<hbm>>
      %dma_wait3A_1775 = tpu.memref_slice %arg3[%mul3A_20] : memref<4800xi32, #tpu.memory_space<hbm>> -> memref<1200xi32, #tpu.memory_space<hbm>>
      tpu.wait_dma2 semaphore(%run_scoped3A : memref<!tpu.dma_semaphore, #tpu.memory_space<semaphore_mem>>) src(%dma_wait3A_1775 : memref<1200xi32, #tpu.memory_space<hbm>>) dst(%arg5 : memref<1200xi32, #tpu.memory_space<vmem>>)
      tpu.yield
    }) : () -> ()
    %mul3A_21 = arith.constant 4 : i32
    %mul3A_22 = arith.muli %add3A, %mul3A_21 : i32
    %add3A_23 = arith.constant 0 : i32
    %add3A_24 = arith.addi %mul3A_22, %add3A_23 : i32
    %add3A_25 = arith.constant 0 : i32
    %add3A_26 = arith.addi %add3A_25, %add3A_24 : i32
    %mul3A_27 = arith.constant 400 : i32
    %mul3A_28 = arith.muli %add3A_26, %mul3A_27 : i32
    %dma_start3A = arith.constant 0 : i32
    %dma_start3A_29 = tpu.memref_slice %arg6[%dma_start3A] : memref<4800xf32, #tpu.memory_space<vmem>> -> memref<400xf32, #tpu.memory_space<vmem>>
    %dma_start3A_30 = tpu.memref_slice %arg2[%mul3A_28] : memref<153600xf32, #tpu.memory_space<hbm>> -> memref<400xf32, #tpu.memory_space<hbm>>
    %dma_start3A_31 = arith.constant 0 : i32
    %dma_start3A_32 = tpu.memref_slice %arg6[%dma_start3A_31] : memref<4800xf32, #tpu.memory_space<vmem>> -> memref<400xf32, #tpu.memory_space<vmem>>
    %dma_start3A_33 = tpu.memref_slice %arg2[%mul3A_28] : memref<153600xf32, #tpu.memory_space<hbm>> -> memref<400xf32, #tpu.memory_space<hbm>>
    tpu.enqueue_dma source(%dma_start3A_33 : memref<400xf32, #tpu.memory_space<hbm>>) target(%dma_start3A_32 : memref<400xf32, #tpu.memory_space<vmem>>) target_semaphore(%arg11 : memref<!tpu.dma_semaphore, #tpu.memory_space<semaphore_mem>>)
    %add3A_34 = arith.constant 128 : i32
    %add3A_35 = arith.addi %add3A_34, %add3A_24 : i32
    %mul3A_36 = arith.constant 400 : i32
    %mul3A_37 = arith.muli %add3A_35, %mul3A_36 : i32
    %dma_start3A_38 = arith.constant 400 : i32
    %dma_start3A_39 = tpu.memref_slice %arg6[%dma_start3A_38] : memref<4800xf32, #tpu.memory_space<vmem>> -> memref<400xf32, #tpu.memory_space<vmem>>
    %dma_start3A_40 = tpu.memref_slice %arg2[%mul3A_37] : memref<153600xf32, #tpu.memory_space<hbm>> -> memref<400xf32, #tpu.memory_space<hbm>>
    %dma_start3A_41 = arith.constant 400 : i32
    %dma_start3A_42 = tpu.memref_slice %arg6[%dma_start3A_41] : memref<4800xf32, #tpu.memory_space<vmem>> -> memref<400xf32, #tpu.memory_space<vmem>>
    %dma_start3A_43 = tpu.memref_slice %arg2[%mul3A_37] : memref<153600xf32, #tpu.memory_space<hbm>> -> memref<400xf32, #tpu.memory_space<hbm>>
    tpu.enqueue_dma source(%dma_start3A_43 : memref<400xf32, #tpu.memory_space<hbm>>) target(%dma_start3A_42 : memref<400xf32, #tpu.memory_space<vmem>>) target_semaphore(%arg11 : memref<!tpu.dma_semaphore, #tpu.memory_space<semaphore_mem>>)
    %add3A_44 = arith.constant 256 : i32
    %add3A_45 = arith.addi %add3A_44, %add3A_24 : i32
    %mul3A_46 = arith.constant 400 : i32
    %mul3A_47 = arith.muli %add3A_45, %mul3A_46 : i32
    %dma_start3A_48 = arith.constant 800 : i32
    %dma_start3A_49 = tpu.memref_slice %arg6[%dma_start3A_48] : memref<4800xf32, #tpu.memory_space<vmem>> -> memref<400xf32, #tpu.memory_space<vmem>>
    %dma_start3A_50 = tpu.memref_slice %arg2[%mul3A_47] : memref<153600xf32, #tpu.memory_space<hbm>> -> memref<400xf32, #tpu.memory_space<hbm>>
    %dma_start3A_51 = arith.constant 800 : i32
    %dma_start3A_52 = tpu.memref_slice %arg6[%dma_start3A_51] : memref<4800xf32, #tpu.memory_space<vmem>> -> memref<400xf32, #tpu.memory_space<vmem>>
    %dma_start3A_53 = tpu.memref_slice %arg2[%mul3A_47] : memref<153600xf32, #tpu.memory_space<hbm>> -> memref<400xf32, #tpu.memory_space<hbm>>
    tpu.enqueue_dma source(%dma_start3A_53 : memref<400xf32, #tpu.memory_space<hbm>>) target(%dma_start3A_52 : memref<400xf32, #tpu.memory_space<vmem>>) target_semaphore(%arg11 : memref<!tpu.dma_semaphore, #tpu.memory_space<semaphore_mem>>)
    %mul3A_54 = arith.constant 4 : i32
    %mul3A_55 = arith.muli %add3A, %mul3A_54 : i32
    %add3A_56 = arith.constant 1 : i32
    %add3A_57 = arith.addi %mul3A_55, %add3A_56 : i32
    %add3A_58 = arith.constant 0 : i32
    %add3A_59 = arith.addi %add3A_58, %add3A_57 : i32
    %mul3A_60 = arith.constant 400 : i32
    %mul3A_61 = arith.muli %add3A_59, %mul3A_60 : i32
    %dma_start3A_62 = arith.constant 1200 : i32
    %dma_start3A_63 = tpu.memref_slice %arg6[%dma_start3A_62] : memref<4800xf32, #tpu.memory_space<vmem>> -> memref<400xf32, #tpu.memory_space<vmem>>
    %dma_start3A_64 = tpu.memref_slice %arg2[%mul3A_61] : memref<153600xf32, #tpu.memory_space<hbm>> -> memref<400xf32, #tpu.memory_space<hbm>>
    %dma_start3A_65 = arith.constant 1200 : i32
    %dma_start3A_66 = tpu.memref_slice %arg6[%dma_start3A_65] : memref<4800xf32, #tpu.memory_space<vmem>> -> memref<400xf32, #tpu.memory_space<vmem>>
    %dma_start3A_67 = tpu.memref_slice %arg2[%mul3A_61] : memref<153600xf32, #tpu.memory_space<hbm>> -> memref<400xf32, #tpu.memory_space<hbm>>
    tpu.enqueue_dma source(%dma_start3A_67 : memref<400xf32, #tpu.memory_space<hbm>>) target(%dma_start3A_66 : memref<400xf32, #tpu.memory_space<vmem>>) target_semaphore(%arg11 : memref<!tpu.dma_semaphore, #tpu.memory_space<semaphore_mem>>)
    %add3A_68 = arith.constant 128 : i32
    %add3A_69 = arith.addi %add3A_68, %add3A_57 : i32
    %mul3A_70 = arith.constant 400 : i32
    %mul3A_71 = arith.muli %add3A_69, %mul3A_70 : i32
    %dma_start3A_72 = arith.constant 1600 : i32
    %dma_start3A_73 = tpu.memref_slice %arg6[%dma_start3A_72] : memref<4800xf32, #tpu.memory_space<vmem>> -> memref<400xf32, #tpu.memory_space<vmem>>
    %dma_start3A_74 = tpu.memref_slice %arg2[%mul3A_71] : memref<153600xf32, #tpu.memory_space<hbm>> -> memref<400xf32, #tpu.memory_space<hbm>>
    %dma_start3A_75 = arith.constant 1600 : i32
    %dma_start3A_76 = tpu.memref_slice %arg6[%dma_start3A_75] : memref<4800xf32, #tpu.memory_space<vmem>> -> memref<400xf32, #tpu.memory_space<vmem>>
    %dma_start3A_77 = tpu.memref_slice %arg2[%mul3A_71] : memref<153600xf32, #tpu.memory_space<hbm>> -> memref<400xf32, #tpu.memory_space<hbm>>
    tpu.enqueue_dma source(%dma_start3A_77 : memref<400xf32, #tpu.memory_space<hbm>>) target(%dma_start3A_76 : memref<400xf32, #tpu.memory_space<vmem>>) target_semaphore(%arg11 : memref<!tpu.dma_semaphore, #tpu.memory_space<semaphore_mem>>)
    %add3A_78 = arith.constant 256 : i32
    %add3A_79 = arith.addi %add3A_78, %add3A_57 : i32
    %mul3A_80 = arith.constant 400 : i32
    %mul3A_81 = arith.muli %add3A_79, %mul3A_80 : i32
    %dma_start3A_82 = arith.constant 2000 : i32
    %dma_start3A_83 = tpu.memref_slice %arg6[%dma_start3A_82] : memref<4800xf32, #tpu.memory_space<vmem>> -> memref<400xf32, #tpu.memory_space<vmem>>
    %dma_start3A_84 = tpu.memref_slice %arg2[%mul3A_81] : memref<153600xf32, #tpu.memory_space<hbm>> -> memref<400xf32, #tpu.memory_space<hbm>>
    %dma_start3A_85 = arith.constant 2000 : i32
    %dma_start3A_86 = tpu.memref_slice %arg6[%dma_start3A_85] : memref<4800xf32, #tpu.memory_space<vmem>> -> memref<400xf32, #tpu.memory_space<vmem>>
    %dma_start3A_87 = tpu.memref_slice %arg2[%mul3A_81] : memref<153600xf32, #tpu.memory_space<hbm>> -> memref<400xf32, #tpu.memory_space<hbm>>
    tpu.enqueue_dma source(%dma_start3A_87 : memref<400xf32, #tpu.memory_space<hbm>>) target(%dma_start3A_86 : memref<400xf32, #tpu.memory_space<vmem>>) target_semaphore(%arg11 : memref<!tpu.dma_semaphore, #tpu.memory_space<semaphore_mem>>)
    %mul3A_88 = arith.constant 4 : i32
    %mul3A_89 = arith.muli %add3A, %mul3A_88 : i32
    %add3A_90 = arith.constant 2 : i32
    %add3A_91 = arith.addi %mul3A_89, %add3A_90 : i32
    %add3A_92 = arith.constant 0 : i32
    %add3A_93 = arith.addi %add3A_92, %add3A_91 : i32
    %mul3A_94 = arith.constant 400 : i32
    %mul3A_95 = arith.muli %add3A_93, %mul3A_94 : i32
    %dma_start3A_96 = arith.constant 2400 : i32
    %dma_start3A_97 = tpu.memref_slice %arg6[%dma_start3A_96] : memref<4800xf32, #tpu.memory_space<vmem>> -> memref<400xf32, #tpu.memory_space<vmem>>
    %dma_start3A_98 = tpu.memref_slice %arg2[%mul3A_95] : memref<153600xf32, #tpu.memory_space<hbm>> -> memref<400xf32, #tpu.memory_space<hbm>>
    %dma_start3A_99 = arith.constant 2400 : i32
    %dma_start3A_100 = tpu.memref_slice %arg6[%dma_start3A_99] : memref<4800xf32, #tpu.memory_space<vmem>> -> memref<400xf32, #tpu.memory_space<vmem>>
    %dma_start3A_101 = tpu.memref_slice %arg2[%mul3A_95] : memref<153600xf32, #tpu.memory_space<hbm>> -> memref<400xf32, #tpu.memory_space<hbm>>
    tpu.enqueue_dma source(%dma_start3A_101 : memref<400xf32, #tpu.memory_space<hbm>>) target(%dma_start3A_100 : memref<400xf32, #tpu.memory_space<vmem>>) target_semaphore(%arg11 : memref<!tpu.dma_semaphore, #tpu.memory_space<semaphore_mem>>)
    %add3A_102 = arith.constant 128 : i32
    %add3A_103 = arith.addi %add3A_102, %add3A_91 : i32
    %mul3A_104 = arith.constant 400 : i32
    %mul3A_105 = arith.muli %add3A_103, %mul3A_104 : i32
    %dma_start3A_106 = arith.constant 2800 : i32
    %dma_start3A_107 = tpu.memref_slice %arg6[%dma_start3A_106] : memref<4800xf32, #tpu.memory_space<vmem>> -> memref<400xf32, #tpu.memory_space<vmem>>
    %dma_start3A_108 = tpu.memref_slice %arg2[%mul3A_105] : memref<153600xf32, #tpu.memory_space<hbm>> -> memref<400xf32, #tpu.memory_space<hbm>>
    %dma_start3A_109 = arith.constant 2800 : i32
    %dma_start3A_110 = tpu.memref_slice %arg6[%dma_start3A_109] : memref<4800xf32, #tpu.memory_space<vmem>> -> memref<400xf32, #tpu.memory_space<vmem>>
    %dma_start3A_111 = tpu.memref_slice %arg2[%mul3A_105] : memref<153600xf32, #tpu.memory_space<hbm>> -> memref<400xf32, #tpu.memory_space<hbm>>
    tpu.enqueue_dma source(%dma_start3A_111 : memref<400xf32, #tpu.memory_space<hbm>>) target(%dma_start3A_110 : memref<400xf32, #tpu.memory_space<vmem>>) target_semaphore(%arg11 : memref<!tpu.dma_semaphore, #tpu.memory_space<semaphore_mem>>)
    %add3A_112 = arith.constant 256 : i32
    %add3A_113 = arith.addi %add3A_112, %add3A_91 : i32
    %mul3A_114 = arith.constant 400 : i32
    %mul3A_115 = arith.muli %add3A_113, %mul3A_114 : i32
    %dma_start3A_116 = arith.constant 3200 : i32
    %dma_start3A_117 = tpu.memref_slice %arg6[%dma_start3A_116] : memref<4800xf32, #tpu.memory_space<vmem>> -> memref<400xf32, #tpu.memory_space<vmem>>
    %dma_start3A_118 = tpu.memref_slice %arg2[%mul3A_115] : memref<153600xf32, #tpu.memory_space<hbm>> -> memref<400xf32, #tpu.memory_space<hbm>>
    %dma_start3A_119 = arith.constant 3200 : i32
    %dma_start3A_120 = tpu.memref_slice %arg6[%dma_start3A_119] : memref<4800xf32, #tpu.memory_space<vmem>> -> memref<400xf32, #tpu.memory_space<vmem>>
    %dma_start3A_121 = tpu.memref_slice %arg2[%mul3A_115] : memref<153600xf32, #tpu.memory_space<hbm>> -> memref<400xf32, #tpu.memory_space<hbm>>
    tpu.enqueue_dma source(%dma_start3A_121 : memref<400xf32, #tpu.memory_space<hbm>>) target(%dma_start3A_120 : memref<400xf32, #tpu.memory_space<vmem>>) target_semaphore(%arg11 : memref<!tpu.dma_semaphore, #tpu.memory_space<semaphore_mem>>)
    %mul3A_122 = arith.constant 4 : i32
    %mul3A_123 = arith.muli %add3A, %mul3A_122 : i32
    %add3A_124 = arith.constant 3 : i32
    %add3A_125 = arith.addi %mul3A_123, %add3A_124 : i32
    %add3A_126 = arith.constant 0 : i32
    %add3A_127 = arith.addi %add3A_126, %add3A_125 : i32
    %mul3A_128 = arith.constant 400 : i32
    %mul3A_129 = arith.muli %add3A_127, %mul3A_128 : i32
    %dma_start3A_130 = arith.constant 3600 : i32
    %dma_start3A_131 = tpu.memref_slice %arg6[%dma_start3A_130] : memref<4800xf32, #tpu.memory_space<vmem>> -> memref<400xf32, #tpu.memory_space<vmem>>
    %dma_start3A_132 = tpu.memref_slice %arg2[%mul3A_129] : memref<153600xf32, #tpu.memory_space<hbm>> -> memref<400xf32, #tpu.memory_space<hbm>>
    %dma_start3A_133 = arith.constant 3600 : i32
    %dma_start3A_134 = tpu.memref_slice %arg6[%dma_start3A_133] : memref<4800xf32, #tpu.memory_space<vmem>> -> memref<400xf32, #tpu.memory_space<vmem>>
    %dma_start3A_135 = tpu.memref_slice %arg2[%mul3A_129] : memref<153600xf32, #tpu.memory_space<hbm>> -> memref<400xf32, #tpu.memory_space<hbm>>
    tpu.enqueue_dma source(%dma_start3A_135 : memref<400xf32, #tpu.memory_space<hbm>>) target(%dma_start3A_134 : memref<400xf32, #tpu.memory_space<vmem>>) target_semaphore(%arg11 : memref<!tpu.dma_semaphore, #tpu.memory_space<semaphore_mem>>)
    %add3A_136 = arith.constant 128 : i32
    %add3A_137 = arith.addi %add3A_136, %add3A_125 : i32
    %mul3A_138 = arith.constant 400 : i32
    %mul3A_139 = arith.muli %add3A_137, %mul3A_138 : i32
    %dma_start3A_140 = arith.constant 4000 : i32
    %dma_start3A_141 = tpu.memref_slice %arg6[%dma_start3A_140] : memref<4800xf32, #tpu.memory_space<vmem>> -> memref<400xf32, #tpu.memory_space<vmem>>
    %dma_start3A_142 = tpu.memref_slice %arg2[%mul3A_139] : memref<153600xf32, #tpu.memory_space<hbm>> -> memref<400xf32, #tpu.memory_space<hbm>>
    %dma_start3A_143 = arith.constant 4000 : i32
    %dma_start3A_144 = tpu.memref_slice %arg6[%dma_start3A_143] : memref<4800xf32, #tpu.memory_space<vmem>> -> memref<400xf32, #tpu.memory_space<vmem>>
    %dma_start3A_145 = tpu.memref_slice %arg2[%mul3A_139] : memref<153600xf32, #tpu.memory_space<hbm>> -> memref<400xf32, #tpu.memory_space<hbm>>
    tpu.enqueue_dma source(%dma_start3A_145 : memref<400xf32, #tpu.memory_space<hbm>>) target(%dma_start3A_144 : memref<400xf32, #tpu.memory_space<vmem>>) target_semaphore(%arg11 : memref<!tpu.dma_semaphore, #tpu.memory_space<semaphore_mem>>)
    %add3A_146 = arith.constant 256 : i32
    %add3A_147 = arith.addi %add3A_146, %add3A_125 : i32
    %mul3A_148 = arith.constant 400 : i32
    %mul3A_149 = arith.muli %add3A_147, %mul3A_148 : i32
    %dma_start3A_150 = arith.constant 4400 : i32
    %dma_start3A_151 = tpu.memref_slice %arg6[%dma_start3A_150] : memref<4800xf32, #tpu.memory_space<vmem>> -> memref<400xf32, #tpu.memory_space<vmem>>
    %dma_start3A_152 = tpu.memref_slice %arg2[%mul3A_149] : memref<153600xf32, #tpu.memory_space<hbm>> -> memref<400xf32, #tpu.memory_space<hbm>>
    %dma_start3A_153 = arith.constant 4400 : i32
    %dma_start3A_154 = tpu.memref_slice %arg6[%dma_start3A_153] : memref<4800xf32, #tpu.memory_space<vmem>> -> memref<400xf32, #tpu.memory_space<vmem>>
    %dma_start3A_155 = tpu.memref_slice %arg2[%mul3A_149] : memref<153600xf32, #tpu.memory_space<hbm>> -> memref<400xf32, #tpu.memory_space<hbm>>
    tpu.enqueue_dma source(%dma_start3A_155 : memref<400xf32, #tpu.memory_space<hbm>>) target(%dma_start3A_154 : memref<400xf32, #tpu.memory_space<vmem>>) target_semaphore(%arg11 : memref<!tpu.dma_semaphore, #tpu.memory_space<semaphore_mem>>)
    %broadcast_in_dim3A = arith.constant 0.000000e+00 : f32
    %broadcast_in_dim3A_156 = vector.broadcast %broadcast_in_dim3A : f32 to vector<16xf32>
    %scan3A = arith.constant 0 : i32
    %scan3A_157 = arith.constant 0 : i32
    %scan3A_158 = arith.constant 400 : i32
    %scan3A_159 = arith.addi %scan3A_157, %scan3A_158 : i32
    %scan3A_160 = arith.constant 1 : i32
    scf.for %scan3A_1772 = %scan3A_157 to %scan3A_159 step %scan3A_160  : i32 {
      %mul3A_1773 = arith.constant 128 : i32
      %mul3A_1774 = arith.muli %scan3A_1772, %mul3A_1773 : i32
      %add3A_1775 = arith.constant 0 : i32
      %add3A_1776 = arith.addi %mul3A_1774, %add3A_1775 : i32
      %swap3A = arith.index_cast %add3A_1776 : i32 to index
      %swap3A_1777 = tpu.vector_load %arg7[%swap3A] {strides = array<i32>} : memref<51200xf32, #tpu.memory_space<vmem>>, vector<16xf32>,
      tpu.vector_store %arg7[%swap3A], %broadcast_in_dim3A_156 {strides = array<i32>} : memref<51200xf32, #tpu.memory_space<vmem>>, vector<16xf32>,
      %add3A_1778 = arith.constant 0 : i32
      %add3A_1779 = arith.addi %mul3A_1774, %add3A_1778 : i32
      %swap3A_1780 = arith.index_cast %add3A_1779 : i32 to index
      %swap3A_1781 = tpu.vector_load %arg8[%swap3A_1780] {strides = array<i32>} : memref<51200xf32, #tpu.memory_space<vmem>>, vector<16xf32>,
      tpu.vector_store %arg8[%swap3A_1780], %broadcast_in_dim3A_156 {strides = array<i32>} : memref<51200xf32, #tpu.memory_space<vmem>>, vector<16xf32>,
      %add3A_1782 = arith.constant 16 : i32
      %add3A_1783 = arith.addi %mul3A_1774, %add3A_1782 : i32
      %swap3A_1784 = arith.index_cast %add3A_1783 : i32 to index
      %swap3A_1785 = tpu.vector_load %arg7[%swap3A_1784] {strides = array<i32>} : memref<51200xf32, #tpu.memory_space<vmem>>, vector<16xf32>,
      tpu.vector_store %arg7[%swap3A_1784], %broadcast_in_dim3A_156 {strides = array<i32>} : memref<51200xf32, #tpu.memory_space<vmem>>, vector<16xf32>,
      %add3A_1786 = arith.constant 16 : i32
      %add3A_1787 = arith.addi %mul3A_1774, %add3A_1786 : i32
      %swap3A_1788 = arith.index_cast %add3A_1787 : i32 to index
      %swap3A_1789 = tpu.vector_load %arg8[%swap3A_1788] {strides = array<i32>} : memref<51200xf32, #tpu.memory_space<vmem>>, vector<16xf32>,
      tpu.vector_store %arg8[%swap3A_1788], %broadcast_in_dim3A_156 {strides = array<i32>} : memref<51200xf32, #tpu.memory_space<vmem>>, vector<16xf32>,
      %add3A_1790 = arith.constant 32 : i32
      %add3A_1791 = arith.addi %mul3A_1774, %add3A_1790 : i32
      %swap3A_1792 = arith.index_cast %add3A_1791 : i32 to index
      %swap3A_1793 = tpu.vector_load %arg7[%swap3A_1792] {strides = array<i32>} : memref<51200xf32, #tpu.memory_space<vmem>>, vector<16xf32>,
      tpu.vector_store %arg7[%swap3A_1792], %broadcast_in_dim3A_156 {strides = array<i32>} : memref<51200xf32, #tpu.memory_space<vmem>>, vector<16xf32>,
      %add3A_1794 = arith.constant 32 : i32
      %add3A_1795 = arith.addi %mul3A_1774, %add3A_1794 : i32
      %swap3A_1796 = arith.index_cast %add3A_1795 : i32 to index
      %swap3A_1797 = tpu.vector_load %arg8[%swap3A_1796] {strides = array<i32>} : memref<51200xf32, #tpu.memory_space<vmem>>, vector<16xf32>,
      tpu.vector_store %arg8[%swap3A_1796], %broadcast_in_dim3A_156 {strides = array<i32>} : memref<51200xf32, #tpu.memory_space<vmem>>, vector<16xf32>,
      %add3A_1798 = arith.constant 48 : i32
      %add3A_1799 = arith.addi %mul3A_1774, %add3A_1798 : i32
      %swap3A_1800 = arith.index_cast %add3A_1799 : i32 to index
      %swap3A_1801 = tpu.vector_load %arg7[%swap3A_1800] {strides = array<i32>} : memref<51200xf32, #tpu.memory_space<vmem>>, vector<16xf32>,
      tpu.vector_store %arg7[%swap3A_1800], %broadcast_in_dim3A_156 {strides = array<i32>} : memref<51200xf32, #tpu.memory_space<vmem>>, vector<16xf32>,
      %add3A_1802 = arith.constant 48 : i32
      %add3A_1803 = arith.addi %mul3A_1774, %add3A_1802 : i32
      %swap3A_1804 = arith.index_cast %add3A_1803 : i32 to index
      %swap3A_1805 = tpu.vector_load %arg8[%swap3A_1804] {strides = array<i32>} : memref<51200xf32, #tpu.memory_space<vmem>>, vector<16xf32>,
      tpu.vector_store %arg8[%swap3A_1804], %broadcast_in_dim3A_156 {strides = array<i32>} : memref<51200xf32, #tpu.memory_space<vmem>>, vector<16xf32>,
      %add3A_1806 = arith.constant 64 : i32
      %add3A_1807 = arith.addi %mul3A_1774, %add3A_1806 : i32
      %swap3A_1808 = arith.index_cast %add3A_1807 : i32 to index
      %swap3A_1809 = tpu.vector_load %arg7[%swap3A_1808] {strides = array<i32>} : memref<51200xf32, #tpu.memory_space<vmem>>, vector<16xf32>,
      tpu.vector_store %arg7[%swap3A_1808], %broadcast_in_dim3A_156 {strides = array<i32>} : memref<51200xf32, #tpu.memory_space<vmem>>, vector<16xf32>,
      %add3A_1810 = arith.constant 64 : i32
      %add3A_1811 = arith.addi %mul3A_1774, %add3A_1810 : i32
      %swap3A_1812 = arith.index_cast %add3A_1811 : i32 to index
      %swap3A_1813 = tpu.vector_load %arg8[%swap3A_1812] {strides = array<i32>} : memref<51200xf32, #tpu.memory_space<vmem>>, vector<16xf32>,
      tpu.vector_store %arg8[%swap3A_1812], %broadcast_in_dim3A_156 {strides = array<i32>} : memref<51200xf32, #tpu.memory_space<vmem>>, vector<16xf32>,
      %add3A_1814 = arith.constant 80 : i32
      %add3A_1815 = arith.addi %mul3A_1774, %add3A_1814 : i32
      %swap3A_1816 = arith.index_cast %add3A_1815 : i32 to index
      %swap3A_1817 = tpu.vector_load %arg7[%swap3A_1816] {strides = array<i32>} : memref<51200xf32, #tpu.memory_space<vmem>>, vector<16xf32>,
      tpu.vector_store %arg7[%swap3A_1816], %broadcast_in_dim3A_156 {strides = array<i32>} : memref<51200xf32, #tpu.memory_space<vmem>>, vector<16xf32>,
      %add3A_1818 = arith.constant 80 : i32
      %add3A_1819 = arith.addi %mul3A_1774, %add3A_1818 : i32
      %swap3A_1820 = arith.index_cast %add3A_1819 : i32 to index
      %swap3A_1821 = tpu.vector_load %arg8[%swap3A_1820] {strides = array<i32>} : memref<51200xf32, #tpu.memory_space<vmem>>, vector<16xf32>,
      tpu.vector_store %arg8[%swap3A_1820], %broadcast_in_dim3A_156 {strides = array<i32>} : memref<51200xf32, #tpu.memory_space<vmem>>, vector<16xf32>,
      %add3A_1822 = arith.constant 96 : i32
      %add3A_1823 = arith.addi %mul3A_1774, %add3A_1822 : i32
      %swap3A_1824 = arith.index_cast %add3A_1823 : i32 to index
      %swap3A_1825 = tpu.vector_load %arg7[%swap3A_1824] {strides = array<i32>} : memref<51200xf32, #tpu.memory_space<vmem>>, vector<16xf32>,
      tpu.vector_store %arg7[%swap3A_1824], %broadcast_in_dim3A_156 {strides = array<i32>} : memref<51200xf32, #tpu.memory_space<vmem>>, vector<16xf32>,
      %add3A_1826 = arith.constant 96 : i32
      %add3A_1827 = arith.addi %mul3A_1774, %add3A_1826 : i32
      %swap3A_1828 = arith.index_cast %add3A_1827 : i32 to index
      %swap3A_1829 = tpu.vector_load %arg8[%swap3A_1828] {strides = array<i32>} : memref<51200xf32, #tpu.memory_space<vmem>>, vector<16xf32>,
      tpu.vector_store %arg8[%swap3A_1828], %broadcast_in_dim3A_156 {strides = array<i32>} : memref<51200xf32, #tpu.memory_space<vmem>>, vector<16xf32>,
      %add3A_1830 = arith.constant 112 : i32
      %add3A_1831 = arith.addi %mul3A_1774, %add3A_1830 : i32
      %swap3A_1832 = arith.index_cast %add3A_1831 : i32 to index
      %swap3A_1833 = tpu.vector_load %arg7[%swap3A_1832] {strides = array<i32>} : memref<51200xf32, #tpu.memory_space<vmem>>, vector<16xf32>,
      tpu.vector_store %arg7[%swap3A_1832], %broadcast_in_dim3A_156 {strides = array<i32>} : memref<51200xf32, #tpu.memory_space<vmem>>, vector<16xf32>,
      %add3A_1834 = arith.constant 112 : i32
      %add3A_1835 = arith.addi %mul3A_1774, %add3A_1834 : i32
      %swap3A_1836 = arith.index_cast %add3A_1835 : i32 to index
      %swap3A_1837 = tpu.vector_load %arg8[%swap3A_1836] {strides = array<i32>} : memref<51200xf32, #tpu.memory_space<vmem>>, vector<16xf32>,
      tpu.vector_store %arg8[%swap3A_1836], %broadcast_in_dim3A_156 {strides = array<i32>} : memref<51200xf32, #tpu.memory_space<vmem>>, vector<16xf32>,
    }
    %scan3A_161 = arith.constant 400 : i32
    %dma_wait3A = arith.constant 0 : i32
    %dma_wait3A_162 = tpu.memref_slice %arg6[%dma_wait3A] : memref<4800xf32, #tpu.memory_space<vmem>> -> memref<400xf32, #tpu.memory_space<vmem>>
    %dma_wait3A_163 = tpu.memref_slice %arg2[%mul3A_28] : memref<153600xf32, #tpu.memory_space<hbm>> -> memref<400xf32, #tpu.memory_space<hbm>>
    %dma_wait3A_164 = arith.constant 0 : i32
    %dma_wait3A_165 = tpu.memref_slice %arg6[%dma_wait3A_164] : memref<4800xf32, #tpu.memory_space<vmem>> -> memref<400xf32, #tpu.memory_space<vmem>>
    %dma_wait3A_166 = tpu.memref_slice %arg2[%mul3A_28] : memref<153600xf32, #tpu.memory_space<hbm>> -> memref<400xf32, #tpu.memory_space<hbm>>
    tpu.wait_dma2 semaphore(%arg11 : memref<!tpu.dma_semaphore, #tpu.memory_space<semaphore_mem>>) src(%dma_wait3A_166 : memref<400xf32, #tpu.memory_space<hbm>>) dst(%dma_wait3A_165 : memref<400xf32, #tpu.memory_space<vmem>>)
    %dma_wait3A_167 = arith.constant 400 : i32
    %dma_wait3A_168 = tpu.memref_slice %arg6[%dma_wait3A_167] : memref<4800xf32, #tpu.memory_space<vmem>> -> memref<400xf32, #tpu.memory_space<vmem>>
    %dma_wait3A_169 = tpu.memref_slice %arg2[%mul3A_37] : memref<153600xf32, #tpu.memory_space<hbm>> -> memref<400xf32, #tpu.memory_space<hbm>>
    %dma_wait3A_170 = arith.constant 400 : i32
    %dma_wait3A_171 = tpu.memref_slice %arg6[%dma_wait3A_170] : memref<4800xf32, #tpu.memory_space<vmem>> -> memref<400xf32, #tpu.memory_space<vmem>>
    %dma_wait3A_172 = tpu.memref_slice %arg2[%mul3A_37] : memref<153600xf32, #tpu.memory_space<hbm>> -> memref<400xf32, #tpu.memory_space<hbm>>
    tpu.wait_dma2 semaphore(%arg11 : memref<!tpu.dma_semaphore, #tpu.memory_space<semaphore_mem>>) src(%dma_wait3A_172 : memref<400xf32, #tpu.memory_space<hbm>>) dst(%dma_wait3A_171 : memref<400xf32, #tpu.memory_space<vmem>>)
    %dma_wait3A_173 = arith.constant 800 : i32
    %dma_wait3A_174 = tpu.memref_slice %arg6[%dma_wait3A_173] : memref<4800xf32, #tpu.memory_space<vmem>> -> memref<400xf32, #tpu.memory_space<vmem>>
    %dma_wait3A_175 = tpu.memref_slice %arg2[%mul3A_47] : memref<153600xf32, #tpu.memory_space<hbm>> -> memref<400xf32, #tpu.memory_space<hbm>>
    %dma_wait3A_176 = arith.constant 800 : i32
    %dma_wait3A_177 = tpu.memref_slice %arg6[%dma_wait3A_176] : memref<4800xf32, #tpu.memory_space<vmem>> -> memref<400xf32, #tpu.memory_space<vmem>>
    %dma_wait3A_178 = tpu.memref_slice %arg2[%mul3A_47] : memref<153600xf32, #tpu.memory_space<hbm>> -> memref<400xf32, #tpu.memory_space<hbm>>
    tpu.wait_dma2 semaphore(%arg11 : memref<!tpu.dma_semaphore, #tpu.memory_space<semaphore_mem>>) src(%dma_wait3A_178 : memref<400xf32, #tpu.memory_space<hbm>>) dst(%dma_wait3A_177 : memref<400xf32, #tpu.memory_space<vmem>>)
    %dma_wait3A_179 = arith.constant 1200 : i32
    %dma_wait3A_180 = tpu.memref_slice %arg6[%dma_wait3A_179] : memref<4800xf32, #tpu.memory_space<vmem>> -> memref<400xf32, #tpu.memory_space<vmem>>
    %dma_wait3A_181 = tpu.memref_slice %arg2[%mul3A_61] : memref<153600xf32, #tpu.memory_space<hbm>> -> memref<400xf32, #tpu.memory_space<hbm>>
    %dma_wait3A_182 = arith.constant 1200 : i32
    %dma_wait3A_183 = tpu.memref_slice %arg6[%dma_wait3A_182] : memref<4800xf32, #tpu.memory_space<vmem>> -> memref<400xf32, #tpu.memory_space<vmem>>
    %dma_wait3A_184 = tpu.memref_slice %arg2[%mul3A_61] : memref<153600xf32, #tpu.memory_space<hbm>> -> memref<400xf32, #tpu.memory_space<hbm>>
    tpu.wait_dma2 semaphore(%arg11 : memref<!tpu.dma_semaphore, #tpu.memory_space<semaphore_mem>>) src(%dma_wait3A_184 : memref<400xf32, #tpu.memory_space<hbm>>) dst(%dma_wait3A_183 : memref<400xf32, #tpu.memory_space<vmem>>)
    %dma_wait3A_185 = arith.constant 1600 : i32
    %dma_wait3A_186 = tpu.memref_slice %arg6[%dma_wait3A_185] : memref<4800xf32, #tpu.memory_space<vmem>> -> memref<400xf32, #tpu.memory_space<vmem>>
    %dma_wait3A_187 = tpu.memref_slice %arg2[%mul3A_71] : memref<153600xf32, #tpu.memory_space<hbm>> -> memref<400xf32, #tpu.memory_space<hbm>>
    %dma_wait3A_188 = arith.constant 1600 : i32
    %dma_wait3A_189 = tpu.memref_slice %arg6[%dma_wait3A_188] : memref<4800xf32, #tpu.memory_space<vmem>> -> memref<400xf32, #tpu.memory_space<vmem>>
    %dma_wait3A_190 = tpu.memref_slice %arg2[%mul3A_71] : memref<153600xf32, #tpu.memory_space<hbm>> -> memref<400xf32, #tpu.memory_space<hbm>>
    tpu.wait_dma2 semaphore(%arg11 : memref<!tpu.dma_semaphore, #tpu.memory_space<semaphore_mem>>) src(%dma_wait3A_190 : memref<400xf32, #tpu.memory_space<hbm>>) dst(%dma_wait3A_189 : memref<400xf32, #tpu.memory_space<vmem>>)
    %dma_wait3A_191 = arith.constant 2000 : i32
    %dma_wait3A_192 = tpu.memref_slice %arg6[%dma_wait3A_191] : memref<4800xf32, #tpu.memory_space<vmem>> -> memref<400xf32, #tpu.memory_space<vmem>>
    %dma_wait3A_193 = tpu.memref_slice %arg2[%mul3A_81] : memref<153600xf32, #tpu.memory_space<hbm>> -> memref<400xf32, #tpu.memory_space<hbm>>
    %dma_wait3A_194 = arith.constant 2000 : i32
    %dma_wait3A_195 = tpu.memref_slice %arg6[%dma_wait3A_194] : memref<4800xf32, #tpu.memory_space<vmem>> -> memref<400xf32, #tpu.memory_space<vmem>>
    %dma_wait3A_196 = tpu.memref_slice %arg2[%mul3A_81] : memref<153600xf32, #tpu.memory_space<hbm>> -> memref<400xf32, #tpu.memory_space<hbm>>
    tpu.wait_dma2 semaphore(%arg11 : memref<!tpu.dma_semaphore, #tpu.memory_space<semaphore_mem>>) src(%dma_wait3A_196 : memref<400xf32, #tpu.memory_space<hbm>>) dst(%dma_wait3A_195 : memref<400xf32, #tpu.memory_space<vmem>>)
    %dma_wait3A_197 = arith.constant 2400 : i32
    %dma_wait3A_198 = tpu.memref_slice %arg6[%dma_wait3A_197] : memref<4800xf32, #tpu.memory_space<vmem>> -> memref<400xf32, #tpu.memory_space<vmem>>
    %dma_wait3A_199 = tpu.memref_slice %arg2[%mul3A_95] : memref<153600xf32, #tpu.memory_space<hbm>> -> memref<400xf32, #tpu.memory_space<hbm>>
    %dma_wait3A_200 = arith.constant 2400 : i32
    %dma_wait3A_201 = tpu.memref_slice %arg6[%dma_wait3A_200] : memref<4800xf32, #tpu.memory_space<vmem>> -> memref<400xf32, #tpu.memory_space<vmem>>
    %dma_wait3A_202 = tpu.memref_slice %arg2[%mul3A_95] : memref<153600xf32, #tpu.memory_space<hbm>> -> memref<400xf32, #tpu.memory_space<hbm>>
    tpu.wait_dma2 semaphore(%arg11 : memref<!tpu.dma_semaphore, #tpu.memory_space<semaphore_mem>>) src(%dma_wait3A_202 : memref<400xf32, #tpu.memory_space<hbm>>) dst(%dma_wait3A_201 : memref<400xf32, #tpu.memory_space<vmem>>)
    %dma_wait3A_203 = arith.constant 2800 : i32
    %dma_wait3A_204 = tpu.memref_slice %arg6[%dma_wait3A_203] : memref<4800xf32, #tpu.memory_space<vmem>> -> memref<400xf32, #tpu.memory_space<vmem>>
    %dma_wait3A_205 = tpu.memref_slice %arg2[%mul3A_105] : memref<153600xf32, #tpu.memory_space<hbm>> -> memref<400xf32, #tpu.memory_space<hbm>>
    %dma_wait3A_206 = arith.constant 2800 : i32
    %dma_wait3A_207 = tpu.memref_slice %arg6[%dma_wait3A_206] : memref<4800xf32, #tpu.memory_space<vmem>> -> memref<400xf32, #tpu.memory_space<vmem>>
    %dma_wait3A_208 = tpu.memref_slice %arg2[%mul3A_105] : memref<153600xf32, #tpu.memory_space<hbm>> -> memref<400xf32, #tpu.memory_space<hbm>>
    tpu.wait_dma2 semaphore(%arg11 : memref<!tpu.dma_semaphore, #tpu.memory_space<semaphore_mem>>) src(%dma_wait3A_208 : memref<400xf32, #tpu.memory_space<hbm>>) dst(%dma_wait3A_207 : memref<400xf32, #tpu.memory_space<vmem>>)
    %dma_wait3A_209 = arith.constant 3200 : i32
    %dma_wait3A_210 = tpu.memref_slice %arg6[%dma_wait3A_209] : memref<4800xf32, #tpu.memory_space<vmem>> -> memref<400xf32, #tpu.memory_space<vmem>>
    %dma_wait3A_211 = tpu.memref_slice %arg2[%mul3A_115] : memref<153600xf32, #tpu.memory_space<hbm>> -> memref<400xf32, #tpu.memory_space<hbm>>
    %dma_wait3A_212 = arith.constant 3200 : i32
    %dma_wait3A_213 = tpu.memref_slice %arg6[%dma_wait3A_212] : memref<4800xf32, #tpu.memory_space<vmem>> -> memref<400xf32, #tpu.memory_space<vmem>>
    %dma_wait3A_214 = tpu.memref_slice %arg2[%mul3A_115] : memref<153600xf32, #tpu.memory_space<hbm>> -> memref<400xf32, #tpu.memory_space<hbm>>
    tpu.wait_dma2 semaphore(%arg11 : memref<!tpu.dma_semaphore, #tpu.memory_space<semaphore_mem>>) src(%dma_wait3A_214 : memref<400xf32, #tpu.memory_space<hbm>>) dst(%dma_wait3A_213 : memref<400xf32, #tpu.memory_space<vmem>>)
    %dma_wait3A_215 = arith.constant 3600 : i32
    %dma_wait3A_216 = tpu.memref_slice %arg6[%dma_wait3A_215] : memref<4800xf32, #tpu.memory_space<vmem>> -> memref<400xf32, #tpu.memory_space<vmem>>
    %dma_wait3A_217 = tpu.memref_slice %arg2[%mul3A_129] : memref<153600xf32, #tpu.memory_space<hbm>> -> memref<400xf32, #tpu.memory_space<hbm>>
    %dma_wait3A_218 = arith.constant 3600 : i32
    %dma_wait3A_219 = tpu.memref_slice %arg6[%dma_wait3A_218] : memref<4800xf32, #tpu.memory_space<vmem>> -> memref<400xf32, #tpu.memory_space<vmem>>
    %dma_wait3A_220 = tpu.memref_slice %arg2[%mul3A_129] : memref<153600xf32, #tpu.memory_space<hbm>> -> memref<400xf32, #tpu.memory_space<hbm>>
    tpu.wait_dma2 semaphore(%arg11 : memref<!tpu.dma_semaphore, #tpu.memory_space<semaphore_mem>>) src(%dma_wait3A_220 : memref<400xf32, #tpu.memory_space<hbm>>) dst(%dma_wait3A_219 : memref<400xf32, #tpu.memory_space<vmem>>)
    %dma_wait3A_221 = arith.constant 4000 : i32
    %dma_wait3A_222 = tpu.memref_slice %arg6[%dma_wait3A_221] : memref<4800xf32, #tpu.memory_space<vmem>> -> memref<400xf32, #tpu.memory_space<vmem>>
    %dma_wait3A_223 = tpu.memref_slice %arg2[%mul3A_139] : memref<153600xf32, #tpu.memory_space<hbm>> -> memref<400xf32, #tpu.memory_space<hbm>>
    %dma_wait3A_224 = arith.constant 4000 : i32
    %dma_wait3A_225 = tpu.memref_slice %arg6[%dma_wait3A_224] : memref<4800xf32, #tpu.memory_space<vmem>> -> memref<400xf32, #tpu.memory_space<vmem>>
    %dma_wait3A_226 = tpu.memref_slice %arg2[%mul3A_139] : memref<153600xf32, #tpu.memory_space<hbm>> -> memref<400xf32, #tpu.memory_space<hbm>>
    tpu.wait_dma2 semaphore(%arg11 : memref<!tpu.dma_semaphore, #tpu.memory_space<semaphore_mem>>) src(%dma_wait3A_226 : memref<400xf32, #tpu.memory_space<hbm>>) dst(%dma_wait3A_225 : memref<400xf32, #tpu.memory_space<vmem>>)
    %dma_wait3A_227 = arith.constant 4400 : i32
    %dma_wait3A_228 = tpu.memref_slice %arg6[%dma_wait3A_227] : memref<4800xf32, #tpu.memory_space<vmem>> -> memref<400xf32, #tpu.memory_space<vmem>>
    %dma_wait3A_229 = tpu.memref_slice %arg2[%mul3A_149] : memref<153600xf32, #tpu.memory_space<hbm>> -> memref<400xf32, #tpu.memory_space<hbm>>
    %dma_wait3A_230 = arith.constant 4400 : i32
    %dma_wait3A_231 = tpu.memref_slice %arg6[%dma_wait3A_230] : memref<4800xf32, #tpu.memory_space<vmem>> -> memref<400xf32, #tpu.memory_space<vmem>>
    %dma_wait3A_232 = tpu.memref_slice %arg2[%mul3A_149] : memref<153600xf32, #tpu.memory_space<hbm>> -> memref<400xf32, #tpu.memory_space<hbm>>
    tpu.wait_dma2 semaphore(%arg11 : memref<!tpu.dma_semaphore, #tpu.memory_space<semaphore_mem>>) src(%dma_wait3A_232 : memref<400xf32, #tpu.memory_space<hbm>>) dst(%dma_wait3A_231 : memref<400xf32, #tpu.memory_space<vmem>>)
    %mul3A_233 = arith.constant 4 : i32
    %mul3A_234 = arith.muli %add3A, %mul3A_233 : i32
    %add3A_235 = arith.constant 0 : i32
    %add3A_236 = arith.addi %mul3A_234, %add3A_235 : i32
    %get3A = arith.constant 0 : index
    %get3A_237 = tpu.vector_load %arg5[%get3A] {strides = array<i32>} : memref<1200xi32, #tpu.memory_space<vmem>>, vector<16xi32>,
    %get3A_238 = arith.constant 0 : index
    %get3A_239 = tpu.vector_load %arg6[%get3A_238] {strides = array<i32>} : memref<4800xf32, #tpu.memory_space<vmem>>, vector<16xf32>,
    tpu.vector_store_idx %arg7[%get3A_237], %get3A_239 {add = true} : memref<51200xf32, #tpu.memory_space<vmem>>[vector<16xi32>], vector<16xf32>,
    %get3A_240 = arith.constant 16 : index
    %get3A_241 = tpu.vector_load %arg5[%get3A_240] {strides = array<i32>} : memref<1200xi32, #tpu.memory_space<vmem>>, vector<16xi32>,
    %get3A_242 = arith.constant 16 : index
    %get3A_243 = tpu.vector_load %arg6[%get3A_242] {strides = array<i32>} : memref<4800xf32, #tpu.memory_space<vmem>>, vector<16xf32>,
    tpu.vector_store_idx %arg7[%get3A_241], %get3A_243 {add = true} : memref<51200xf32, #tpu.memory_space<vmem>>[vector<16xi32>], vector<16xf32>,
    %get3A_244 = arith.constant 32 : index
    %get3A_245 = tpu.vector_load %arg5[%get3A_244] {strides = array<i32>} : memref<1200xi32, #tpu.memory_space<vmem>>, vector<16xi32>,
    %get3A_246 = arith.constant 32 : index
    %get3A_247 = tpu.vector_load %arg6[%get3A_246] {strides = array<i32>} : memref<4800xf32, #tpu.memory_space<vmem>>, vector<16xf32>,
    tpu.vector_store_idx %arg7[%get3A_245], %get3A_247 {add = true} : memref<51200xf32, #tpu.memory_space<vmem>>[vector<16xi32>], vector<16xf32>,
    %get3A_248 = arith.constant 48 : index
    %get3A_249 = tpu.vector_load %arg5[%get3A_248] {strides = array<i32>} : memref<1200xi32, #tpu.memory_space<vmem>>, vector<16xi32>,
    %get3A_250 = arith.constant 48 : index
    %get3A_251 = tpu.vector_load %arg6[%get3A_250] {strides = array<i32>} : memref<4800xf32, #tpu.memory_space<vmem>>, vector<16xf32>,
    tpu.vector_store_idx %arg7[%get3A_249], %get3A_251 {add = true} : memref<51200xf32, #tpu.memory_space<vmem>>[vector<16xi32>], vector<16xf32>,
    %get3A_252 = arith.constant 64 : index
    %get3A_253 = tpu.vector_load %arg5[%get3A_252] {strides = array<i32>} : memref<1200xi32, #tpu.memory_space<vmem>>, vector<16xi32>,
    %get3A_254 = arith.constant 64 : index
    %get3A_255 = tpu.vector_load %arg6[%get3A_254] {strides = array<i32>} : memref<4800xf32, #tpu.memory_space<vmem>>, vector<16xf32>,
    tpu.vector_store_idx %arg7[%get3A_253], %get3A_255 {add = true} : memref<51200xf32, #tpu.memory_space<vmem>>[vector<16xi32>], vector<16xf32>,
    %get3A_256 = arith.constant 80 : index
    %get3A_257 = tpu.vector_load %arg5[%get3A_256] {strides = array<i32>} : memref<1200xi32, #tpu.memory_space<vmem>>, vector<16xi32>,
    %get3A_258 = arith.constant 80 : index
    %get3A_259 = tpu.vector_load %arg6[%get3A_258] {strides = array<i32>} : memref<4800xf32, #tpu.memory_space<vmem>>, vector<16xf32>,
    tpu.vector_store_idx %arg7[%get3A_257], %get3A_259 {add = true} : memref<51200xf32, #tpu.memory_space<vmem>>[vector<16xi32>], vector<16xf32>,
    %get3A_260 = arith.constant 96 : index
    %get3A_261 = tpu.vector_load %arg5[%get3A_260] {strides = array<i32>} : memref<1200xi32, #tpu.memory_space<vmem>>, vector<16xi32>,
    %get3A_262 = arith.constant 96 : index
    %get3A_263 = tpu.vector_load %arg6[%get3A_262] {strides = array<i32>} : memref<4800xf32, #tpu.memory_space<vmem>>, vector<16xf32>,
    tpu.vector_store_idx %arg7[%get3A_261], %get3A_263 {add = true} : memref<51200xf32, #tpu.memory_space<vmem>>[vector<16xi32>], vector<16xf32>,
    %get3A_264 = arith.constant 112 : index
    %get3A_265 = tpu.vector_load %arg5[%get3A_264] {strides = array<i32>} : memref<1200xi32, #tpu.memory_space<vmem>>, vector<16xi32>,
    %get3A_266 = arith.constant 112 : index
    %get3A_267 = tpu.vector_load %arg6[%get3A_266] {strides = array<i32>} : memref<4800xf32, #tpu.memory_space<vmem>>, vector<16xf32>,
    tpu.vector_store_idx %arg7[%get3A_265], %get3A_267 {add = true} : memref<51200xf32, #tpu.memory_space<vmem>>[vector<16xi32>], vector<16xf32>,
    %get3A_268 = arith.constant 128 : index
    %get3A_269 = tpu.vector_load %arg5[%get3A_268] {strides = array<i32>} : memref<1200xi32, #tpu.memory_space<vmem>>, vector<16xi32>,
    %get3A_270 = arith.constant 128 : index
    %get3A_271 = tpu.vector_load %arg6[%get3A_270] {strides = array<i32>} : memref<4800xf32, #tpu.memory_space<vmem>>, vector<16xf32>,
    tpu.vector_store_idx %arg7[%get3A_269], %get3A_271 {add = true} : memref<51200xf32, #tpu.memory_space<vmem>>[vector<16xi32>], vector<16xf32>,
    %get3A_272 = arith.constant 144 : index
    %get3A_273 = tpu.vector_load %arg5[%get3A_272] {strides = array<i32>} : memref<1200xi32, #tpu.memory_space<vmem>>, vector<16xi32>,
    %get3A_274 = arith.constant 144 : index
    %get3A_275 = tpu.vector_load %arg6[%get3A_274] {strides = array<i32>} : memref<4800xf32, #tpu.memory_space<vmem>>, vector<16xf32>,
    tpu.vector_store_idx %arg7[%get3A_273], %get3A_275 {add = true} : memref<51200xf32, #tpu.memory_space<vmem>>[vector<16xi32>], vector<16xf32>,
    %get3A_276 = arith.constant 160 : index
    %get3A_277 = tpu.vector_load %arg5[%get3A_276] {strides = array<i32>} : memref<1200xi32, #tpu.memory_space<vmem>>, vector<16xi32>,
    %get3A_278 = arith.constant 160 : index
    %get3A_279 = tpu.vector_load %arg6[%get3A_278] {strides = array<i32>} : memref<4800xf32, #tpu.memory_space<vmem>>, vector<16xf32>,
    tpu.vector_store_idx %arg7[%get3A_277], %get3A_279 {add = true} : memref<51200xf32, #tpu.memory_space<vmem>>[vector<16xi32>], vector<16xf32>,
    %get3A_280 = arith.constant 176 : index
    %get3A_281 = tpu.vector_load %arg5[%get3A_280] {strides = array<i32>} : memref<1200xi32, #tpu.memory_space<vmem>>, vector<16xi32>,
    %get3A_282 = arith.constant 176 : index
    %get3A_283 = tpu.vector_load %arg6[%get3A_282] {strides = array<i32>} : memref<4800xf32, #tpu.memory_space<vmem>>, vector<16xf32>,
    tpu.vector_store_idx %arg7[%get3A_281], %get3A_283 {add = true} : memref<51200xf32, #tpu.memory_space<vmem>>[vector<16xi32>], vector<16xf32>,
    %get3A_284 = arith.constant 192 : index
    %get3A_285 = tpu.vector_load %arg5[%get3A_284] {strides = array<i32>} : memref<1200xi32, #tpu.memory_space<vmem>>, vector<16xi32>,
    %get3A_286 = arith.constant 192 : index
    %get3A_287 = tpu.vector_load %arg6[%get3A_286] {strides = array<i32>} : memref<4800xf32, #tpu.memory_space<vmem>>, vector<16xf32>,
    tpu.vector_store_idx %arg7[%get3A_285], %get3A_287 {add = true} : memref<51200xf32, #tpu.memory_space<vmem>>[vector<16xi32>], vector<16xf32>,
    %get3A_288 = arith.constant 208 : index
    %get3A_289 = tpu.vector_load %arg5[%get3A_288] {strides = array<i32>} : memref<1200xi32, #tpu.memory_space<vmem>>, vector<16xi32>,
    %get3A_290 = arith.constant 208 : index
    %get3A_291 = tpu.vector_load %arg6[%get3A_290] {strides = array<i32>} : memref<4800xf32, #tpu.memory_space<vmem>>, vector<16xf32>,
    tpu.vector_store_idx %arg7[%get3A_289], %get3A_291 {add = true} : memref<51200xf32, #tpu.memory_space<vmem>>[vector<16xi32>], vector<16xf32>,
    %get3A_292 = arith.constant 224 : index
    %get3A_293 = tpu.vector_load %arg5[%get3A_292] {strides = array<i32>} : memref<1200xi32, #tpu.memory_space<vmem>>, vector<16xi32>,
    %get3A_294 = arith.constant 224 : index
    %get3A_295 = tpu.vector_load %arg6[%get3A_294] {strides = array<i32>} : memref<4800xf32, #tpu.memory_space<vmem>>, vector<16xf32>,
    tpu.vector_store_idx %arg7[%get3A_293], %get3A_295 {add = true} : memref<51200xf32, #tpu.memory_space<vmem>>[vector<16xi32>], vector<16xf32>,
    %get3A_296 = arith.constant 240 : index
    %get3A_297 = tpu.vector_load %arg5[%get3A_296] {strides = array<i32>} : memref<1200xi32, #tpu.memory_space<vmem>>, vector<16xi32>,
    %get3A_298 = arith.constant 240 : index
    %get3A_299 = tpu.vector_load %arg6[%get3A_298] {strides = array<i32>} : memref<4800xf32, #tpu.memory_space<vmem>>, vector<16xf32>,
    tpu.vector_store_idx %arg7[%get3A_297], %get3A_299 {add = true} : memref<51200xf32, #tpu.memory_space<vmem>>[vector<16xi32>], vector<16xf32>,
    %get3A_300 = arith.constant 256 : index
    %get3A_301 = tpu.vector_load %arg5[%get3A_300] {strides = array<i32>} : memref<1200xi32, #tpu.memory_space<vmem>>, vector<16xi32>,
    %get3A_302 = arith.constant 256 : index
    %get3A_303 = tpu.vector_load %arg6[%get3A_302] {strides = array<i32>} : memref<4800xf32, #tpu.memory_space<vmem>>, vector<16xf32>,
    tpu.vector_store_idx %arg7[%get3A_301], %get3A_303 {add = true} : memref<51200xf32, #tpu.memory_space<vmem>>[vector<16xi32>], vector<16xf32>,
    %get3A_304 = arith.constant 272 : index
    %get3A_305 = tpu.vector_load %arg5[%get3A_304] {strides = array<i32>} : memref<1200xi32, #tpu.memory_space<vmem>>, vector<16xi32>,
    %get3A_306 = arith.constant 272 : index
    %get3A_307 = tpu.vector_load %arg6[%get3A_306] {strides = array<i32>} : memref<4800xf32, #tpu.memory_space<vmem>>, vector<16xf32>,
    tpu.vector_store_idx %arg7[%get3A_305], %get3A_307 {add = true} : memref<51200xf32, #tpu.memory_space<vmem>>[vector<16xi32>], vector<16xf32>,
    %get3A_308 = arith.constant 288 : index
    %get3A_309 = tpu.vector_load %arg5[%get3A_308] {strides = array<i32>} : memref<1200xi32, #tpu.memory_space<vmem>>, vector<16xi32>,
    %get3A_310 = arith.constant 288 : index
    %get3A_311 = tpu.vector_load %arg6[%get3A_310] {strides = array<i32>} : memref<4800xf32, #tpu.memory_space<vmem>>, vector<16xf32>,
    tpu.vector_store_idx %arg7[%get3A_309], %get3A_311 {add = true} : memref<51200xf32, #tpu.memory_space<vmem>>[vector<16xi32>], vector<16xf32>,
    %get3A_312 = arith.constant 304 : index
    %get3A_313 = tpu.vector_load %arg5[%get3A_312] {strides = array<i32>} : memref<1200xi32, #tpu.memory_space<vmem>>, vector<16xi32>,
    %get3A_314 = arith.constant 304 : index
    %get3A_315 = tpu.vector_load %arg6[%get3A_314] {strides = array<i32>} : memref<4800xf32, #tpu.memory_space<vmem>>, vector<16xf32>,
    tpu.vector_store_idx %arg7[%get3A_313], %get3A_315 {add = true} : memref<51200xf32, #tpu.memory_space<vmem>>[vector<16xi32>], vector<16xf32>,
    %get3A_316 = arith.constant 320 : index
    %get3A_317 = tpu.vector_load %arg5[%get3A_316] {strides = array<i32>} : memref<1200xi32, #tpu.memory_space<vmem>>, vector<16xi32>,
    %get3A_318 = arith.constant 320 : index
    %get3A_319 = tpu.vector_load %arg6[%get3A_318] {strides = array<i32>} : memref<4800xf32, #tpu.memory_space<vmem>>, vector<16xf32>,
    tpu.vector_store_idx %arg7[%get3A_317], %get3A_319 {add = true} : memref<51200xf32, #tpu.memory_space<vmem>>[vector<16xi32>], vector<16xf32>,
    %get3A_320 = arith.constant 336 : index
    %get3A_321 = tpu.vector_load %arg5[%get3A_320] {strides = array<i32>} : memref<1200xi32, #tpu.memory_space<vmem>>, vector<16xi32>,
    %get3A_322 = arith.constant 336 : index
    %get3A_323 = tpu.vector_load %arg6[%get3A_322] {strides = array<i32>} : memref<4800xf32, #tpu.memory_space<vmem>>, vector<16xf32>,
    tpu.vector_store_idx %arg7[%get3A_321], %get3A_323 {add = true} : memref<51200xf32, #tpu.memory_space<vmem>>[vector<16xi32>], vector<16xf32>,
    %get3A_324 = arith.constant 352 : index
    %get3A_325 = tpu.vector_load %arg5[%get3A_324] {strides = array<i32>} : memref<1200xi32, #tpu.memory_space<vmem>>, vector<16xi32>,
    %get3A_326 = arith.constant 352 : index
    %get3A_327 = tpu.vector_load %arg6[%get3A_326] {strides = array<i32>} : memref<4800xf32, #tpu.memory_space<vmem>>, vector<16xf32>,
    tpu.vector_store_idx %arg7[%get3A_325], %get3A_327 {add = true} : memref<51200xf32, #tpu.memory_space<vmem>>[vector<16xi32>], vector<16xf32>,
    %get3A_328 = arith.constant 368 : index
    %get3A_329 = tpu.vector_load %arg5[%get3A_328] {strides = array<i32>} : memref<1200xi32, #tpu.memory_space<vmem>>, vector<16xi32>,
    %get3A_330 = arith.constant 368 : index
    %get3A_331 = tpu.vector_load %arg6[%get3A_330] {strides = array<i32>} : memref<4800xf32, #tpu.memory_space<vmem>>, vector<16xf32>,
    tpu.vector_store_idx %arg7[%get3A_329], %get3A_331 {add = true} : memref<51200xf32, #tpu.memory_space<vmem>>[vector<16xi32>], vector<16xf32>,
    %get3A_332 = arith.constant 384 : index
    %get3A_333 = tpu.vector_load %arg5[%get3A_332] {strides = array<i32>} : memref<1200xi32, #tpu.memory_space<vmem>>, vector<16xi32>,
    %get3A_334 = arith.constant 384 : index
    %get3A_335 = tpu.vector_load %arg6[%get3A_334] {strides = array<i32>} : memref<4800xf32, #tpu.memory_space<vmem>>, vector<16xf32>,
    tpu.vector_store_idx %arg7[%get3A_333], %get3A_335 {add = true} : memref<51200xf32, #tpu.memory_space<vmem>>[vector<16xi32>], vector<16xf32>,
    %get3A_336 = arith.constant 400 : index
    %get3A_337 = tpu.vector_load %arg5[%get3A_336] {strides = array<i32>} : memref<1200xi32, #tpu.memory_space<vmem>>, vector<16xi32>,
    %get3A_338 = arith.constant 400 : index
    %get3A_339 = tpu.vector_load %arg6[%get3A_338] {strides = array<i32>} : memref<4800xf32, #tpu.memory_space<vmem>>, vector<16xf32>,
    tpu.vector_store_idx %arg7[%get3A_337], %get3A_339 {add = true} : memref<51200xf32, #tpu.memory_space<vmem>>[vector<16xi32>], vector<16xf32>,
    %get3A_340 = arith.constant 416 : index
    %get3A_341 = tpu.vector_load %arg5[%get3A_340] {strides = array<i32>} : memref<1200xi32, #tpu.memory_space<vmem>>, vector<16xi32>,
    %get3A_342 = arith.constant 416 : index
    %get3A_343 = tpu.vector_load %arg6[%get3A_342] {strides = array<i32>} : memref<4800xf32, #tpu.memory_space<vmem>>, vector<16xf32>,
    tpu.vector_store_idx %arg7[%get3A_341], %get3A_343 {add = true} : memref<51200xf32, #tpu.memory_space<vmem>>[vector<16xi32>], vector<16xf32>,
    %get3A_344 = arith.constant 432 : index
    %get3A_345 = tpu.vector_load %arg5[%get3A_344] {strides = array<i32>} : memref<1200xi32, #tpu.memory_space<vmem>>, vector<16xi32>,
    %get3A_346 = arith.constant 432 : index
    %get3A_347 = tpu.vector_load %arg6[%get3A_346] {strides = array<i32>} : memref<4800xf32, #tpu.memory_space<vmem>>, vector<16xf32>,
    tpu.vector_store_idx %arg7[%get3A_345], %get3A_347 {add = true} : memref<51200xf32, #tpu.memory_space<vmem>>[vector<16xi32>], vector<16xf32>,
    %get3A_348 = arith.constant 448 : index
    %get3A_349 = tpu.vector_load %arg5[%get3A_348] {strides = array<i32>} : memref<1200xi32, #tpu.memory_space<vmem>>, vector<16xi32>,
    %get3A_350 = arith.constant 448 : index
    %get3A_351 = tpu.vector_load %arg6[%get3A_350] {strides = array<i32>} : memref<4800xf32, #tpu.memory_space<vmem>>, vector<16xf32>,
    tpu.vector_store_idx %arg7[%get3A_349], %get3A_351 {add = true} : memref<51200xf32, #tpu.memory_space<vmem>>[vector<16xi32>], vector<16xf32>,
    %get3A_352 = arith.constant 464 : index
    %get3A_353 = tpu.vector_load %arg5[%get3A_352] {strides = array<i32>} : memref<1200xi32, #tpu.memory_space<vmem>>, vector<16xi32>,
    %get3A_354 = arith.constant 464 : index
    %get3A_355 = tpu.vector_load %arg6[%get3A_354] {strides = array<i32>} : memref<4800xf32, #tpu.memory_space<vmem>>, vector<16xf32>,
    tpu.vector_store_idx %arg7[%get3A_353], %get3A_355 {add = true} : memref<51200xf32, #tpu.memory_space<vmem>>[vector<16xi32>], vector<16xf32>,
    %get3A_356 = arith.constant 480 : index
    %get3A_357 = tpu.vector_load %arg5[%get3A_356] {strides = array<i32>} : memref<1200xi32, #tpu.memory_space<vmem>>, vector<16xi32>,
    %get3A_358 = arith.constant 480 : index
    %get3A_359 = tpu.vector_load %arg6[%get3A_358] {strides = array<i32>} : memref<4800xf32, #tpu.memory_space<vmem>>, vector<16xf32>,
    tpu.vector_store_idx %arg7[%get3A_357], %get3A_359 {add = true} : memref<51200xf32, #tpu.memory_space<vmem>>[vector<16xi32>], vector<16xf32>,
    %get3A_360 = arith.constant 496 : index
    %get3A_361 = tpu.vector_load %arg5[%get3A_360] {strides = array<i32>} : memref<1200xi32, #tpu.memory_space<vmem>>, vector<16xi32>,
    %get3A_362 = arith.constant 496 : index
    %get3A_363 = tpu.vector_load %arg6[%get3A_362] {strides = array<i32>} : memref<4800xf32, #tpu.memory_space<vmem>>, vector<16xf32>,
    tpu.vector_store_idx %arg7[%get3A_361], %get3A_363 {add = true} : memref<51200xf32, #tpu.memory_space<vmem>>[vector<16xi32>], vector<16xf32>,
    %get3A_364 = arith.constant 512 : index
    %get3A_365 = tpu.vector_load %arg5[%get3A_364] {strides = array<i32>} : memref<1200xi32, #tpu.memory_space<vmem>>, vector<16xi32>,
    %get3A_366 = arith.constant 512 : index
    %get3A_367 = tpu.vector_load %arg6[%get3A_366] {strides = array<i32>} : memref<4800xf32, #tpu.memory_space<vmem>>, vector<16xf32>,
    tpu.vector_store_idx %arg7[%get3A_365], %get3A_367 {add = true} : memref<51200xf32, #tpu.memory_space<vmem>>[vector<16xi32>], vector<16xf32>,
    %get3A_368 = arith.constant 528 : index
    %get3A_369 = tpu.vector_load %arg5[%get3A_368] {strides = array<i32>} : memref<1200xi32, #tpu.memory_space<vmem>>, vector<16xi32>,
    %get3A_370 = arith.constant 528 : index
    %get3A_371 = tpu.vector_load %arg6[%get3A_370] {strides = array<i32>} : memref<4800xf32, #tpu.memory_space<vmem>>, vector<16xf32>,
    tpu.vector_store_idx %arg7[%get3A_369], %get3A_371 {add = true} : memref<51200xf32, #tpu.memory_space<vmem>>[vector<16xi32>], vector<16xf32>,
    %get3A_372 = arith.constant 544 : index
    %get3A_373 = tpu.vector_load %arg5[%get3A_372] {strides = array<i32>} : memref<1200xi32, #tpu.memory_space<vmem>>, vector<16xi32>,
    %get3A_374 = arith.constant 544 : index
    %get3A_375 = tpu.vector_load %arg6[%get3A_374] {strides = array<i32>} : memref<4800xf32, #tpu.memory_space<vmem>>, vector<16xf32>,
    tpu.vector_store_idx %arg7[%get3A_373], %get3A_375 {add = true} : memref<51200xf32, #tpu.memory_space<vmem>>[vector<16xi32>], vector<16xf32>,
    %get3A_376 = arith.constant 560 : index
    %get3A_377 = tpu.vector_load %arg5[%get3A_376] {strides = array<i32>} : memref<1200xi32, #tpu.memory_space<vmem>>, vector<16xi32>,
    %get3A_378 = arith.constant 560 : index
    %get3A_379 = tpu.vector_load %arg6[%get3A_378] {strides = array<i32>} : memref<4800xf32, #tpu.memory_space<vmem>>, vector<16xf32>,
    tpu.vector_store_idx %arg7[%get3A_377], %get3A_379 {add = true} : memref<51200xf32, #tpu.memory_space<vmem>>[vector<16xi32>], vector<16xf32>,
    %get3A_380 = arith.constant 576 : index
    %get3A_381 = tpu.vector_load %arg5[%get3A_380] {strides = array<i32>} : memref<1200xi32, #tpu.memory_space<vmem>>, vector<16xi32>,
    %get3A_382 = arith.constant 576 : index
    %get3A_383 = tpu.vector_load %arg6[%get3A_382] {strides = array<i32>} : memref<4800xf32, #tpu.memory_space<vmem>>, vector<16xf32>,
    tpu.vector_store_idx %arg7[%get3A_381], %get3A_383 {add = true} : memref<51200xf32, #tpu.memory_space<vmem>>[vector<16xi32>], vector<16xf32>,
    %get3A_384 = arith.constant 592 : index
    %get3A_385 = tpu.vector_load %arg5[%get3A_384] {strides = array<i32>} : memref<1200xi32, #tpu.memory_space<vmem>>, vector<16xi32>,
    %get3A_386 = arith.constant 592 : index
    %get3A_387 = tpu.vector_load %arg6[%get3A_386] {strides = array<i32>} : memref<4800xf32, #tpu.memory_space<vmem>>, vector<16xf32>,
    tpu.vector_store_idx %arg7[%get3A_385], %get3A_387 {add = true} : memref<51200xf32, #tpu.memory_space<vmem>>[vector<16xi32>], vector<16xf32>,
    %get3A_388 = arith.constant 608 : index
    %get3A_389 = tpu.vector_load %arg5[%get3A_388] {strides = array<i32>} : memref<1200xi32, #tpu.memory_space<vmem>>, vector<16xi32>,
    %get3A_390 = arith.constant 608 : index
    %get3A_391 = tpu.vector_load %arg6[%get3A_390] {strides = array<i32>} : memref<4800xf32, #tpu.memory_space<vmem>>, vector<16xf32>,
    tpu.vector_store_idx %arg7[%get3A_389], %get3A_391 {add = true} : memref<51200xf32, #tpu.memory_space<vmem>>[vector<16xi32>], vector<16xf32>,
    %get3A_392 = arith.constant 624 : index
    %get3A_393 = tpu.vector_load %arg5[%get3A_392] {strides = array<i32>} : memref<1200xi32, #tpu.memory_space<vmem>>, vector<16xi32>,
    %get3A_394 = arith.constant 624 : index
    %get3A_395 = tpu.vector_load %arg6[%get3A_394] {strides = array<i32>} : memref<4800xf32, #tpu.memory_space<vmem>>, vector<16xf32>,
    tpu.vector_store_idx %arg7[%get3A_393], %get3A_395 {add = true} : memref<51200xf32, #tpu.memory_space<vmem>>[vector<16xi32>], vector<16xf32>,
    %get3A_396 = arith.constant 640 : index
    %get3A_397 = tpu.vector_load %arg5[%get3A_396] {strides = array<i32>} : memref<1200xi32, #tpu.memory_space<vmem>>, vector<16xi32>,
    %get3A_398 = arith.constant 640 : index
    %get3A_399 = tpu.vector_load %arg6[%get3A_398] {strides = array<i32>} : memref<4800xf32, #tpu.memory_space<vmem>>, vector<16xf32>,
    tpu.vector_store_idx %arg7[%get3A_397], %get3A_399 {add = true} : memref<51200xf32, #tpu.memory_space<vmem>>[vector<16xi32>], vector<16xf32>,
    %get3A_400 = arith.constant 656 : index
    %get3A_401 = tpu.vector_load %arg5[%get3A_400] {strides = array<i32>} : memref<1200xi32, #tpu.memory_space<vmem>>, vector<16xi32>,
    %get3A_402 = arith.constant 656 : index
    %get3A_403 = tpu.vector_load %arg6[%get3A_402] {strides = array<i32>} : memref<4800xf32, #tpu.memory_space<vmem>>, vector<16xf32>,
    tpu.vector_store_idx %arg7[%get3A_401], %get3A_403 {add = true} : memref<51200xf32, #tpu.memory_space<vmem>>[vector<16xi32>], vector<16xf32>,
    %get3A_404 = arith.constant 672 : index
    %get3A_405 = tpu.vector_load %arg5[%get3A_404] {strides = array<i32>} : memref<1200xi32, #tpu.memory_space<vmem>>, vector<16xi32>,
    %get3A_406 = arith.constant 672 : index
    %get3A_407 = tpu.vector_load %arg6[%get3A_406] {strides = array<i32>} : memref<4800xf32, #tpu.memory_space<vmem>>, vector<16xf32>,
    tpu.vector_store_idx %arg7[%get3A_405], %get3A_407 {add = true} : memref<51200xf32, #tpu.memory_space<vmem>>[vector<16xi32>], vector<16xf32>,
    %get3A_408 = arith.constant 688 : index
    %get3A_409 = tpu.vector_load %arg5[%get3A_408] {strides = array<i32>} : memref<1200xi32, #tpu.memory_space<vmem>>, vector<16xi32>,
    %get3A_410 = arith.constant 688 : index
    %get3A_411 = tpu.vector_load %arg6[%get3A_410] {strides = array<i32>} : memref<4800xf32, #tpu.memory_space<vmem>>, vector<16xf32>,
    tpu.vector_store_idx %arg7[%get3A_409], %get3A_411 {add = true} : memref<51200xf32, #tpu.memory_space<vmem>>[vector<16xi32>], vector<16xf32>,
    %get3A_412 = arith.constant 704 : index
    %get3A_413 = tpu.vector_load %arg5[%get3A_412] {strides = array<i32>} : memref<1200xi32, #tpu.memory_space<vmem>>, vector<16xi32>,
    %get3A_414 = arith.constant 704 : index
    %get3A_415 = tpu.vector_load %arg6[%get3A_414] {strides = array<i32>} : memref<4800xf32, #tpu.memory_space<vmem>>, vector<16xf32>,
    tpu.vector_store_idx %arg7[%get3A_413], %get3A_415 {add = true} : memref<51200xf32, #tpu.memory_space<vmem>>[vector<16xi32>], vector<16xf32>,
    %get3A_416 = arith.constant 720 : index
    %get3A_417 = tpu.vector_load %arg5[%get3A_416] {strides = array<i32>} : memref<1200xi32, #tpu.memory_space<vmem>>, vector<16xi32>,
    %get3A_418 = arith.constant 720 : index
    %get3A_419 = tpu.vector_load %arg6[%get3A_418] {strides = array<i32>} : memref<4800xf32, #tpu.memory_space<vmem>>, vector<16xf32>,
    tpu.vector_store_idx %arg7[%get3A_417], %get3A_419 {add = true} : memref<51200xf32, #tpu.memory_space<vmem>>[vector<16xi32>], vector<16xf32>,
    %get3A_420 = arith.constant 736 : index
    %get3A_421 = tpu.vector_load %arg5[%get3A_420] {strides = array<i32>} : memref<1200xi32, #tpu.memory_space<vmem>>, vector<16xi32>,
    %get3A_422 = arith.constant 736 : index
    %get3A_423 = tpu.vector_load %arg6[%get3A_422] {strides = array<i32>} : memref<4800xf32, #tpu.memory_space<vmem>>, vector<16xf32>,
    tpu.vector_store_idx %arg7[%get3A_421], %get3A_423 {add = true} : memref<51200xf32, #tpu.memory_space<vmem>>[vector<16xi32>], vector<16xf32>,
    %get3A_424 = arith.constant 752 : index
    %get3A_425 = tpu.vector_load %arg5[%get3A_424] {strides = array<i32>} : memref<1200xi32, #tpu.memory_space<vmem>>, vector<16xi32>,
    %get3A_426 = arith.constant 752 : index
    %get3A_427 = tpu.vector_load %arg6[%get3A_426] {strides = array<i32>} : memref<4800xf32, #tpu.memory_space<vmem>>, vector<16xf32>,
    tpu.vector_store_idx %arg7[%get3A_425], %get3A_427 {add = true} : memref<51200xf32, #tpu.memory_space<vmem>>[vector<16xi32>], vector<16xf32>,
    %get3A_428 = arith.constant 768 : index
    %get3A_429 = tpu.vector_load %arg5[%get3A_428] {strides = array<i32>} : memref<1200xi32, #tpu.memory_space<vmem>>, vector<16xi32>,
    %get3A_430 = arith.constant 768 : index
    %get3A_431 = tpu.vector_load %arg6[%get3A_430] {strides = array<i32>} : memref<4800xf32, #tpu.memory_space<vmem>>, vector<16xf32>,
    tpu.vector_store_idx %arg7[%get3A_429], %get3A_431 {add = true} : memref<51200xf32, #tpu.memory_space<vmem>>[vector<16xi32>], vector<16xf32>,
    %get3A_432 = arith.constant 784 : index
    %get3A_433 = tpu.vector_load %arg5[%get3A_432] {strides = array<i32>} : memref<1200xi32, #tpu.memory_space<vmem>>, vector<16xi32>,
    %get3A_434 = arith.constant 784 : index
    %get3A_435 = tpu.vector_load %arg6[%get3A_434] {strides = array<i32>} : memref<4800xf32, #tpu.memory_space<vmem>>, vector<16xf32>,
    tpu.vector_store_idx %arg7[%get3A_433], %get3A_435 {add = true} : memref<51200xf32, #tpu.memory_space<vmem>>[vector<16xi32>], vector<16xf32>,
    %get3A_436 = arith.constant 800 : index
    %get3A_437 = tpu.vector_load %arg5[%get3A_436] {strides = array<i32>} : memref<1200xi32, #tpu.memory_space<vmem>>, vector<16xi32>,
    %get3A_438 = arith.constant 800 : index
    %get3A_439 = tpu.vector_load %arg6[%get3A_438] {strides = array<i32>} : memref<4800xf32, #tpu.memory_space<vmem>>, vector<16xf32>,
    tpu.vector_store_idx %arg7[%get3A_437], %get3A_439 {add = true} : memref<51200xf32, #tpu.memory_space<vmem>>[vector<16xi32>], vector<16xf32>,
    %get3A_440 = arith.constant 816 : index
    %get3A_441 = tpu.vector_load %arg5[%get3A_440] {strides = array<i32>} : memref<1200xi32, #tpu.memory_space<vmem>>, vector<16xi32>,
    %get3A_442 = arith.constant 816 : index
    %get3A_443 = tpu.vector_load %arg6[%get3A_442] {strides = array<i32>} : memref<4800xf32, #tpu.memory_space<vmem>>, vector<16xf32>,
    tpu.vector_store_idx %arg7[%get3A_441], %get3A_443 {add = true} : memref<51200xf32, #tpu.memory_space<vmem>>[vector<16xi32>], vector<16xf32>,
    %get3A_444 = arith.constant 832 : index
    %get3A_445 = tpu.vector_load %arg5[%get3A_444] {strides = array<i32>} : memref<1200xi32, #tpu.memory_space<vmem>>, vector<16xi32>,
    %get3A_446 = arith.constant 832 : index
    %get3A_447 = tpu.vector_load %arg6[%get3A_446] {strides = array<i32>} : memref<4800xf32, #tpu.memory_space<vmem>>, vector<16xf32>,
    tpu.vector_store_idx %arg7[%get3A_445], %get3A_447 {add = true} : memref<51200xf32, #tpu.memory_space<vmem>>[vector<16xi32>], vector<16xf32>,
    %get3A_448 = arith.constant 848 : index
    %get3A_449 = tpu.vector_load %arg5[%get3A_448] {strides = array<i32>} : memref<1200xi32, #tpu.memory_space<vmem>>, vector<16xi32>,
    %get3A_450 = arith.constant 848 : index
    %get3A_451 = tpu.vector_load %arg6[%get3A_450] {strides = array<i32>} : memref<4800xf32, #tpu.memory_space<vmem>>, vector<16xf32>,
    tpu.vector_store_idx %arg7[%get3A_449], %get3A_451 {add = true} : memref<51200xf32, #tpu.memory_space<vmem>>[vector<16xi32>], vector<16xf32>,
    %get3A_452 = arith.constant 864 : index
    %get3A_453 = tpu.vector_load %arg5[%get3A_452] {strides = array<i32>} : memref<1200xi32, #tpu.memory_space<vmem>>, vector<16xi32>,
    %get3A_454 = arith.constant 864 : index
    %get3A_455 = tpu.vector_load %arg6[%get3A_454] {strides = array<i32>} : memref<4800xf32, #tpu.memory_space<vmem>>, vector<16xf32>,
    tpu.vector_store_idx %arg7[%get3A_453], %get3A_455 {add = true} : memref<51200xf32, #tpu.memory_space<vmem>>[vector<16xi32>], vector<16xf32>,
    %get3A_456 = arith.constant 880 : index
    %get3A_457 = tpu.vector_load %arg5[%get3A_456] {strides = array<i32>} : memref<1200xi32, #tpu.memory_space<vmem>>, vector<16xi32>,
    %get3A_458 = arith.constant 880 : index
    %get3A_459 = tpu.vector_load %arg6[%get3A_458] {strides = array<i32>} : memref<4800xf32, #tpu.memory_space<vmem>>, vector<16xf32>,
    tpu.vector_store_idx %arg7[%get3A_457], %get3A_459 {add = true} : memref<51200xf32, #tpu.memory_space<vmem>>[vector<16xi32>], vector<16xf32>,
    %get3A_460 = arith.constant 896 : index
    %get3A_461 = tpu.vector_load %arg5[%get3A_460] {strides = array<i32>} : memref<1200xi32, #tpu.memory_space<vmem>>, vector<16xi32>,
    %get3A_462 = arith.constant 896 : index
    %get3A_463 = tpu.vector_load %arg6[%get3A_462] {strides = array<i32>} : memref<4800xf32, #tpu.memory_space<vmem>>, vector<16xf32>,
    tpu.vector_store_idx %arg7[%get3A_461], %get3A_463 {add = true} : memref<51200xf32, #tpu.memory_space<vmem>>[vector<16xi32>], vector<16xf32>,
    %get3A_464 = arith.constant 912 : index
    %get3A_465 = tpu.vector_load %arg5[%get3A_464] {strides = array<i32>} : memref<1200xi32, #tpu.memory_space<vmem>>, vector<16xi32>,
    %get3A_466 = arith.constant 912 : index
    %get3A_467 = tpu.vector_load %arg6[%get3A_466] {strides = array<i32>} : memref<4800xf32, #tpu.memory_space<vmem>>, vector<16xf32>,
    tpu.vector_store_idx %arg7[%get3A_465], %get3A_467 {add = true} : memref<51200xf32, #tpu.memory_space<vmem>>[vector<16xi32>], vector<16xf32>,
    %get3A_468 = arith.constant 928 : index
    %get3A_469 = tpu.vector_load %arg5[%get3A_468] {strides = array<i32>} : memref<1200xi32, #tpu.memory_space<vmem>>, vector<16xi32>,
    %get3A_470 = arith.constant 928 : index
    %get3A_471 = tpu.vector_load %arg6[%get3A_470] {strides = array<i32>} : memref<4800xf32, #tpu.memory_space<vmem>>, vector<16xf32>,
    tpu.vector_store_idx %arg7[%get3A_469], %get3A_471 {add = true} : memref<51200xf32, #tpu.memory_space<vmem>>[vector<16xi32>], vector<16xf32>,
    %get3A_472 = arith.constant 944 : index
    %get3A_473 = tpu.vector_load %arg5[%get3A_472] {strides = array<i32>} : memref<1200xi32, #tpu.memory_space<vmem>>, vector<16xi32>,
    %get3A_474 = arith.constant 944 : index
    %get3A_475 = tpu.vector_load %arg6[%get3A_474] {strides = array<i32>} : memref<4800xf32, #tpu.memory_space<vmem>>, vector<16xf32>,
    tpu.vector_store_idx %arg7[%get3A_473], %get3A_475 {add = true} : memref<51200xf32, #tpu.memory_space<vmem>>[vector<16xi32>], vector<16xf32>,
    %get3A_476 = arith.constant 960 : index
    %get3A_477 = tpu.vector_load %arg5[%get3A_476] {strides = array<i32>} : memref<1200xi32, #tpu.memory_space<vmem>>, vector<16xi32>,
    %get3A_478 = arith.constant 960 : index
    %get3A_479 = tpu.vector_load %arg6[%get3A_478] {strides = array<i32>} : memref<4800xf32, #tpu.memory_space<vmem>>, vector<16xf32>,
    tpu.vector_store_idx %arg7[%get3A_477], %get3A_479 {add = true} : memref<51200xf32, #tpu.memory_space<vmem>>[vector<16xi32>], vector<16xf32>,
    %get3A_480 = arith.constant 976 : index
    %get3A_481 = tpu.vector_load %arg5[%get3A_480] {strides = array<i32>} : memref<1200xi32, #tpu.memory_space<vmem>>, vector<16xi32>,
    %get3A_482 = arith.constant 976 : index
    %get3A_483 = tpu.vector_load %arg6[%get3A_482] {strides = array<i32>} : memref<4800xf32, #tpu.memory_space<vmem>>, vector<16xf32>,
    tpu.vector_store_idx %arg7[%get3A_481], %get3A_483 {add = true} : memref<51200xf32, #tpu.memory_space<vmem>>[vector<16xi32>], vector<16xf32>,
    %get3A_484 = arith.constant 992 : index
    %get3A_485 = tpu.vector_load %arg5[%get3A_484] {strides = array<i32>} : memref<1200xi32, #tpu.memory_space<vmem>>, vector<16xi32>,
    %get3A_486 = arith.constant 992 : index
    %get3A_487 = tpu.vector_load %arg6[%get3A_486] {strides = array<i32>} : memref<4800xf32, #tpu.memory_space<vmem>>, vector<16xf32>,
    tpu.vector_store_idx %arg7[%get3A_485], %get3A_487 {add = true} : memref<51200xf32, #tpu.memory_space<vmem>>[vector<16xi32>], vector<16xf32>,
    %get3A_488 = arith.constant 1008 : index
    %get3A_489 = tpu.vector_load %arg5[%get3A_488] {strides = array<i32>} : memref<1200xi32, #tpu.memory_space<vmem>>, vector<16xi32>,
    %get3A_490 = arith.constant 1008 : index
    %get3A_491 = tpu.vector_load %arg6[%get3A_490] {strides = array<i32>} : memref<4800xf32, #tpu.memory_space<vmem>>, vector<16xf32>,
    tpu.vector_store_idx %arg7[%get3A_489], %get3A_491 {add = true} : memref<51200xf32, #tpu.memory_space<vmem>>[vector<16xi32>], vector<16xf32>,
    %get3A_492 = arith.constant 1024 : index
    %get3A_493 = tpu.vector_load %arg5[%get3A_492] {strides = array<i32>} : memref<1200xi32, #tpu.memory_space<vmem>>, vector<16xi32>,
    %get3A_494 = arith.constant 1024 : index
    %get3A_495 = tpu.vector_load %arg6[%get3A_494] {strides = array<i32>} : memref<4800xf32, #tpu.memory_space<vmem>>, vector<16xf32>,
    tpu.vector_store_idx %arg7[%get3A_493], %get3A_495 {add = true} : memref<51200xf32, #tpu.memory_space<vmem>>[vector<16xi32>], vector<16xf32>,
    %get3A_496 = arith.constant 1040 : index
    %get3A_497 = tpu.vector_load %arg5[%get3A_496] {strides = array<i32>} : memref<1200xi32, #tpu.memory_space<vmem>>, vector<16xi32>,
    %get3A_498 = arith.constant 1040 : index
    %get3A_499 = tpu.vector_load %arg6[%get3A_498] {strides = array<i32>} : memref<4800xf32, #tpu.memory_space<vmem>>, vector<16xf32>,
    tpu.vector_store_idx %arg7[%get3A_497], %get3A_499 {add = true} : memref<51200xf32, #tpu.memory_space<vmem>>[vector<16xi32>], vector<16xf32>,
    %get3A_500 = arith.constant 1056 : index
    %get3A_501 = tpu.vector_load %arg5[%get3A_500] {strides = array<i32>} : memref<1200xi32, #tpu.memory_space<vmem>>, vector<16xi32>,
    %get3A_502 = arith.constant 1056 : index
    %get3A_503 = tpu.vector_load %arg6[%get3A_502] {strides = array<i32>} : memref<4800xf32, #tpu.memory_space<vmem>>, vector<16xf32>,
    tpu.vector_store_idx %arg7[%get3A_501], %get3A_503 {add = true} : memref<51200xf32, #tpu.memory_space<vmem>>[vector<16xi32>], vector<16xf32>,
    %get3A_504 = arith.constant 1072 : index
    %get3A_505 = tpu.vector_load %arg5[%get3A_504] {strides = array<i32>} : memref<1200xi32, #tpu.memory_space<vmem>>, vector<16xi32>,
    %get3A_506 = arith.constant 1072 : index
    %get3A_507 = tpu.vector_load %arg6[%get3A_506] {strides = array<i32>} : memref<4800xf32, #tpu.memory_space<vmem>>, vector<16xf32>,
    tpu.vector_store_idx %arg7[%get3A_505], %get3A_507 {add = true} : memref<51200xf32, #tpu.memory_space<vmem>>[vector<16xi32>], vector<16xf32>,
    %get3A_508 = arith.constant 1088 : index
    %get3A_509 = tpu.vector_load %arg5[%get3A_508] {strides = array<i32>} : memref<1200xi32, #tpu.memory_space<vmem>>, vector<16xi32>,
    %get3A_510 = arith.constant 1088 : index
    %get3A_511 = tpu.vector_load %arg6[%get3A_510] {strides = array<i32>} : memref<4800xf32, #tpu.memory_space<vmem>>, vector<16xf32>,
    tpu.vector_store_idx %arg7[%get3A_509], %get3A_511 {add = true} : memref<51200xf32, #tpu.memory_space<vmem>>[vector<16xi32>], vector<16xf32>,
    %get3A_512 = arith.constant 1104 : index
    %get3A_513 = tpu.vector_load %arg5[%get3A_512] {strides = array<i32>} : memref<1200xi32, #tpu.memory_space<vmem>>, vector<16xi32>,
    %get3A_514 = arith.constant 1104 : index
    %get3A_515 = tpu.vector_load %arg6[%get3A_514] {strides = array<i32>} : memref<4800xf32, #tpu.memory_space<vmem>>, vector<16xf32>,
    tpu.vector_store_idx %arg7[%get3A_513], %get3A_515 {add = true} : memref<51200xf32, #tpu.memory_space<vmem>>[vector<16xi32>], vector<16xf32>,
    %get3A_516 = arith.constant 1120 : index
    %get3A_517 = tpu.vector_load %arg5[%get3A_516] {strides = array<i32>} : memref<1200xi32, #tpu.memory_space<vmem>>, vector<16xi32>,
    %get3A_518 = arith.constant 1120 : index
    %get3A_519 = tpu.vector_load %arg6[%get3A_518] {strides = array<i32>} : memref<4800xf32, #tpu.memory_space<vmem>>, vector<16xf32>,
    tpu.vector_store_idx %arg7[%get3A_517], %get3A_519 {add = true} : memref<51200xf32, #tpu.memory_space<vmem>>[vector<16xi32>], vector<16xf32>,
    %get3A_520 = arith.constant 1136 : index
    %get3A_521 = tpu.vector_load %arg5[%get3A_520] {strides = array<i32>} : memref<1200xi32, #tpu.memory_space<vmem>>, vector<16xi32>,
    %get3A_522 = arith.constant 1136 : index
    %get3A_523 = tpu.vector_load %arg6[%get3A_522] {strides = array<i32>} : memref<4800xf32, #tpu.memory_space<vmem>>, vector<16xf32>,
    tpu.vector_store_idx %arg7[%get3A_521], %get3A_523 {add = true} : memref<51200xf32, #tpu.memory_space<vmem>>[vector<16xi32>], vector<16xf32>,
    %get3A_524 = arith.constant 1152 : index
    %get3A_525 = tpu.vector_load %arg5[%get3A_524] {strides = array<i32>} : memref<1200xi32, #tpu.memory_space<vmem>>, vector<16xi32>,
    %get3A_526 = arith.constant 1152 : index
    %get3A_527 = tpu.vector_load %arg6[%get3A_526] {strides = array<i32>} : memref<4800xf32, #tpu.memory_space<vmem>>, vector<16xf32>,
    tpu.vector_store_idx %arg7[%get3A_525], %get3A_527 {add = true} : memref<51200xf32, #tpu.memory_space<vmem>>[vector<16xi32>], vector<16xf32>,
    %get3A_528 = arith.constant 1168 : index
    %get3A_529 = tpu.vector_load %arg5[%get3A_528] {strides = array<i32>} : memref<1200xi32, #tpu.memory_space<vmem>>, vector<16xi32>,
    %get3A_530 = arith.constant 1168 : index
    %get3A_531 = tpu.vector_load %arg6[%get3A_530] {strides = array<i32>} : memref<4800xf32, #tpu.memory_space<vmem>>, vector<16xf32>,
    tpu.vector_store_idx %arg7[%get3A_529], %get3A_531 {add = true} : memref<51200xf32, #tpu.memory_space<vmem>>[vector<16xi32>], vector<16xf32>,
    %get3A_532 = arith.constant 1184 : index
    %get3A_533 = tpu.vector_load %arg5[%get3A_532] {strides = array<i32>} : memref<1200xi32, #tpu.memory_space<vmem>>, vector<16xi32>,
    %get3A_534 = arith.constant 1184 : index
    %get3A_535 = tpu.vector_load %arg6[%get3A_534] {strides = array<i32>} : memref<4800xf32, #tpu.memory_space<vmem>>, vector<16xf32>,
    tpu.vector_store_idx %arg7[%get3A_533], %get3A_535 {add = true} : memref<51200xf32, #tpu.memory_space<vmem>>[vector<16xi32>], vector<16xf32>,
    %mul3A_536 = arith.constant 51200 : i32
    %mul3A_537 = arith.muli %add3A_236, %mul3A_536 : i32
    %dma_start3A_538 = tpu.memref_slice %arg4[%mul3A_537] : memref<6553600xf32, #tpu.memory_space<hbm>> -> memref<51200xf32, #tpu.memory_space<hbm>>
    %dma_start3A_539 = tpu.memref_slice %arg4[%mul3A_537] : memref<6553600xf32, #tpu.memory_space<hbm>> -> memref<51200xf32, #tpu.memory_space<hbm>>
    tpu.enqueue_dma source(%arg7 : memref<51200xf32, #tpu.memory_space<vmem>>) target(%dma_start3A_539 : memref<51200xf32, #tpu.memory_space<hbm>>) target_semaphore(%arg9 : memref<!tpu.dma_semaphore, #tpu.memory_space<semaphore_mem>>)
    %mul3A_540 = arith.constant 4 : i32
    %mul3A_541 = arith.muli %add3A, %mul3A_540 : i32
    %add3A_542 = arith.constant 1 : i32
    %add3A_543 = arith.addi %mul3A_541, %add3A_542 : i32
    %get3A_544 = arith.constant 0 : index
    %get3A_545 = tpu.vector_load %arg5[%get3A_544] {strides = array<i32>} : memref<1200xi32, #tpu.memory_space<vmem>>, vector<16xi32>,
    %get3A_546 = arith.constant 1200 : index
    %get3A_547 = tpu.vector_load %arg6[%get3A_546] {strides = array<i32>} : memref<4800xf32, #tpu.memory_space<vmem>>, vector<16xf32>,
    tpu.vector_store_idx %arg8[%get3A_545], %get3A_547 {add = true} : memref<51200xf32, #tpu.memory_space<vmem>>[vector<16xi32>], vector<16xf32>,
    %get3A_548 = arith.constant 16 : index
    %get3A_549 = tpu.vector_load %arg5[%get3A_548] {strides = array<i32>} : memref<1200xi32, #tpu.memory_space<vmem>>, vector<16xi32>,
    %get3A_550 = arith.constant 1216 : index
    %get3A_551 = tpu.vector_load %arg6[%get3A_550] {strides = array<i32>} : memref<4800xf32, #tpu.memory_space<vmem>>, vector<16xf32>,
    tpu.vector_store_idx %arg8[%get3A_549], %get3A_551 {add = true} : memref<51200xf32, #tpu.memory_space<vmem>>[vector<16xi32>], vector<16xf32>,
    %get3A_552 = arith.constant 32 : index
    %get3A_553 = tpu.vector_load %arg5[%get3A_552] {strides = array<i32>} : memref<1200xi32, #tpu.memory_space<vmem>>, vector<16xi32>,
    %get3A_554 = arith.constant 1232 : index
    %get3A_555 = tpu.vector_load %arg6[%get3A_554] {strides = array<i32>} : memref<4800xf32, #tpu.memory_space<vmem>>, vector<16xf32>,
    tpu.vector_store_idx %arg8[%get3A_553], %get3A_555 {add = true} : memref<51200xf32, #tpu.memory_space<vmem>>[vector<16xi32>], vector<16xf32>,
    %get3A_556 = arith.constant 48 : index
    %get3A_557 = tpu.vector_load %arg5[%get3A_556] {strides = array<i32>} : memref<1200xi32, #tpu.memory_space<vmem>>, vector<16xi32>,
    %get3A_558 = arith.constant 1248 : index
    %get3A_559 = tpu.vector_load %arg6[%get3A_558] {strides = array<i32>} : memref<4800xf32, #tpu.memory_space<vmem>>, vector<16xf32>,
    tpu.vector_store_idx %arg8[%get3A_557], %get3A_559 {add = true} : memref<51200xf32, #tpu.memory_space<vmem>>[vector<16xi32>], vector<16xf32>,
    %get3A_560 = arith.constant 64 : index
    %get3A_561 = tpu.vector_load %arg5[%get3A_560] {strides = array<i32>} : memref<1200xi32, #tpu.memory_space<vmem>>, vector<16xi32>,
    %get3A_562 = arith.constant 1264 : index
    %get3A_563 = tpu.vector_load %arg6[%get3A_562] {strides = array<i32>} : memref<4800xf32, #tpu.memory_space<vmem>>, vector<16xf32>,
    tpu.vector_store_idx %arg8[%get3A_561], %get3A_563 {add = true} : memref<51200xf32, #tpu.memory_space<vmem>>[vector<16xi32>], vector<16xf32>,
    %get3A_564 = arith.constant 80 : index
    %get3A_565 = tpu.vector_load %arg5[%get3A_564] {strides = array<i32>} : memref<1200xi32, #tpu.memory_space<vmem>>, vector<16xi32>,
    %get3A_566 = arith.constant 1280 : index
    %get3A_567 = tpu.vector_load %arg6[%get3A_566] {strides = array<i32>} : memref<4800xf32, #tpu.memory_space<vmem>>, vector<16xf32>,
    tpu.vector_store_idx %arg8[%get3A_565], %get3A_567 {add = true} : memref<51200xf32, #tpu.memory_space<vmem>>[vector<16xi32>], vector<16xf32>,
    %get3A_568 = arith.constant 96 : index
    %get3A_569 = tpu.vector_load %arg5[%get3A_568] {strides = array<i32>} : memref<1200xi32, #tpu.memory_space<vmem>>, vector<16xi32>,
    %get3A_570 = arith.constant 1296 : index
    %get3A_571 = tpu.vector_load %arg6[%get3A_570] {strides = array<i32>} : memref<4800xf32, #tpu.memory_space<vmem>>, vector<16xf32>,
    tpu.vector_store_idx %arg8[%get3A_569], %get3A_571 {add = true} : memref<51200xf32, #tpu.memory_space<vmem>>[vector<16xi32>], vector<16xf32>,
    %get3A_572 = arith.constant 112 : index
    %get3A_573 = tpu.vector_load %arg5[%get3A_572] {strides = array<i32>} : memref<1200xi32, #tpu.memory_space<vmem>>, vector<16xi32>,
    %get3A_574 = arith.constant 1312 : index
    %get3A_575 = tpu.vector_load %arg6[%get3A_574] {strides = array<i32>} : memref<4800xf32, #tpu.memory_space<vmem>>, vector<16xf32>,
    tpu.vector_store_idx %arg8[%get3A_573], %get3A_575 {add = true} : memref<51200xf32, #tpu.memory_space<vmem>>[vector<16xi32>], vector<16xf32>,
    %get3A_576 = arith.constant 128 : index
    %get3A_577 = tpu.vector_load %arg5[%get3A_576] {strides = array<i32>} : memref<1200xi32, #tpu.memory_space<vmem>>, vector<16xi32>,
    %get3A_578 = arith.constant 1328 : index
    %get3A_579 = tpu.vector_load %arg6[%get3A_578] {strides = array<i32>} : memref<4800xf32, #tpu.memory_space<vmem>>, vector<16xf32>,
    tpu.vector_store_idx %arg8[%get3A_577], %get3A_579 {add = true} : memref<51200xf32, #tpu.memory_space<vmem>>[vector<16xi32>], vector<16xf32>,
    %get3A_580 = arith.constant 144 : index
    %get3A_581 = tpu.vector_load %arg5[%get3A_580] {strides = array<i32>} : memref<1200xi32, #tpu.memory_space<vmem>>, vector<16xi32>,
    %get3A_582 = arith.constant 1344 : index
    %get3A_583 = tpu.vector_load %arg6[%get3A_582] {strides = array<i32>} : memref<4800xf32, #tpu.memory_space<vmem>>, vector<16xf32>,
    tpu.vector_store_idx %arg8[%get3A_581], %get3A_583 {add = true} : memref<51200xf32, #tpu.memory_space<vmem>>[vector<16xi32>], vector<16xf32>,
    %get3A_584 = arith.constant 160 : index
    %get3A_585 = tpu.vector_load %arg5[%get3A_584] {strides = array<i32>} : memref<1200xi32, #tpu.memory_space<vmem>>, vector<16xi32>,
    %get3A_586 = arith.constant 1360 : index
    %get3A_587 = tpu.vector_load %arg6[%get3A_586] {strides = array<i32>} : memref<4800xf32, #tpu.memory_space<vmem>>, vector<16xf32>,
    tpu.vector_store_idx %arg8[%get3A_585], %get3A_587 {add = true} : memref<51200xf32, #tpu.memory_space<vmem>>[vector<16xi32>], vector<16xf32>,
    %get3A_588 = arith.constant 176 : index
    %get3A_589 = tpu.vector_load %arg5[%get3A_588] {strides = array<i32>} : memref<1200xi32, #tpu.memory_space<vmem>>, vector<16xi32>,
    %get3A_590 = arith.constant 1376 : index
    %get3A_591 = tpu.vector_load %arg6[%get3A_590] {strides = array<i32>} : memref<4800xf32, #tpu.memory_space<vmem>>, vector<16xf32>,
    tpu.vector_store_idx %arg8[%get3A_589], %get3A_591 {add = true} : memref<51200xf32, #tpu.memory_space<vmem>>[vector<16xi32>], vector<16xf32>,
    %get3A_592 = arith.constant 192 : index
    %get3A_593 = tpu.vector_load %arg5[%get3A_592] {strides = array<i32>} : memref<1200xi32, #tpu.memory_space<vmem>>, vector<16xi32>,
    %get3A_594 = arith.constant 1392 : index
    %get3A_595 = tpu.vector_load %arg6[%get3A_594] {strides = array<i32>} : memref<4800xf32, #tpu.memory_space<vmem>>, vector<16xf32>,
    tpu.vector_store_idx %arg8[%get3A_593], %get3A_595 {add = true} : memref<51200xf32, #tpu.memory_space<vmem>>[vector<16xi32>], vector<16xf32>,
    %get3A_596 = arith.constant 208 : index
    %get3A_597 = tpu.vector_load %arg5[%get3A_596] {strides = array<i32>} : memref<1200xi32, #tpu.memory_space<vmem>>, vector<16xi32>,
    %get3A_598 = arith.constant 1408 : index
    %get3A_599 = tpu.vector_load %arg6[%get3A_598] {strides = array<i32>} : memref<4800xf32, #tpu.memory_space<vmem>>, vector<16xf32>,
    tpu.vector_store_idx %arg8[%get3A_597], %get3A_599 {add = true} : memref<51200xf32, #tpu.memory_space<vmem>>[vector<16xi32>], vector<16xf32>,
    %get3A_600 = arith.constant 224 : index
    %get3A_601 = tpu.vector_load %arg5[%get3A_600] {strides = array<i32>} : memref<1200xi32, #tpu.memory_space<vmem>>, vector<16xi32>,
    %get3A_602 = arith.constant 1424 : index
    %get3A_603 = tpu.vector_load %arg6[%get3A_602] {strides = array<i32>} : memref<4800xf32, #tpu.memory_space<vmem>>, vector<16xf32>,
    tpu.vector_store_idx %arg8[%get3A_601], %get3A_603 {add = true} : memref<51200xf32, #tpu.memory_space<vmem>>[vector<16xi32>], vector<16xf32>,
    %get3A_604 = arith.constant 240 : index
    %get3A_605 = tpu.vector_load %arg5[%get3A_604] {strides = array<i32>} : memref<1200xi32, #tpu.memory_space<vmem>>, vector<16xi32>,
    %get3A_606 = arith.constant 1440 : index
    %get3A_607 = tpu.vector_load %arg6[%get3A_606] {strides = array<i32>} : memref<4800xf32, #tpu.memory_space<vmem>>, vector<16xf32>,
    tpu.vector_store_idx %arg8[%get3A_605], %get3A_607 {add = true} : memref<51200xf32, #tpu.memory_space<vmem>>[vector<16xi32>], vector<16xf32>,
    %get3A_608 = arith.constant 256 : index
    %get3A_609 = tpu.vector_load %arg5[%get3A_608] {strides = array<i32>} : memref<1200xi32, #tpu.memory_space<vmem>>, vector<16xi32>,
    %get3A_610 = arith.constant 1456 : index
    %get3A_611 = tpu.vector_load %arg6[%get3A_610] {strides = array<i32>} : memref<4800xf32, #tpu.memory_space<vmem>>, vector<16xf32>,
    tpu.vector_store_idx %arg8[%get3A_609], %get3A_611 {add = true} : memref<51200xf32, #tpu.memory_space<vmem>>[vector<16xi32>], vector<16xf32>,
    %get3A_612 = arith.constant 272 : index
    %get3A_613 = tpu.vector_load %arg5[%get3A_612] {strides = array<i32>} : memref<1200xi32, #tpu.memory_space<vmem>>, vector<16xi32>,
    %get3A_614 = arith.constant 1472 : index
    %get3A_615 = tpu.vector_load %arg6[%get3A_614] {strides = array<i32>} : memref<4800xf32, #tpu.memory_space<vmem>>, vector<16xf32>,
    tpu.vector_store_idx %arg8[%get3A_613], %get3A_615 {add = true} : memref<51200xf32, #tpu.memory_space<vmem>>[vector<16xi32>], vector<16xf32>,
    %get3A_616 = arith.constant 288 : index
    %get3A_617 = tpu.vector_load %arg5[%get3A_616] {strides = array<i32>} : memref<1200xi32, #tpu.memory_space<vmem>>, vector<16xi32>,
    %get3A_618 = arith.constant 1488 : index
    %get3A_619 = tpu.vector_load %arg6[%get3A_618] {strides = array<i32>} : memref<4800xf32, #tpu.memory_space<vmem>>, vector<16xf32>,
    tpu.vector_store_idx %arg8[%get3A_617], %get3A_619 {add = true} : memref<51200xf32, #tpu.memory_space<vmem>>[vector<16xi32>], vector<16xf32>,
    %get3A_620 = arith.constant 304 : index
    %get3A_621 = tpu.vector_load %arg5[%get3A_620] {strides = array<i32>} : memref<1200xi32, #tpu.memory_space<vmem>>, vector<16xi32>,
    %get3A_622 = arith.constant 1504 : index
    %get3A_623 = tpu.vector_load %arg6[%get3A_622] {strides = array<i32>} : memref<4800xf32, #tpu.memory_space<vmem>>, vector<16xf32>,
    tpu.vector_store_idx %arg8[%get3A_621], %get3A_623 {add = true} : memref<51200xf32, #tpu.memory_space<vmem>>[vector<16xi32>], vector<16xf32>,
    %get3A_624 = arith.constant 320 : index
    %get3A_625 = tpu.vector_load %arg5[%get3A_624] {strides = array<i32>} : memref<1200xi32, #tpu.memory_space<vmem>>, vector<16xi32>,
    %get3A_626 = arith.constant 1520 : index
    %get3A_627 = tpu.vector_load %arg6[%get3A_626] {strides = array<i32>} : memref<4800xf32, #tpu.memory_space<vmem>>, vector<16xf32>,
    tpu.vector_store_idx %arg8[%get3A_625], %get3A_627 {add = true} : memref<51200xf32, #tpu.memory_space<vmem>>[vector<16xi32>], vector<16xf32>,
    %get3A_628 = arith.constant 336 : index
    %get3A_629 = tpu.vector_load %arg5[%get3A_628] {strides = array<i32>} : memref<1200xi32, #tpu.memory_space<vmem>>, vector<16xi32>,
    %get3A_630 = arith.constant 1536 : index
    %get3A_631 = tpu.vector_load %arg6[%get3A_630] {strides = array<i32>} : memref<4800xf32, #tpu.memory_space<vmem>>, vector<16xf32>,
    tpu.vector_store_idx %arg8[%get3A_629], %get3A_631 {add = true} : memref<51200xf32, #tpu.memory_space<vmem>>[vector<16xi32>], vector<16xf32>,
    %get3A_632 = arith.constant 352 : index
    %get3A_633 = tpu.vector_load %arg5[%get3A_632] {strides = array<i32>} : memref<1200xi32, #tpu.memory_space<vmem>>, vector<16xi32>,
    %get3A_634 = arith.constant 1552 : index
    %get3A_635 = tpu.vector_load %arg6[%get3A_634] {strides = array<i32>} : memref<4800xf32, #tpu.memory_space<vmem>>, vector<16xf32>,
    tpu.vector_store_idx %arg8[%get3A_633], %get3A_635 {add = true} : memref<51200xf32, #tpu.memory_space<vmem>>[vector<16xi32>], vector<16xf32>,
    %get3A_636 = arith.constant 368 : index
    %get3A_637 = tpu.vector_load %arg5[%get3A_636] {strides = array<i32>} : memref<1200xi32, #tpu.memory_space<vmem>>, vector<16xi32>,
    %get3A_638 = arith.constant 1568 : index
    %get3A_639 = tpu.vector_load %arg6[%get3A_638] {strides = array<i32>} : memref<4800xf32, #tpu.memory_space<vmem>>, vector<16xf32>,
    tpu.vector_store_idx %arg8[%get3A_637], %get3A_639 {add = true} : memref<51200xf32, #tpu.memory_space<vmem>>[vector<16xi32>], vector<16xf32>,
    %get3A_640 = arith.constant 384 : index
    %get3A_641 = tpu.vector_load %arg5[%get3A_640] {strides = array<i32>} : memref<1200xi32, #tpu.memory_space<vmem>>, vector<16xi32>,
    %get3A_642 = arith.constant 1584 : index
    %get3A_643 = tpu.vector_load %arg6[%get3A_642] {strides = array<i32>} : memref<4800xf32, #tpu.memory_space<vmem>>, vector<16xf32>,
    tpu.vector_store_idx %arg8[%get3A_641], %get3A_643 {add = true} : memref<51200xf32, #tpu.memory_space<vmem>>[vector<16xi32>], vector<16xf32>,
    %get3A_644 = arith.constant 400 : index
    %get3A_645 = tpu.vector_load %arg5[%get3A_644] {strides = array<i32>} : memref<1200xi32, #tpu.memory_space<vmem>>, vector<16xi32>,
    %get3A_646 = arith.constant 1600 : index
    %get3A_647 = tpu.vector_load %arg6[%get3A_646] {strides = array<i32>} : memref<4800xf32, #tpu.memory_space<vmem>>, vector<16xf32>,
    tpu.vector_store_idx %arg8[%get3A_645], %get3A_647 {add = true} : memref<51200xf32, #tpu.memory_space<vmem>>[vector<16xi32>], vector<16xf32>,
    %get3A_648 = arith.constant 416 : index
    %get3A_649 = tpu.vector_load %arg5[%get3A_648] {strides = array<i32>} : memref<1200xi32, #tpu.memory_space<vmem>>, vector<16xi32>,
    %get3A_650 = arith.constant 1616 : index
    %get3A_651 = tpu.vector_load %arg6[%get3A_650] {strides = array<i32>} : memref<4800xf32, #tpu.memory_space<vmem>>, vector<16xf32>,
    tpu.vector_store_idx %arg8[%get3A_649], %get3A_651 {add = true} : memref<51200xf32, #tpu.memory_space<vmem>>[vector<16xi32>], vector<16xf32>,
    %get3A_652 = arith.constant 432 : index
    %get3A_653 = tpu.vector_load %arg5[%get3A_652] {strides = array<i32>} : memref<1200xi32, #tpu.memory_space<vmem>>, vector<16xi32>,
    %get3A_654 = arith.constant 1632 : index
    %get3A_655 = tpu.vector_load %arg6[%get3A_654] {strides = array<i32>} : memref<4800xf32, #tpu.memory_space<vmem>>, vector<16xf32>,
    tpu.vector_store_idx %arg8[%get3A_653], %get3A_655 {add = true} : memref<51200xf32, #tpu.memory_space<vmem>>[vector<16xi32>], vector<16xf32>,
    %get3A_656 = arith.constant 448 : index
    %get3A_657 = tpu.vector_load %arg5[%get3A_656] {strides = array<i32>} : memref<1200xi32, #tpu.memory_space<vmem>>, vector<16xi32>,
    %get3A_658 = arith.constant 1648 : index
    %get3A_659 = tpu.vector_load %arg6[%get3A_658] {strides = array<i32>} : memref<4800xf32, #tpu.memory_space<vmem>>, vector<16xf32>,
    tpu.vector_store_idx %arg8[%get3A_657], %get3A_659 {add = true} : memref<51200xf32, #tpu.memory_space<vmem>>[vector<16xi32>], vector<16xf32>,
    %get3A_660 = arith.constant 464 : index
    %get3A_661 = tpu.vector_load %arg5[%get3A_660] {strides = array<i32>} : memref<1200xi32, #tpu.memory_space<vmem>>, vector<16xi32>,
    %get3A_662 = arith.constant 1664 : index
    %get3A_663 = tpu.vector_load %arg6[%get3A_662] {strides = array<i32>} : memref<4800xf32, #tpu.memory_space<vmem>>, vector<16xf32>,
    tpu.vector_store_idx %arg8[%get3A_661], %get3A_663 {add = true} : memref<51200xf32, #tpu.memory_space<vmem>>[vector<16xi32>], vector<16xf32>,
    %get3A_664 = arith.constant 480 : index
    %get3A_665 = tpu.vector_load %arg5[%get3A_664] {strides = array<i32>} : memref<1200xi32, #tpu.memory_space<vmem>>, vector<16xi32>,
    %get3A_666 = arith.constant 1680 : index
    %get3A_667 = tpu.vector_load %arg6[%get3A_666] {strides = array<i32>} : memref<4800xf32, #tpu.memory_space<vmem>>, vector<16xf32>,
    tpu.vector_store_idx %arg8[%get3A_665], %get3A_667 {add = true} : memref<51200xf32, #tpu.memory_space<vmem>>[vector<16xi32>], vector<16xf32>,
    %get3A_668 = arith.constant 496 : index
    %get3A_669 = tpu.vector_load %arg5[%get3A_668] {strides = array<i32>} : memref<1200xi32, #tpu.memory_space<vmem>>, vector<16xi32>,
    %get3A_670 = arith.constant 1696 : index
    %get3A_671 = tpu.vector_load %arg6[%get3A_670] {strides = array<i32>} : memref<4800xf32, #tpu.memory_space<vmem>>, vector<16xf32>,
    tpu.vector_store_idx %arg8[%get3A_669], %get3A_671 {add = true} : memref<51200xf32, #tpu.memory_space<vmem>>[vector<16xi32>], vector<16xf32>,
    %get3A_672 = arith.constant 512 : index
    %get3A_673 = tpu.vector_load %arg5[%get3A_672] {strides = array<i32>} : memref<1200xi32, #tpu.memory_space<vmem>>, vector<16xi32>,
    %get3A_674 = arith.constant 1712 : index
    %get3A_675 = tpu.vector_load %arg6[%get3A_674] {strides = array<i32>} : memref<4800xf32, #tpu.memory_space<vmem>>, vector<16xf32>,
    tpu.vector_store_idx %arg8[%get3A_673], %get3A_675 {add = true} : memref<51200xf32, #tpu.memory_space<vmem>>[vector<16xi32>], vector<16xf32>,
    %get3A_676 = arith.constant 528 : index
    %get3A_677 = tpu.vector_load %arg5[%get3A_676] {strides = array<i32>} : memref<1200xi32, #tpu.memory_space<vmem>>, vector<16xi32>,
    %get3A_678 = arith.constant 1728 : index
    %get3A_679 = tpu.vector_load %arg6[%get3A_678] {strides = array<i32>} : memref<4800xf32, #tpu.memory_space<vmem>>, vector<16xf32>,
    tpu.vector_store_idx %arg8[%get3A_677], %get3A_679 {add = true} : memref<51200xf32, #tpu.memory_space<vmem>>[vector<16xi32>], vector<16xf32>,
    %get3A_680 = arith.constant 544 : index
    %get3A_681 = tpu.vector_load %arg5[%get3A_680] {strides = array<i32>} : memref<1200xi32, #tpu.memory_space<vmem>>, vector<16xi32>,
    %get3A_682 = arith.constant 1744 : index
    %get3A_683 = tpu.vector_load %arg6[%get3A_682] {strides = array<i32>} : memref<4800xf32, #tpu.memory_space<vmem>>, vector<16xf32>,
    tpu.vector_store_idx %arg8[%get3A_681], %get3A_683 {add = true} : memref<51200xf32, #tpu.memory_space<vmem>>[vector<16xi32>], vector<16xf32>,
    %get3A_684 = arith.constant 560 : index
    %get3A_685 = tpu.vector_load %arg5[%get3A_684] {strides = array<i32>} : memref<1200xi32, #tpu.memory_space<vmem>>, vector<16xi32>,
    %get3A_686 = arith.constant 1760 : index
    %get3A_687 = tpu.vector_load %arg6[%get3A_686] {strides = array<i32>} : memref<4800xf32, #tpu.memory_space<vmem>>, vector<16xf32>,
    tpu.vector_store_idx %arg8[%get3A_685], %get3A_687 {add = true} : memref<51200xf32, #tpu.memory_space<vmem>>[vector<16xi32>], vector<16xf32>,
    %get3A_688 = arith.constant 576 : index
    %get3A_689 = tpu.vector_load %arg5[%get3A_688] {strides = array<i32>} : memref<1200xi32, #tpu.memory_space<vmem>>, vector<16xi32>,
    %get3A_690 = arith.constant 1776 : index
    %get3A_691 = tpu.vector_load %arg6[%get3A_690] {strides = array<i32>} : memref<4800xf32, #tpu.memory_space<vmem>>, vector<16xf32>,
    tpu.vector_store_idx %arg8[%get3A_689], %get3A_691 {add = true} : memref<51200xf32, #tpu.memory_space<vmem>>[vector<16xi32>], vector<16xf32>,
    %get3A_692 = arith.constant 592 : index
    %get3A_693 = tpu.vector_load %arg5[%get3A_692] {strides = array<i32>} : memref<1200xi32, #tpu.memory_space<vmem>>, vector<16xi32>,
    %get3A_694 = arith.constant 1792 : index
    %get3A_695 = tpu.vector_load %arg6[%get3A_694] {strides = array<i32>} : memref<4800xf32, #tpu.memory_space<vmem>>, vector<16xf32>,
    tpu.vector_store_idx %arg8[%get3A_693], %get3A_695 {add = true} : memref<51200xf32, #tpu.memory_space<vmem>>[vector<16xi32>], vector<16xf32>,
    %get3A_696 = arith.constant 608 : index
    %get3A_697 = tpu.vector_load %arg5[%get3A_696] {strides = array<i32>} : memref<1200xi32, #tpu.memory_space<vmem>>, vector<16xi32>,
    %get3A_698 = arith.constant 1808 : index
    %get3A_699 = tpu.vector_load %arg6[%get3A_698] {strides = array<i32>} : memref<4800xf32, #tpu.memory_space<vmem>>, vector<16xf32>,
    tpu.vector_store_idx %arg8[%get3A_697], %get3A_699 {add = true} : memref<51200xf32, #tpu.memory_space<vmem>>[vector<16xi32>], vector<16xf32>,
    %get3A_700 = arith.constant 624 : index
    %get3A_701 = tpu.vector_load %arg5[%get3A_700] {strides = array<i32>} : memref<1200xi32, #tpu.memory_space<vmem>>, vector<16xi32>,
    %get3A_702 = arith.constant 1824 : index
    %get3A_703 = tpu.vector_load %arg6[%get3A_702] {strides = array<i32>} : memref<4800xf32, #tpu.memory_space<vmem>>, vector<16xf32>,
    tpu.vector_store_idx %arg8[%get3A_701], %get3A_703 {add = true} : memref<51200xf32, #tpu.memory_space<vmem>>[vector<16xi32>], vector<16xf32>,
    %get3A_704 = arith.constant 640 : index
    %get3A_705 = tpu.vector_load %arg5[%get3A_704] {strides = array<i32>} : memref<1200xi32, #tpu.memory_space<vmem>>, vector<16xi32>,
    %get3A_706 = arith.constant 1840 : index
    %get3A_707 = tpu.vector_load %arg6[%get3A_706] {strides = array<i32>} : memref<4800xf32, #tpu.memory_space<vmem>>, vector<16xf32>,
    tpu.vector_store_idx %arg8[%get3A_705], %get3A_707 {add = true} : memref<51200xf32, #tpu.memory_space<vmem>>[vector<16xi32>], vector<16xf32>,
    %get3A_708 = arith.constant 656 : index
    %get3A_709 = tpu.vector_load %arg5[%get3A_708] {strides = array<i32>} : memref<1200xi32, #tpu.memory_space<vmem>>, vector<16xi32>,
    %get3A_710 = arith.constant 1856 : index
    %get3A_711 = tpu.vector_load %arg6[%get3A_710] {strides = array<i32>} : memref<4800xf32, #tpu.memory_space<vmem>>, vector<16xf32>,
    tpu.vector_store_idx %arg8[%get3A_709], %get3A_711 {add = true} : memref<51200xf32, #tpu.memory_space<vmem>>[vector<16xi32>], vector<16xf32>,
    %get3A_712 = arith.constant 672 : index
    %get3A_713 = tpu.vector_load %arg5[%get3A_712] {strides = array<i32>} : memref<1200xi32, #tpu.memory_space<vmem>>, vector<16xi32>,
    %get3A_714 = arith.constant 1872 : index
    %get3A_715 = tpu.vector_load %arg6[%get3A_714] {strides = array<i32>} : memref<4800xf32, #tpu.memory_space<vmem>>, vector<16xf32>,
    tpu.vector_store_idx %arg8[%get3A_713], %get3A_715 {add = true} : memref<51200xf32, #tpu.memory_space<vmem>>[vector<16xi32>], vector<16xf32>,
    %get3A_716 = arith.constant 688 : index
    %get3A_717 = tpu.vector_load %arg5[%get3A_716] {strides = array<i32>} : memref<1200xi32, #tpu.memory_space<vmem>>, vector<16xi32>,
    %get3A_718 = arith.constant 1888 : index
    %get3A_719 = tpu.vector_load %arg6[%get3A_718] {strides = array<i32>} : memref<4800xf32, #tpu.memory_space<vmem>>, vector<16xf32>,
    tpu.vector_store_idx %arg8[%get3A_717], %get3A_719 {add = true} : memref<51200xf32, #tpu.memory_space<vmem>>[vector<16xi32>], vector<16xf32>,
    %get3A_720 = arith.constant 704 : index
    %get3A_721 = tpu.vector_load %arg5[%get3A_720] {strides = array<i32>} : memref<1200xi32, #tpu.memory_space<vmem>>, vector<16xi32>,
    %get3A_722 = arith.constant 1904 : index
    %get3A_723 = tpu.vector_load %arg6[%get3A_722] {strides = array<i32>} : memref<4800xf32, #tpu.memory_space<vmem>>, vector<16xf32>,
    tpu.vector_store_idx %arg8[%get3A_721], %get3A_723 {add = true} : memref<51200xf32, #tpu.memory_space<vmem>>[vector<16xi32>], vector<16xf32>,
    %get3A_724 = arith.constant 720 : index
    %get3A_725 = tpu.vector_load %arg5[%get3A_724] {strides = array<i32>} : memref<1200xi32, #tpu.memory_space<vmem>>, vector<16xi32>,
    %get3A_726 = arith.constant 1920 : index
    %get3A_727 = tpu.vector_load %arg6[%get3A_726] {strides = array<i32>} : memref<4800xf32, #tpu.memory_space<vmem>>, vector<16xf32>,
    tpu.vector_store_idx %arg8[%get3A_725], %get3A_727 {add = true} : memref<51200xf32, #tpu.memory_space<vmem>>[vector<16xi32>], vector<16xf32>,
    %get3A_728 = arith.constant 736 : index
    %get3A_729 = tpu.vector_load %arg5[%get3A_728] {strides = array<i32>} : memref<1200xi32, #tpu.memory_space<vmem>>, vector<16xi32>,
    %get3A_730 = arith.constant 1936 : index
    %get3A_731 = tpu.vector_load %arg6[%get3A_730] {strides = array<i32>} : memref<4800xf32, #tpu.memory_space<vmem>>, vector<16xf32>,
    tpu.vector_store_idx %arg8[%get3A_729], %get3A_731 {add = true} : memref<51200xf32, #tpu.memory_space<vmem>>[vector<16xi32>], vector<16xf32>,
    %get3A_732 = arith.constant 752 : index
    %get3A_733 = tpu.vector_load %arg5[%get3A_732] {strides = array<i32>} : memref<1200xi32, #tpu.memory_space<vmem>>, vector<16xi32>,
    %get3A_734 = arith.constant 1952 : index
    %get3A_735 = tpu.vector_load %arg6[%get3A_734] {strides = array<i32>} : memref<4800xf32, #tpu.memory_space<vmem>>, vector<16xf32>,
    tpu.vector_store_idx %arg8[%get3A_733], %get3A_735 {add = true} : memref<51200xf32, #tpu.memory_space<vmem>>[vector<16xi32>], vector<16xf32>,
    %get3A_736 = arith.constant 768 : index
    %get3A_737 = tpu.vector_load %arg5[%get3A_736] {strides = array<i32>} : memref<1200xi32, #tpu.memory_space<vmem>>, vector<16xi32>,
    %get3A_738 = arith.constant 1968 : index
    %get3A_739 = tpu.vector_load %arg6[%get3A_738] {strides = array<i32>} : memref<4800xf32, #tpu.memory_space<vmem>>, vector<16xf32>,
    tpu.vector_store_idx %arg8[%get3A_737], %get3A_739 {add = true} : memref<51200xf32, #tpu.memory_space<vmem>>[vector<16xi32>], vector<16xf32>,
    %get3A_740 = arith.constant 784 : index
    %get3A_741 = tpu.vector_load %arg5[%get3A_740] {strides = array<i32>} : memref<1200xi32, #tpu.memory_space<vmem>>, vector<16xi32>,
    %get3A_742 = arith.constant 1984 : index
    %get3A_743 = tpu.vector_load %arg6[%get3A_742] {strides = array<i32>} : memref<4800xf32, #tpu.memory_space<vmem>>, vector<16xf32>,
    tpu.vector_store_idx %arg8[%get3A_741], %get3A_743 {add = true} : memref<51200xf32, #tpu.memory_space<vmem>>[vector<16xi32>], vector<16xf32>,
    %get3A_744 = arith.constant 800 : index
    %get3A_745 = tpu.vector_load %arg5[%get3A_744] {strides = array<i32>} : memref<1200xi32, #tpu.memory_space<vmem>>, vector<16xi32>,
    %get3A_746 = arith.constant 2000 : index
    %get3A_747 = tpu.vector_load %arg6[%get3A_746] {strides = array<i32>} : memref<4800xf32, #tpu.memory_space<vmem>>, vector<16xf32>,
    tpu.vector_store_idx %arg8[%get3A_745], %get3A_747 {add = true} : memref<51200xf32, #tpu.memory_space<vmem>>[vector<16xi32>], vector<16xf32>,
    %get3A_748 = arith.constant 816 : index
    %get3A_749 = tpu.vector_load %arg5[%get3A_748] {strides = array<i32>} : memref<1200xi32, #tpu.memory_space<vmem>>, vector<16xi32>,
    %get3A_750 = arith.constant 2016 : index
    %get3A_751 = tpu.vector_load %arg6[%get3A_750] {strides = array<i32>} : memref<4800xf32, #tpu.memory_space<vmem>>, vector<16xf32>,
    tpu.vector_store_idx %arg8[%get3A_749], %get3A_751 {add = true} : memref<51200xf32, #tpu.memory_space<vmem>>[vector<16xi32>], vector<16xf32>,
    %get3A_752 = arith.constant 832 : index
    %get3A_753 = tpu.vector_load %arg5[%get3A_752] {strides = array<i32>} : memref<1200xi32, #tpu.memory_space<vmem>>, vector<16xi32>,
    %get3A_754 = arith.constant 2032 : index
    %get3A_755 = tpu.vector_load %arg6[%get3A_754] {strides = array<i32>} : memref<4800xf32, #tpu.memory_space<vmem>>, vector<16xf32>,
    tpu.vector_store_idx %arg8[%get3A_753], %get3A_755 {add = true} : memref<51200xf32, #tpu.memory_space<vmem>>[vector<16xi32>], vector<16xf32>,
    %get3A_756 = arith.constant 848 : index
    %get3A_757 = tpu.vector_load %arg5[%get3A_756] {strides = array<i32>} : memref<1200xi32, #tpu.memory_space<vmem>>, vector<16xi32>,
    %get3A_758 = arith.constant 2048 : index
    %get3A_759 = tpu.vector_load %arg6[%get3A_758] {strides = array<i32>} : memref<4800xf32, #tpu.memory_space<vmem>>, vector<16xf32>,
    tpu.vector_store_idx %arg8[%get3A_757], %get3A_759 {add = true} : memref<51200xf32, #tpu.memory_space<vmem>>[vector<16xi32>], vector<16xf32>,
    %get3A_760 = arith.constant 864 : index
    %get3A_761 = tpu.vector_load %arg5[%get3A_760] {strides = array<i32>} : memref<1200xi32, #tpu.memory_space<vmem>>, vector<16xi32>,
    %get3A_762 = arith.constant 2064 : index
    %get3A_763 = tpu.vector_load %arg6[%get3A_762] {strides = array<i32>} : memref<4800xf32, #tpu.memory_space<vmem>>, vector<16xf32>,
    tpu.vector_store_idx %arg8[%get3A_761], %get3A_763 {add = true} : memref<51200xf32, #tpu.memory_space<vmem>>[vector<16xi32>], vector<16xf32>,
    %get3A_764 = arith.constant 880 : index
    %get3A_765 = tpu.vector_load %arg5[%get3A_764] {strides = array<i32>} : memref<1200xi32, #tpu.memory_space<vmem>>, vector<16xi32>,
    %get3A_766 = arith.constant 2080 : index
    %get3A_767 = tpu.vector_load %arg6[%get3A_766] {strides = array<i32>} : memref<4800xf32, #tpu.memory_space<vmem>>, vector<16xf32>,
    tpu.vector_store_idx %arg8[%get3A_765], %get3A_767 {add = true} : memref<51200xf32, #tpu.memory_space<vmem>>[vector<16xi32>], vector<16xf32>,
    %get3A_768 = arith.constant 896 : index
    %get3A_769 = tpu.vector_load %arg5[%get3A_768] {strides = array<i32>} : memref<1200xi32, #tpu.memory_space<vmem>>, vector<16xi32>,
    %get3A_770 = arith.constant 2096 : index
    %get3A_771 = tpu.vector_load %arg6[%get3A_770] {strides = array<i32>} : memref<4800xf32, #tpu.memory_space<vmem>>, vector<16xf32>,
    tpu.vector_store_idx %arg8[%get3A_769], %get3A_771 {add = true} : memref<51200xf32, #tpu.memory_space<vmem>>[vector<16xi32>], vector<16xf32>,
    %get3A_772 = arith.constant 912 : index
    %get3A_773 = tpu.vector_load %arg5[%get3A_772] {strides = array<i32>} : memref<1200xi32, #tpu.memory_space<vmem>>, vector<16xi32>,
    %get3A_774 = arith.constant 2112 : index
    %get3A_775 = tpu.vector_load %arg6[%get3A_774] {strides = array<i32>} : memref<4800xf32, #tpu.memory_space<vmem>>, vector<16xf32>,
    tpu.vector_store_idx %arg8[%get3A_773], %get3A_775 {add = true} : memref<51200xf32, #tpu.memory_space<vmem>>[vector<16xi32>], vector<16xf32>,
    %get3A_776 = arith.constant 928 : index
    %get3A_777 = tpu.vector_load %arg5[%get3A_776] {strides = array<i32>} : memref<1200xi32, #tpu.memory_space<vmem>>, vector<16xi32>,
    %get3A_778 = arith.constant 2128 : index
    %get3A_779 = tpu.vector_load %arg6[%get3A_778] {strides = array<i32>} : memref<4800xf32, #tpu.memory_space<vmem>>, vector<16xf32>,
    tpu.vector_store_idx %arg8[%get3A_777], %get3A_779 {add = true} : memref<51200xf32, #tpu.memory_space<vmem>>[vector<16xi32>], vector<16xf32>,
    %get3A_780 = arith.constant 944 : index
    %get3A_781 = tpu.vector_load %arg5[%get3A_780] {strides = array<i32>} : memref<1200xi32, #tpu.memory_space<vmem>>, vector<16xi32>,
    %get3A_782 = arith.constant 2144 : index
    %get3A_783 = tpu.vector_load %arg6[%get3A_782] {strides = array<i32>} : memref<4800xf32, #tpu.memory_space<vmem>>, vector<16xf32>,
    tpu.vector_store_idx %arg8[%get3A_781], %get3A_783 {add = true} : memref<51200xf32, #tpu.memory_space<vmem>>[vector<16xi32>], vector<16xf32>,
    %get3A_784 = arith.constant 960 : index
    %get3A_785 = tpu.vector_load %arg5[%get3A_784] {strides = array<i32>} : memref<1200xi32, #tpu.memory_space<vmem>>, vector<16xi32>,
    %get3A_786 = arith.constant 2160 : index
    %get3A_787 = tpu.vector_load %arg6[%get3A_786] {strides = array<i32>} : memref<4800xf32, #tpu.memory_space<vmem>>, vector<16xf32>,
    tpu.vector_store_idx %arg8[%get3A_785], %get3A_787 {add = true} : memref<51200xf32, #tpu.memory_space<vmem>>[vector<16xi32>], vector<16xf32>,
    %get3A_788 = arith.constant 976 : index
    %get3A_789 = tpu.vector_load %arg5[%get3A_788] {strides = array<i32>} : memref<1200xi32, #tpu.memory_space<vmem>>, vector<16xi32>,
    %get3A_790 = arith.constant 2176 : index
    %get3A_791 = tpu.vector_load %arg6[%get3A_790] {strides = array<i32>} : memref<4800xf32, #tpu.memory_space<vmem>>, vector<16xf32>,
    tpu.vector_store_idx %arg8[%get3A_789], %get3A_791 {add = true} : memref<51200xf32, #tpu.memory_space<vmem>>[vector<16xi32>], vector<16xf32>,
    %get3A_792 = arith.constant 992 : index
    %get3A_793 = tpu.vector_load %arg5[%get3A_792] {strides = array<i32>} : memref<1200xi32, #tpu.memory_space<vmem>>, vector<16xi32>,
    %get3A_794 = arith.constant 2192 : index
    %get3A_795 = tpu.vector_load %arg6[%get3A_794] {strides = array<i32>} : memref<4800xf32, #tpu.memory_space<vmem>>, vector<16xf32>,
    tpu.vector_store_idx %arg8[%get3A_793], %get3A_795 {add = true} : memref<51200xf32, #tpu.memory_space<vmem>>[vector<16xi32>], vector<16xf32>,
    %get3A_796 = arith.constant 1008 : index
    %get3A_797 = tpu.vector_load %arg5[%get3A_796] {strides = array<i32>} : memref<1200xi32, #tpu.memory_space<vmem>>, vector<16xi32>,
    %get3A_798 = arith.constant 2208 : index
    %get3A_799 = tpu.vector_load %arg6[%get3A_798] {strides = array<i32>} : memref<4800xf32, #tpu.memory_space<vmem>>, vector<16xf32>,
    tpu.vector_store_idx %arg8[%get3A_797], %get3A_799 {add = true} : memref<51200xf32, #tpu.memory_space<vmem>>[vector<16xi32>], vector<16xf32>,
    %get3A_800 = arith.constant 1024 : index
    %get3A_801 = tpu.vector_load %arg5[%get3A_800] {strides = array<i32>} : memref<1200xi32, #tpu.memory_space<vmem>>, vector<16xi32>,
    %get3A_802 = arith.constant 2224 : index
    %get3A_803 = tpu.vector_load %arg6[%get3A_802] {strides = array<i32>} : memref<4800xf32, #tpu.memory_space<vmem>>, vector<16xf32>,
    tpu.vector_store_idx %arg8[%get3A_801], %get3A_803 {add = true} : memref<51200xf32, #tpu.memory_space<vmem>>[vector<16xi32>], vector<16xf32>,
    %get3A_804 = arith.constant 1040 : index
    %get3A_805 = tpu.vector_load %arg5[%get3A_804] {strides = array<i32>} : memref<1200xi32, #tpu.memory_space<vmem>>, vector<16xi32>,
    %get3A_806 = arith.constant 2240 : index
    %get3A_807 = tpu.vector_load %arg6[%get3A_806] {strides = array<i32>} : memref<4800xf32, #tpu.memory_space<vmem>>, vector<16xf32>,
    tpu.vector_store_idx %arg8[%get3A_805], %get3A_807 {add = true} : memref<51200xf32, #tpu.memory_space<vmem>>[vector<16xi32>], vector<16xf32>,
    %get3A_808 = arith.constant 1056 : index
    %get3A_809 = tpu.vector_load %arg5[%get3A_808] {strides = array<i32>} : memref<1200xi32, #tpu.memory_space<vmem>>, vector<16xi32>,
    %get3A_810 = arith.constant 2256 : index
    %get3A_811 = tpu.vector_load %arg6[%get3A_810] {strides = array<i32>} : memref<4800xf32, #tpu.memory_space<vmem>>, vector<16xf32>,
    tpu.vector_store_idx %arg8[%get3A_809], %get3A_811 {add = true} : memref<51200xf32, #tpu.memory_space<vmem>>[vector<16xi32>], vector<16xf32>,
    %get3A_812 = arith.constant 1072 : index
    %get3A_813 = tpu.vector_load %arg5[%get3A_812] {strides = array<i32>} : memref<1200xi32, #tpu.memory_space<vmem>>, vector<16xi32>,
    %get3A_814 = arith.constant 2272 : index
    %get3A_815 = tpu.vector_load %arg6[%get3A_814] {strides = array<i32>} : memref<4800xf32, #tpu.memory_space<vmem>>, vector<16xf32>,
    tpu.vector_store_idx %arg8[%get3A_813], %get3A_815 {add = true} : memref<51200xf32, #tpu.memory_space<vmem>>[vector<16xi32>], vector<16xf32>,
    %get3A_816 = arith.constant 1088 : index
    %get3A_817 = tpu.vector_load %arg5[%get3A_816] {strides = array<i32>} : memref<1200xi32, #tpu.memory_space<vmem>>, vector<16xi32>,
    %get3A_818 = arith.constant 2288 : index
    %get3A_819 = tpu.vector_load %arg6[%get3A_818] {strides = array<i32>} : memref<4800xf32, #tpu.memory_space<vmem>>, vector<16xf32>,
    tpu.vector_store_idx %arg8[%get3A_817], %get3A_819 {add = true} : memref<51200xf32, #tpu.memory_space<vmem>>[vector<16xi32>], vector<16xf32>,
    %get3A_820 = arith.constant 1104 : index
    %get3A_821 = tpu.vector_load %arg5[%get3A_820] {strides = array<i32>} : memref<1200xi32, #tpu.memory_space<vmem>>, vector<16xi32>,
    %get3A_822 = arith.constant 2304 : index
    %get3A_823 = tpu.vector_load %arg6[%get3A_822] {strides = array<i32>} : memref<4800xf32, #tpu.memory_space<vmem>>, vector<16xf32>,
    tpu.vector_store_idx %arg8[%get3A_821], %get3A_823 {add = true} : memref<51200xf32, #tpu.memory_space<vmem>>[vector<16xi32>], vector<16xf32>,
    %get3A_824 = arith.constant 1120 : index
    %get3A_825 = tpu.vector_load %arg5[%get3A_824] {strides = array<i32>} : memref<1200xi32, #tpu.memory_space<vmem>>, vector<16xi32>,
    %get3A_826 = arith.constant 2320 : index
    %get3A_827 = tpu.vector_load %arg6[%get3A_826] {strides = array<i32>} : memref<4800xf32, #tpu.memory_space<vmem>>, vector<16xf32>,
    tpu.vector_store_idx %arg8[%get3A_825], %get3A_827 {add = true} : memref<51200xf32, #tpu.memory_space<vmem>>[vector<16xi32>], vector<16xf32>,
    %get3A_828 = arith.constant 1136 : index
    %get3A_829 = tpu.vector_load %arg5[%get3A_828] {strides = array<i32>} : memref<1200xi32, #tpu.memory_space<vmem>>, vector<16xi32>,
    %get3A_830 = arith.constant 2336 : index
    %get3A_831 = tpu.vector_load %arg6[%get3A_830] {strides = array<i32>} : memref<4800xf32, #tpu.memory_space<vmem>>, vector<16xf32>,
    tpu.vector_store_idx %arg8[%get3A_829], %get3A_831 {add = true} : memref<51200xf32, #tpu.memory_space<vmem>>[vector<16xi32>], vector<16xf32>,
    %get3A_832 = arith.constant 1152 : index
    %get3A_833 = tpu.vector_load %arg5[%get3A_832] {strides = array<i32>} : memref<1200xi32, #tpu.memory_space<vmem>>, vector<16xi32>,
    %get3A_834 = arith.constant 2352 : index
    %get3A_835 = tpu.vector_load %arg6[%get3A_834] {strides = array<i32>} : memref<4800xf32, #tpu.memory_space<vmem>>, vector<16xf32>,
    tpu.vector_store_idx %arg8[%get3A_833], %get3A_835 {add = true} : memref<51200xf32, #tpu.memory_space<vmem>>[vector<16xi32>], vector<16xf32>,
    %get3A_836 = arith.constant 1168 : index
    %get3A_837 = tpu.vector_load %arg5[%get3A_836] {strides = array<i32>} : memref<1200xi32, #tpu.memory_space<vmem>>, vector<16xi32>,
    %get3A_838 = arith.constant 2368 : index
    %get3A_839 = tpu.vector_load %arg6[%get3A_838] {strides = array<i32>} : memref<4800xf32, #tpu.memory_space<vmem>>, vector<16xf32>,
    tpu.vector_store_idx %arg8[%get3A_837], %get3A_839 {add = true} : memref<51200xf32, #tpu.memory_space<vmem>>[vector<16xi32>], vector<16xf32>,
    %get3A_840 = arith.constant 1184 : index
    %get3A_841 = tpu.vector_load %arg5[%get3A_840] {strides = array<i32>} : memref<1200xi32, #tpu.memory_space<vmem>>, vector<16xi32>,
    %get3A_842 = arith.constant 2384 : index
    %get3A_843 = tpu.vector_load %arg6[%get3A_842] {strides = array<i32>} : memref<4800xf32, #tpu.memory_space<vmem>>, vector<16xf32>,
    tpu.vector_store_idx %arg8[%get3A_841], %get3A_843 {add = true} : memref<51200xf32, #tpu.memory_space<vmem>>[vector<16xi32>], vector<16xf32>,
    %mul3A_844 = arith.constant 51200 : i32
    %mul3A_845 = arith.muli %add3A_543, %mul3A_844 : i32
    %dma_start3A_846 = tpu.memref_slice %arg4[%mul3A_845] : memref<6553600xf32, #tpu.memory_space<hbm>> -> memref<51200xf32, #tpu.memory_space<hbm>>
    %dma_start3A_847 = tpu.memref_slice %arg4[%mul3A_845] : memref<6553600xf32, #tpu.memory_space<hbm>> -> memref<51200xf32, #tpu.memory_space<hbm>>
    tpu.enqueue_dma source(%arg8 : memref<51200xf32, #tpu.memory_space<vmem>>) target(%dma_start3A_847 : memref<51200xf32, #tpu.memory_space<hbm>>) target_semaphore(%arg10 : memref<!tpu.dma_semaphore, #tpu.memory_space<semaphore_mem>>)
    %mul3A_848 = arith.constant 4 : i32
    %mul3A_849 = arith.muli %add3A, %mul3A_848 : i32
    %add3A_850 = arith.constant 2 : i32
    %add3A_851 = arith.addi %mul3A_849, %add3A_850 : i32
    %dma_wait3A_852 = tpu.memref_slice %arg4[%mul3A_537] : memref<6553600xf32, #tpu.memory_space<hbm>> -> memref<51200xf32, #tpu.memory_space<hbm>>
    %dma_wait3A_853 = tpu.memref_slice %arg4[%mul3A_537] : memref<6553600xf32, #tpu.memory_space<hbm>> -> memref<51200xf32, #tpu.memory_space<hbm>>
    tpu.wait_dma2 semaphore(%arg9 : memref<!tpu.dma_semaphore, #tpu.memory_space<semaphore_mem>>) src(%arg7 : memref<51200xf32, #tpu.memory_space<vmem>>) dst(%dma_wait3A_853 : memref<51200xf32, #tpu.memory_space<hbm>>)
    %get3A_854 = arith.constant 0 : index
    %get3A_855 = tpu.vector_load %arg5[%get3A_854] {strides = array<i32>} : memref<1200xi32, #tpu.memory_space<vmem>>, vector<16xi32>,
    tpu.vector_store_idx %arg7[%get3A_855], %broadcast_in_dim3A_156 : memref<51200xf32, #tpu.memory_space<vmem>>[vector<16xi32>], vector<16xf32>,
    %get3A_856 = arith.constant 16 : index
    %get3A_857 = tpu.vector_load %arg5[%get3A_856] {strides = array<i32>} : memref<1200xi32, #tpu.memory_space<vmem>>, vector<16xi32>,
    tpu.vector_store_idx %arg7[%get3A_857], %broadcast_in_dim3A_156 : memref<51200xf32, #tpu.memory_space<vmem>>[vector<16xi32>], vector<16xf32>,
    %get3A_858 = arith.constant 32 : index
    %get3A_859 = tpu.vector_load %arg5[%get3A_858] {strides = array<i32>} : memref<1200xi32, #tpu.memory_space<vmem>>, vector<16xi32>,
    tpu.vector_store_idx %arg7[%get3A_859], %broadcast_in_dim3A_156 : memref<51200xf32, #tpu.memory_space<vmem>>[vector<16xi32>], vector<16xf32>,
    %get3A_860 = arith.constant 48 : index
    %get3A_861 = tpu.vector_load %arg5[%get3A_860] {strides = array<i32>} : memref<1200xi32, #tpu.memory_space<vmem>>, vector<16xi32>,
    tpu.vector_store_idx %arg7[%get3A_861], %broadcast_in_dim3A_156 : memref<51200xf32, #tpu.memory_space<vmem>>[vector<16xi32>], vector<16xf32>,
    %get3A_862 = arith.constant 64 : index
    %get3A_863 = tpu.vector_load %arg5[%get3A_862] {strides = array<i32>} : memref<1200xi32, #tpu.memory_space<vmem>>, vector<16xi32>,
    tpu.vector_store_idx %arg7[%get3A_863], %broadcast_in_dim3A_156 : memref<51200xf32, #tpu.memory_space<vmem>>[vector<16xi32>], vector<16xf32>,
    %get3A_864 = arith.constant 80 : index
    %get3A_865 = tpu.vector_load %arg5[%get3A_864] {strides = array<i32>} : memref<1200xi32, #tpu.memory_space<vmem>>, vector<16xi32>,
    tpu.vector_store_idx %arg7[%get3A_865], %broadcast_in_dim3A_156 : memref<51200xf32, #tpu.memory_space<vmem>>[vector<16xi32>], vector<16xf32>,
    %get3A_866 = arith.constant 96 : index
    %get3A_867 = tpu.vector_load %arg5[%get3A_866] {strides = array<i32>} : memref<1200xi32, #tpu.memory_space<vmem>>, vector<16xi32>,
    tpu.vector_store_idx %arg7[%get3A_867], %broadcast_in_dim3A_156 : memref<51200xf32, #tpu.memory_space<vmem>>[vector<16xi32>], vector<16xf32>,
    %get3A_868 = arith.constant 112 : index
    %get3A_869 = tpu.vector_load %arg5[%get3A_868] {strides = array<i32>} : memref<1200xi32, #tpu.memory_space<vmem>>, vector<16xi32>,
    tpu.vector_store_idx %arg7[%get3A_869], %broadcast_in_dim3A_156 : memref<51200xf32, #tpu.memory_space<vmem>>[vector<16xi32>], vector<16xf32>,
    %get3A_870 = arith.constant 128 : index
    %get3A_871 = tpu.vector_load %arg5[%get3A_870] {strides = array<i32>} : memref<1200xi32, #tpu.memory_space<vmem>>, vector<16xi32>,
    tpu.vector_store_idx %arg7[%get3A_871], %broadcast_in_dim3A_156 : memref<51200xf32, #tpu.memory_space<vmem>>[vector<16xi32>], vector<16xf32>,
    %get3A_872 = arith.constant 144 : index
    %get3A_873 = tpu.vector_load %arg5[%get3A_872] {strides = array<i32>} : memref<1200xi32, #tpu.memory_space<vmem>>, vector<16xi32>,
    tpu.vector_store_idx %arg7[%get3A_873], %broadcast_in_dim3A_156 : memref<51200xf32, #tpu.memory_space<vmem>>[vector<16xi32>], vector<16xf32>,
    %get3A_874 = arith.constant 160 : index
    %get3A_875 = tpu.vector_load %arg5[%get3A_874] {strides = array<i32>} : memref<1200xi32, #tpu.memory_space<vmem>>, vector<16xi32>,
    tpu.vector_store_idx %arg7[%get3A_875], %broadcast_in_dim3A_156 : memref<51200xf32, #tpu.memory_space<vmem>>[vector<16xi32>], vector<16xf32>,
    %get3A_876 = arith.constant 176 : index
    %get3A_877 = tpu.vector_load %arg5[%get3A_876] {strides = array<i32>} : memref<1200xi32, #tpu.memory_space<vmem>>, vector<16xi32>,
    tpu.vector_store_idx %arg7[%get3A_877], %broadcast_in_dim3A_156 : memref<51200xf32, #tpu.memory_space<vmem>>[vector<16xi32>], vector<16xf32>,
    %get3A_878 = arith.constant 192 : index
    %get3A_879 = tpu.vector_load %arg5[%get3A_878] {strides = array<i32>} : memref<1200xi32, #tpu.memory_space<vmem>>, vector<16xi32>,
    tpu.vector_store_idx %arg7[%get3A_879], %broadcast_in_dim3A_156 : memref<51200xf32, #tpu.memory_space<vmem>>[vector<16xi32>], vector<16xf32>,
    %get3A_880 = arith.constant 208 : index
    %get3A_881 = tpu.vector_load %arg5[%get3A_880] {strides = array<i32>} : memref<1200xi32, #tpu.memory_space<vmem>>, vector<16xi32>,
    tpu.vector_store_idx %arg7[%get3A_881], %broadcast_in_dim3A_156 : memref<51200xf32, #tpu.memory_space<vmem>>[vector<16xi32>], vector<16xf32>,
    %get3A_882 = arith.constant 224 : index
    %get3A_883 = tpu.vector_load %arg5[%get3A_882] {strides = array<i32>} : memref<1200xi32, #tpu.memory_space<vmem>>, vector<16xi32>,
    tpu.vector_store_idx %arg7[%get3A_883], %broadcast_in_dim3A_156 : memref<51200xf32, #tpu.memory_space<vmem>>[vector<16xi32>], vector<16xf32>,
    %get3A_884 = arith.constant 240 : index
    %get3A_885 = tpu.vector_load %arg5[%get3A_884] {strides = array<i32>} : memref<1200xi32, #tpu.memory_space<vmem>>, vector<16xi32>,
    tpu.vector_store_idx %arg7[%get3A_885], %broadcast_in_dim3A_156 : memref<51200xf32, #tpu.memory_space<vmem>>[vector<16xi32>], vector<16xf32>,
    %get3A_886 = arith.constant 256 : index
    %get3A_887 = tpu.vector_load %arg5[%get3A_886] {strides = array<i32>} : memref<1200xi32, #tpu.memory_space<vmem>>, vector<16xi32>,
    tpu.vector_store_idx %arg7[%get3A_887], %broadcast_in_dim3A_156 : memref<51200xf32, #tpu.memory_space<vmem>>[vector<16xi32>], vector<16xf32>,
    %get3A_888 = arith.constant 272 : index
    %get3A_889 = tpu.vector_load %arg5[%get3A_888] {strides = array<i32>} : memref<1200xi32, #tpu.memory_space<vmem>>, vector<16xi32>,
    tpu.vector_store_idx %arg7[%get3A_889], %broadcast_in_dim3A_156 : memref<51200xf32, #tpu.memory_space<vmem>>[vector<16xi32>], vector<16xf32>,
    %get3A_890 = arith.constant 288 : index
    %get3A_891 = tpu.vector_load %arg5[%get3A_890] {strides = array<i32>} : memref<1200xi32, #tpu.memory_space<vmem>>, vector<16xi32>,
    tpu.vector_store_idx %arg7[%get3A_891], %broadcast_in_dim3A_156 : memref<51200xf32, #tpu.memory_space<vmem>>[vector<16xi32>], vector<16xf32>,
    %get3A_892 = arith.constant 304 : index
    %get3A_893 = tpu.vector_load %arg5[%get3A_892] {strides = array<i32>} : memref<1200xi32, #tpu.memory_space<vmem>>, vector<16xi32>,
    tpu.vector_store_idx %arg7[%get3A_893], %broadcast_in_dim3A_156 : memref<51200xf32, #tpu.memory_space<vmem>>[vector<16xi32>], vector<16xf32>,
    %get3A_894 = arith.constant 320 : index
    %get3A_895 = tpu.vector_load %arg5[%get3A_894] {strides = array<i32>} : memref<1200xi32, #tpu.memory_space<vmem>>, vector<16xi32>,
    tpu.vector_store_idx %arg7[%get3A_895], %broadcast_in_dim3A_156 : memref<51200xf32, #tpu.memory_space<vmem>>[vector<16xi32>], vector<16xf32>,
    %get3A_896 = arith.constant 336 : index
    %get3A_897 = tpu.vector_load %arg5[%get3A_896] {strides = array<i32>} : memref<1200xi32, #tpu.memory_space<vmem>>, vector<16xi32>,
    tpu.vector_store_idx %arg7[%get3A_897], %broadcast_in_dim3A_156 : memref<51200xf32, #tpu.memory_space<vmem>>[vector<16xi32>], vector<16xf32>,
    %get3A_898 = arith.constant 352 : index
    %get3A_899 = tpu.vector_load %arg5[%get3A_898] {strides = array<i32>} : memref<1200xi32, #tpu.memory_space<vmem>>, vector<16xi32>,
    tpu.vector_store_idx %arg7[%get3A_899], %broadcast_in_dim3A_156 : memref<51200xf32, #tpu.memory_space<vmem>>[vector<16xi32>], vector<16xf32>,
    %get3A_900 = arith.constant 368 : index
    %get3A_901 = tpu.vector_load %arg5[%get3A_900] {strides = array<i32>} : memref<1200xi32, #tpu.memory_space<vmem>>, vector<16xi32>,
    tpu.vector_store_idx %arg7[%get3A_901], %broadcast_in_dim3A_156 : memref<51200xf32, #tpu.memory_space<vmem>>[vector<16xi32>], vector<16xf32>,
    %get3A_902 = arith.constant 384 : index
    %get3A_903 = tpu.vector_load %arg5[%get3A_902] {strides = array<i32>} : memref<1200xi32, #tpu.memory_space<vmem>>, vector<16xi32>,
    tpu.vector_store_idx %arg7[%get3A_903], %broadcast_in_dim3A_156 : memref<51200xf32, #tpu.memory_space<vmem>>[vector<16xi32>], vector<16xf32>,
    %get3A_904 = arith.constant 400 : index
    %get3A_905 = tpu.vector_load %arg5[%get3A_904] {strides = array<i32>} : memref<1200xi32, #tpu.memory_space<vmem>>, vector<16xi32>,
    tpu.vector_store_idx %arg7[%get3A_905], %broadcast_in_dim3A_156 : memref<51200xf32, #tpu.memory_space<vmem>>[vector<16xi32>], vector<16xf32>,
    %get3A_906 = arith.constant 416 : index
    %get3A_907 = tpu.vector_load %arg5[%get3A_906] {strides = array<i32>} : memref<1200xi32, #tpu.memory_space<vmem>>, vector<16xi32>,
    tpu.vector_store_idx %arg7[%get3A_907], %broadcast_in_dim3A_156 : memref<51200xf32, #tpu.memory_space<vmem>>[vector<16xi32>], vector<16xf32>,
    %get3A_908 = arith.constant 432 : index
    %get3A_909 = tpu.vector_load %arg5[%get3A_908] {strides = array<i32>} : memref<1200xi32, #tpu.memory_space<vmem>>, vector<16xi32>,
    tpu.vector_store_idx %arg7[%get3A_909], %broadcast_in_dim3A_156 : memref<51200xf32, #tpu.memory_space<vmem>>[vector<16xi32>], vector<16xf32>,
    %get3A_910 = arith.constant 448 : index
    %get3A_911 = tpu.vector_load %arg5[%get3A_910] {strides = array<i32>} : memref<1200xi32, #tpu.memory_space<vmem>>, vector<16xi32>,
    tpu.vector_store_idx %arg7[%get3A_911], %broadcast_in_dim3A_156 : memref<51200xf32, #tpu.memory_space<vmem>>[vector<16xi32>], vector<16xf32>,
    %get3A_912 = arith.constant 464 : index
    %get3A_913 = tpu.vector_load %arg5[%get3A_912] {strides = array<i32>} : memref<1200xi32, #tpu.memory_space<vmem>>, vector<16xi32>,
    tpu.vector_store_idx %arg7[%get3A_913], %broadcast_in_dim3A_156 : memref<51200xf32, #tpu.memory_space<vmem>>[vector<16xi32>], vector<16xf32>,
    %get3A_914 = arith.constant 480 : index
    %get3A_915 = tpu.vector_load %arg5[%get3A_914] {strides = array<i32>} : memref<1200xi32, #tpu.memory_space<vmem>>, vector<16xi32>,
    tpu.vector_store_idx %arg7[%get3A_915], %broadcast_in_dim3A_156 : memref<51200xf32, #tpu.memory_space<vmem>>[vector<16xi32>], vector<16xf32>,
    %get3A_916 = arith.constant 496 : index
    %get3A_917 = tpu.vector_load %arg5[%get3A_916] {strides = array<i32>} : memref<1200xi32, #tpu.memory_space<vmem>>, vector<16xi32>,
    tpu.vector_store_idx %arg7[%get3A_917], %broadcast_in_dim3A_156 : memref<51200xf32, #tpu.memory_space<vmem>>[vector<16xi32>], vector<16xf32>,
    %get3A_918 = arith.constant 512 : index
    %get3A_919 = tpu.vector_load %arg5[%get3A_918] {strides = array<i32>} : memref<1200xi32, #tpu.memory_space<vmem>>, vector<16xi32>,
    tpu.vector_store_idx %arg7[%get3A_919], %broadcast_in_dim3A_156 : memref<51200xf32, #tpu.memory_space<vmem>>[vector<16xi32>], vector<16xf32>,
    %get3A_920 = arith.constant 528 : index
    %get3A_921 = tpu.vector_load %arg5[%get3A_920] {strides = array<i32>} : memref<1200xi32, #tpu.memory_space<vmem>>, vector<16xi32>,
    tpu.vector_store_idx %arg7[%get3A_921], %broadcast_in_dim3A_156 : memref<51200xf32, #tpu.memory_space<vmem>>[vector<16xi32>], vector<16xf32>,
    %get3A_922 = arith.constant 544 : index
    %get3A_923 = tpu.vector_load %arg5[%get3A_922] {strides = array<i32>} : memref<1200xi32, #tpu.memory_space<vmem>>, vector<16xi32>,
    tpu.vector_store_idx %arg7[%get3A_923], %broadcast_in_dim3A_156 : memref<51200xf32, #tpu.memory_space<vmem>>[vector<16xi32>], vector<16xf32>,
    %get3A_924 = arith.constant 560 : index
    %get3A_925 = tpu.vector_load %arg5[%get3A_924] {strides = array<i32>} : memref<1200xi32, #tpu.memory_space<vmem>>, vector<16xi32>,
    tpu.vector_store_idx %arg7[%get3A_925], %broadcast_in_dim3A_156 : memref<51200xf32, #tpu.memory_space<vmem>>[vector<16xi32>], vector<16xf32>,
    %get3A_926 = arith.constant 576 : index
    %get3A_927 = tpu.vector_load %arg5[%get3A_926] {strides = array<i32>} : memref<1200xi32, #tpu.memory_space<vmem>>, vector<16xi32>,
    tpu.vector_store_idx %arg7[%get3A_927], %broadcast_in_dim3A_156 : memref<51200xf32, #tpu.memory_space<vmem>>[vector<16xi32>], vector<16xf32>,
    %get3A_928 = arith.constant 592 : index
    %get3A_929 = tpu.vector_load %arg5[%get3A_928] {strides = array<i32>} : memref<1200xi32, #tpu.memory_space<vmem>>, vector<16xi32>,
    tpu.vector_store_idx %arg7[%get3A_929], %broadcast_in_dim3A_156 : memref<51200xf32, #tpu.memory_space<vmem>>[vector<16xi32>], vector<16xf32>,
    %get3A_930 = arith.constant 608 : index
    %get3A_931 = tpu.vector_load %arg5[%get3A_930] {strides = array<i32>} : memref<1200xi32, #tpu.memory_space<vmem>>, vector<16xi32>,
    tpu.vector_store_idx %arg7[%get3A_931], %broadcast_in_dim3A_156 : memref<51200xf32, #tpu.memory_space<vmem>>[vector<16xi32>], vector<16xf32>,
    %get3A_932 = arith.constant 624 : index
    %get3A_933 = tpu.vector_load %arg5[%get3A_932] {strides = array<i32>} : memref<1200xi32, #tpu.memory_space<vmem>>, vector<16xi32>,
    tpu.vector_store_idx %arg7[%get3A_933], %broadcast_in_dim3A_156 : memref<51200xf32, #tpu.memory_space<vmem>>[vector<16xi32>], vector<16xf32>,
    %get3A_934 = arith.constant 640 : index
    %get3A_935 = tpu.vector_load %arg5[%get3A_934] {strides = array<i32>} : memref<1200xi32, #tpu.memory_space<vmem>>, vector<16xi32>,
    tpu.vector_store_idx %arg7[%get3A_935], %broadcast_in_dim3A_156 : memref<51200xf32, #tpu.memory_space<vmem>>[vector<16xi32>], vector<16xf32>,
    %get3A_936 = arith.constant 656 : index
    %get3A_937 = tpu.vector_load %arg5[%get3A_936] {strides = array<i32>} : memref<1200xi32, #tpu.memory_space<vmem>>, vector<16xi32>,
    tpu.vector_store_idx %arg7[%get3A_937], %broadcast_in_dim3A_156 : memref<51200xf32, #tpu.memory_space<vmem>>[vector<16xi32>], vector<16xf32>,
    %get3A_938 = arith.constant 672 : index
    %get3A_939 = tpu.vector_load %arg5[%get3A_938] {strides = array<i32>} : memref<1200xi32, #tpu.memory_space<vmem>>, vector<16xi32>,
    tpu.vector_store_idx %arg7[%get3A_939], %broadcast_in_dim3A_156 : memref<51200xf32, #tpu.memory_space<vmem>>[vector<16xi32>], vector<16xf32>,
    %get3A_940 = arith.constant 688 : index
    %get3A_941 = tpu.vector_load %arg5[%get3A_940] {strides = array<i32>} : memref<1200xi32, #tpu.memory_space<vmem>>, vector<16xi32>,
    tpu.vector_store_idx %arg7[%get3A_941], %broadcast_in_dim3A_156 : memref<51200xf32, #tpu.memory_space<vmem>>[vector<16xi32>], vector<16xf32>,
    %get3A_942 = arith.constant 704 : index
    %get3A_943 = tpu.vector_load %arg5[%get3A_942] {strides = array<i32>} : memref<1200xi32, #tpu.memory_space<vmem>>, vector<16xi32>,
    tpu.vector_store_idx %arg7[%get3A_943], %broadcast_in_dim3A_156 : memref<51200xf32, #tpu.memory_space<vmem>>[vector<16xi32>], vector<16xf32>,
    %get3A_944 = arith.constant 720 : index
    %get3A_945 = tpu.vector_load %arg5[%get3A_944] {strides = array<i32>} : memref<1200xi32, #tpu.memory_space<vmem>>, vector<16xi32>,
    tpu.vector_store_idx %arg7[%get3A_945], %broadcast_in_dim3A_156 : memref<51200xf32, #tpu.memory_space<vmem>>[vector<16xi32>], vector<16xf32>,
    %get3A_946 = arith.constant 736 : index
    %get3A_947 = tpu.vector_load %arg5[%get3A_946] {strides = array<i32>} : memref<1200xi32, #tpu.memory_space<vmem>>, vector<16xi32>,
    tpu.vector_store_idx %arg7[%get3A_947], %broadcast_in_dim3A_156 : memref<51200xf32, #tpu.memory_space<vmem>>[vector<16xi32>], vector<16xf32>,
    %get3A_948 = arith.constant 752 : index
    %get3A_949 = tpu.vector_load %arg5[%get3A_948] {strides = array<i32>} : memref<1200xi32, #tpu.memory_space<vmem>>, vector<16xi32>,
    tpu.vector_store_idx %arg7[%get3A_949], %broadcast_in_dim3A_156 : memref<51200xf32, #tpu.memory_space<vmem>>[vector<16xi32>], vector<16xf32>,
    %get3A_950 = arith.constant 768 : index
    %get3A_951 = tpu.vector_load %arg5[%get3A_950] {strides = array<i32>} : memref<1200xi32, #tpu.memory_space<vmem>>, vector<16xi32>,
    tpu.vector_store_idx %arg7[%get3A_951], %broadcast_in_dim3A_156 : memref<51200xf32, #tpu.memory_space<vmem>>[vector<16xi32>], vector<16xf32>,
    %get3A_952 = arith.constant 784 : index
    %get3A_953 = tpu.vector_load %arg5[%get3A_952] {strides = array<i32>} : memref<1200xi32, #tpu.memory_space<vmem>>, vector<16xi32>,
    tpu.vector_store_idx %arg7[%get3A_953], %broadcast_in_dim3A_156 : memref<51200xf32, #tpu.memory_space<vmem>>[vector<16xi32>], vector<16xf32>,
    %get3A_954 = arith.constant 800 : index
    %get3A_955 = tpu.vector_load %arg5[%get3A_954] {strides = array<i32>} : memref<1200xi32, #tpu.memory_space<vmem>>, vector<16xi32>,
    tpu.vector_store_idx %arg7[%get3A_955], %broadcast_in_dim3A_156 : memref<51200xf32, #tpu.memory_space<vmem>>[vector<16xi32>], vector<16xf32>,
    %get3A_956 = arith.constant 816 : index
    %get3A_957 = tpu.vector_load %arg5[%get3A_956] {strides = array<i32>} : memref<1200xi32, #tpu.memory_space<vmem>>, vector<16xi32>,
    tpu.vector_store_idx %arg7[%get3A_957], %broadcast_in_dim3A_156 : memref<51200xf32, #tpu.memory_space<vmem>>[vector<16xi32>], vector<16xf32>,
    %get3A_958 = arith.constant 832 : index
    %get3A_959 = tpu.vector_load %arg5[%get3A_958] {strides = array<i32>} : memref<1200xi32, #tpu.memory_space<vmem>>, vector<16xi32>,
    tpu.vector_store_idx %arg7[%get3A_959], %broadcast_in_dim3A_156 : memref<51200xf32, #tpu.memory_space<vmem>>[vector<16xi32>], vector<16xf32>,
    %get3A_960 = arith.constant 848 : index
    %get3A_961 = tpu.vector_load %arg5[%get3A_960] {strides = array<i32>} : memref<1200xi32, #tpu.memory_space<vmem>>, vector<16xi32>,
    tpu.vector_store_idx %arg7[%get3A_961], %broadcast_in_dim3A_156 : memref<51200xf32, #tpu.memory_space<vmem>>[vector<16xi32>], vector<16xf32>,
    %get3A_962 = arith.constant 864 : index
    %get3A_963 = tpu.vector_load %arg5[%get3A_962] {strides = array<i32>} : memref<1200xi32, #tpu.memory_space<vmem>>, vector<16xi32>,
    tpu.vector_store_idx %arg7[%get3A_963], %broadcast_in_dim3A_156 : memref<51200xf32, #tpu.memory_space<vmem>>[vector<16xi32>], vector<16xf32>,
    %get3A_964 = arith.constant 880 : index
    %get3A_965 = tpu.vector_load %arg5[%get3A_964] {strides = array<i32>} : memref<1200xi32, #tpu.memory_space<vmem>>, vector<16xi32>,
    tpu.vector_store_idx %arg7[%get3A_965], %broadcast_in_dim3A_156 : memref<51200xf32, #tpu.memory_space<vmem>>[vector<16xi32>], vector<16xf32>,
    %get3A_966 = arith.constant 896 : index
    %get3A_967 = tpu.vector_load %arg5[%get3A_966] {strides = array<i32>} : memref<1200xi32, #tpu.memory_space<vmem>>, vector<16xi32>,
    tpu.vector_store_idx %arg7[%get3A_967], %broadcast_in_dim3A_156 : memref<51200xf32, #tpu.memory_space<vmem>>[vector<16xi32>], vector<16xf32>,
    %get3A_968 = arith.constant 912 : index
    %get3A_969 = tpu.vector_load %arg5[%get3A_968] {strides = array<i32>} : memref<1200xi32, #tpu.memory_space<vmem>>, vector<16xi32>,
    tpu.vector_store_idx %arg7[%get3A_969], %broadcast_in_dim3A_156 : memref<51200xf32, #tpu.memory_space<vmem>>[vector<16xi32>], vector<16xf32>,
    %get3A_970 = arith.constant 928 : index
    %get3A_971 = tpu.vector_load %arg5[%get3A_970] {strides = array<i32>} : memref<1200xi32, #tpu.memory_space<vmem>>, vector<16xi32>,
    tpu.vector_store_idx %arg7[%get3A_971], %broadcast_in_dim3A_156 : memref<51200xf32, #tpu.memory_space<vmem>>[vector<16xi32>], vector<16xf32>,
    %get3A_972 = arith.constant 944 : index
    %get3A_973 = tpu.vector_load %arg5[%get3A_972] {strides = array<i32>} : memref<1200xi32, #tpu.memory_space<vmem>>, vector<16xi32>,
    tpu.vector_store_idx %arg7[%get3A_973], %broadcast_in_dim3A_156 : memref<51200xf32, #tpu.memory_space<vmem>>[vector<16xi32>], vector<16xf32>,
    %get3A_974 = arith.constant 960 : index
    %get3A_975 = tpu.vector_load %arg5[%get3A_974] {strides = array<i32>} : memref<1200xi32, #tpu.memory_space<vmem>>, vector<16xi32>,
    tpu.vector_store_idx %arg7[%get3A_975], %broadcast_in_dim3A_156 : memref<51200xf32, #tpu.memory_space<vmem>>[vector<16xi32>], vector<16xf32>,
    %get3A_976 = arith.constant 976 : index
    %get3A_977 = tpu.vector_load %arg5[%get3A_976] {strides = array<i32>} : memref<1200xi32, #tpu.memory_space<vmem>>, vector<16xi32>,
    tpu.vector_store_idx %arg7[%get3A_977], %broadcast_in_dim3A_156 : memref<51200xf32, #tpu.memory_space<vmem>>[vector<16xi32>], vector<16xf32>,
    %get3A_978 = arith.constant 992 : index
    %get3A_979 = tpu.vector_load %arg5[%get3A_978] {strides = array<i32>} : memref<1200xi32, #tpu.memory_space<vmem>>, vector<16xi32>,
    tpu.vector_store_idx %arg7[%get3A_979], %broadcast_in_dim3A_156 : memref<51200xf32, #tpu.memory_space<vmem>>[vector<16xi32>], vector<16xf32>,
    %get3A_980 = arith.constant 1008 : index
    %get3A_981 = tpu.vector_load %arg5[%get3A_980] {strides = array<i32>} : memref<1200xi32, #tpu.memory_space<vmem>>, vector<16xi32>,
    tpu.vector_store_idx %arg7[%get3A_981], %broadcast_in_dim3A_156 : memref<51200xf32, #tpu.memory_space<vmem>>[vector<16xi32>], vector<16xf32>,
    %get3A_982 = arith.constant 1024 : index
    %get3A_983 = tpu.vector_load %arg5[%get3A_982] {strides = array<i32>} : memref<1200xi32, #tpu.memory_space<vmem>>, vector<16xi32>,
    tpu.vector_store_idx %arg7[%get3A_983], %broadcast_in_dim3A_156 : memref<51200xf32, #tpu.memory_space<vmem>>[vector<16xi32>], vector<16xf32>,
    %get3A_984 = arith.constant 1040 : index
    %get3A_985 = tpu.vector_load %arg5[%get3A_984] {strides = array<i32>} : memref<1200xi32, #tpu.memory_space<vmem>>, vector<16xi32>,
    tpu.vector_store_idx %arg7[%get3A_985], %broadcast_in_dim3A_156 : memref<51200xf32, #tpu.memory_space<vmem>>[vector<16xi32>], vector<16xf32>,
    %get3A_986 = arith.constant 1056 : index
    %get3A_987 = tpu.vector_load %arg5[%get3A_986] {strides = array<i32>} : memref<1200xi32, #tpu.memory_space<vmem>>, vector<16xi32>,
    tpu.vector_store_idx %arg7[%get3A_987], %broadcast_in_dim3A_156 : memref<51200xf32, #tpu.memory_space<vmem>>[vector<16xi32>], vector<16xf32>,
    %get3A_988 = arith.constant 1072 : index
    %get3A_989 = tpu.vector_load %arg5[%get3A_988] {strides = array<i32>} : memref<1200xi32, #tpu.memory_space<vmem>>, vector<16xi32>,
    tpu.vector_store_idx %arg7[%get3A_989], %broadcast_in_dim3A_156 : memref<51200xf32, #tpu.memory_space<vmem>>[vector<16xi32>], vector<16xf32>,
    %get3A_990 = arith.constant 1088 : index
    %get3A_991 = tpu.vector_load %arg5[%get3A_990] {strides = array<i32>} : memref<1200xi32, #tpu.memory_space<vmem>>, vector<16xi32>,
    tpu.vector_store_idx %arg7[%get3A_991], %broadcast_in_dim3A_156 : memref<51200xf32, #tpu.memory_space<vmem>>[vector<16xi32>], vector<16xf32>,
    %get3A_992 = arith.constant 1104 : index
    %get3A_993 = tpu.vector_load %arg5[%get3A_992] {strides = array<i32>} : memref<1200xi32, #tpu.memory_space<vmem>>, vector<16xi32>,
    tpu.vector_store_idx %arg7[%get3A_993], %broadcast_in_dim3A_156 : memref<51200xf32, #tpu.memory_space<vmem>>[vector<16xi32>], vector<16xf32>,
    %get3A_994 = arith.constant 1120 : index
    %get3A_995 = tpu.vector_load %arg5[%get3A_994] {strides = array<i32>} : memref<1200xi32, #tpu.memory_space<vmem>>, vector<16xi32>,
    tpu.vector_store_idx %arg7[%get3A_995], %broadcast_in_dim3A_156 : memref<51200xf32, #tpu.memory_space<vmem>>[vector<16xi32>], vector<16xf32>,
    %get3A_996 = arith.constant 1136 : index
    %get3A_997 = tpu.vector_load %arg5[%get3A_996] {strides = array<i32>} : memref<1200xi32, #tpu.memory_space<vmem>>, vector<16xi32>,
    tpu.vector_store_idx %arg7[%get3A_997], %broadcast_in_dim3A_156 : memref<51200xf32, #tpu.memory_space<vmem>>[vector<16xi32>], vector<16xf32>,
    %get3A_998 = arith.constant 1152 : index
    %get3A_999 = tpu.vector_load %arg5[%get3A_998] {strides = array<i32>} : memref<1200xi32, #tpu.memory_space<vmem>>, vector<16xi32>,
    tpu.vector_store_idx %arg7[%get3A_999], %broadcast_in_dim3A_156 : memref<51200xf32, #tpu.memory_space<vmem>>[vector<16xi32>], vector<16xf32>,
    %get3A_1000 = arith.constant 1168 : index
    %get3A_1001 = tpu.vector_load %arg5[%get3A_1000] {strides = array<i32>} : memref<1200xi32, #tpu.memory_space<vmem>>, vector<16xi32>,
    tpu.vector_store_idx %arg7[%get3A_1001], %broadcast_in_dim3A_156 : memref<51200xf32, #tpu.memory_space<vmem>>[vector<16xi32>], vector<16xf32>,
    %get3A_1002 = arith.constant 1184 : index
    %get3A_1003 = tpu.vector_load %arg5[%get3A_1002] {strides = array<i32>} : memref<1200xi32, #tpu.memory_space<vmem>>, vector<16xi32>,
    tpu.vector_store_idx %arg7[%get3A_1003], %broadcast_in_dim3A_156 : memref<51200xf32, #tpu.memory_space<vmem>>[vector<16xi32>], vector<16xf32>,
    %get3A_1004 = arith.constant 0 : index
    %get3A_1005 = tpu.vector_load %arg5[%get3A_1004] {strides = array<i32>} : memref<1200xi32, #tpu.memory_space<vmem>>, vector<16xi32>,
    %get3A_1006 = arith.constant 2400 : index
    %get3A_1007 = tpu.vector_load %arg6[%get3A_1006] {strides = array<i32>} : memref<4800xf32, #tpu.memory_space<vmem>>, vector<16xf32>,
    tpu.vector_store_idx %arg7[%get3A_1005], %get3A_1007 {add = true} : memref<51200xf32, #tpu.memory_space<vmem>>[vector<16xi32>], vector<16xf32>,
    %get3A_1008 = arith.constant 16 : index
    %get3A_1009 = tpu.vector_load %arg5[%get3A_1008] {strides = array<i32>} : memref<1200xi32, #tpu.memory_space<vmem>>, vector<16xi32>,
    %get3A_1010 = arith.constant 2416 : index
    %get3A_1011 = tpu.vector_load %arg6[%get3A_1010] {strides = array<i32>} : memref<4800xf32, #tpu.memory_space<vmem>>, vector<16xf32>,
    tpu.vector_store_idx %arg7[%get3A_1009], %get3A_1011 {add = true} : memref<51200xf32, #tpu.memory_space<vmem>>[vector<16xi32>], vector<16xf32>,
    %get3A_1012 = arith.constant 32 : index
    %get3A_1013 = tpu.vector_load %arg5[%get3A_1012] {strides = array<i32>} : memref<1200xi32, #tpu.memory_space<vmem>>, vector<16xi32>,
    %get3A_1014 = arith.constant 2432 : index
    %get3A_1015 = tpu.vector_load %arg6[%get3A_1014] {strides = array<i32>} : memref<4800xf32, #tpu.memory_space<vmem>>, vector<16xf32>,
    tpu.vector_store_idx %arg7[%get3A_1013], %get3A_1015 {add = true} : memref<51200xf32, #tpu.memory_space<vmem>>[vector<16xi32>], vector<16xf32>,
    %get3A_1016 = arith.constant 48 : index
    %get3A_1017 = tpu.vector_load %arg5[%get3A_1016] {strides = array<i32>} : memref<1200xi32, #tpu.memory_space<vmem>>, vector<16xi32>,
    %get3A_1018 = arith.constant 2448 : index
    %get3A_1019 = tpu.vector_load %arg6[%get3A_1018] {strides = array<i32>} : memref<4800xf32, #tpu.memory_space<vmem>>, vector<16xf32>,
    tpu.vector_store_idx %arg7[%get3A_1017], %get3A_1019 {add = true} : memref<51200xf32, #tpu.memory_space<vmem>>[vector<16xi32>], vector<16xf32>,
    %get3A_1020 = arith.constant 64 : index
    %get3A_1021 = tpu.vector_load %arg5[%get3A_1020] {strides = array<i32>} : memref<1200xi32, #tpu.memory_space<vmem>>, vector<16xi32>,
    %get3A_1022 = arith.constant 2464 : index
    %get3A_1023 = tpu.vector_load %arg6[%get3A_1022] {strides = array<i32>} : memref<4800xf32, #tpu.memory_space<vmem>>, vector<16xf32>,
    tpu.vector_store_idx %arg7[%get3A_1021], %get3A_1023 {add = true} : memref<51200xf32, #tpu.memory_space<vmem>>[vector<16xi32>], vector<16xf32>,
    %get3A_1024 = arith.constant 80 : index
    %get3A_1025 = tpu.vector_load %arg5[%get3A_1024] {strides = array<i32>} : memref<1200xi32, #tpu.memory_space<vmem>>, vector<16xi32>,
    %get3A_1026 = arith.constant 2480 : index
    %get3A_1027 = tpu.vector_load %arg6[%get3A_1026] {strides = array<i32>} : memref<4800xf32, #tpu.memory_space<vmem>>, vector<16xf32>,
    tpu.vector_store_idx %arg7[%get3A_1025], %get3A_1027 {add = true} : memref<51200xf32, #tpu.memory_space<vmem>>[vector<16xi32>], vector<16xf32>,
    %get3A_1028 = arith.constant 96 : index
    %get3A_1029 = tpu.vector_load %arg5[%get3A_1028] {strides = array<i32>} : memref<1200xi32, #tpu.memory_space<vmem>>, vector<16xi32>,
    %get3A_1030 = arith.constant 2496 : index
    %get3A_1031 = tpu.vector_load %arg6[%get3A_1030] {strides = array<i32>} : memref<4800xf32, #tpu.memory_space<vmem>>, vector<16xf32>,
    tpu.vector_store_idx %arg7[%get3A_1029], %get3A_1031 {add = true} : memref<51200xf32, #tpu.memory_space<vmem>>[vector<16xi32>], vector<16xf32>,
    %get3A_1032 = arith.constant 112 : index
    %get3A_1033 = tpu.vector_load %arg5[%get3A_1032] {strides = array<i32>} : memref<1200xi32, #tpu.memory_space<vmem>>, vector<16xi32>,
    %get3A_1034 = arith.constant 2512 : index
    %get3A_1035 = tpu.vector_load %arg6[%get3A_1034] {strides = array<i32>} : memref<4800xf32, #tpu.memory_space<vmem>>, vector<16xf32>,
    tpu.vector_store_idx %arg7[%get3A_1033], %get3A_1035 {add = true} : memref<51200xf32, #tpu.memory_space<vmem>>[vector<16xi32>], vector<16xf32>,
    %get3A_1036 = arith.constant 128 : index
    %get3A_1037 = tpu.vector_load %arg5[%get3A_1036] {strides = array<i32>} : memref<1200xi32, #tpu.memory_space<vmem>>, vector<16xi32>,
    %get3A_1038 = arith.constant 2528 : index
    %get3A_1039 = tpu.vector_load %arg6[%get3A_1038] {strides = array<i32>} : memref<4800xf32, #tpu.memory_space<vmem>>, vector<16xf32>,
    tpu.vector_store_idx %arg7[%get3A_1037], %get3A_1039 {add = true} : memref<51200xf32, #tpu.memory_space<vmem>>[vector<16xi32>], vector<16xf32>,
    %get3A_1040 = arith.constant 144 : index
    %get3A_1041 = tpu.vector_load %arg5[%get3A_1040] {strides = array<i32>} : memref<1200xi32, #tpu.memory_space<vmem>>, vector<16xi32>,
    %get3A_1042 = arith.constant 2544 : index
    %get3A_1043 = tpu.vector_load %arg6[%get3A_1042] {strides = array<i32>} : memref<4800xf32, #tpu.memory_space<vmem>>, vector<16xf32>,
    tpu.vector_store_idx %arg7[%get3A_1041], %get3A_1043 {add = true} : memref<51200xf32, #tpu.memory_space<vmem>>[vector<16xi32>], vector<16xf32>,
    %get3A_1044 = arith.constant 160 : index
    %get3A_1045 = tpu.vector_load %arg5[%get3A_1044] {strides = array<i32>} : memref<1200xi32, #tpu.memory_space<vmem>>, vector<16xi32>,
    %get3A_1046 = arith.constant 2560 : index
    %get3A_1047 = tpu.vector_load %arg6[%get3A_1046] {strides = array<i32>} : memref<4800xf32, #tpu.memory_space<vmem>>, vector<16xf32>,
    tpu.vector_store_idx %arg7[%get3A_1045], %get3A_1047 {add = true} : memref<51200xf32, #tpu.memory_space<vmem>>[vector<16xi32>], vector<16xf32>,
    %get3A_1048 = arith.constant 176 : index
    %get3A_1049 = tpu.vector_load %arg5[%get3A_1048] {strides = array<i32>} : memref<1200xi32, #tpu.memory_space<vmem>>, vector<16xi32>,
    %get3A_1050 = arith.constant 2576 : index
    %get3A_1051 = tpu.vector_load %arg6[%get3A_1050] {strides = array<i32>} : memref<4800xf32, #tpu.memory_space<vmem>>, vector<16xf32>,
    tpu.vector_store_idx %arg7[%get3A_1049], %get3A_1051 {add = true} : memref<51200xf32, #tpu.memory_space<vmem>>[vector<16xi32>], vector<16xf32>,
    %get3A_1052 = arith.constant 192 : index
    %get3A_1053 = tpu.vector_load %arg5[%get3A_1052] {strides = array<i32>} : memref<1200xi32, #tpu.memory_space<vmem>>, vector<16xi32>,
    %get3A_1054 = arith.constant 2592 : index
    %get3A_1055 = tpu.vector_load %arg6[%get3A_1054] {strides = array<i32>} : memref<4800xf32, #tpu.memory_space<vmem>>, vector<16xf32>,
    tpu.vector_store_idx %arg7[%get3A_1053], %get3A_1055 {add = true} : memref<51200xf32, #tpu.memory_space<vmem>>[vector<16xi32>], vector<16xf32>,
    %get3A_1056 = arith.constant 208 : index
    %get3A_1057 = tpu.vector_load %arg5[%get3A_1056] {strides = array<i32>} : memref<1200xi32, #tpu.memory_space<vmem>>, vector<16xi32>,
    %get3A_1058 = arith.constant 2608 : index
    %get3A_1059 = tpu.vector_load %arg6[%get3A_1058] {strides = array<i32>} : memref<4800xf32, #tpu.memory_space<vmem>>, vector<16xf32>,
    tpu.vector_store_idx %arg7[%get3A_1057], %get3A_1059 {add = true} : memref<51200xf32, #tpu.memory_space<vmem>>[vector<16xi32>], vector<16xf32>,
    %get3A_1060 = arith.constant 224 : index
    %get3A_1061 = tpu.vector_load %arg5[%get3A_1060] {strides = array<i32>} : memref<1200xi32, #tpu.memory_space<vmem>>, vector<16xi32>,
    %get3A_1062 = arith.constant 2624 : index
    %get3A_1063 = tpu.vector_load %arg6[%get3A_1062] {strides = array<i32>} : memref<4800xf32, #tpu.memory_space<vmem>>, vector<16xf32>,
    tpu.vector_store_idx %arg7[%get3A_1061], %get3A_1063 {add = true} : memref<51200xf32, #tpu.memory_space<vmem>>[vector<16xi32>], vector<16xf32>,
    %get3A_1064 = arith.constant 240 : index
    %get3A_1065 = tpu.vector_load %arg5[%get3A_1064] {strides = array<i32>} : memref<1200xi32, #tpu.memory_space<vmem>>, vector<16xi32>,
    %get3A_1066 = arith.constant 2640 : index
    %get3A_1067 = tpu.vector_load %arg6[%get3A_1066] {strides = array<i32>} : memref<4800xf32, #tpu.memory_space<vmem>>, vector<16xf32>,
    tpu.vector_store_idx %arg7[%get3A_1065], %get3A_1067 {add = true} : memref<51200xf32, #tpu.memory_space<vmem>>[vector<16xi32>], vector<16xf32>,
    %get3A_1068 = arith.constant 256 : index
    %get3A_1069 = tpu.vector_load %arg5[%get3A_1068] {strides = array<i32>} : memref<1200xi32, #tpu.memory_space<vmem>>, vector<16xi32>,
    %get3A_1070 = arith.constant 2656 : index
    %get3A_1071 = tpu.vector_load %arg6[%get3A_1070] {strides = array<i32>} : memref<4800xf32, #tpu.memory_space<vmem>>, vector<16xf32>,
    tpu.vector_store_idx %arg7[%get3A_1069], %get3A_1071 {add = true} : memref<51200xf32, #tpu.memory_space<vmem>>[vector<16xi32>], vector<16xf32>,
    %get3A_1072 = arith.constant 272 : index
    %get3A_1073 = tpu.vector_load %arg5[%get3A_1072] {strides = array<i32>} : memref<1200xi32, #tpu.memory_space<vmem>>, vector<16xi32>,
    %get3A_1074 = arith.constant 2672 : index
    %get3A_1075 = tpu.vector_load %arg6[%get3A_1074] {strides = array<i32>} : memref<4800xf32, #tpu.memory_space<vmem>>, vector<16xf32>,
    tpu.vector_store_idx %arg7[%get3A_1073], %get3A_1075 {add = true} : memref<51200xf32, #tpu.memory_space<vmem>>[vector<16xi32>], vector<16xf32>,
    %get3A_1076 = arith.constant 288 : index
    %get3A_1077 = tpu.vector_load %arg5[%get3A_1076] {strides = array<i32>} : memref<1200xi32, #tpu.memory_space<vmem>>, vector<16xi32>,
    %get3A_1078 = arith.constant 2688 : index
    %get3A_1079 = tpu.vector_load %arg6[%get3A_1078] {strides = array<i32>} : memref<4800xf32, #tpu.memory_space<vmem>>, vector<16xf32>,
    tpu.vector_store_idx %arg7[%get3A_1077], %get3A_1079 {add = true} : memref<51200xf32, #tpu.memory_space<vmem>>[vector<16xi32>], vector<16xf32>,
    %get3A_1080 = arith.constant 304 : index
    %get3A_1081 = tpu.vector_load %arg5[%get3A_1080] {strides = array<i32>} : memref<1200xi32, #tpu.memory_space<vmem>>, vector<16xi32>,
    %get3A_1082 = arith.constant 2704 : index
    %get3A_1083 = tpu.vector_load %arg6[%get3A_1082] {strides = array<i32>} : memref<4800xf32, #tpu.memory_space<vmem>>, vector<16xf32>,
    tpu.vector_store_idx %arg7[%get3A_1081], %get3A_1083 {add = true} : memref<51200xf32, #tpu.memory_space<vmem>>[vector<16xi32>], vector<16xf32>,
    %get3A_1084 = arith.constant 320 : index
    %get3A_1085 = tpu.vector_load %arg5[%get3A_1084] {strides = array<i32>} : memref<1200xi32, #tpu.memory_space<vmem>>, vector<16xi32>,
    %get3A_1086 = arith.constant 2720 : index
    %get3A_1087 = tpu.vector_load %arg6[%get3A_1086] {strides = array<i32>} : memref<4800xf32, #tpu.memory_space<vmem>>, vector<16xf32>,
    tpu.vector_store_idx %arg7[%get3A_1085], %get3A_1087 {add = true} : memref<51200xf32, #tpu.memory_space<vmem>>[vector<16xi32>], vector<16xf32>,
    %get3A_1088 = arith.constant 336 : index
    %get3A_1089 = tpu.vector_load %arg5[%get3A_1088] {strides = array<i32>} : memref<1200xi32, #tpu.memory_space<vmem>>, vector<16xi32>,
    %get3A_1090 = arith.constant 2736 : index
    %get3A_1091 = tpu.vector_load %arg6[%get3A_1090] {strides = array<i32>} : memref<4800xf32, #tpu.memory_space<vmem>>, vector<16xf32>,
    tpu.vector_store_idx %arg7[%get3A_1089], %get3A_1091 {add = true} : memref<51200xf32, #tpu.memory_space<vmem>>[vector<16xi32>], vector<16xf32>,
    %get3A_1092 = arith.constant 352 : index
    %get3A_1093 = tpu.vector_load %arg5[%get3A_1092] {strides = array<i32>} : memref<1200xi32, #tpu.memory_space<vmem>>, vector<16xi32>,
    %get3A_1094 = arith.constant 2752 : index
    %get3A_1095 = tpu.vector_load %arg6[%get3A_1094] {strides = array<i32>} : memref<4800xf32, #tpu.memory_space<vmem>>, vector<16xf32>,
    tpu.vector_store_idx %arg7[%get3A_1093], %get3A_1095 {add = true} : memref<51200xf32, #tpu.memory_space<vmem>>[vector<16xi32>], vector<16xf32>,
    %get3A_1096 = arith.constant 368 : index
    %get3A_1097 = tpu.vector_load %arg5[%get3A_1096] {strides = array<i32>} : memref<1200xi32, #tpu.memory_space<vmem>>, vector<16xi32>,
    %get3A_1098 = arith.constant 2768 : index
    %get3A_1099 = tpu.vector_load %arg6[%get3A_1098] {strides = array<i32>} : memref<4800xf32, #tpu.memory_space<vmem>>, vector<16xf32>,
    tpu.vector_store_idx %arg7[%get3A_1097], %get3A_1099 {add = true} : memref<51200xf32, #tpu.memory_space<vmem>>[vector<16xi32>], vector<16xf32>,
    %get3A_1100 = arith.constant 384 : index
    %get3A_1101 = tpu.vector_load %arg5[%get3A_1100] {strides = array<i32>} : memref<1200xi32, #tpu.memory_space<vmem>>, vector<16xi32>,
    %get3A_1102 = arith.constant 2784 : index
    %get3A_1103 = tpu.vector_load %arg6[%get3A_1102] {strides = array<i32>} : memref<4800xf32, #tpu.memory_space<vmem>>, vector<16xf32>,
    tpu.vector_store_idx %arg7[%get3A_1101], %get3A_1103 {add = true} : memref<51200xf32, #tpu.memory_space<vmem>>[vector<16xi32>], vector<16xf32>,
    %get3A_1104 = arith.constant 400 : index
    %get3A_1105 = tpu.vector_load %arg5[%get3A_1104] {strides = array<i32>} : memref<1200xi32, #tpu.memory_space<vmem>>, vector<16xi32>,
    %get3A_1106 = arith.constant 2800 : index
    %get3A_1107 = tpu.vector_load %arg6[%get3A_1106] {strides = array<i32>} : memref<4800xf32, #tpu.memory_space<vmem>>, vector<16xf32>,
    tpu.vector_store_idx %arg7[%get3A_1105], %get3A_1107 {add = true} : memref<51200xf32, #tpu.memory_space<vmem>>[vector<16xi32>], vector<16xf32>,
    %get3A_1108 = arith.constant 416 : index
    %get3A_1109 = tpu.vector_load %arg5[%get3A_1108] {strides = array<i32>} : memref<1200xi32, #tpu.memory_space<vmem>>, vector<16xi32>,
    %get3A_1110 = arith.constant 2816 : index
    %get3A_1111 = tpu.vector_load %arg6[%get3A_1110] {strides = array<i32>} : memref<4800xf32, #tpu.memory_space<vmem>>, vector<16xf32>,
    tpu.vector_store_idx %arg7[%get3A_1109], %get3A_1111 {add = true} : memref<51200xf32, #tpu.memory_space<vmem>>[vector<16xi32>], vector<16xf32>,
    %get3A_1112 = arith.constant 432 : index
    %get3A_1113 = tpu.vector_load %arg5[%get3A_1112] {strides = array<i32>} : memref<1200xi32, #tpu.memory_space<vmem>>, vector<16xi32>,
    %get3A_1114 = arith.constant 2832 : index
    %get3A_1115 = tpu.vector_load %arg6[%get3A_1114] {strides = array<i32>} : memref<4800xf32, #tpu.memory_space<vmem>>, vector<16xf32>,
    tpu.vector_store_idx %arg7[%get3A_1113], %get3A_1115 {add = true} : memref<51200xf32, #tpu.memory_space<vmem>>[vector<16xi32>], vector<16xf32>,
    %get3A_1116 = arith.constant 448 : index
    %get3A_1117 = tpu.vector_load %arg5[%get3A_1116] {strides = array<i32>} : memref<1200xi32, #tpu.memory_space<vmem>>, vector<16xi32>,
    %get3A_1118 = arith.constant 2848 : index
    %get3A_1119 = tpu.vector_load %arg6[%get3A_1118] {strides = array<i32>} : memref<4800xf32, #tpu.memory_space<vmem>>, vector<16xf32>,
    tpu.vector_store_idx %arg7[%get3A_1117], %get3A_1119 {add = true} : memref<51200xf32, #tpu.memory_space<vmem>>[vector<16xi32>], vector<16xf32>,
    %get3A_1120 = arith.constant 464 : index
    %get3A_1121 = tpu.vector_load %arg5[%get3A_1120] {strides = array<i32>} : memref<1200xi32, #tpu.memory_space<vmem>>, vector<16xi32>,
    %get3A_1122 = arith.constant 2864 : index
    %get3A_1123 = tpu.vector_load %arg6[%get3A_1122] {strides = array<i32>} : memref<4800xf32, #tpu.memory_space<vmem>>, vector<16xf32>,
    tpu.vector_store_idx %arg7[%get3A_1121], %get3A_1123 {add = true} : memref<51200xf32, #tpu.memory_space<vmem>>[vector<16xi32>], vector<16xf32>,
    %get3A_1124 = arith.constant 480 : index
    %get3A_1125 = tpu.vector_load %arg5[%get3A_1124] {strides = array<i32>} : memref<1200xi32, #tpu.memory_space<vmem>>, vector<16xi32>,
    %get3A_1126 = arith.constant 2880 : index
    %get3A_1127 = tpu.vector_load %arg6[%get3A_1126] {strides = array<i32>} : memref<4800xf32, #tpu.memory_space<vmem>>, vector<16xf32>,
    tpu.vector_store_idx %arg7[%get3A_1125], %get3A_1127 {add = true} : memref<51200xf32, #tpu.memory_space<vmem>>[vector<16xi32>], vector<16xf32>,
    %get3A_1128 = arith.constant 496 : index
    %get3A_1129 = tpu.vector_load %arg5[%get3A_1128] {strides = array<i32>} : memref<1200xi32, #tpu.memory_space<vmem>>, vector<16xi32>,
    %get3A_1130 = arith.constant 2896 : index
    %get3A_1131 = tpu.vector_load %arg6[%get3A_1130] {strides = array<i32>} : memref<4800xf32, #tpu.memory_space<vmem>>, vector<16xf32>,
    tpu.vector_store_idx %arg7[%get3A_1129], %get3A_1131 {add = true} : memref<51200xf32, #tpu.memory_space<vmem>>[vector<16xi32>], vector<16xf32>,
    %get3A_1132 = arith.constant 512 : index
    %get3A_1133 = tpu.vector_load %arg5[%get3A_1132] {strides = array<i32>} : memref<1200xi32, #tpu.memory_space<vmem>>, vector<16xi32>,
    %get3A_1134 = arith.constant 2912 : index
    %get3A_1135 = tpu.vector_load %arg6[%get3A_1134] {strides = array<i32>} : memref<4800xf32, #tpu.memory_space<vmem>>, vector<16xf32>,
    tpu.vector_store_idx %arg7[%get3A_1133], %get3A_1135 {add = true} : memref<51200xf32, #tpu.memory_space<vmem>>[vector<16xi32>], vector<16xf32>,
    %get3A_1136 = arith.constant 528 : index
    %get3A_1137 = tpu.vector_load %arg5[%get3A_1136] {strides = array<i32>} : memref<1200xi32, #tpu.memory_space<vmem>>, vector<16xi32>,
    %get3A_1138 = arith.constant 2928 : index
    %get3A_1139 = tpu.vector_load %arg6[%get3A_1138] {strides = array<i32>} : memref<4800xf32, #tpu.memory_space<vmem>>, vector<16xf32>,
    tpu.vector_store_idx %arg7[%get3A_1137], %get3A_1139 {add = true} : memref<51200xf32, #tpu.memory_space<vmem>>[vector<16xi32>], vector<16xf32>,
    %get3A_1140 = arith.constant 544 : index
    %get3A_1141 = tpu.vector_load %arg5[%get3A_1140] {strides = array<i32>} : memref<1200xi32, #tpu.memory_space<vmem>>, vector<16xi32>,
    %get3A_1142 = arith.constant 2944 : index
    %get3A_1143 = tpu.vector_load %arg6[%get3A_1142] {strides = array<i32>} : memref<4800xf32, #tpu.memory_space<vmem>>, vector<16xf32>,
    tpu.vector_store_idx %arg7[%get3A_1141], %get3A_1143 {add = true} : memref<51200xf32, #tpu.memory_space<vmem>>[vector<16xi32>], vector<16xf32>,
    %get3A_1144 = arith.constant 560 : index
    %get3A_1145 = tpu.vector_load %arg5[%get3A_1144] {strides = array<i32>} : memref<1200xi32, #tpu.memory_space<vmem>>, vector<16xi32>,
    %get3A_1146 = arith.constant 2960 : index
    %get3A_1147 = tpu.vector_load %arg6[%get3A_1146] {strides = array<i32>} : memref<4800xf32, #tpu.memory_space<vmem>>, vector<16xf32>,
    tpu.vector_store_idx %arg7[%get3A_1145], %get3A_1147 {add = true} : memref<51200xf32, #tpu.memory_space<vmem>>[vector<16xi32>], vector<16xf32>,
    %get3A_1148 = arith.constant 576 : index
    %get3A_1149 = tpu.vector_load %arg5[%get3A_1148] {strides = array<i32>} : memref<1200xi32, #tpu.memory_space<vmem>>, vector<16xi32>,
    %get3A_1150 = arith.constant 2976 : index
    %get3A_1151 = tpu.vector_load %arg6[%get3A_1150] {strides = array<i32>} : memref<4800xf32, #tpu.memory_space<vmem>>, vector<16xf32>,
    tpu.vector_store_idx %arg7[%get3A_1149], %get3A_1151 {add = true} : memref<51200xf32, #tpu.memory_space<vmem>>[vector<16xi32>], vector<16xf32>,
    %get3A_1152 = arith.constant 592 : index
    %get3A_1153 = tpu.vector_load %arg5[%get3A_1152] {strides = array<i32>} : memref<1200xi32, #tpu.memory_space<vmem>>, vector<16xi32>,
    %get3A_1154 = arith.constant 2992 : index
    %get3A_1155 = tpu.vector_load %arg6[%get3A_1154] {strides = array<i32>} : memref<4800xf32, #tpu.memory_space<vmem>>, vector<16xf32>,
    tpu.vector_store_idx %arg7[%get3A_1153], %get3A_1155 {add = true} : memref<51200xf32, #tpu.memory_space<vmem>>[vector<16xi32>], vector<16xf32>,
    %get3A_1156 = arith.constant 608 : index
    %get3A_1157 = tpu.vector_load %arg5[%get3A_1156] {strides = array<i32>} : memref<1200xi32, #tpu.memory_space<vmem>>, vector<16xi32>,
    %get3A_1158 = arith.constant 3008 : index
    %get3A_1159 = tpu.vector_load %arg6[%get3A_1158] {strides = array<i32>} : memref<4800xf32, #tpu.memory_space<vmem>>, vector<16xf32>,
    tpu.vector_store_idx %arg7[%get3A_1157], %get3A_1159 {add = true} : memref<51200xf32, #tpu.memory_space<vmem>>[vector<16xi32>], vector<16xf32>,
    %get3A_1160 = arith.constant 624 : index
    %get3A_1161 = tpu.vector_load %arg5[%get3A_1160] {strides = array<i32>} : memref<1200xi32, #tpu.memory_space<vmem>>, vector<16xi32>,
    %get3A_1162 = arith.constant 3024 : index
    %get3A_1163 = tpu.vector_load %arg6[%get3A_1162] {strides = array<i32>} : memref<4800xf32, #tpu.memory_space<vmem>>, vector<16xf32>,
    tpu.vector_store_idx %arg7[%get3A_1161], %get3A_1163 {add = true} : memref<51200xf32, #tpu.memory_space<vmem>>[vector<16xi32>], vector<16xf32>,
    %get3A_1164 = arith.constant 640 : index
    %get3A_1165 = tpu.vector_load %arg5[%get3A_1164] {strides = array<i32>} : memref<1200xi32, #tpu.memory_space<vmem>>, vector<16xi32>,
    %get3A_1166 = arith.constant 3040 : index
    %get3A_1167 = tpu.vector_load %arg6[%get3A_1166] {strides = array<i32>} : memref<4800xf32, #tpu.memory_space<vmem>>, vector<16xf32>,
    tpu.vector_store_idx %arg7[%get3A_1165], %get3A_1167 {add = true} : memref<51200xf32, #tpu.memory_space<vmem>>[vector<16xi32>], vector<16xf32>,
    %get3A_1168 = arith.constant 656 : index
    %get3A_1169 = tpu.vector_load %arg5[%get3A_1168] {strides = array<i32>} : memref<1200xi32, #tpu.memory_space<vmem>>, vector<16xi32>,
    %get3A_1170 = arith.constant 3056 : index
    %get3A_1171 = tpu.vector_load %arg6[%get3A_1170] {strides = array<i32>} : memref<4800xf32, #tpu.memory_space<vmem>>, vector<16xf32>,
    tpu.vector_store_idx %arg7[%get3A_1169], %get3A_1171 {add = true} : memref<51200xf32, #tpu.memory_space<vmem>>[vector<16xi32>], vector<16xf32>,
    %get3A_1172 = arith.constant 672 : index
    %get3A_1173 = tpu.vector_load %arg5[%get3A_1172] {strides = array<i32>} : memref<1200xi32, #tpu.memory_space<vmem>>, vector<16xi32>,
    %get3A_1174 = arith.constant 3072 : index
    %get3A_1175 = tpu.vector_load %arg6[%get3A_1174] {strides = array<i32>} : memref<4800xf32, #tpu.memory_space<vmem>>, vector<16xf32>,
    tpu.vector_store_idx %arg7[%get3A_1173], %get3A_1175 {add = true} : memref<51200xf32, #tpu.memory_space<vmem>>[vector<16xi32>], vector<16xf32>,
    %get3A_1176 = arith.constant 688 : index
    %get3A_1177 = tpu.vector_load %arg5[%get3A_1176] {strides = array<i32>} : memref<1200xi32, #tpu.memory_space<vmem>>, vector<16xi32>,
    %get3A_1178 = arith.constant 3088 : index
    %get3A_1179 = tpu.vector_load %arg6[%get3A_1178] {strides = array<i32>} : memref<4800xf32, #tpu.memory_space<vmem>>, vector<16xf32>,
    tpu.vector_store_idx %arg7[%get3A_1177], %get3A_1179 {add = true} : memref<51200xf32, #tpu.memory_space<vmem>>[vector<16xi32>], vector<16xf32>,
    %get3A_1180 = arith.constant 704 : index
    %get3A_1181 = tpu.vector_load %arg5[%get3A_1180] {strides = array<i32>} : memref<1200xi32, #tpu.memory_space<vmem>>, vector<16xi32>,
    %get3A_1182 = arith.constant 3104 : index
    %get3A_1183 = tpu.vector_load %arg6[%get3A_1182] {strides = array<i32>} : memref<4800xf32, #tpu.memory_space<vmem>>, vector<16xf32>,
    tpu.vector_store_idx %arg7[%get3A_1181], %get3A_1183 {add = true} : memref<51200xf32, #tpu.memory_space<vmem>>[vector<16xi32>], vector<16xf32>,
    %get3A_1184 = arith.constant 720 : index
    %get3A_1185 = tpu.vector_load %arg5[%get3A_1184] {strides = array<i32>} : memref<1200xi32, #tpu.memory_space<vmem>>, vector<16xi32>,
    %get3A_1186 = arith.constant 3120 : index
    %get3A_1187 = tpu.vector_load %arg6[%get3A_1186] {strides = array<i32>} : memref<4800xf32, #tpu.memory_space<vmem>>, vector<16xf32>,
    tpu.vector_store_idx %arg7[%get3A_1185], %get3A_1187 {add = true} : memref<51200xf32, #tpu.memory_space<vmem>>[vector<16xi32>], vector<16xf32>,
    %get3A_1188 = arith.constant 736 : index
    %get3A_1189 = tpu.vector_load %arg5[%get3A_1188] {strides = array<i32>} : memref<1200xi32, #tpu.memory_space<vmem>>, vector<16xi32>,
    %get3A_1190 = arith.constant 3136 : index
    %get3A_1191 = tpu.vector_load %arg6[%get3A_1190] {strides = array<i32>} : memref<4800xf32, #tpu.memory_space<vmem>>, vector<16xf32>,
    tpu.vector_store_idx %arg7[%get3A_1189], %get3A_1191 {add = true} : memref<51200xf32, #tpu.memory_space<vmem>>[vector<16xi32>], vector<16xf32>,
    %get3A_1192 = arith.constant 752 : index
    %get3A_1193 = tpu.vector_load %arg5[%get3A_1192] {strides = array<i32>} : memref<1200xi32, #tpu.memory_space<vmem>>, vector<16xi32>,
    %get3A_1194 = arith.constant 3152 : index
    %get3A_1195 = tpu.vector_load %arg6[%get3A_1194] {strides = array<i32>} : memref<4800xf32, #tpu.memory_space<vmem>>, vector<16xf32>,
    tpu.vector_store_idx %arg7[%get3A_1193], %get3A_1195 {add = true} : memref<51200xf32, #tpu.memory_space<vmem>>[vector<16xi32>], vector<16xf32>,
    %get3A_1196 = arith.constant 768 : index
    %get3A_1197 = tpu.vector_load %arg5[%get3A_1196] {strides = array<i32>} : memref<1200xi32, #tpu.memory_space<vmem>>, vector<16xi32>,
    %get3A_1198 = arith.constant 3168 : index
    %get3A_1199 = tpu.vector_load %arg6[%get3A_1198] {strides = array<i32>} : memref<4800xf32, #tpu.memory_space<vmem>>, vector<16xf32>,
    tpu.vector_store_idx %arg7[%get3A_1197], %get3A_1199 {add = true} : memref<51200xf32, #tpu.memory_space<vmem>>[vector<16xi32>], vector<16xf32>,
    %get3A_1200 = arith.constant 784 : index
    %get3A_1201 = tpu.vector_load %arg5[%get3A_1200] {strides = array<i32>} : memref<1200xi32, #tpu.memory_space<vmem>>, vector<16xi32>,
    %get3A_1202 = arith.constant 3184 : index
    %get3A_1203 = tpu.vector_load %arg6[%get3A_1202] {strides = array<i32>} : memref<4800xf32, #tpu.memory_space<vmem>>, vector<16xf32>,
    tpu.vector_store_idx %arg7[%get3A_1201], %get3A_1203 {add = true} : memref<51200xf32, #tpu.memory_space<vmem>>[vector<16xi32>], vector<16xf32>,
    %get3A_1204 = arith.constant 800 : index
    %get3A_1205 = tpu.vector_load %arg5[%get3A_1204] {strides = array<i32>} : memref<1200xi32, #tpu.memory_space<vmem>>, vector<16xi32>,
    %get3A_1206 = arith.constant 3200 : index
    %get3A_1207 = tpu.vector_load %arg6[%get3A_1206] {strides = array<i32>} : memref<4800xf32, #tpu.memory_space<vmem>>, vector<16xf32>,
    tpu.vector_store_idx %arg7[%get3A_1205], %get3A_1207 {add = true} : memref<51200xf32, #tpu.memory_space<vmem>>[vector<16xi32>], vector<16xf32>,
    %get3A_1208 = arith.constant 816 : index
    %get3A_1209 = tpu.vector_load %arg5[%get3A_1208] {strides = array<i32>} : memref<1200xi32, #tpu.memory_space<vmem>>, vector<16xi32>,
    %get3A_1210 = arith.constant 3216 : index
    %get3A_1211 = tpu.vector_load %arg6[%get3A_1210] {strides = array<i32>} : memref<4800xf32, #tpu.memory_space<vmem>>, vector<16xf32>,
    tpu.vector_store_idx %arg7[%get3A_1209], %get3A_1211 {add = true} : memref<51200xf32, #tpu.memory_space<vmem>>[vector<16xi32>], vector<16xf32>,
    %get3A_1212 = arith.constant 832 : index
    %get3A_1213 = tpu.vector_load %arg5[%get3A_1212] {strides = array<i32>} : memref<1200xi32, #tpu.memory_space<vmem>>, vector<16xi32>,
    %get3A_1214 = arith.constant 3232 : index
    %get3A_1215 = tpu.vector_load %arg6[%get3A_1214] {strides = array<i32>} : memref<4800xf32, #tpu.memory_space<vmem>>, vector<16xf32>,
    tpu.vector_store_idx %arg7[%get3A_1213], %get3A_1215 {add = true} : memref<51200xf32, #tpu.memory_space<vmem>>[vector<16xi32>], vector<16xf32>,
    %get3A_1216 = arith.constant 848 : index
    %get3A_1217 = tpu.vector_load %arg5[%get3A_1216] {strides = array<i32>} : memref<1200xi32, #tpu.memory_space<vmem>>, vector<16xi32>,
    %get3A_1218 = arith.constant 3248 : index
    %get3A_1219 = tpu.vector_load %arg6[%get3A_1218] {strides = array<i32>} : memref<4800xf32, #tpu.memory_space<vmem>>, vector<16xf32>,
    tpu.vector_store_idx %arg7[%get3A_1217], %get3A_1219 {add = true} : memref<51200xf32, #tpu.memory_space<vmem>>[vector<16xi32>], vector<16xf32>,
    %get3A_1220 = arith.constant 864 : index
    %get3A_1221 = tpu.vector_load %arg5[%get3A_1220] {strides = array<i32>} : memref<1200xi32, #tpu.memory_space<vmem>>, vector<16xi32>,
    %get3A_1222 = arith.constant 3264 : index
    %get3A_1223 = tpu.vector_load %arg6[%get3A_1222] {strides = array<i32>} : memref<4800xf32, #tpu.memory_space<vmem>>, vector<16xf32>,
    tpu.vector_store_idx %arg7[%get3A_1221], %get3A_1223 {add = true} : memref<51200xf32, #tpu.memory_space<vmem>>[vector<16xi32>], vector<16xf32>,
    %get3A_1224 = arith.constant 880 : index
    %get3A_1225 = tpu.vector_load %arg5[%get3A_1224] {strides = array<i32>} : memref<1200xi32, #tpu.memory_space<vmem>>, vector<16xi32>,
    %get3A_1226 = arith.constant 3280 : index
    %get3A_1227 = tpu.vector_load %arg6[%get3A_1226] {strides = array<i32>} : memref<4800xf32, #tpu.memory_space<vmem>>, vector<16xf32>,
    tpu.vector_store_idx %arg7[%get3A_1225], %get3A_1227 {add = true} : memref<51200xf32, #tpu.memory_space<vmem>>[vector<16xi32>], vector<16xf32>,
    %get3A_1228 = arith.constant 896 : index
    %get3A_1229 = tpu.vector_load %arg5[%get3A_1228] {strides = array<i32>} : memref<1200xi32, #tpu.memory_space<vmem>>, vector<16xi32>,
    %get3A_1230 = arith.constant 3296 : index
    %get3A_1231 = tpu.vector_load %arg6[%get3A_1230] {strides = array<i32>} : memref<4800xf32, #tpu.memory_space<vmem>>, vector<16xf32>,
    tpu.vector_store_idx %arg7[%get3A_1229], %get3A_1231 {add = true} : memref<51200xf32, #tpu.memory_space<vmem>>[vector<16xi32>], vector<16xf32>,
    %get3A_1232 = arith.constant 912 : index
    %get3A_1233 = tpu.vector_load %arg5[%get3A_1232] {strides = array<i32>} : memref<1200xi32, #tpu.memory_space<vmem>>, vector<16xi32>,
    %get3A_1234 = arith.constant 3312 : index
    %get3A_1235 = tpu.vector_load %arg6[%get3A_1234] {strides = array<i32>} : memref<4800xf32, #tpu.memory_space<vmem>>, vector<16xf32>,
    tpu.vector_store_idx %arg7[%get3A_1233], %get3A_1235 {add = true} : memref<51200xf32, #tpu.memory_space<vmem>>[vector<16xi32>], vector<16xf32>,
    %get3A_1236 = arith.constant 928 : index
    %get3A_1237 = tpu.vector_load %arg5[%get3A_1236] {strides = array<i32>} : memref<1200xi32, #tpu.memory_space<vmem>>, vector<16xi32>,
    %get3A_1238 = arith.constant 3328 : index
    %get3A_1239 = tpu.vector_load %arg6[%get3A_1238] {strides = array<i32>} : memref<4800xf32, #tpu.memory_space<vmem>>, vector<16xf32>,
    tpu.vector_store_idx %arg7[%get3A_1237], %get3A_1239 {add = true} : memref<51200xf32, #tpu.memory_space<vmem>>[vector<16xi32>], vector<16xf32>,
    %get3A_1240 = arith.constant 944 : index
    %get3A_1241 = tpu.vector_load %arg5[%get3A_1240] {strides = array<i32>} : memref<1200xi32, #tpu.memory_space<vmem>>, vector<16xi32>,
    %get3A_1242 = arith.constant 3344 : index
    %get3A_1243 = tpu.vector_load %arg6[%get3A_1242] {strides = array<i32>} : memref<4800xf32, #tpu.memory_space<vmem>>, vector<16xf32>,
    tpu.vector_store_idx %arg7[%get3A_1241], %get3A_1243 {add = true} : memref<51200xf32, #tpu.memory_space<vmem>>[vector<16xi32>], vector<16xf32>,
    %get3A_1244 = arith.constant 960 : index
    %get3A_1245 = tpu.vector_load %arg5[%get3A_1244] {strides = array<i32>} : memref<1200xi32, #tpu.memory_space<vmem>>, vector<16xi32>,
    %get3A_1246 = arith.constant 3360 : index
    %get3A_1247 = tpu.vector_load %arg6[%get3A_1246] {strides = array<i32>} : memref<4800xf32, #tpu.memory_space<vmem>>, vector<16xf32>,
    tpu.vector_store_idx %arg7[%get3A_1245], %get3A_1247 {add = true} : memref<51200xf32, #tpu.memory_space<vmem>>[vector<16xi32>], vector<16xf32>,
    %get3A_1248 = arith.constant 976 : index
    %get3A_1249 = tpu.vector_load %arg5[%get3A_1248] {strides = array<i32>} : memref<1200xi32, #tpu.memory_space<vmem>>, vector<16xi32>,
    %get3A_1250 = arith.constant 3376 : index
    %get3A_1251 = tpu.vector_load %arg6[%get3A_1250] {strides = array<i32>} : memref<4800xf32, #tpu.memory_space<vmem>>, vector<16xf32>,
    tpu.vector_store_idx %arg7[%get3A_1249], %get3A_1251 {add = true} : memref<51200xf32, #tpu.memory_space<vmem>>[vector<16xi32>], vector<16xf32>,
    %get3A_1252 = arith.constant 992 : index
    %get3A_1253 = tpu.vector_load %arg5[%get3A_1252] {strides = array<i32>} : memref<1200xi32, #tpu.memory_space<vmem>>, vector<16xi32>,
    %get3A_1254 = arith.constant 3392 : index
    %get3A_1255 = tpu.vector_load %arg6[%get3A_1254] {strides = array<i32>} : memref<4800xf32, #tpu.memory_space<vmem>>, vector<16xf32>,
    tpu.vector_store_idx %arg7[%get3A_1253], %get3A_1255 {add = true} : memref<51200xf32, #tpu.memory_space<vmem>>[vector<16xi32>], vector<16xf32>,
    %get3A_1256 = arith.constant 1008 : index
    %get3A_1257 = tpu.vector_load %arg5[%get3A_1256] {strides = array<i32>} : memref<1200xi32, #tpu.memory_space<vmem>>, vector<16xi32>,
    %get3A_1258 = arith.constant 3408 : index
    %get3A_1259 = tpu.vector_load %arg6[%get3A_1258] {strides = array<i32>} : memref<4800xf32, #tpu.memory_space<vmem>>, vector<16xf32>,
    tpu.vector_store_idx %arg7[%get3A_1257], %get3A_1259 {add = true} : memref<51200xf32, #tpu.memory_space<vmem>>[vector<16xi32>], vector<16xf32>,
    %get3A_1260 = arith.constant 1024 : index
    %get3A_1261 = tpu.vector_load %arg5[%get3A_1260] {strides = array<i32>} : memref<1200xi32, #tpu.memory_space<vmem>>, vector<16xi32>,
    %get3A_1262 = arith.constant 3424 : index
    %get3A_1263 = tpu.vector_load %arg6[%get3A_1262] {strides = array<i32>} : memref<4800xf32, #tpu.memory_space<vmem>>, vector<16xf32>,
    tpu.vector_store_idx %arg7[%get3A_1261], %get3A_1263 {add = true} : memref<51200xf32, #tpu.memory_space<vmem>>[vector<16xi32>], vector<16xf32>,
    %get3A_1264 = arith.constant 1040 : index
    %get3A_1265 = tpu.vector_load %arg5[%get3A_1264] {strides = array<i32>} : memref<1200xi32, #tpu.memory_space<vmem>>, vector<16xi32>,
    %get3A_1266 = arith.constant 3440 : index
    %get3A_1267 = tpu.vector_load %arg6[%get3A_1266] {strides = array<i32>} : memref<4800xf32, #tpu.memory_space<vmem>>, vector<16xf32>,
    tpu.vector_store_idx %arg7[%get3A_1265], %get3A_1267 {add = true} : memref<51200xf32, #tpu.memory_space<vmem>>[vector<16xi32>], vector<16xf32>,
    %get3A_1268 = arith.constant 1056 : index
    %get3A_1269 = tpu.vector_load %arg5[%get3A_1268] {strides = array<i32>} : memref<1200xi32, #tpu.memory_space<vmem>>, vector<16xi32>,
    %get3A_1270 = arith.constant 3456 : index
    %get3A_1271 = tpu.vector_load %arg6[%get3A_1270] {strides = array<i32>} : memref<4800xf32, #tpu.memory_space<vmem>>, vector<16xf32>,
    tpu.vector_store_idx %arg7[%get3A_1269], %get3A_1271 {add = true} : memref<51200xf32, #tpu.memory_space<vmem>>[vector<16xi32>], vector<16xf32>,
    %get3A_1272 = arith.constant 1072 : index
    %get3A_1273 = tpu.vector_load %arg5[%get3A_1272] {strides = array<i32>} : memref<1200xi32, #tpu.memory_space<vmem>>, vector<16xi32>,
    %get3A_1274 = arith.constant 3472 : index
    %get3A_1275 = tpu.vector_load %arg6[%get3A_1274] {strides = array<i32>} : memref<4800xf32, #tpu.memory_space<vmem>>, vector<16xf32>,
    tpu.vector_store_idx %arg7[%get3A_1273], %get3A_1275 {add = true} : memref<51200xf32, #tpu.memory_space<vmem>>[vector<16xi32>], vector<16xf32>,
    %get3A_1276 = arith.constant 1088 : index
    %get3A_1277 = tpu.vector_load %arg5[%get3A_1276] {strides = array<i32>} : memref<1200xi32, #tpu.memory_space<vmem>>, vector<16xi32>,
    %get3A_1278 = arith.constant 3488 : index
    %get3A_1279 = tpu.vector_load %arg6[%get3A_1278] {strides = array<i32>} : memref<4800xf32, #tpu.memory_space<vmem>>, vector<16xf32>,
    tpu.vector_store_idx %arg7[%get3A_1277], %get3A_1279 {add = true} : memref<51200xf32, #tpu.memory_space<vmem>>[vector<16xi32>], vector<16xf32>,
    %get3A_1280 = arith.constant 1104 : index
    %get3A_1281 = tpu.vector_load %arg5[%get3A_1280] {strides = array<i32>} : memref<1200xi32, #tpu.memory_space<vmem>>, vector<16xi32>,
    %get3A_1282 = arith.constant 3504 : index
    %get3A_1283 = tpu.vector_load %arg6[%get3A_1282] {strides = array<i32>} : memref<4800xf32, #tpu.memory_space<vmem>>, vector<16xf32>,
    tpu.vector_store_idx %arg7[%get3A_1281], %get3A_1283 {add = true} : memref<51200xf32, #tpu.memory_space<vmem>>[vector<16xi32>], vector<16xf32>,
    %get3A_1284 = arith.constant 1120 : index
    %get3A_1285 = tpu.vector_load %arg5[%get3A_1284] {strides = array<i32>} : memref<1200xi32, #tpu.memory_space<vmem>>, vector<16xi32>,
    %get3A_1286 = arith.constant 3520 : index
    %get3A_1287 = tpu.vector_load %arg6[%get3A_1286] {strides = array<i32>} : memref<4800xf32, #tpu.memory_space<vmem>>, vector<16xf32>,
    tpu.vector_store_idx %arg7[%get3A_1285], %get3A_1287 {add = true} : memref<51200xf32, #tpu.memory_space<vmem>>[vector<16xi32>], vector<16xf32>,
    %get3A_1288 = arith.constant 1136 : index
    %get3A_1289 = tpu.vector_load %arg5[%get3A_1288] {strides = array<i32>} : memref<1200xi32, #tpu.memory_space<vmem>>, vector<16xi32>,
    %get3A_1290 = arith.constant 3536 : index
    %get3A_1291 = tpu.vector_load %arg6[%get3A_1290] {strides = array<i32>} : memref<4800xf32, #tpu.memory_space<vmem>>, vector<16xf32>,
    tpu.vector_store_idx %arg7[%get3A_1289], %get3A_1291 {add = true} : memref<51200xf32, #tpu.memory_space<vmem>>[vector<16xi32>], vector<16xf32>,
    %get3A_1292 = arith.constant 1152 : index
    %get3A_1293 = tpu.vector_load %arg5[%get3A_1292] {strides = array<i32>} : memref<1200xi32, #tpu.memory_space<vmem>>, vector<16xi32>,
    %get3A_1294 = arith.constant 3552 : index
    %get3A_1295 = tpu.vector_load %arg6[%get3A_1294] {strides = array<i32>} : memref<4800xf32, #tpu.memory_space<vmem>>, vector<16xf32>,
    tpu.vector_store_idx %arg7[%get3A_1293], %get3A_1295 {add = true} : memref<51200xf32, #tpu.memory_space<vmem>>[vector<16xi32>], vector<16xf32>,
    %get3A_1296 = arith.constant 1168 : index
    %get3A_1297 = tpu.vector_load %arg5[%get3A_1296] {strides = array<i32>} : memref<1200xi32, #tpu.memory_space<vmem>>, vector<16xi32>,
    %get3A_1298 = arith.constant 3568 : index
    %get3A_1299 = tpu.vector_load %arg6[%get3A_1298] {strides = array<i32>} : memref<4800xf32, #tpu.memory_space<vmem>>, vector<16xf32>,
    tpu.vector_store_idx %arg7[%get3A_1297], %get3A_1299 {add = true} : memref<51200xf32, #tpu.memory_space<vmem>>[vector<16xi32>], vector<16xf32>,
    %get3A_1300 = arith.constant 1184 : index
    %get3A_1301 = tpu.vector_load %arg5[%get3A_1300] {strides = array<i32>} : memref<1200xi32, #tpu.memory_space<vmem>>, vector<16xi32>,
    %get3A_1302 = arith.constant 3584 : index
    %get3A_1303 = tpu.vector_load %arg6[%get3A_1302] {strides = array<i32>} : memref<4800xf32, #tpu.memory_space<vmem>>, vector<16xf32>,
    tpu.vector_store_idx %arg7[%get3A_1301], %get3A_1303 {add = true} : memref<51200xf32, #tpu.memory_space<vmem>>[vector<16xi32>], vector<16xf32>,
    %mul3A_1304 = arith.constant 51200 : i32
    %mul3A_1305 = arith.muli %add3A_851, %mul3A_1304 : i32
    %dma_start3A_1306 = tpu.memref_slice %arg4[%mul3A_1305] : memref<6553600xf32, #tpu.memory_space<hbm>> -> memref<51200xf32, #tpu.memory_space<hbm>>
    %dma_start3A_1307 = tpu.memref_slice %arg4[%mul3A_1305] : memref<6553600xf32, #tpu.memory_space<hbm>> -> memref<51200xf32, #tpu.memory_space<hbm>>
    tpu.enqueue_dma source(%arg7 : memref<51200xf32, #tpu.memory_space<vmem>>) target(%dma_start3A_1307 : memref<51200xf32, #tpu.memory_space<hbm>>) target_semaphore(%arg9 : memref<!tpu.dma_semaphore, #tpu.memory_space<semaphore_mem>>)
    %mul3A_1308 = arith.constant 4 : i32
    %mul3A_1309 = arith.muli %add3A, %mul3A_1308 : i32
    %add3A_1310 = arith.constant 3 : i32
    %add3A_1311 = arith.addi %mul3A_1309, %add3A_1310 : i32
    %dma_wait3A_1312 = tpu.memref_slice %arg4[%mul3A_845] : memref<6553600xf32, #tpu.memory_space<hbm>> -> memref<51200xf32, #tpu.memory_space<hbm>>
    %dma_wait3A_1313 = tpu.memref_slice %arg4[%mul3A_845] : memref<6553600xf32, #tpu.memory_space<hbm>> -> memref<51200xf32, #tpu.memory_space<hbm>>
    tpu.wait_dma2 semaphore(%arg10 : memref<!tpu.dma_semaphore, #tpu.memory_space<semaphore_mem>>) src(%arg8 : memref<51200xf32, #tpu.memory_space<vmem>>) dst(%dma_wait3A_1313 : memref<51200xf32, #tpu.memory_space<hbm>>)
    %get3A_1314 = arith.constant 0 : index
    %get3A_1315 = tpu.vector_load %arg5[%get3A_1314] {strides = array<i32>} : memref<1200xi32, #tpu.memory_space<vmem>>, vector<16xi32>,
    tpu.vector_store_idx %arg8[%get3A_1315], %broadcast_in_dim3A_156 : memref<51200xf32, #tpu.memory_space<vmem>>[vector<16xi32>], vector<16xf32>,
    %get3A_1316 = arith.constant 16 : index
    %get3A_1317 = tpu.vector_load %arg5[%get3A_1316] {strides = array<i32>} : memref<1200xi32, #tpu.memory_space<vmem>>, vector<16xi32>,
    tpu.vector_store_idx %arg8[%get3A_1317], %broadcast_in_dim3A_156 : memref<51200xf32, #tpu.memory_space<vmem>>[vector<16xi32>], vector<16xf32>,
    %get3A_1318 = arith.constant 32 : index
    %get3A_1319 = tpu.vector_load %arg5[%get3A_1318] {strides = array<i32>} : memref<1200xi32, #tpu.memory_space<vmem>>, vector<16xi32>,
    tpu.vector_store_idx %arg8[%get3A_1319], %broadcast_in_dim3A_156 : memref<51200xf32, #tpu.memory_space<vmem>>[vector<16xi32>], vector<16xf32>,
    %get3A_1320 = arith.constant 48 : index
    %get3A_1321 = tpu.vector_load %arg5[%get3A_1320] {strides = array<i32>} : memref<1200xi32, #tpu.memory_space<vmem>>, vector<16xi32>,
    tpu.vector_store_idx %arg8[%get3A_1321], %broadcast_in_dim3A_156 : memref<51200xf32, #tpu.memory_space<vmem>>[vector<16xi32>], vector<16xf32>,
    %get3A_1322 = arith.constant 64 : index
    %get3A_1323 = tpu.vector_load %arg5[%get3A_1322] {strides = array<i32>} : memref<1200xi32, #tpu.memory_space<vmem>>, vector<16xi32>,
    tpu.vector_store_idx %arg8[%get3A_1323], %broadcast_in_dim3A_156 : memref<51200xf32, #tpu.memory_space<vmem>>[vector<16xi32>], vector<16xf32>,
    %get3A_1324 = arith.constant 80 : index
    %get3A_1325 = tpu.vector_load %arg5[%get3A_1324] {strides = array<i32>} : memref<1200xi32, #tpu.memory_space<vmem>>, vector<16xi32>,
    tpu.vector_store_idx %arg8[%get3A_1325], %broadcast_in_dim3A_156 : memref<51200xf32, #tpu.memory_space<vmem>>[vector<16xi32>], vector<16xf32>,
    %get3A_1326 = arith.constant 96 : index
    %get3A_1327 = tpu.vector_load %arg5[%get3A_1326] {strides = array<i32>} : memref<1200xi32, #tpu.memory_space<vmem>>, vector<16xi32>,
    tpu.vector_store_idx %arg8[%get3A_1327], %broadcast_in_dim3A_156 : memref<51200xf32, #tpu.memory_space<vmem>>[vector<16xi32>], vector<16xf32>,
    %get3A_1328 = arith.constant 112 : index
    %get3A_1329 = tpu.vector_load %arg5[%get3A_1328] {strides = array<i32>} : memref<1200xi32, #tpu.memory_space<vmem>>, vector<16xi32>,
    tpu.vector_store_idx %arg8[%get3A_1329], %broadcast_in_dim3A_156 : memref<51200xf32, #tpu.memory_space<vmem>>[vector<16xi32>], vector<16xf32>,
    %get3A_1330 = arith.constant 128 : index
    %get3A_1331 = tpu.vector_load %arg5[%get3A_1330] {strides = array<i32>} : memref<1200xi32, #tpu.memory_space<vmem>>, vector<16xi32>,
    tpu.vector_store_idx %arg8[%get3A_1331], %broadcast_in_dim3A_156 : memref<51200xf32, #tpu.memory_space<vmem>>[vector<16xi32>], vector<16xf32>,
    %get3A_1332 = arith.constant 144 : index
    %get3A_1333 = tpu.vector_load %arg5[%get3A_1332] {strides = array<i32>} : memref<1200xi32, #tpu.memory_space<vmem>>, vector<16xi32>,
    tpu.vector_store_idx %arg8[%get3A_1333], %broadcast_in_dim3A_156 : memref<51200xf32, #tpu.memory_space<vmem>>[vector<16xi32>], vector<16xf32>,
    %get3A_1334 = arith.constant 160 : index
    %get3A_1335 = tpu.vector_load %arg5[%get3A_1334] {strides = array<i32>} : memref<1200xi32, #tpu.memory_space<vmem>>, vector<16xi32>,
    tpu.vector_store_idx %arg8[%get3A_1335], %broadcast_in_dim3A_156 : memref<51200xf32, #tpu.memory_space<vmem>>[vector<16xi32>], vector<16xf32>,
    %get3A_1336 = arith.constant 176 : index
    %get3A_1337 = tpu.vector_load %arg5[%get3A_1336] {strides = array<i32>} : memref<1200xi32, #tpu.memory_space<vmem>>, vector<16xi32>,
    tpu.vector_store_idx %arg8[%get3A_1337], %broadcast_in_dim3A_156 : memref<51200xf32, #tpu.memory_space<vmem>>[vector<16xi32>], vector<16xf32>,
    %get3A_1338 = arith.constant 192 : index
    %get3A_1339 = tpu.vector_load %arg5[%get3A_1338] {strides = array<i32>} : memref<1200xi32, #tpu.memory_space<vmem>>, vector<16xi32>,
    tpu.vector_store_idx %arg8[%get3A_1339], %broadcast_in_dim3A_156 : memref<51200xf32, #tpu.memory_space<vmem>>[vector<16xi32>], vector<16xf32>,
    %get3A_1340 = arith.constant 208 : index
    %get3A_1341 = tpu.vector_load %arg5[%get3A_1340] {strides = array<i32>} : memref<1200xi32, #tpu.memory_space<vmem>>, vector<16xi32>,
    tpu.vector_store_idx %arg8[%get3A_1341], %broadcast_in_dim3A_156 : memref<51200xf32, #tpu.memory_space<vmem>>[vector<16xi32>], vector<16xf32>,
    %get3A_1342 = arith.constant 224 : index
    %get3A_1343 = tpu.vector_load %arg5[%get3A_1342] {strides = array<i32>} : memref<1200xi32, #tpu.memory_space<vmem>>, vector<16xi32>,
    tpu.vector_store_idx %arg8[%get3A_1343], %broadcast_in_dim3A_156 : memref<51200xf32, #tpu.memory_space<vmem>>[vector<16xi32>], vector<16xf32>,
    %get3A_1344 = arith.constant 240 : index
    %get3A_1345 = tpu.vector_load %arg5[%get3A_1344] {strides = array<i32>} : memref<1200xi32, #tpu.memory_space<vmem>>, vector<16xi32>,
    tpu.vector_store_idx %arg8[%get3A_1345], %broadcast_in_dim3A_156 : memref<51200xf32, #tpu.memory_space<vmem>>[vector<16xi32>], vector<16xf32>,
    %get3A_1346 = arith.constant 256 : index
    %get3A_1347 = tpu.vector_load %arg5[%get3A_1346] {strides = array<i32>} : memref<1200xi32, #tpu.memory_space<vmem>>, vector<16xi32>,
    tpu.vector_store_idx %arg8[%get3A_1347], %broadcast_in_dim3A_156 : memref<51200xf32, #tpu.memory_space<vmem>>[vector<16xi32>], vector<16xf32>,
    %get3A_1348 = arith.constant 272 : index
    %get3A_1349 = tpu.vector_load %arg5[%get3A_1348] {strides = array<i32>} : memref<1200xi32, #tpu.memory_space<vmem>>, vector<16xi32>,
    tpu.vector_store_idx %arg8[%get3A_1349], %broadcast_in_dim3A_156 : memref<51200xf32, #tpu.memory_space<vmem>>[vector<16xi32>], vector<16xf32>,
    %get3A_1350 = arith.constant 288 : index
    %get3A_1351 = tpu.vector_load %arg5[%get3A_1350] {strides = array<i32>} : memref<1200xi32, #tpu.memory_space<vmem>>, vector<16xi32>,
    tpu.vector_store_idx %arg8[%get3A_1351], %broadcast_in_dim3A_156 : memref<51200xf32, #tpu.memory_space<vmem>>[vector<16xi32>], vector<16xf32>,
    %get3A_1352 = arith.constant 304 : index
    %get3A_1353 = tpu.vector_load %arg5[%get3A_1352] {strides = array<i32>} : memref<1200xi32, #tpu.memory_space<vmem>>, vector<16xi32>,
    tpu.vector_store_idx %arg8[%get3A_1353], %broadcast_in_dim3A_156 : memref<51200xf32, #tpu.memory_space<vmem>>[vector<16xi32>], vector<16xf32>,
    %get3A_1354 = arith.constant 320 : index
    %get3A_1355 = tpu.vector_load %arg5[%get3A_1354] {strides = array<i32>} : memref<1200xi32, #tpu.memory_space<vmem>>, vector<16xi32>,
    tpu.vector_store_idx %arg8[%get3A_1355], %broadcast_in_dim3A_156 : memref<51200xf32, #tpu.memory_space<vmem>>[vector<16xi32>], vector<16xf32>,
    %get3A_1356 = arith.constant 336 : index
    %get3A_1357 = tpu.vector_load %arg5[%get3A_1356] {strides = array<i32>} : memref<1200xi32, #tpu.memory_space<vmem>>, vector<16xi32>,
    tpu.vector_store_idx %arg8[%get3A_1357], %broadcast_in_dim3A_156 : memref<51200xf32, #tpu.memory_space<vmem>>[vector<16xi32>], vector<16xf32>,
    %get3A_1358 = arith.constant 352 : index
    %get3A_1359 = tpu.vector_load %arg5[%get3A_1358] {strides = array<i32>} : memref<1200xi32, #tpu.memory_space<vmem>>, vector<16xi32>,
    tpu.vector_store_idx %arg8[%get3A_1359], %broadcast_in_dim3A_156 : memref<51200xf32, #tpu.memory_space<vmem>>[vector<16xi32>], vector<16xf32>,
    %get3A_1360 = arith.constant 368 : index
    %get3A_1361 = tpu.vector_load %arg5[%get3A_1360] {strides = array<i32>} : memref<1200xi32, #tpu.memory_space<vmem>>, vector<16xi32>,
    tpu.vector_store_idx %arg8[%get3A_1361], %broadcast_in_dim3A_156 : memref<51200xf32, #tpu.memory_space<vmem>>[vector<16xi32>], vector<16xf32>,
    %get3A_1362 = arith.constant 384 : index
    %get3A_1363 = tpu.vector_load %arg5[%get3A_1362] {strides = array<i32>} : memref<1200xi32, #tpu.memory_space<vmem>>, vector<16xi32>,
    tpu.vector_store_idx %arg8[%get3A_1363], %broadcast_in_dim3A_156 : memref<51200xf32, #tpu.memory_space<vmem>>[vector<16xi32>], vector<16xf32>,
    %get3A_1364 = arith.constant 400 : index
    %get3A_1365 = tpu.vector_load %arg5[%get3A_1364] {strides = array<i32>} : memref<1200xi32, #tpu.memory_space<vmem>>, vector<16xi32>,
    tpu.vector_store_idx %arg8[%get3A_1365], %broadcast_in_dim3A_156 : memref<51200xf32, #tpu.memory_space<vmem>>[vector<16xi32>], vector<16xf32>,
    %get3A_1366 = arith.constant 416 : index
    %get3A_1367 = tpu.vector_load %arg5[%get3A_1366] {strides = array<i32>} : memref<1200xi32, #tpu.memory_space<vmem>>, vector<16xi32>,
    tpu.vector_store_idx %arg8[%get3A_1367], %broadcast_in_dim3A_156 : memref<51200xf32, #tpu.memory_space<vmem>>[vector<16xi32>], vector<16xf32>,
    %get3A_1368 = arith.constant 432 : index
    %get3A_1369 = tpu.vector_load %arg5[%get3A_1368] {strides = array<i32>} : memref<1200xi32, #tpu.memory_space<vmem>>, vector<16xi32>,
    tpu.vector_store_idx %arg8[%get3A_1369], %broadcast_in_dim3A_156 : memref<51200xf32, #tpu.memory_space<vmem>>[vector<16xi32>], vector<16xf32>,
    %get3A_1370 = arith.constant 448 : index
    %get3A_1371 = tpu.vector_load %arg5[%get3A_1370] {strides = array<i32>} : memref<1200xi32, #tpu.memory_space<vmem>>, vector<16xi32>,
    tpu.vector_store_idx %arg8[%get3A_1371], %broadcast_in_dim3A_156 : memref<51200xf32, #tpu.memory_space<vmem>>[vector<16xi32>], vector<16xf32>,
    %get3A_1372 = arith.constant 464 : index
    %get3A_1373 = tpu.vector_load %arg5[%get3A_1372] {strides = array<i32>} : memref<1200xi32, #tpu.memory_space<vmem>>, vector<16xi32>,
    tpu.vector_store_idx %arg8[%get3A_1373], %broadcast_in_dim3A_156 : memref<51200xf32, #tpu.memory_space<vmem>>[vector<16xi32>], vector<16xf32>,
    %get3A_1374 = arith.constant 480 : index
    %get3A_1375 = tpu.vector_load %arg5[%get3A_1374] {strides = array<i32>} : memref<1200xi32, #tpu.memory_space<vmem>>, vector<16xi32>,
    tpu.vector_store_idx %arg8[%get3A_1375], %broadcast_in_dim3A_156 : memref<51200xf32, #tpu.memory_space<vmem>>[vector<16xi32>], vector<16xf32>,
    %get3A_1376 = arith.constant 496 : index
    %get3A_1377 = tpu.vector_load %arg5[%get3A_1376] {strides = array<i32>} : memref<1200xi32, #tpu.memory_space<vmem>>, vector<16xi32>,
    tpu.vector_store_idx %arg8[%get3A_1377], %broadcast_in_dim3A_156 : memref<51200xf32, #tpu.memory_space<vmem>>[vector<16xi32>], vector<16xf32>,
    %get3A_1378 = arith.constant 512 : index
    %get3A_1379 = tpu.vector_load %arg5[%get3A_1378] {strides = array<i32>} : memref<1200xi32, #tpu.memory_space<vmem>>, vector<16xi32>,
    tpu.vector_store_idx %arg8[%get3A_1379], %broadcast_in_dim3A_156 : memref<51200xf32, #tpu.memory_space<vmem>>[vector<16xi32>], vector<16xf32>,
    %get3A_1380 = arith.constant 528 : index
    %get3A_1381 = tpu.vector_load %arg5[%get3A_1380] {strides = array<i32>} : memref<1200xi32, #tpu.memory_space<vmem>>, vector<16xi32>,
    tpu.vector_store_idx %arg8[%get3A_1381], %broadcast_in_dim3A_156 : memref<51200xf32, #tpu.memory_space<vmem>>[vector<16xi32>], vector<16xf32>,
    %get3A_1382 = arith.constant 544 : index
    %get3A_1383 = tpu.vector_load %arg5[%get3A_1382] {strides = array<i32>} : memref<1200xi32, #tpu.memory_space<vmem>>, vector<16xi32>,
    tpu.vector_store_idx %arg8[%get3A_1383], %broadcast_in_dim3A_156 : memref<51200xf32, #tpu.memory_space<vmem>>[vector<16xi32>], vector<16xf32>,
    %get3A_1384 = arith.constant 560 : index
    %get3A_1385 = tpu.vector_load %arg5[%get3A_1384] {strides = array<i32>} : memref<1200xi32, #tpu.memory_space<vmem>>, vector<16xi32>,
    tpu.vector_store_idx %arg8[%get3A_1385], %broadcast_in_dim3A_156 : memref<51200xf32, #tpu.memory_space<vmem>>[vector<16xi32>], vector<16xf32>,
    %get3A_1386 = arith.constant 576 : index
    %get3A_1387 = tpu.vector_load %arg5[%get3A_1386] {strides = array<i32>} : memref<1200xi32, #tpu.memory_space<vmem>>, vector<16xi32>,
    tpu.vector_store_idx %arg8[%get3A_1387], %broadcast_in_dim3A_156 : memref<51200xf32, #tpu.memory_space<vmem>>[vector<16xi32>], vector<16xf32>,
    %get3A_1388 = arith.constant 592 : index
    %get3A_1389 = tpu.vector_load %arg5[%get3A_1388] {strides = array<i32>} : memref<1200xi32, #tpu.memory_space<vmem>>, vector<16xi32>,
    tpu.vector_store_idx %arg8[%get3A_1389], %broadcast_in_dim3A_156 : memref<51200xf32, #tpu.memory_space<vmem>>[vector<16xi32>], vector<16xf32>,
    %get3A_1390 = arith.constant 608 : index
    %get3A_1391 = tpu.vector_load %arg5[%get3A_1390] {strides = array<i32>} : memref<1200xi32, #tpu.memory_space<vmem>>, vector<16xi32>,
    tpu.vector_store_idx %arg8[%get3A_1391], %broadcast_in_dim3A_156 : memref<51200xf32, #tpu.memory_space<vmem>>[vector<16xi32>], vector<16xf32>,
    %get3A_1392 = arith.constant 624 : index
    %get3A_1393 = tpu.vector_load %arg5[%get3A_1392] {strides = array<i32>} : memref<1200xi32, #tpu.memory_space<vmem>>, vector<16xi32>,
    tpu.vector_store_idx %arg8[%get3A_1393], %broadcast_in_dim3A_156 : memref<51200xf32, #tpu.memory_space<vmem>>[vector<16xi32>], vector<16xf32>,
    %get3A_1394 = arith.constant 640 : index
    %get3A_1395 = tpu.vector_load %arg5[%get3A_1394] {strides = array<i32>} : memref<1200xi32, #tpu.memory_space<vmem>>, vector<16xi32>,
    tpu.vector_store_idx %arg8[%get3A_1395], %broadcast_in_dim3A_156 : memref<51200xf32, #tpu.memory_space<vmem>>[vector<16xi32>], vector<16xf32>,
    %get3A_1396 = arith.constant 656 : index
    %get3A_1397 = tpu.vector_load %arg5[%get3A_1396] {strides = array<i32>} : memref<1200xi32, #tpu.memory_space<vmem>>, vector<16xi32>,
    tpu.vector_store_idx %arg8[%get3A_1397], %broadcast_in_dim3A_156 : memref<51200xf32, #tpu.memory_space<vmem>>[vector<16xi32>], vector<16xf32>,
    %get3A_1398 = arith.constant 672 : index
    %get3A_1399 = tpu.vector_load %arg5[%get3A_1398] {strides = array<i32>} : memref<1200xi32, #tpu.memory_space<vmem>>, vector<16xi32>,
    tpu.vector_store_idx %arg8[%get3A_1399], %broadcast_in_dim3A_156 : memref<51200xf32, #tpu.memory_space<vmem>>[vector<16xi32>], vector<16xf32>,
    %get3A_1400 = arith.constant 688 : index
    %get3A_1401 = tpu.vector_load %arg5[%get3A_1400] {strides = array<i32>} : memref<1200xi32, #tpu.memory_space<vmem>>, vector<16xi32>,
    tpu.vector_store_idx %arg8[%get3A_1401], %broadcast_in_dim3A_156 : memref<51200xf32, #tpu.memory_space<vmem>>[vector<16xi32>], vector<16xf32>,
    %get3A_1402 = arith.constant 704 : index
    %get3A_1403 = tpu.vector_load %arg5[%get3A_1402] {strides = array<i32>} : memref<1200xi32, #tpu.memory_space<vmem>>, vector<16xi32>,
    tpu.vector_store_idx %arg8[%get3A_1403], %broadcast_in_dim3A_156 : memref<51200xf32, #tpu.memory_space<vmem>>[vector<16xi32>], vector<16xf32>,
    %get3A_1404 = arith.constant 720 : index
    %get3A_1405 = tpu.vector_load %arg5[%get3A_1404] {strides = array<i32>} : memref<1200xi32, #tpu.memory_space<vmem>>, vector<16xi32>,
    tpu.vector_store_idx %arg8[%get3A_1405], %broadcast_in_dim3A_156 : memref<51200xf32, #tpu.memory_space<vmem>>[vector<16xi32>], vector<16xf32>,
    %get3A_1406 = arith.constant 736 : index
    %get3A_1407 = tpu.vector_load %arg5[%get3A_1406] {strides = array<i32>} : memref<1200xi32, #tpu.memory_space<vmem>>, vector<16xi32>,
    tpu.vector_store_idx %arg8[%get3A_1407], %broadcast_in_dim3A_156 : memref<51200xf32, #tpu.memory_space<vmem>>[vector<16xi32>], vector<16xf32>,
    %get3A_1408 = arith.constant 752 : index
    %get3A_1409 = tpu.vector_load %arg5[%get3A_1408] {strides = array<i32>} : memref<1200xi32, #tpu.memory_space<vmem>>, vector<16xi32>,
    tpu.vector_store_idx %arg8[%get3A_1409], %broadcast_in_dim3A_156 : memref<51200xf32, #tpu.memory_space<vmem>>[vector<16xi32>], vector<16xf32>,
    %get3A_1410 = arith.constant 768 : index
    %get3A_1411 = tpu.vector_load %arg5[%get3A_1410] {strides = array<i32>} : memref<1200xi32, #tpu.memory_space<vmem>>, vector<16xi32>,
    tpu.vector_store_idx %arg8[%get3A_1411], %broadcast_in_dim3A_156 : memref<51200xf32, #tpu.memory_space<vmem>>[vector<16xi32>], vector<16xf32>,
    %get3A_1412 = arith.constant 784 : index
    %get3A_1413 = tpu.vector_load %arg5[%get3A_1412] {strides = array<i32>} : memref<1200xi32, #tpu.memory_space<vmem>>, vector<16xi32>,
    tpu.vector_store_idx %arg8[%get3A_1413], %broadcast_in_dim3A_156 : memref<51200xf32, #tpu.memory_space<vmem>>[vector<16xi32>], vector<16xf32>,
    %get3A_1414 = arith.constant 800 : index
    %get3A_1415 = tpu.vector_load %arg5[%get3A_1414] {strides = array<i32>} : memref<1200xi32, #tpu.memory_space<vmem>>, vector<16xi32>,
    tpu.vector_store_idx %arg8[%get3A_1415], %broadcast_in_dim3A_156 : memref<51200xf32, #tpu.memory_space<vmem>>[vector<16xi32>], vector<16xf32>,
    %get3A_1416 = arith.constant 816 : index
    %get3A_1417 = tpu.vector_load %arg5[%get3A_1416] {strides = array<i32>} : memref<1200xi32, #tpu.memory_space<vmem>>, vector<16xi32>,
    tpu.vector_store_idx %arg8[%get3A_1417], %broadcast_in_dim3A_156 : memref<51200xf32, #tpu.memory_space<vmem>>[vector<16xi32>], vector<16xf32>,
    %get3A_1418 = arith.constant 832 : index
    %get3A_1419 = tpu.vector_load %arg5[%get3A_1418] {strides = array<i32>} : memref<1200xi32, #tpu.memory_space<vmem>>, vector<16xi32>,
    tpu.vector_store_idx %arg8[%get3A_1419], %broadcast_in_dim3A_156 : memref<51200xf32, #tpu.memory_space<vmem>>[vector<16xi32>], vector<16xf32>,
    %get3A_1420 = arith.constant 848 : index
    %get3A_1421 = tpu.vector_load %arg5[%get3A_1420] {strides = array<i32>} : memref<1200xi32, #tpu.memory_space<vmem>>, vector<16xi32>,
    tpu.vector_store_idx %arg8[%get3A_1421], %broadcast_in_dim3A_156 : memref<51200xf32, #tpu.memory_space<vmem>>[vector<16xi32>], vector<16xf32>,
    %get3A_1422 = arith.constant 864 : index
    %get3A_1423 = tpu.vector_load %arg5[%get3A_1422] {strides = array<i32>} : memref<1200xi32, #tpu.memory_space<vmem>>, vector<16xi32>,
    tpu.vector_store_idx %arg8[%get3A_1423], %broadcast_in_dim3A_156 : memref<51200xf32, #tpu.memory_space<vmem>>[vector<16xi32>], vector<16xf32>,
    %get3A_1424 = arith.constant 880 : index
    %get3A_1425 = tpu.vector_load %arg5[%get3A_1424] {strides = array<i32>} : memref<1200xi32, #tpu.memory_space<vmem>>, vector<16xi32>,
    tpu.vector_store_idx %arg8[%get3A_1425], %broadcast_in_dim3A_156 : memref<51200xf32, #tpu.memory_space<vmem>>[vector<16xi32>], vector<16xf32>,
    %get3A_1426 = arith.constant 896 : index
    %get3A_1427 = tpu.vector_load %arg5[%get3A_1426] {strides = array<i32>} : memref<1200xi32, #tpu.memory_space<vmem>>, vector<16xi32>,
    tpu.vector_store_idx %arg8[%get3A_1427], %broadcast_in_dim3A_156 : memref<51200xf32, #tpu.memory_space<vmem>>[vector<16xi32>], vector<16xf32>,
    %get3A_1428 = arith.constant 912 : index
    %get3A_1429 = tpu.vector_load %arg5[%get3A_1428] {strides = array<i32>} : memref<1200xi32, #tpu.memory_space<vmem>>, vector<16xi32>,
    tpu.vector_store_idx %arg8[%get3A_1429], %broadcast_in_dim3A_156 : memref<51200xf32, #tpu.memory_space<vmem>>[vector<16xi32>], vector<16xf32>,
    %get3A_1430 = arith.constant 928 : index
    %get3A_1431 = tpu.vector_load %arg5[%get3A_1430] {strides = array<i32>} : memref<1200xi32, #tpu.memory_space<vmem>>, vector<16xi32>,
    tpu.vector_store_idx %arg8[%get3A_1431], %broadcast_in_dim3A_156 : memref<51200xf32, #tpu.memory_space<vmem>>[vector<16xi32>], vector<16xf32>,
    %get3A_1432 = arith.constant 944 : index
    %get3A_1433 = tpu.vector_load %arg5[%get3A_1432] {strides = array<i32>} : memref<1200xi32, #tpu.memory_space<vmem>>, vector<16xi32>,
    tpu.vector_store_idx %arg8[%get3A_1433], %broadcast_in_dim3A_156 : memref<51200xf32, #tpu.memory_space<vmem>>[vector<16xi32>], vector<16xf32>,
    %get3A_1434 = arith.constant 960 : index
    %get3A_1435 = tpu.vector_load %arg5[%get3A_1434] {strides = array<i32>} : memref<1200xi32, #tpu.memory_space<vmem>>, vector<16xi32>,
    tpu.vector_store_idx %arg8[%get3A_1435], %broadcast_in_dim3A_156 : memref<51200xf32, #tpu.memory_space<vmem>>[vector<16xi32>], vector<16xf32>,
    %get3A_1436 = arith.constant 976 : index
    %get3A_1437 = tpu.vector_load %arg5[%get3A_1436] {strides = array<i32>} : memref<1200xi32, #tpu.memory_space<vmem>>, vector<16xi32>,
    tpu.vector_store_idx %arg8[%get3A_1437], %broadcast_in_dim3A_156 : memref<51200xf32, #tpu.memory_space<vmem>>[vector<16xi32>], vector<16xf32>,
    %get3A_1438 = arith.constant 992 : index
    %get3A_1439 = tpu.vector_load %arg5[%get3A_1438] {strides = array<i32>} : memref<1200xi32, #tpu.memory_space<vmem>>, vector<16xi32>,
    tpu.vector_store_idx %arg8[%get3A_1439], %broadcast_in_dim3A_156 : memref<51200xf32, #tpu.memory_space<vmem>>[vector<16xi32>], vector<16xf32>,
    %get3A_1440 = arith.constant 1008 : index
    %get3A_1441 = tpu.vector_load %arg5[%get3A_1440] {strides = array<i32>} : memref<1200xi32, #tpu.memory_space<vmem>>, vector<16xi32>,
    tpu.vector_store_idx %arg8[%get3A_1441], %broadcast_in_dim3A_156 : memref<51200xf32, #tpu.memory_space<vmem>>[vector<16xi32>], vector<16xf32>,
    %get3A_1442 = arith.constant 1024 : index
    %get3A_1443 = tpu.vector_load %arg5[%get3A_1442] {strides = array<i32>} : memref<1200xi32, #tpu.memory_space<vmem>>, vector<16xi32>,
    tpu.vector_store_idx %arg8[%get3A_1443], %broadcast_in_dim3A_156 : memref<51200xf32, #tpu.memory_space<vmem>>[vector<16xi32>], vector<16xf32>,
    %get3A_1444 = arith.constant 1040 : index
    %get3A_1445 = tpu.vector_load %arg5[%get3A_1444] {strides = array<i32>} : memref<1200xi32, #tpu.memory_space<vmem>>, vector<16xi32>,
    tpu.vector_store_idx %arg8[%get3A_1445], %broadcast_in_dim3A_156 : memref<51200xf32, #tpu.memory_space<vmem>>[vector<16xi32>], vector<16xf32>,
    %get3A_1446 = arith.constant 1056 : index
    %get3A_1447 = tpu.vector_load %arg5[%get3A_1446] {strides = array<i32>} : memref<1200xi32, #tpu.memory_space<vmem>>, vector<16xi32>,
    tpu.vector_store_idx %arg8[%get3A_1447], %broadcast_in_dim3A_156 : memref<51200xf32, #tpu.memory_space<vmem>>[vector<16xi32>], vector<16xf32>,
    %get3A_1448 = arith.constant 1072 : index
    %get3A_1449 = tpu.vector_load %arg5[%get3A_1448] {strides = array<i32>} : memref<1200xi32, #tpu.memory_space<vmem>>, vector<16xi32>,
    tpu.vector_store_idx %arg8[%get3A_1449], %broadcast_in_dim3A_156 : memref<51200xf32, #tpu.memory_space<vmem>>[vector<16xi32>], vector<16xf32>,
    %get3A_1450 = arith.constant 1088 : index
    %get3A_1451 = tpu.vector_load %arg5[%get3A_1450] {strides = array<i32>} : memref<1200xi32, #tpu.memory_space<vmem>>, vector<16xi32>,
    tpu.vector_store_idx %arg8[%get3A_1451], %broadcast_in_dim3A_156 : memref<51200xf32, #tpu.memory_space<vmem>>[vector<16xi32>], vector<16xf32>,
    %get3A_1452 = arith.constant 1104 : index
    %get3A_1453 = tpu.vector_load %arg5[%get3A_1452] {strides = array<i32>} : memref<1200xi32, #tpu.memory_space<vmem>>, vector<16xi32>,
    tpu.vector_store_idx %arg8[%get3A_1453], %broadcast_in_dim3A_156 : memref<51200xf32, #tpu.memory_space<vmem>>[vector<16xi32>], vector<16xf32>,
    %get3A_1454 = arith.constant 1120 : index
    %get3A_1455 = tpu.vector_load %arg5[%get3A_1454] {strides = array<i32>} : memref<1200xi32, #tpu.memory_space<vmem>>, vector<16xi32>,
    tpu.vector_store_idx %arg8[%get3A_1455], %broadcast_in_dim3A_156 : memref<51200xf32, #tpu.memory_space<vmem>>[vector<16xi32>], vector<16xf32>,
    %get3A_1456 = arith.constant 1136 : index
    %get3A_1457 = tpu.vector_load %arg5[%get3A_1456] {strides = array<i32>} : memref<1200xi32, #tpu.memory_space<vmem>>, vector<16xi32>,
    tpu.vector_store_idx %arg8[%get3A_1457], %broadcast_in_dim3A_156 : memref<51200xf32, #tpu.memory_space<vmem>>[vector<16xi32>], vector<16xf32>,
    %get3A_1458 = arith.constant 1152 : index
    %get3A_1459 = tpu.vector_load %arg5[%get3A_1458] {strides = array<i32>} : memref<1200xi32, #tpu.memory_space<vmem>>, vector<16xi32>,
    tpu.vector_store_idx %arg8[%get3A_1459], %broadcast_in_dim3A_156 : memref<51200xf32, #tpu.memory_space<vmem>>[vector<16xi32>], vector<16xf32>,
    %get3A_1460 = arith.constant 1168 : index
    %get3A_1461 = tpu.vector_load %arg5[%get3A_1460] {strides = array<i32>} : memref<1200xi32, #tpu.memory_space<vmem>>, vector<16xi32>,
    tpu.vector_store_idx %arg8[%get3A_1461], %broadcast_in_dim3A_156 : memref<51200xf32, #tpu.memory_space<vmem>>[vector<16xi32>], vector<16xf32>,
    %get3A_1462 = arith.constant 1184 : index
    %get3A_1463 = tpu.vector_load %arg5[%get3A_1462] {strides = array<i32>} : memref<1200xi32, #tpu.memory_space<vmem>>, vector<16xi32>,
    tpu.vector_store_idx %arg8[%get3A_1463], %broadcast_in_dim3A_156 : memref<51200xf32, #tpu.memory_space<vmem>>[vector<16xi32>], vector<16xf32>,
    %get3A_1464 = arith.constant 0 : index
    %get3A_1465 = tpu.vector_load %arg5[%get3A_1464] {strides = array<i32>} : memref<1200xi32, #tpu.memory_space<vmem>>, vector<16xi32>,
    %get3A_1466 = arith.constant 3600 : index
    %get3A_1467 = tpu.vector_load %arg6[%get3A_1466] {strides = array<i32>} : memref<4800xf32, #tpu.memory_space<vmem>>, vector<16xf32>,
    tpu.vector_store_idx %arg8[%get3A_1465], %get3A_1467 {add = true} : memref<51200xf32, #tpu.memory_space<vmem>>[vector<16xi32>], vector<16xf32>,
    %get3A_1468 = arith.constant 16 : index
    %get3A_1469 = tpu.vector_load %arg5[%get3A_1468] {strides = array<i32>} : memref<1200xi32, #tpu.memory_space<vmem>>, vector<16xi32>,
    %get3A_1470 = arith.constant 3616 : index
    %get3A_1471 = tpu.vector_load %arg6[%get3A_1470] {strides = array<i32>} : memref<4800xf32, #tpu.memory_space<vmem>>, vector<16xf32>,
    tpu.vector_store_idx %arg8[%get3A_1469], %get3A_1471 {add = true} : memref<51200xf32, #tpu.memory_space<vmem>>[vector<16xi32>], vector<16xf32>,
    %get3A_1472 = arith.constant 32 : index
    %get3A_1473 = tpu.vector_load %arg5[%get3A_1472] {strides = array<i32>} : memref<1200xi32, #tpu.memory_space<vmem>>, vector<16xi32>,
    %get3A_1474 = arith.constant 3632 : index
    %get3A_1475 = tpu.vector_load %arg6[%get3A_1474] {strides = array<i32>} : memref<4800xf32, #tpu.memory_space<vmem>>, vector<16xf32>,
    tpu.vector_store_idx %arg8[%get3A_1473], %get3A_1475 {add = true} : memref<51200xf32, #tpu.memory_space<vmem>>[vector<16xi32>], vector<16xf32>,
    %get3A_1476 = arith.constant 48 : index
    %get3A_1477 = tpu.vector_load %arg5[%get3A_1476] {strides = array<i32>} : memref<1200xi32, #tpu.memory_space<vmem>>, vector<16xi32>,
    %get3A_1478 = arith.constant 3648 : index
    %get3A_1479 = tpu.vector_load %arg6[%get3A_1478] {strides = array<i32>} : memref<4800xf32, #tpu.memory_space<vmem>>, vector<16xf32>,
    tpu.vector_store_idx %arg8[%get3A_1477], %get3A_1479 {add = true} : memref<51200xf32, #tpu.memory_space<vmem>>[vector<16xi32>], vector<16xf32>,
    %get3A_1480 = arith.constant 64 : index
    %get3A_1481 = tpu.vector_load %arg5[%get3A_1480] {strides = array<i32>} : memref<1200xi32, #tpu.memory_space<vmem>>, vector<16xi32>,
    %get3A_1482 = arith.constant 3664 : index
    %get3A_1483 = tpu.vector_load %arg6[%get3A_1482] {strides = array<i32>} : memref<4800xf32, #tpu.memory_space<vmem>>, vector<16xf32>,
    tpu.vector_store_idx %arg8[%get3A_1481], %get3A_1483 {add = true} : memref<51200xf32, #tpu.memory_space<vmem>>[vector<16xi32>], vector<16xf32>,
    %get3A_1484 = arith.constant 80 : index
    %get3A_1485 = tpu.vector_load %arg5[%get3A_1484] {strides = array<i32>} : memref<1200xi32, #tpu.memory_space<vmem>>, vector<16xi32>,
    %get3A_1486 = arith.constant 3680 : index
    %get3A_1487 = tpu.vector_load %arg6[%get3A_1486] {strides = array<i32>} : memref<4800xf32, #tpu.memory_space<vmem>>, vector<16xf32>,
    tpu.vector_store_idx %arg8[%get3A_1485], %get3A_1487 {add = true} : memref<51200xf32, #tpu.memory_space<vmem>>[vector<16xi32>], vector<16xf32>,
    %get3A_1488 = arith.constant 96 : index
    %get3A_1489 = tpu.vector_load %arg5[%get3A_1488] {strides = array<i32>} : memref<1200xi32, #tpu.memory_space<vmem>>, vector<16xi32>,
    %get3A_1490 = arith.constant 3696 : index
    %get3A_1491 = tpu.vector_load %arg6[%get3A_1490] {strides = array<i32>} : memref<4800xf32, #tpu.memory_space<vmem>>, vector<16xf32>,
    tpu.vector_store_idx %arg8[%get3A_1489], %get3A_1491 {add = true} : memref<51200xf32, #tpu.memory_space<vmem>>[vector<16xi32>], vector<16xf32>,
    %get3A_1492 = arith.constant 112 : index
    %get3A_1493 = tpu.vector_load %arg5[%get3A_1492] {strides = array<i32>} : memref<1200xi32, #tpu.memory_space<vmem>>, vector<16xi32>,
    %get3A_1494 = arith.constant 3712 : index
    %get3A_1495 = tpu.vector_load %arg6[%get3A_1494] {strides = array<i32>} : memref<4800xf32, #tpu.memory_space<vmem>>, vector<16xf32>,
    tpu.vector_store_idx %arg8[%get3A_1493], %get3A_1495 {add = true} : memref<51200xf32, #tpu.memory_space<vmem>>[vector<16xi32>], vector<16xf32>,
    %get3A_1496 = arith.constant 128 : index
    %get3A_1497 = tpu.vector_load %arg5[%get3A_1496] {strides = array<i32>} : memref<1200xi32, #tpu.memory_space<vmem>>, vector<16xi32>,
    %get3A_1498 = arith.constant 3728 : index
    %get3A_1499 = tpu.vector_load %arg6[%get3A_1498] {strides = array<i32>} : memref<4800xf32, #tpu.memory_space<vmem>>, vector<16xf32>,
    tpu.vector_store_idx %arg8[%get3A_1497], %get3A_1499 {add = true} : memref<51200xf32, #tpu.memory_space<vmem>>[vector<16xi32>], vector<16xf32>,
    %get3A_1500 = arith.constant 144 : index
    %get3A_1501 = tpu.vector_load %arg5[%get3A_1500] {strides = array<i32>} : memref<1200xi32, #tpu.memory_space<vmem>>, vector<16xi32>,
    %get3A_1502 = arith.constant 3744 : index
    %get3A_1503 = tpu.vector_load %arg6[%get3A_1502] {strides = array<i32>} : memref<4800xf32, #tpu.memory_space<vmem>>, vector<16xf32>,
    tpu.vector_store_idx %arg8[%get3A_1501], %get3A_1503 {add = true} : memref<51200xf32, #tpu.memory_space<vmem>>[vector<16xi32>], vector<16xf32>,
    %get3A_1504 = arith.constant 160 : index
    %get3A_1505 = tpu.vector_load %arg5[%get3A_1504] {strides = array<i32>} : memref<1200xi32, #tpu.memory_space<vmem>>, vector<16xi32>,
    %get3A_1506 = arith.constant 3760 : index
    %get3A_1507 = tpu.vector_load %arg6[%get3A_1506] {strides = array<i32>} : memref<4800xf32, #tpu.memory_space<vmem>>, vector<16xf32>,
    tpu.vector_store_idx %arg8[%get3A_1505], %get3A_1507 {add = true} : memref<51200xf32, #tpu.memory_space<vmem>>[vector<16xi32>], vector<16xf32>,
    %get3A_1508 = arith.constant 176 : index
    %get3A_1509 = tpu.vector_load %arg5[%get3A_1508] {strides = array<i32>} : memref<1200xi32, #tpu.memory_space<vmem>>, vector<16xi32>,
    %get3A_1510 = arith.constant 3776 : index
    %get3A_1511 = tpu.vector_load %arg6[%get3A_1510] {strides = array<i32>} : memref<4800xf32, #tpu.memory_space<vmem>>, vector<16xf32>,
    tpu.vector_store_idx %arg8[%get3A_1509], %get3A_1511 {add = true} : memref<51200xf32, #tpu.memory_space<vmem>>[vector<16xi32>], vector<16xf32>,
    %get3A_1512 = arith.constant 192 : index
    %get3A_1513 = tpu.vector_load %arg5[%get3A_1512] {strides = array<i32>} : memref<1200xi32, #tpu.memory_space<vmem>>, vector<16xi32>,
    %get3A_1514 = arith.constant 3792 : index
    %get3A_1515 = tpu.vector_load %arg6[%get3A_1514] {strides = array<i32>} : memref<4800xf32, #tpu.memory_space<vmem>>, vector<16xf32>,
    tpu.vector_store_idx %arg8[%get3A_1513], %get3A_1515 {add = true} : memref<51200xf32, #tpu.memory_space<vmem>>[vector<16xi32>], vector<16xf32>,
    %get3A_1516 = arith.constant 208 : index
    %get3A_1517 = tpu.vector_load %arg5[%get3A_1516] {strides = array<i32>} : memref<1200xi32, #tpu.memory_space<vmem>>, vector<16xi32>,
    %get3A_1518 = arith.constant 3808 : index
    %get3A_1519 = tpu.vector_load %arg6[%get3A_1518] {strides = array<i32>} : memref<4800xf32, #tpu.memory_space<vmem>>, vector<16xf32>,
    tpu.vector_store_idx %arg8[%get3A_1517], %get3A_1519 {add = true} : memref<51200xf32, #tpu.memory_space<vmem>>[vector<16xi32>], vector<16xf32>,
    %get3A_1520 = arith.constant 224 : index
    %get3A_1521 = tpu.vector_load %arg5[%get3A_1520] {strides = array<i32>} : memref<1200xi32, #tpu.memory_space<vmem>>, vector<16xi32>,
    %get3A_1522 = arith.constant 3824 : index
    %get3A_1523 = tpu.vector_load %arg6[%get3A_1522] {strides = array<i32>} : memref<4800xf32, #tpu.memory_space<vmem>>, vector<16xf32>,
    tpu.vector_store_idx %arg8[%get3A_1521], %get3A_1523 {add = true} : memref<51200xf32, #tpu.memory_space<vmem>>[vector<16xi32>], vector<16xf32>,
    %get3A_1524 = arith.constant 240 : index
    %get3A_1525 = tpu.vector_load %arg5[%get3A_1524] {strides = array<i32>} : memref<1200xi32, #tpu.memory_space<vmem>>, vector<16xi32>,
    %get3A_1526 = arith.constant 3840 : index
    %get3A_1527 = tpu.vector_load %arg6[%get3A_1526] {strides = array<i32>} : memref<4800xf32, #tpu.memory_space<vmem>>, vector<16xf32>,
    tpu.vector_store_idx %arg8[%get3A_1525], %get3A_1527 {add = true} : memref<51200xf32, #tpu.memory_space<vmem>>[vector<16xi32>], vector<16xf32>,
    %get3A_1528 = arith.constant 256 : index
    %get3A_1529 = tpu.vector_load %arg5[%get3A_1528] {strides = array<i32>} : memref<1200xi32, #tpu.memory_space<vmem>>, vector<16xi32>,
    %get3A_1530 = arith.constant 3856 : index
    %get3A_1531 = tpu.vector_load %arg6[%get3A_1530] {strides = array<i32>} : memref<4800xf32, #tpu.memory_space<vmem>>, vector<16xf32>,
    tpu.vector_store_idx %arg8[%get3A_1529], %get3A_1531 {add = true} : memref<51200xf32, #tpu.memory_space<vmem>>[vector<16xi32>], vector<16xf32>,
    %get3A_1532 = arith.constant 272 : index
    %get3A_1533 = tpu.vector_load %arg5[%get3A_1532] {strides = array<i32>} : memref<1200xi32, #tpu.memory_space<vmem>>, vector<16xi32>,
    %get3A_1534 = arith.constant 3872 : index
    %get3A_1535 = tpu.vector_load %arg6[%get3A_1534] {strides = array<i32>} : memref<4800xf32, #tpu.memory_space<vmem>>, vector<16xf32>,
    tpu.vector_store_idx %arg8[%get3A_1533], %get3A_1535 {add = true} : memref<51200xf32, #tpu.memory_space<vmem>>[vector<16xi32>], vector<16xf32>,
    %get3A_1536 = arith.constant 288 : index
    %get3A_1537 = tpu.vector_load %arg5[%get3A_1536] {strides = array<i32>} : memref<1200xi32, #tpu.memory_space<vmem>>, vector<16xi32>,
    %get3A_1538 = arith.constant 3888 : index
    %get3A_1539 = tpu.vector_load %arg6[%get3A_1538] {strides = array<i32>} : memref<4800xf32, #tpu.memory_space<vmem>>, vector<16xf32>,
    tpu.vector_store_idx %arg8[%get3A_1537], %get3A_1539 {add = true} : memref<51200xf32, #tpu.memory_space<vmem>>[vector<16xi32>], vector<16xf32>,
    %get3A_1540 = arith.constant 304 : index
    %get3A_1541 = tpu.vector_load %arg5[%get3A_1540] {strides = array<i32>} : memref<1200xi32, #tpu.memory_space<vmem>>, vector<16xi32>,
    %get3A_1542 = arith.constant 3904 : index
    %get3A_1543 = tpu.vector_load %arg6[%get3A_1542] {strides = array<i32>} : memref<4800xf32, #tpu.memory_space<vmem>>, vector<16xf32>,
    tpu.vector_store_idx %arg8[%get3A_1541], %get3A_1543 {add = true} : memref<51200xf32, #tpu.memory_space<vmem>>[vector<16xi32>], vector<16xf32>,
    %get3A_1544 = arith.constant 320 : index
    %get3A_1545 = tpu.vector_load %arg5[%get3A_1544] {strides = array<i32>} : memref<1200xi32, #tpu.memory_space<vmem>>, vector<16xi32>,
    %get3A_1546 = arith.constant 3920 : index
    %get3A_1547 = tpu.vector_load %arg6[%get3A_1546] {strides = array<i32>} : memref<4800xf32, #tpu.memory_space<vmem>>, vector<16xf32>,
    tpu.vector_store_idx %arg8[%get3A_1545], %get3A_1547 {add = true} : memref<51200xf32, #tpu.memory_space<vmem>>[vector<16xi32>], vector<16xf32>,
    %get3A_1548 = arith.constant 336 : index
    %get3A_1549 = tpu.vector_load %arg5[%get3A_1548] {strides = array<i32>} : memref<1200xi32, #tpu.memory_space<vmem>>, vector<16xi32>,
    %get3A_1550 = arith.constant 3936 : index
    %get3A_1551 = tpu.vector_load %arg6[%get3A_1550] {strides = array<i32>} : memref<4800xf32, #tpu.memory_space<vmem>>, vector<16xf32>,
    tpu.vector_store_idx %arg8[%get3A_1549], %get3A_1551 {add = true} : memref<51200xf32, #tpu.memory_space<vmem>>[vector<16xi32>], vector<16xf32>,
    %get3A_1552 = arith.constant 352 : index
    %get3A_1553 = tpu.vector_load %arg5[%get3A_1552] {strides = array<i32>} : memref<1200xi32, #tpu.memory_space<vmem>>, vector<16xi32>,
    %get3A_1554 = arith.constant 3952 : index
    %get3A_1555 = tpu.vector_load %arg6[%get3A_1554] {strides = array<i32>} : memref<4800xf32, #tpu.memory_space<vmem>>, vector<16xf32>,
    tpu.vector_store_idx %arg8[%get3A_1553], %get3A_1555 {add = true} : memref<51200xf32, #tpu.memory_space<vmem>>[vector<16xi32>], vector<16xf32>,
    %get3A_1556 = arith.constant 368 : index
    %get3A_1557 = tpu.vector_load %arg5[%get3A_1556] {strides = array<i32>} : memref<1200xi32, #tpu.memory_space<vmem>>, vector<16xi32>,
    %get3A_1558 = arith.constant 3968 : index
    %get3A_1559 = tpu.vector_load %arg6[%get3A_1558] {strides = array<i32>} : memref<4800xf32, #tpu.memory_space<vmem>>, vector<16xf32>,
    tpu.vector_store_idx %arg8[%get3A_1557], %get3A_1559 {add = true} : memref<51200xf32, #tpu.memory_space<vmem>>[vector<16xi32>], vector<16xf32>,
    %get3A_1560 = arith.constant 384 : index
    %get3A_1561 = tpu.vector_load %arg5[%get3A_1560] {strides = array<i32>} : memref<1200xi32, #tpu.memory_space<vmem>>, vector<16xi32>,
    %get3A_1562 = arith.constant 3984 : index
    %get3A_1563 = tpu.vector_load %arg6[%get3A_1562] {strides = array<i32>} : memref<4800xf32, #tpu.memory_space<vmem>>, vector<16xf32>,
    tpu.vector_store_idx %arg8[%get3A_1561], %get3A_1563 {add = true} : memref<51200xf32, #tpu.memory_space<vmem>>[vector<16xi32>], vector<16xf32>,
    %get3A_1564 = arith.constant 400 : index
    %get3A_1565 = tpu.vector_load %arg5[%get3A_1564] {strides = array<i32>} : memref<1200xi32, #tpu.memory_space<vmem>>, vector<16xi32>,
    %get3A_1566 = arith.constant 4000 : index
    %get3A_1567 = tpu.vector_load %arg6[%get3A_1566] {strides = array<i32>} : memref<4800xf32, #tpu.memory_space<vmem>>, vector<16xf32>,
    tpu.vector_store_idx %arg8[%get3A_1565], %get3A_1567 {add = true} : memref<51200xf32, #tpu.memory_space<vmem>>[vector<16xi32>], vector<16xf32>,
    %get3A_1568 = arith.constant 416 : index
    %get3A_1569 = tpu.vector_load %arg5[%get3A_1568] {strides = array<i32>} : memref<1200xi32, #tpu.memory_space<vmem>>, vector<16xi32>,
    %get3A_1570 = arith.constant 4016 : index
    %get3A_1571 = tpu.vector_load %arg6[%get3A_1570] {strides = array<i32>} : memref<4800xf32, #tpu.memory_space<vmem>>, vector<16xf32>,
    tpu.vector_store_idx %arg8[%get3A_1569], %get3A_1571 {add = true} : memref<51200xf32, #tpu.memory_space<vmem>>[vector<16xi32>], vector<16xf32>,
    %get3A_1572 = arith.constant 432 : index
    %get3A_1573 = tpu.vector_load %arg5[%get3A_1572] {strides = array<i32>} : memref<1200xi32, #tpu.memory_space<vmem>>, vector<16xi32>,
    %get3A_1574 = arith.constant 4032 : index
    %get3A_1575 = tpu.vector_load %arg6[%get3A_1574] {strides = array<i32>} : memref<4800xf32, #tpu.memory_space<vmem>>, vector<16xf32>,
    tpu.vector_store_idx %arg8[%get3A_1573], %get3A_1575 {add = true} : memref<51200xf32, #tpu.memory_space<vmem>>[vector<16xi32>], vector<16xf32>,
    %get3A_1576 = arith.constant 448 : index
    %get3A_1577 = tpu.vector_load %arg5[%get3A_1576] {strides = array<i32>} : memref<1200xi32, #tpu.memory_space<vmem>>, vector<16xi32>,
    %get3A_1578 = arith.constant 4048 : index
    %get3A_1579 = tpu.vector_load %arg6[%get3A_1578] {strides = array<i32>} : memref<4800xf32, #tpu.memory_space<vmem>>, vector<16xf32>,
    tpu.vector_store_idx %arg8[%get3A_1577], %get3A_1579 {add = true} : memref<51200xf32, #tpu.memory_space<vmem>>[vector<16xi32>], vector<16xf32>,
    %get3A_1580 = arith.constant 464 : index
    %get3A_1581 = tpu.vector_load %arg5[%get3A_1580] {strides = array<i32>} : memref<1200xi32, #tpu.memory_space<vmem>>, vector<16xi32>,
    %get3A_1582 = arith.constant 4064 : index
    %get3A_1583 = tpu.vector_load %arg6[%get3A_1582] {strides = array<i32>} : memref<4800xf32, #tpu.memory_space<vmem>>, vector<16xf32>,
    tpu.vector_store_idx %arg8[%get3A_1581], %get3A_1583 {add = true} : memref<51200xf32, #tpu.memory_space<vmem>>[vector<16xi32>], vector<16xf32>,
    %get3A_1584 = arith.constant 480 : index
    %get3A_1585 = tpu.vector_load %arg5[%get3A_1584] {strides = array<i32>} : memref<1200xi32, #tpu.memory_space<vmem>>, vector<16xi32>,
    %get3A_1586 = arith.constant 4080 : index
    %get3A_1587 = tpu.vector_load %arg6[%get3A_1586] {strides = array<i32>} : memref<4800xf32, #tpu.memory_space<vmem>>, vector<16xf32>,
    tpu.vector_store_idx %arg8[%get3A_1585], %get3A_1587 {add = true} : memref<51200xf32, #tpu.memory_space<vmem>>[vector<16xi32>], vector<16xf32>,
    %get3A_1588 = arith.constant 496 : index
    %get3A_1589 = tpu.vector_load %arg5[%get3A_1588] {strides = array<i32>} : memref<1200xi32, #tpu.memory_space<vmem>>, vector<16xi32>,
    %get3A_1590 = arith.constant 4096 : index
    %get3A_1591 = tpu.vector_load %arg6[%get3A_1590] {strides = array<i32>} : memref<4800xf32, #tpu.memory_space<vmem>>, vector<16xf32>,
    tpu.vector_store_idx %arg8[%get3A_1589], %get3A_1591 {add = true} : memref<51200xf32, #tpu.memory_space<vmem>>[vector<16xi32>], vector<16xf32>,
    %get3A_1592 = arith.constant 512 : index
    %get3A_1593 = tpu.vector_load %arg5[%get3A_1592] {strides = array<i32>} : memref<1200xi32, #tpu.memory_space<vmem>>, vector<16xi32>,
    %get3A_1594 = arith.constant 4112 : index
    %get3A_1595 = tpu.vector_load %arg6[%get3A_1594] {strides = array<i32>} : memref<4800xf32, #tpu.memory_space<vmem>>, vector<16xf32>,
    tpu.vector_store_idx %arg8[%get3A_1593], %get3A_1595 {add = true} : memref<51200xf32, #tpu.memory_space<vmem>>[vector<16xi32>], vector<16xf32>,
    %get3A_1596 = arith.constant 528 : index
    %get3A_1597 = tpu.vector_load %arg5[%get3A_1596] {strides = array<i32>} : memref<1200xi32, #tpu.memory_space<vmem>>, vector<16xi32>,
    %get3A_1598 = arith.constant 4128 : index
    %get3A_1599 = tpu.vector_load %arg6[%get3A_1598] {strides = array<i32>} : memref<4800xf32, #tpu.memory_space<vmem>>, vector<16xf32>,
    tpu.vector_store_idx %arg8[%get3A_1597], %get3A_1599 {add = true} : memref<51200xf32, #tpu.memory_space<vmem>>[vector<16xi32>], vector<16xf32>,
    %get3A_1600 = arith.constant 544 : index
    %get3A_1601 = tpu.vector_load %arg5[%get3A_1600] {strides = array<i32>} : memref<1200xi32, #tpu.memory_space<vmem>>, vector<16xi32>,
    %get3A_1602 = arith.constant 4144 : index
    %get3A_1603 = tpu.vector_load %arg6[%get3A_1602] {strides = array<i32>} : memref<4800xf32, #tpu.memory_space<vmem>>, vector<16xf32>,
    tpu.vector_store_idx %arg8[%get3A_1601], %get3A_1603 {add = true} : memref<51200xf32, #tpu.memory_space<vmem>>[vector<16xi32>], vector<16xf32>,
    %get3A_1604 = arith.constant 560 : index
    %get3A_1605 = tpu.vector_load %arg5[%get3A_1604] {strides = array<i32>} : memref<1200xi32, #tpu.memory_space<vmem>>, vector<16xi32>,
    %get3A_1606 = arith.constant 4160 : index
    %get3A_1607 = tpu.vector_load %arg6[%get3A_1606] {strides = array<i32>} : memref<4800xf32, #tpu.memory_space<vmem>>, vector<16xf32>,
    tpu.vector_store_idx %arg8[%get3A_1605], %get3A_1607 {add = true} : memref<51200xf32, #tpu.memory_space<vmem>>[vector<16xi32>], vector<16xf32>,
    %get3A_1608 = arith.constant 576 : index
    %get3A_1609 = tpu.vector_load %arg5[%get3A_1608] {strides = array<i32>} : memref<1200xi32, #tpu.memory_space<vmem>>, vector<16xi32>,
    %get3A_1610 = arith.constant 4176 : index
    %get3A_1611 = tpu.vector_load %arg6[%get3A_1610] {strides = array<i32>} : memref<4800xf32, #tpu.memory_space<vmem>>, vector<16xf32>,
    tpu.vector_store_idx %arg8[%get3A_1609], %get3A_1611 {add = true} : memref<51200xf32, #tpu.memory_space<vmem>>[vector<16xi32>], vector<16xf32>,
    %get3A_1612 = arith.constant 592 : index
    %get3A_1613 = tpu.vector_load %arg5[%get3A_1612] {strides = array<i32>} : memref<1200xi32, #tpu.memory_space<vmem>>, vector<16xi32>,
    %get3A_1614 = arith.constant 4192 : index
    %get3A_1615 = tpu.vector_load %arg6[%get3A_1614] {strides = array<i32>} : memref<4800xf32, #tpu.memory_space<vmem>>, vector<16xf32>,
    tpu.vector_store_idx %arg8[%get3A_1613], %get3A_1615 {add = true} : memref<51200xf32, #tpu.memory_space<vmem>>[vector<16xi32>], vector<16xf32>,
    %get3A_1616 = arith.constant 608 : index
    %get3A_1617 = tpu.vector_load %arg5[%get3A_1616] {strides = array<i32>} : memref<1200xi32, #tpu.memory_space<vmem>>, vector<16xi32>,
    %get3A_1618 = arith.constant 4208 : index
    %get3A_1619 = tpu.vector_load %arg6[%get3A_1618] {strides = array<i32>} : memref<4800xf32, #tpu.memory_space<vmem>>, vector<16xf32>,
    tpu.vector_store_idx %arg8[%get3A_1617], %get3A_1619 {add = true} : memref<51200xf32, #tpu.memory_space<vmem>>[vector<16xi32>], vector<16xf32>,
    %get3A_1620 = arith.constant 624 : index
    %get3A_1621 = tpu.vector_load %arg5[%get3A_1620] {strides = array<i32>} : memref<1200xi32, #tpu.memory_space<vmem>>, vector<16xi32>,
    %get3A_1622 = arith.constant 4224 : index
    %get3A_1623 = tpu.vector_load %arg6[%get3A_1622] {strides = array<i32>} : memref<4800xf32, #tpu.memory_space<vmem>>, vector<16xf32>,
    tpu.vector_store_idx %arg8[%get3A_1621], %get3A_1623 {add = true} : memref<51200xf32, #tpu.memory_space<vmem>>[vector<16xi32>], vector<16xf32>,
    %get3A_1624 = arith.constant 640 : index
    %get3A_1625 = tpu.vector_load %arg5[%get3A_1624] {strides = array<i32>} : memref<1200xi32, #tpu.memory_space<vmem>>, vector<16xi32>,
    %get3A_1626 = arith.constant 4240 : index
    %get3A_1627 = tpu.vector_load %arg6[%get3A_1626] {strides = array<i32>} : memref<4800xf32, #tpu.memory_space<vmem>>, vector<16xf32>,
    tpu.vector_store_idx %arg8[%get3A_1625], %get3A_1627 {add = true} : memref<51200xf32, #tpu.memory_space<vmem>>[vector<16xi32>], vector<16xf32>,
    %get3A_1628 = arith.constant 656 : index
    %get3A_1629 = tpu.vector_load %arg5[%get3A_1628] {strides = array<i32>} : memref<1200xi32, #tpu.memory_space<vmem>>, vector<16xi32>,
    %get3A_1630 = arith.constant 4256 : index
    %get3A_1631 = tpu.vector_load %arg6[%get3A_1630] {strides = array<i32>} : memref<4800xf32, #tpu.memory_space<vmem>>, vector<16xf32>,
    tpu.vector_store_idx %arg8[%get3A_1629], %get3A_1631 {add = true} : memref<51200xf32, #tpu.memory_space<vmem>>[vector<16xi32>], vector<16xf32>,
    %get3A_1632 = arith.constant 672 : index
    %get3A_1633 = tpu.vector_load %arg5[%get3A_1632] {strides = array<i32>} : memref<1200xi32, #tpu.memory_space<vmem>>, vector<16xi32>,
    %get3A_1634 = arith.constant 4272 : index
    %get3A_1635 = tpu.vector_load %arg6[%get3A_1634] {strides = array<i32>} : memref<4800xf32, #tpu.memory_space<vmem>>, vector<16xf32>,
    tpu.vector_store_idx %arg8[%get3A_1633], %get3A_1635 {add = true} : memref<51200xf32, #tpu.memory_space<vmem>>[vector<16xi32>], vector<16xf32>,
    %get3A_1636 = arith.constant 688 : index
    %get3A_1637 = tpu.vector_load %arg5[%get3A_1636] {strides = array<i32>} : memref<1200xi32, #tpu.memory_space<vmem>>, vector<16xi32>,
    %get3A_1638 = arith.constant 4288 : index
    %get3A_1639 = tpu.vector_load %arg6[%get3A_1638] {strides = array<i32>} : memref<4800xf32, #tpu.memory_space<vmem>>, vector<16xf32>,
    tpu.vector_store_idx %arg8[%get3A_1637], %get3A_1639 {add = true} : memref<51200xf32, #tpu.memory_space<vmem>>[vector<16xi32>], vector<16xf32>,
    %get3A_1640 = arith.constant 704 : index
    %get3A_1641 = tpu.vector_load %arg5[%get3A_1640] {strides = array<i32>} : memref<1200xi32, #tpu.memory_space<vmem>>, vector<16xi32>,
    %get3A_1642 = arith.constant 4304 : index
    %get3A_1643 = tpu.vector_load %arg6[%get3A_1642] {strides = array<i32>} : memref<4800xf32, #tpu.memory_space<vmem>>, vector<16xf32>,
    tpu.vector_store_idx %arg8[%get3A_1641], %get3A_1643 {add = true} : memref<51200xf32, #tpu.memory_space<vmem>>[vector<16xi32>], vector<16xf32>,
    %get3A_1644 = arith.constant 720 : index
    %get3A_1645 = tpu.vector_load %arg5[%get3A_1644] {strides = array<i32>} : memref<1200xi32, #tpu.memory_space<vmem>>, vector<16xi32>,
    %get3A_1646 = arith.constant 4320 : index
    %get3A_1647 = tpu.vector_load %arg6[%get3A_1646] {strides = array<i32>} : memref<4800xf32, #tpu.memory_space<vmem>>, vector<16xf32>,
    tpu.vector_store_idx %arg8[%get3A_1645], %get3A_1647 {add = true} : memref<51200xf32, #tpu.memory_space<vmem>>[vector<16xi32>], vector<16xf32>,
    %get3A_1648 = arith.constant 736 : index
    %get3A_1649 = tpu.vector_load %arg5[%get3A_1648] {strides = array<i32>} : memref<1200xi32, #tpu.memory_space<vmem>>, vector<16xi32>,
    %get3A_1650 = arith.constant 4336 : index
    %get3A_1651 = tpu.vector_load %arg6[%get3A_1650] {strides = array<i32>} : memref<4800xf32, #tpu.memory_space<vmem>>, vector<16xf32>,
    tpu.vector_store_idx %arg8[%get3A_1649], %get3A_1651 {add = true} : memref<51200xf32, #tpu.memory_space<vmem>>[vector<16xi32>], vector<16xf32>,
    %get3A_1652 = arith.constant 752 : index
    %get3A_1653 = tpu.vector_load %arg5[%get3A_1652] {strides = array<i32>} : memref<1200xi32, #tpu.memory_space<vmem>>, vector<16xi32>,
    %get3A_1654 = arith.constant 4352 : index
    %get3A_1655 = tpu.vector_load %arg6[%get3A_1654] {strides = array<i32>} : memref<4800xf32, #tpu.memory_space<vmem>>, vector<16xf32>,
    tpu.vector_store_idx %arg8[%get3A_1653], %get3A_1655 {add = true} : memref<51200xf32, #tpu.memory_space<vmem>>[vector<16xi32>], vector<16xf32>,
    %get3A_1656 = arith.constant 768 : index
    %get3A_1657 = tpu.vector_load %arg5[%get3A_1656] {strides = array<i32>} : memref<1200xi32, #tpu.memory_space<vmem>>, vector<16xi32>,
    %get3A_1658 = arith.constant 4368 : index
    %get3A_1659 = tpu.vector_load %arg6[%get3A_1658] {strides = array<i32>} : memref<4800xf32, #tpu.memory_space<vmem>>, vector<16xf32>,
    tpu.vector_store_idx %arg8[%get3A_1657], %get3A_1659 {add = true} : memref<51200xf32, #tpu.memory_space<vmem>>[vector<16xi32>], vector<16xf32>,
    %get3A_1660 = arith.constant 784 : index
    %get3A_1661 = tpu.vector_load %arg5[%get3A_1660] {strides = array<i32>} : memref<1200xi32, #tpu.memory_space<vmem>>, vector<16xi32>,
    %get3A_1662 = arith.constant 4384 : index
    %get3A_1663 = tpu.vector_load %arg6[%get3A_1662] {strides = array<i32>} : memref<4800xf32, #tpu.memory_space<vmem>>, vector<16xf32>,
    tpu.vector_store_idx %arg8[%get3A_1661], %get3A_1663 {add = true} : memref<51200xf32, #tpu.memory_space<vmem>>[vector<16xi32>], vector<16xf32>,
    %get3A_1664 = arith.constant 800 : index
    %get3A_1665 = tpu.vector_load %arg5[%get3A_1664] {strides = array<i32>} : memref<1200xi32, #tpu.memory_space<vmem>>, vector<16xi32>,
    %get3A_1666 = arith.constant 4400 : index
    %get3A_1667 = tpu.vector_load %arg6[%get3A_1666] {strides = array<i32>} : memref<4800xf32, #tpu.memory_space<vmem>>, vector<16xf32>,
    tpu.vector_store_idx %arg8[%get3A_1665], %get3A_1667 {add = true} : memref<51200xf32, #tpu.memory_space<vmem>>[vector<16xi32>], vector<16xf32>,
    %get3A_1668 = arith.constant 816 : index
    %get3A_1669 = tpu.vector_load %arg5[%get3A_1668] {strides = array<i32>} : memref<1200xi32, #tpu.memory_space<vmem>>, vector<16xi32>,
    %get3A_1670 = arith.constant 4416 : index
    %get3A_1671 = tpu.vector_load %arg6[%get3A_1670] {strides = array<i32>} : memref<4800xf32, #tpu.memory_space<vmem>>, vector<16xf32>,
    tpu.vector_store_idx %arg8[%get3A_1669], %get3A_1671 {add = true} : memref<51200xf32, #tpu.memory_space<vmem>>[vector<16xi32>], vector<16xf32>,
    %get3A_1672 = arith.constant 832 : index
    %get3A_1673 = tpu.vector_load %arg5[%get3A_1672] {strides = array<i32>} : memref<1200xi32, #tpu.memory_space<vmem>>, vector<16xi32>,
    %get3A_1674 = arith.constant 4432 : index
    %get3A_1675 = tpu.vector_load %arg6[%get3A_1674] {strides = array<i32>} : memref<4800xf32, #tpu.memory_space<vmem>>, vector<16xf32>,
    tpu.vector_store_idx %arg8[%get3A_1673], %get3A_1675 {add = true} : memref<51200xf32, #tpu.memory_space<vmem>>[vector<16xi32>], vector<16xf32>,
    %get3A_1676 = arith.constant 848 : index
    %get3A_1677 = tpu.vector_load %arg5[%get3A_1676] {strides = array<i32>} : memref<1200xi32, #tpu.memory_space<vmem>>, vector<16xi32>,
    %get3A_1678 = arith.constant 4448 : index
    %get3A_1679 = tpu.vector_load %arg6[%get3A_1678] {strides = array<i32>} : memref<4800xf32, #tpu.memory_space<vmem>>, vector<16xf32>,
    tpu.vector_store_idx %arg8[%get3A_1677], %get3A_1679 {add = true} : memref<51200xf32, #tpu.memory_space<vmem>>[vector<16xi32>], vector<16xf32>,
    %get3A_1680 = arith.constant 864 : index
    %get3A_1681 = tpu.vector_load %arg5[%get3A_1680] {strides = array<i32>} : memref<1200xi32, #tpu.memory_space<vmem>>, vector<16xi32>,
    %get3A_1682 = arith.constant 4464 : index
    %get3A_1683 = tpu.vector_load %arg6[%get3A_1682] {strides = array<i32>} : memref<4800xf32, #tpu.memory_space<vmem>>, vector<16xf32>,
    tpu.vector_store_idx %arg8[%get3A_1681], %get3A_1683 {add = true} : memref<51200xf32, #tpu.memory_space<vmem>>[vector<16xi32>], vector<16xf32>,
    %get3A_1684 = arith.constant 880 : index
    %get3A_1685 = tpu.vector_load %arg5[%get3A_1684] {strides = array<i32>} : memref<1200xi32, #tpu.memory_space<vmem>>, vector<16xi32>,
    %get3A_1686 = arith.constant 4480 : index
    %get3A_1687 = tpu.vector_load %arg6[%get3A_1686] {strides = array<i32>} : memref<4800xf32, #tpu.memory_space<vmem>>, vector<16xf32>,
    tpu.vector_store_idx %arg8[%get3A_1685], %get3A_1687 {add = true} : memref<51200xf32, #tpu.memory_space<vmem>>[vector<16xi32>], vector<16xf32>,
    %get3A_1688 = arith.constant 896 : index
    %get3A_1689 = tpu.vector_load %arg5[%get3A_1688] {strides = array<i32>} : memref<1200xi32, #tpu.memory_space<vmem>>, vector<16xi32>,
    %get3A_1690 = arith.constant 4496 : index
    %get3A_1691 = tpu.vector_load %arg6[%get3A_1690] {strides = array<i32>} : memref<4800xf32, #tpu.memory_space<vmem>>, vector<16xf32>,
    tpu.vector_store_idx %arg8[%get3A_1689], %get3A_1691 {add = true} : memref<51200xf32, #tpu.memory_space<vmem>>[vector<16xi32>], vector<16xf32>,
    %get3A_1692 = arith.constant 912 : index
    %get3A_1693 = tpu.vector_load %arg5[%get3A_1692] {strides = array<i32>} : memref<1200xi32, #tpu.memory_space<vmem>>, vector<16xi32>,
    %get3A_1694 = arith.constant 4512 : index
    %get3A_1695 = tpu.vector_load %arg6[%get3A_1694] {strides = array<i32>} : memref<4800xf32, #tpu.memory_space<vmem>>, vector<16xf32>,
    tpu.vector_store_idx %arg8[%get3A_1693], %get3A_1695 {add = true} : memref<51200xf32, #tpu.memory_space<vmem>>[vector<16xi32>], vector<16xf32>,
    %get3A_1696 = arith.constant 928 : index
    %get3A_1697 = tpu.vector_load %arg5[%get3A_1696] {strides = array<i32>} : memref<1200xi32, #tpu.memory_space<vmem>>, vector<16xi32>,
    %get3A_1698 = arith.constant 4528 : index
    %get3A_1699 = tpu.vector_load %arg6[%get3A_1698] {strides = array<i32>} : memref<4800xf32, #tpu.memory_space<vmem>>, vector<16xf32>,
    tpu.vector_store_idx %arg8[%get3A_1697], %get3A_1699 {add = true} : memref<51200xf32, #tpu.memory_space<vmem>>[vector<16xi32>], vector<16xf32>,
    %get3A_1700 = arith.constant 944 : index
    %get3A_1701 = tpu.vector_load %arg5[%get3A_1700] {strides = array<i32>} : memref<1200xi32, #tpu.memory_space<vmem>>, vector<16xi32>,
    %get3A_1702 = arith.constant 4544 : index
    %get3A_1703 = tpu.vector_load %arg6[%get3A_1702] {strides = array<i32>} : memref<4800xf32, #tpu.memory_space<vmem>>, vector<16xf32>,
    tpu.vector_store_idx %arg8[%get3A_1701], %get3A_1703 {add = true} : memref<51200xf32, #tpu.memory_space<vmem>>[vector<16xi32>], vector<16xf32>,
    %get3A_1704 = arith.constant 960 : index
    %get3A_1705 = tpu.vector_load %arg5[%get3A_1704] {strides = array<i32>} : memref<1200xi32, #tpu.memory_space<vmem>>, vector<16xi32>,
    %get3A_1706 = arith.constant 4560 : index
    %get3A_1707 = tpu.vector_load %arg6[%get3A_1706] {strides = array<i32>} : memref<4800xf32, #tpu.memory_space<vmem>>, vector<16xf32>,
    tpu.vector_store_idx %arg8[%get3A_1705], %get3A_1707 {add = true} : memref<51200xf32, #tpu.memory_space<vmem>>[vector<16xi32>], vector<16xf32>,
    %get3A_1708 = arith.constant 976 : index
    %get3A_1709 = tpu.vector_load %arg5[%get3A_1708] {strides = array<i32>} : memref<1200xi32, #tpu.memory_space<vmem>>, vector<16xi32>,
    %get3A_1710 = arith.constant 4576 : index
    %get3A_1711 = tpu.vector_load %arg6[%get3A_1710] {strides = array<i32>} : memref<4800xf32, #tpu.memory_space<vmem>>, vector<16xf32>,
    tpu.vector_store_idx %arg8[%get3A_1709], %get3A_1711 {add = true} : memref<51200xf32, #tpu.memory_space<vmem>>[vector<16xi32>], vector<16xf32>,
    %get3A_1712 = arith.constant 992 : index
    %get3A_1713 = tpu.vector_load %arg5[%get3A_1712] {strides = array<i32>} : memref<1200xi32, #tpu.memory_space<vmem>>, vector<16xi32>,
    %get3A_1714 = arith.constant 4592 : index
    %get3A_1715 = tpu.vector_load %arg6[%get3A_1714] {strides = array<i32>} : memref<4800xf32, #tpu.memory_space<vmem>>, vector<16xf32>,
    tpu.vector_store_idx %arg8[%get3A_1713], %get3A_1715 {add = true} : memref<51200xf32, #tpu.memory_space<vmem>>[vector<16xi32>], vector<16xf32>,
    %get3A_1716 = arith.constant 1008 : index
    %get3A_1717 = tpu.vector_load %arg5[%get3A_1716] {strides = array<i32>} : memref<1200xi32, #tpu.memory_space<vmem>>, vector<16xi32>,
    %get3A_1718 = arith.constant 4608 : index
    %get3A_1719 = tpu.vector_load %arg6[%get3A_1718] {strides = array<i32>} : memref<4800xf32, #tpu.memory_space<vmem>>, vector<16xf32>,
    tpu.vector_store_idx %arg8[%get3A_1717], %get3A_1719 {add = true} : memref<51200xf32, #tpu.memory_space<vmem>>[vector<16xi32>], vector<16xf32>,
    %get3A_1720 = arith.constant 1024 : index
    %get3A_1721 = tpu.vector_load %arg5[%get3A_1720] {strides = array<i32>} : memref<1200xi32, #tpu.memory_space<vmem>>, vector<16xi32>,
    %get3A_1722 = arith.constant 4624 : index
    %get3A_1723 = tpu.vector_load %arg6[%get3A_1722] {strides = array<i32>} : memref<4800xf32, #tpu.memory_space<vmem>>, vector<16xf32>,
    tpu.vector_store_idx %arg8[%get3A_1721], %get3A_1723 {add = true} : memref<51200xf32, #tpu.memory_space<vmem>>[vector<16xi32>], vector<16xf32>,
    %get3A_1724 = arith.constant 1040 : index
    %get3A_1725 = tpu.vector_load %arg5[%get3A_1724] {strides = array<i32>} : memref<1200xi32, #tpu.memory_space<vmem>>, vector<16xi32>,
    %get3A_1726 = arith.constant 4640 : index
    %get3A_1727 = tpu.vector_load %arg6[%get3A_1726] {strides = array<i32>} : memref<4800xf32, #tpu.memory_space<vmem>>, vector<16xf32>,
    tpu.vector_store_idx %arg8[%get3A_1725], %get3A_1727 {add = true} : memref<51200xf32, #tpu.memory_space<vmem>>[vector<16xi32>], vector<16xf32>,
    %get3A_1728 = arith.constant 1056 : index
    %get3A_1729 = tpu.vector_load %arg5[%get3A_1728] {strides = array<i32>} : memref<1200xi32, #tpu.memory_space<vmem>>, vector<16xi32>,
    %get3A_1730 = arith.constant 4656 : index
    %get3A_1731 = tpu.vector_load %arg6[%get3A_1730] {strides = array<i32>} : memref<4800xf32, #tpu.memory_space<vmem>>, vector<16xf32>,
    tpu.vector_store_idx %arg8[%get3A_1729], %get3A_1731 {add = true} : memref<51200xf32, #tpu.memory_space<vmem>>[vector<16xi32>], vector<16xf32>,
    %get3A_1732 = arith.constant 1072 : index
    %get3A_1733 = tpu.vector_load %arg5[%get3A_1732] {strides = array<i32>} : memref<1200xi32, #tpu.memory_space<vmem>>, vector<16xi32>,
    %get3A_1734 = arith.constant 4672 : index
    %get3A_1735 = tpu.vector_load %arg6[%get3A_1734] {strides = array<i32>} : memref<4800xf32, #tpu.memory_space<vmem>>, vector<16xf32>,
    tpu.vector_store_idx %arg8[%get3A_1733], %get3A_1735 {add = true} : memref<51200xf32, #tpu.memory_space<vmem>>[vector<16xi32>], vector<16xf32>,
    %get3A_1736 = arith.constant 1088 : index
    %get3A_1737 = tpu.vector_load %arg5[%get3A_1736] {strides = array<i32>} : memref<1200xi32, #tpu.memory_space<vmem>>, vector<16xi32>,
    %get3A_1738 = arith.constant 4688 : index
    %get3A_1739 = tpu.vector_load %arg6[%get3A_1738] {strides = array<i32>} : memref<4800xf32, #tpu.memory_space<vmem>>, vector<16xf32>,
    tpu.vector_store_idx %arg8[%get3A_1737], %get3A_1739 {add = true} : memref<51200xf32, #tpu.memory_space<vmem>>[vector<16xi32>], vector<16xf32>,
    %get3A_1740 = arith.constant 1104 : index
    %get3A_1741 = tpu.vector_load %arg5[%get3A_1740] {strides = array<i32>} : memref<1200xi32, #tpu.memory_space<vmem>>, vector<16xi32>,
    %get3A_1742 = arith.constant 4704 : index
    %get3A_1743 = tpu.vector_load %arg6[%get3A_1742] {strides = array<i32>} : memref<4800xf32, #tpu.memory_space<vmem>>, vector<16xf32>,
    tpu.vector_store_idx %arg8[%get3A_1741], %get3A_1743 {add = true} : memref<51200xf32, #tpu.memory_space<vmem>>[vector<16xi32>], vector<16xf32>,
    %get3A_1744 = arith.constant 1120 : index
    %get3A_1745 = tpu.vector_load %arg5[%get3A_1744] {strides = array<i32>} : memref<1200xi32, #tpu.memory_space<vmem>>, vector<16xi32>,
    %get3A_1746 = arith.constant 4720 : index
    %get3A_1747 = tpu.vector_load %arg6[%get3A_1746] {strides = array<i32>} : memref<4800xf32, #tpu.memory_space<vmem>>, vector<16xf32>,
    tpu.vector_store_idx %arg8[%get3A_1745], %get3A_1747 {add = true} : memref<51200xf32, #tpu.memory_space<vmem>>[vector<16xi32>], vector<16xf32>,
    %get3A_1748 = arith.constant 1136 : index
    %get3A_1749 = tpu.vector_load %arg5[%get3A_1748] {strides = array<i32>} : memref<1200xi32, #tpu.memory_space<vmem>>, vector<16xi32>,
    %get3A_1750 = arith.constant 4736 : index
    %get3A_1751 = tpu.vector_load %arg6[%get3A_1750] {strides = array<i32>} : memref<4800xf32, #tpu.memory_space<vmem>>, vector<16xf32>,
    tpu.vector_store_idx %arg8[%get3A_1749], %get3A_1751 {add = true} : memref<51200xf32, #tpu.memory_space<vmem>>[vector<16xi32>], vector<16xf32>,
    %get3A_1752 = arith.constant 1152 : index
    %get3A_1753 = tpu.vector_load %arg5[%get3A_1752] {strides = array<i32>} : memref<1200xi32, #tpu.memory_space<vmem>>, vector<16xi32>,
    %get3A_1754 = arith.constant 4752 : index
    %get3A_1755 = tpu.vector_load %arg6[%get3A_1754] {strides = array<i32>} : memref<4800xf32, #tpu.memory_space<vmem>>, vector<16xf32>,
    tpu.vector_store_idx %arg8[%get3A_1753], %get3A_1755 {add = true} : memref<51200xf32, #tpu.memory_space<vmem>>[vector<16xi32>], vector<16xf32>,
    %get3A_1756 = arith.constant 1168 : index
    %get3A_1757 = tpu.vector_load %arg5[%get3A_1756] {strides = array<i32>} : memref<1200xi32, #tpu.memory_space<vmem>>, vector<16xi32>,
    %get3A_1758 = arith.constant 4768 : index
    %get3A_1759 = tpu.vector_load %arg6[%get3A_1758] {strides = array<i32>} : memref<4800xf32, #tpu.memory_space<vmem>>, vector<16xf32>,
    tpu.vector_store_idx %arg8[%get3A_1757], %get3A_1759 {add = true} : memref<51200xf32, #tpu.memory_space<vmem>>[vector<16xi32>], vector<16xf32>,
    %get3A_1760 = arith.constant 1184 : index
    %get3A_1761 = tpu.vector_load %arg5[%get3A_1760] {strides = array<i32>} : memref<1200xi32, #tpu.memory_space<vmem>>, vector<16xi32>,
    %get3A_1762 = arith.constant 4784 : index
    %get3A_1763 = tpu.vector_load %arg6[%get3A_1762] {strides = array<i32>} : memref<4800xf32, #tpu.memory_space<vmem>>, vector<16xf32>,
    tpu.vector_store_idx %arg8[%get3A_1761], %get3A_1763 {add = true} : memref<51200xf32, #tpu.memory_space<vmem>>[vector<16xi32>], vector<16xf32>,
    %mul3A_1764 = arith.constant 51200 : i32
    %mul3A_1765 = arith.muli %add3A_1311, %mul3A_1764 : i32
    %dma_start3A_1766 = tpu.memref_slice %arg4[%mul3A_1765] : memref<6553600xf32, #tpu.memory_space<hbm>> -> memref<51200xf32, #tpu.memory_space<hbm>>
    %dma_start3A_1767 = tpu.memref_slice %arg4[%mul3A_1765] : memref<6553600xf32, #tpu.memory_space<hbm>> -> memref<51200xf32, #tpu.memory_space<hbm>>
    tpu.enqueue_dma source(%arg8 : memref<51200xf32, #tpu.memory_space<vmem>>) target(%dma_start3A_1767 : memref<51200xf32, #tpu.memory_space<hbm>>) target_semaphore(%arg10 : memref<!tpu.dma_semaphore, #tpu.memory_space<semaphore_mem>>)
    %dma_wait3A_1768 = tpu.memref_slice %arg4[%mul3A_1305] : memref<6553600xf32, #tpu.memory_space<hbm>> -> memref<51200xf32, #tpu.memory_space<hbm>>
    %dma_wait3A_1769 = tpu.memref_slice %arg4[%mul3A_1305] : memref<6553600xf32, #tpu.memory_space<hbm>> -> memref<51200xf32, #tpu.memory_space<hbm>>
    tpu.wait_dma2 semaphore(%arg9 : memref<!tpu.dma_semaphore, #tpu.memory_space<semaphore_mem>>) src(%arg7 : memref<51200xf32, #tpu.memory_space<vmem>>) dst(%dma_wait3A_1769 : memref<51200xf32, #tpu.memory_space<hbm>>)
    %dma_wait3A_1770 = tpu.memref_slice %arg4[%mul3A_1765] : memref<6553600xf32, #tpu.memory_space<hbm>> -> memref<51200xf32, #tpu.memory_space<hbm>>
    %dma_wait3A_1771 = tpu.memref_slice %arg4[%mul3A_1765] : memref<6553600xf32, #tpu.memory_space<hbm>> -> memref<51200xf32, #tpu.memory_space<hbm>>
    tpu.wait_dma2 semaphore(%arg10 : memref<!tpu.dma_semaphore, #tpu.memory_space<semaphore_mem>>) src(%arg8 : memref<51200xf32, #tpu.memory_space<vmem>>) dst(%dma_wait3A_1771 : memref<51200xf32, #tpu.memory_space<hbm>>)
    return
  }
}

#map = affine_map<(d0, d1) -> (0, 0)>
#map1 = affine_map<(d0, d1) -> (0)>
module attributes {stable_mosaic.version = 14 : i64} {
  func.func @k(%arg0: i32, %arg1: i32, %arg2: memref<50000x128xf32, #tpu.memory_space<hbm>>, %arg3: memref<4800xi32, #tpu.memory_space<hbm>>, %arg4: memref<160xi32, #tpu.memory_space<hbm>>, %arg5: memref<4800x128xf32, #tpu.memory_space<hbm>>, %arg6: memref<160x128xf32, #tpu.memory_space<hbm>>, %arg7: memref<80xi32, #tpu.memory_space<vmem>>, %arg8: memref<80xi32, #tpu.memory_space<vmem>>, %arg9: memref<160x128xf32, #tpu.memory_space<vmem>>, %arg10: memref<!tpu.dma_semaphore, #tpu.memory_space<semaphore_mem>>, %arg11: memref<!tpu.dma_semaphore, #tpu.memory_space<semaphore_mem>>) attributes {dimension_semantics = [#tpu.dimension_semantics<core_parallel>, #tpu.dimension_semantics<subcore_parallel>], iteration_bounds = array<i64: 2, 16>, scalar_prefetch = 0 : i64, scratch_operands = 5 : i64, tpu.core_type = #tpu.core_type<sc_vector_subcore>, window_params = [{transform_indices = #map}, {transform_indices = #map1}, {transform_indices = #map1}, {transform_indices = #map}, {transform_indices = #map}]} {
    %mul3A = arith.constant 2 : i32
    %mul3A_0 = arith.muli %arg1, %mul3A : i32
    %add3A = arith.addi %mul3A_0, %arg0 : i32
    %lt3A = arith.constant 30 : i32
    %lt3A_1 = arith.cmpi slt, %add3A, %lt3A : i32
    %convert_element_type3A = arith.extui %lt3A_1 : i1 to i32
    %cond3A = arith.constant 0 : i32
    %cond3A_2 = arith.cmpi ne, %convert_element_type3A, %cond3A : i32
    scf.if %cond3A_2 {
      %mul3A_7 = arith.constant 160 : i32
      %mul3A_8 = arith.muli %add3A, %mul3A_7 : i32
      "tpu.region"() ({
        %run_scoped3A = tpu.sem_alloc : memref<!tpu.dma_semaphore, #tpu.memory_space<semaphore_mem>>
        %dma_start3A_33 = tpu.memref_slice %arg3[%mul3A_8] : memref<4800xi32, #tpu.memory_space<hbm>> -> memref<80xi32, #tpu.memory_space<hbm>>
        %dma_start3A_34 = tpu.memref_slice %arg3[%mul3A_8] : memref<4800xi32, #tpu.memory_space<hbm>> -> memref<80xi32, #tpu.memory_space<hbm>>
        tpu.enqueue_dma source(%dma_start3A_34 : memref<80xi32, #tpu.memory_space<hbm>>) target(%arg7 : memref<80xi32, #tpu.memory_space<vmem>>) target_semaphore(%run_scoped3A : memref<!tpu.dma_semaphore, #tpu.memory_space<semaphore_mem>>)
        %dma_wait3A_35 = tpu.memref_slice %arg3[%mul3A_8] : memref<4800xi32, #tpu.memory_space<hbm>> -> memref<80xi32, #tpu.memory_space<hbm>>
        %dma_wait3A_36 = tpu.memref_slice %arg3[%mul3A_8] : memref<4800xi32, #tpu.memory_space<hbm>> -> memref<80xi32, #tpu.memory_space<hbm>>
        tpu.wait_dma2 semaphore(%run_scoped3A : memref<!tpu.dma_semaphore, #tpu.memory_space<semaphore_mem>>) src(%dma_wait3A_36 : memref<80xi32, #tpu.memory_space<hbm>>) dst(%arg7 : memref<80xi32, #tpu.memory_space<vmem>>)
        tpu.yield
      }) : () -> ()
      %dma_start3A = arith.constant 0 : i32
      %dma_start3A_9 = arith.constant 0 : i32
      %dma_start3A_10 = tpu.memref_slice %arg9[%dma_start3A, %dma_start3A_9] : memref<160x128xf32, #tpu.memory_space<vmem>> -> memref<80x128xf32, #tpu.memory_space<vmem>>
      %dma_start3A_11 = arith.constant 0 : i32
      %dma_start3A_12 = arith.constant 0 : i32
      %dma_start3A_13 = tpu.memref_slice %arg2[%dma_start3A_11, %dma_start3A_12] : memref<50000x128xf32, #tpu.memory_space<hbm>> -> memref<50000x128xf32, #tpu.memory_space<hbm>>
      tpu.enqueue_indirect_dma source(%dma_start3A_13 : memref<50000x128xf32, #tpu.memory_space<hbm>>) target(%dma_start3A_10 : memref<80x128xf32, #tpu.memory_space<vmem>>) offsets(%arg7 : memref<80xi32, #tpu.memory_space<vmem>>) semaphore(%arg10 : memref<!tpu.dma_semaphore, #tpu.memory_space<semaphore_mem>>)
      %add3A_14 = arith.constant 80 : i32
      %add3A_15 = arith.addi %mul3A_8, %add3A_14 : i32
      "tpu.region"() ({
        %run_scoped3A = tpu.sem_alloc : memref<!tpu.dma_semaphore, #tpu.memory_space<semaphore_mem>>
        %dma_start3A_33 = tpu.memref_slice %arg3[%add3A_15] : memref<4800xi32, #tpu.memory_space<hbm>> -> memref<80xi32, #tpu.memory_space<hbm>>
        %dma_start3A_34 = tpu.memref_slice %arg3[%add3A_15] : memref<4800xi32, #tpu.memory_space<hbm>> -> memref<80xi32, #tpu.memory_space<hbm>>
        tpu.enqueue_dma source(%dma_start3A_34 : memref<80xi32, #tpu.memory_space<hbm>>) target(%arg8 : memref<80xi32, #tpu.memory_space<vmem>>) target_semaphore(%run_scoped3A : memref<!tpu.dma_semaphore, #tpu.memory_space<semaphore_mem>>)
        %dma_wait3A_35 = tpu.memref_slice %arg3[%add3A_15] : memref<4800xi32, #tpu.memory_space<hbm>> -> memref<80xi32, #tpu.memory_space<hbm>>
        %dma_wait3A_36 = tpu.memref_slice %arg3[%add3A_15] : memref<4800xi32, #tpu.memory_space<hbm>> -> memref<80xi32, #tpu.memory_space<hbm>>
        tpu.wait_dma2 semaphore(%run_scoped3A : memref<!tpu.dma_semaphore, #tpu.memory_space<semaphore_mem>>) src(%dma_wait3A_36 : memref<80xi32, #tpu.memory_space<hbm>>) dst(%arg8 : memref<80xi32, #tpu.memory_space<vmem>>)
        tpu.yield
      }) : () -> ()
      %dma_start3A_16 = arith.constant 80 : i32
      %dma_start3A_17 = arith.constant 0 : i32
      %dma_start3A_18 = tpu.memref_slice %arg9[%dma_start3A_16, %dma_start3A_17] : memref<160x128xf32, #tpu.memory_space<vmem>> -> memref<80x128xf32, #tpu.memory_space<vmem>>
      %dma_start3A_19 = arith.constant 0 : i32
      %dma_start3A_20 = arith.constant 0 : i32
      %dma_start3A_21 = tpu.memref_slice %arg2[%dma_start3A_19, %dma_start3A_20] : memref<50000x128xf32, #tpu.memory_space<hbm>> -> memref<50000x128xf32, #tpu.memory_space<hbm>>
      tpu.enqueue_indirect_dma source(%dma_start3A_21 : memref<50000x128xf32, #tpu.memory_space<hbm>>) target(%dma_start3A_18 : memref<80x128xf32, #tpu.memory_space<vmem>>) offsets(%arg8 : memref<80xi32, #tpu.memory_space<vmem>>) semaphore(%arg11 : memref<!tpu.dma_semaphore, #tpu.memory_space<semaphore_mem>>)
      %dma_wait3A = arith.constant 0 : i32
      %dma_wait3A_22 = arith.constant 0 : i32
      %dma_wait3A_23 = tpu.memref_slice %arg9[%dma_wait3A, %dma_wait3A_22] : memref<160x128xf32, #tpu.memory_space<vmem>> -> memref<80x128xf32, #tpu.memory_space<vmem>>
      %dma_wait3A_24 = arith.constant 0 : i32
      %dma_wait3A_25 = arith.constant 0 : i32
      %dma_wait3A_26 = tpu.memref_slice %arg2[%dma_wait3A_24, %dma_wait3A_25] : memref<50000x128xf32, #tpu.memory_space<hbm>> -> memref<50000x128xf32, #tpu.memory_space<hbm>>
      tpu.wait_indirect_dma semaphore(%arg10 : memref<!tpu.dma_semaphore, #tpu.memory_space<semaphore_mem>>) src(%dma_wait3A_26 : memref<50000x128xf32, #tpu.memory_space<hbm>>) dst(%dma_wait3A_23 : memref<80x128xf32, #tpu.memory_space<vmem>>)
      %dma_wait3A_27 = arith.constant 80 : i32
      %dma_wait3A_28 = arith.constant 0 : i32
      %dma_wait3A_29 = tpu.memref_slice %arg9[%dma_wait3A_27, %dma_wait3A_28] : memref<160x128xf32, #tpu.memory_space<vmem>> -> memref<80x128xf32, #tpu.memory_space<vmem>>
      %dma_wait3A_30 = arith.constant 0 : i32
      %dma_wait3A_31 = arith.constant 0 : i32
      %dma_wait3A_32 = tpu.memref_slice %arg2[%dma_wait3A_30, %dma_wait3A_31] : memref<50000x128xf32, #tpu.memory_space<hbm>> -> memref<50000x128xf32, #tpu.memory_space<hbm>>
      tpu.wait_indirect_dma semaphore(%arg11 : memref<!tpu.dma_semaphore, #tpu.memory_space<semaphore_mem>>) src(%dma_wait3A_32 : memref<50000x128xf32, #tpu.memory_space<hbm>>) dst(%dma_wait3A_29 : memref<80x128xf32, #tpu.memory_space<vmem>>)
      "tpu.region"() ({
        %run_scoped3A = tpu.sem_alloc : memref<!tpu.dma_semaphore, #tpu.memory_space<semaphore_mem>>
        %dma_start3A_33 = arith.constant 0 : i32
        %dma_start3A_34 = tpu.memref_slice %arg5[%mul3A_8, %dma_start3A_33] : memref<4800x128xf32, #tpu.memory_space<hbm>> -> memref<160x128xf32, #tpu.memory_space<hbm>>
        %dma_start3A_35 = arith.constant 0 : i32
        %dma_start3A_36 = tpu.memref_slice %arg5[%mul3A_8, %dma_start3A_35] : memref<4800x128xf32, #tpu.memory_space<hbm>> -> memref<160x128xf32, #tpu.memory_space<hbm>>
        tpu.enqueue_dma source(%arg9 : memref<160x128xf32, #tpu.memory_space<vmem>>) target(%dma_start3A_36 : memref<160x128xf32, #tpu.memory_space<hbm>>) target_semaphore(%run_scoped3A : memref<!tpu.dma_semaphore, #tpu.memory_space<semaphore_mem>>)
        %dma_wait3A_37 = arith.constant 0 : i32
        %dma_wait3A_38 = tpu.memref_slice %arg5[%mul3A_8, %dma_wait3A_37] : memref<4800x128xf32, #tpu.memory_space<hbm>> -> memref<160x128xf32, #tpu.memory_space<hbm>>
        %dma_wait3A_39 = arith.constant 0 : i32
        %dma_wait3A_40 = tpu.memref_slice %arg5[%mul3A_8, %dma_wait3A_39] : memref<4800x128xf32, #tpu.memory_space<hbm>> -> memref<160x128xf32, #tpu.memory_space<hbm>>
        tpu.wait_dma2 semaphore(%run_scoped3A : memref<!tpu.dma_semaphore, #tpu.memory_space<semaphore_mem>>) src(%arg9 : memref<160x128xf32, #tpu.memory_space<vmem>>) dst(%dma_wait3A_40 : memref<160x128xf32, #tpu.memory_space<hbm>>)
        tpu.yield
      }) : () -> ()
    } else {
    }
    %ge3A = arith.constant 30 : i32
    %ge3A_3 = arith.cmpi sge, %add3A, %ge3A : i32
    %convert_element_type3A_4 = arith.extui %ge3A_3 : i1 to i32
    %cond3A_5 = arith.constant 0 : i32
    %cond3A_6 = arith.cmpi ne, %convert_element_type3A_4, %cond3A_5 : i32
    scf.if %cond3A_6 {
      %sub3A = arith.constant 30 : i32
      %sub3A_7 = arith.subi %add3A, %sub3A : i32
      %mul3A_8 = arith.constant 80 : i32
      %mul3A_9 = arith.muli %sub3A_7, %mul3A_8 : i32
      "tpu.region"() ({
        %run_scoped3A = tpu.sem_alloc : memref<!tpu.dma_semaphore, #tpu.memory_space<semaphore_mem>>
        %dma_start3A_20 = tpu.memref_slice %arg4[%mul3A_9] : memref<160xi32, #tpu.memory_space<hbm>> -> memref<80xi32, #tpu.memory_space<hbm>>
        %dma_start3A_21 = tpu.memref_slice %arg4[%mul3A_9] : memref<160xi32, #tpu.memory_space<hbm>> -> memref<80xi32, #tpu.memory_space<hbm>>
        tpu.enqueue_dma source(%dma_start3A_21 : memref<80xi32, #tpu.memory_space<hbm>>) target(%arg7 : memref<80xi32, #tpu.memory_space<vmem>>) target_semaphore(%run_scoped3A : memref<!tpu.dma_semaphore, #tpu.memory_space<semaphore_mem>>)
        %dma_wait3A_22 = tpu.memref_slice %arg4[%mul3A_9] : memref<160xi32, #tpu.memory_space<hbm>> -> memref<80xi32, #tpu.memory_space<hbm>>
        %dma_wait3A_23 = tpu.memref_slice %arg4[%mul3A_9] : memref<160xi32, #tpu.memory_space<hbm>> -> memref<80xi32, #tpu.memory_space<hbm>>
        tpu.wait_dma2 semaphore(%run_scoped3A : memref<!tpu.dma_semaphore, #tpu.memory_space<semaphore_mem>>) src(%dma_wait3A_23 : memref<80xi32, #tpu.memory_space<hbm>>) dst(%arg7 : memref<80xi32, #tpu.memory_space<vmem>>)
        tpu.yield
      }) : () -> ()
      %dma_start3A = arith.constant 0 : i32
      %dma_start3A_10 = arith.constant 0 : i32
      %dma_start3A_11 = tpu.memref_slice %arg9[%dma_start3A, %dma_start3A_10] : memref<160x128xf32, #tpu.memory_space<vmem>> -> memref<80x128xf32, #tpu.memory_space<vmem>>
      %dma_start3A_12 = arith.constant 0 : i32
      %dma_start3A_13 = arith.constant 0 : i32
      %dma_start3A_14 = tpu.memref_slice %arg2[%dma_start3A_12, %dma_start3A_13] : memref<50000x128xf32, #tpu.memory_space<hbm>> -> memref<50000x128xf32, #tpu.memory_space<hbm>>
      tpu.enqueue_indirect_dma source(%dma_start3A_14 : memref<50000x128xf32, #tpu.memory_space<hbm>>) target(%dma_start3A_11 : memref<80x128xf32, #tpu.memory_space<vmem>>) offsets(%arg7 : memref<80xi32, #tpu.memory_space<vmem>>) semaphore(%arg10 : memref<!tpu.dma_semaphore, #tpu.memory_space<semaphore_mem>>)
      %dma_wait3A = arith.constant 0 : i32
      %dma_wait3A_15 = arith.constant 0 : i32
      %dma_wait3A_16 = tpu.memref_slice %arg9[%dma_wait3A, %dma_wait3A_15] : memref<160x128xf32, #tpu.memory_space<vmem>> -> memref<80x128xf32, #tpu.memory_space<vmem>>
      %dma_wait3A_17 = arith.constant 0 : i32
      %dma_wait3A_18 = arith.constant 0 : i32
      %dma_wait3A_19 = tpu.memref_slice %arg2[%dma_wait3A_17, %dma_wait3A_18] : memref<50000x128xf32, #tpu.memory_space<hbm>> -> memref<50000x128xf32, #tpu.memory_space<hbm>>
      tpu.wait_indirect_dma semaphore(%arg10 : memref<!tpu.dma_semaphore, #tpu.memory_space<semaphore_mem>>) src(%dma_wait3A_19 : memref<50000x128xf32, #tpu.memory_space<hbm>>) dst(%dma_wait3A_16 : memref<80x128xf32, #tpu.memory_space<vmem>>)
      "tpu.region"() ({
        %run_scoped3A = tpu.sem_alloc : memref<!tpu.dma_semaphore, #tpu.memory_space<semaphore_mem>>
        %dma_start3A_20 = arith.constant 0 : i32
        %dma_start3A_21 = arith.constant 0 : i32
        %dma_start3A_22 = tpu.memref_slice %arg9[%dma_start3A_20, %dma_start3A_21] : memref<160x128xf32, #tpu.memory_space<vmem>> -> memref<80x128xf32, #tpu.memory_space<vmem>>
        %dma_start3A_23 = arith.constant 0 : i32
        %dma_start3A_24 = tpu.memref_slice %arg6[%mul3A_9, %dma_start3A_23] : memref<160x128xf32, #tpu.memory_space<hbm>> -> memref<80x128xf32, #tpu.memory_space<hbm>>
        %dma_start3A_25 = arith.constant 0 : i32
        %dma_start3A_26 = tpu.memref_slice %arg6[%mul3A_9, %dma_start3A_25] : memref<160x128xf32, #tpu.memory_space<hbm>> -> memref<80x128xf32, #tpu.memory_space<hbm>>
        %dma_start3A_27 = arith.constant 0 : i32
        %dma_start3A_28 = arith.constant 0 : i32
        %dma_start3A_29 = tpu.memref_slice %arg9[%dma_start3A_27, %dma_start3A_28] : memref<160x128xf32, #tpu.memory_space<vmem>> -> memref<80x128xf32, #tpu.memory_space<vmem>>
        tpu.enqueue_dma source(%dma_start3A_29 : memref<80x128xf32, #tpu.memory_space<vmem>>) target(%dma_start3A_26 : memref<80x128xf32, #tpu.memory_space<hbm>>) target_semaphore(%run_scoped3A : memref<!tpu.dma_semaphore, #tpu.memory_space<semaphore_mem>>)
        %dma_wait3A_30 = arith.constant 0 : i32
        %dma_wait3A_31 = arith.constant 0 : i32
        %dma_wait3A_32 = tpu.memref_slice %arg9[%dma_wait3A_30, %dma_wait3A_31] : memref<160x128xf32, #tpu.memory_space<vmem>> -> memref<80x128xf32, #tpu.memory_space<vmem>>
        %dma_wait3A_33 = arith.constant 0 : i32
        %dma_wait3A_34 = tpu.memref_slice %arg6[%mul3A_9, %dma_wait3A_33] : memref<160x128xf32, #tpu.memory_space<hbm>> -> memref<80x128xf32, #tpu.memory_space<hbm>>
        %dma_wait3A_35 = arith.constant 0 : i32
        %dma_wait3A_36 = tpu.memref_slice %arg6[%mul3A_9, %dma_wait3A_35] : memref<160x128xf32, #tpu.memory_space<hbm>> -> memref<80x128xf32, #tpu.memory_space<hbm>>
        %dma_wait3A_37 = arith.constant 0 : i32
        %dma_wait3A_38 = arith.constant 0 : i32
        %dma_wait3A_39 = tpu.memref_slice %arg9[%dma_wait3A_37, %dma_wait3A_38] : memref<160x128xf32, #tpu.memory_space<vmem>> -> memref<80x128xf32, #tpu.memory_space<vmem>>
        tpu.wait_dma2 semaphore(%run_scoped3A : memref<!tpu.dma_semaphore, #tpu.memory_space<semaphore_mem>>) src(%dma_wait3A_39 : memref<80x128xf32, #tpu.memory_space<vmem>>) dst(%dma_wait3A_36 : memref<80x128xf32, #tpu.memory_space<hbm>>)
        tpu.yield
      }) : () -> ()
    } else {
    }
    return
  }
}

module attributes {stable_mosaic.version = 14 : i64} {
  func.func @body(%arg0: memref<4x3x400x128xf32, #tpu.memory_space<vmem>>, %arg1: memref<160x128xf32, #tpu.memory_space<vmem>>, %arg2: memref<128x256xf32, #tpu.memory_space<vmem>>, %arg3: memref<128x256xf32, #tpu.memory_space<vmem>>, %arg4: memref<256x256xf32, #tpu.memory_space<vmem>>, %arg5: memref<1x256xf32, #tpu.memory_space<vmem>>, %arg6: memref<1x256xf32, #tpu.memory_space<vmem>>, %arg7: memref<12xi32, #tpu.memory_space<smem>>, %arg8: memref<4xi32, #tpu.memory_space<smem>>, %arg9: memref<128x256xf32, #tpu.memory_space<vmem>>, %arg10: memref<128x1xf32, #tpu.memory_space<vmem>>, %arg11: memref<3x128x400xf32, #tpu.memory_space<vmem>>) attributes {dimension_semantics = [], scalar_prefetch = 0 : i64, scratch_operands = 0 : i64, tpu.core_type = #tpu.core_type<tc>} {
    %get3A = arith.constant 0 : index
    %get3A_0 = arith.constant 0 : index
    %get3A_1 = vector.load %arg1[%get3A, %get3A_0] : memref<160x128xf32, #tpu.memory_space<vmem>>, vector<128x128xf32>
    %get3A_2 = arith.constant 0 : index
    %get3A_3 = arith.constant 0 : index
    %get3A_4 = vector.load %arg3[%get3A_2, %get3A_3] : memref<128x256xf32, #tpu.memory_space<vmem>>, vector<128x256xf32>
    %dot_general3A = arith.constant dense<0.000000e+00> : vector<128x256xf32>
    %dot_general3A_5 = tpu.matmul %get3A_1, %get3A_4, %dot_general3A {dimension_numbers = #tpu.dot_dimension_numbers<[1], [0], [0], [1], [0, 0, 1, 1], [], []>, transpose_lhs_hint = false} : vector<128x128xf32>, vector<128x256xf32>, vector<128x256xf32> -> vector<128x256xf32>
    %tanh3A = math.tanh %dot_general3A_5 : vector<128x256xf32>
    %get3A_6 = arith.constant 0 : index
    %get3A_7 = arith.constant 0 : index
    %get3A_8 = vector.load %arg4[%get3A_6, %get3A_7] : memref<256x256xf32, #tpu.memory_space<vmem>>, vector<256x256xf32>
    %dot_general3A_9 = arith.constant dense<0.000000e+00> : vector<128x256xf32>
    %dot_general3A_10 = tpu.matmul %tanh3A, %get3A_8, %dot_general3A_9 {dimension_numbers = #tpu.dot_dimension_numbers<[1], [0], [0], [1], [0, 0, 1, 1], [], []>, transpose_lhs_hint = false} : vector<128x256xf32>, vector<256x256xf32>, vector<128x256xf32> -> vector<128x256xf32>
    %swap3A = arith.constant 0 : index
    %swap3A_11 = arith.constant 0 : index
    %swap3A_12 = vector.load %arg9[%swap3A, %swap3A_11] : memref<128x256xf32, #tpu.memory_space<vmem>>, vector<128x256xf32>
    tpu.vector_store %arg9[%swap3A, %swap3A_11], %tanh3A {strides = array<i32>} : memref<128x256xf32, #tpu.memory_space<vmem>>, vector<128x256xf32>,
    %slice3A = vector.extract_strided_slice %dot_general3A_10 {offsets = [0, 0], sizes = [32, 256], strides = [1, 1]} : vector<128x256xf32> to vector<32x256xf32>
    %slice3A_13 = vector.extract_strided_slice %tanh3A {offsets = [0, 0], sizes = [32, 256], strides = [1, 1]} : vector<128x256xf32> to vector<32x256xf32>
    %get3A_14 = arith.constant 0 : index
    %get3A_15 = arith.constant 0 : index
    %get3A_16 = arith.constant 0 : index
    %get3A_17 = arith.constant 0 : index
    %get3A_18 = vector.load %arg0[%get3A_14, %get3A_15, %get3A_16, %get3A_17] : memref<4x3x400x128xf32, #tpu.memory_space<vmem>>, vector<1x1x400x128xf32>
    %get3A_19 = vector.shape_cast %get3A_18 : vector<1x1x400x128xf32> to vector<400x128xf32>
    %get3A_20 = arith.constant 0 : index
    %get3A_21 = arith.constant 0 : index
    %get3A_22 = vector.load %arg2[%get3A_20, %get3A_21] : memref<128x256xf32, #tpu.memory_space<vmem>>, vector<128x256xf32>
    %dot_general3A_23 = arith.constant dense<0.000000e+00> : vector<400x256xf32>
    %dot_general3A_24 = tpu.matmul %get3A_19, %get3A_22, %dot_general3A_23 {dimension_numbers = #tpu.dot_dimension_numbers<[1], [0], [0], [1], [0, 0, 1, 1], [], []>, transpose_lhs_hint = false} : vector<400x128xf32>, vector<128x256xf32>, vector<400x256xf32> -> vector<400x256xf32>
    %tanh3A_25 = math.tanh %dot_general3A_24 : vector<400x256xf32>
    %dot_general3A_26 = arith.constant dense<0.000000e+00> : vector<32x400xf32>
    %dot_general3A_27 = tpu.matmul %slice3A, %tanh3A_25, %dot_general3A_26 {dimension_numbers = #tpu.dot_dimension_numbers<[1], [1], [0], [0], [0, 0, 1, 0], [], []>, transpose_lhs_hint = false} : vector<32x256xf32>, vector<400x256xf32>, vector<32x400xf32> -> vector<32x400xf32>
    %iota3A = tpu.iota {dimensions = array<i32: 1>} : vector<32x400xi32>
    %get3A_28 = arith.constant 0 : index
    %get3A_29 = memref.load %arg7[%get3A_28] : memref<12xi32, #tpu.memory_space<smem>>
    %lt3A = vector.broadcast %get3A_29 : i32 to vector<32x400xi32>
    %lt3A_30 = arith.cmpi slt, %iota3A, %lt3A : vector<32x400xi32>
    %jit3A = arith.constant -1.000000e+09 : f32
    %broadcast_in_dim3A = vector.broadcast %jit3A : f32 to vector<32x400xf32>
    %select_n3A = arith.select %lt3A_30, %dot_general3A_27, %broadcast_in_dim3A : vector<32x400xi1>, vector<32x400xf32>
    %reduce_max3A = arith.constant dense<0xFF800000> : vector<32xf32>
    %reduce_max3A_31 = vector.multi_reduction <maximumf>, %select_n3A, %reduce_max3A [1] : vector<32x400xf32> to vector<32xf32>
    %broadcast_in_dim3A_32 = vector.shape_cast %reduce_max3A_31 : vector<32xf32> to vector<32x1xf32>
    %sub3A = vector.broadcast %broadcast_in_dim3A_32 : vector<32x1xf32> to vector<32x400xf32>
    %sub3A_33 = arith.subf %select_n3A, %sub3A : vector<32x400xf32>
    %exp3A = math.exp %sub3A_33 : vector<32x400xf32>
    %reduce_sum3A = arith.constant dense<0.000000e+00> : vector<32xf32>
    %reduce_sum3A_34 = vector.multi_reduction <add>, %exp3A, %reduce_sum3A [1] : vector<32x400xf32> to vector<32xf32>
    %broadcast_in_dim3A_35 = vector.shape_cast %reduce_sum3A_34 : vector<32xf32> to vector<32x1xf32>
    %div3A = vector.broadcast %broadcast_in_dim3A_35 : vector<32x1xf32> to vector<32x400xf32>
    %div3A_36 = arith.divf %exp3A, %div3A : vector<32x400xf32>
    %dot_general3A_37 = arith.constant dense<0.000000e+00> : vector<32x256xf32>
    %dot_general3A_38 = tpu.matmul %div3A_36, %tanh3A_25, %dot_general3A_37 {dimension_numbers = #tpu.dot_dimension_numbers<[1], [0], [0], [1], [0, 0, 1, 1], [], []>, transpose_lhs_hint = false} : vector<32x400xf32>, vector<400x256xf32>, vector<32x256xf32> -> vector<32x256xf32>
    %add3A = arith.addf %dot_general3A_38, %slice3A_13 : vector<32x256xf32>
    %get3A_39 = arith.constant 0 : index
    %get3A_40 = arith.constant 0 : index
    %get3A_41 = vector.load %arg5[%get3A_39, %get3A_40] : memref<1x256xf32, #tpu.memory_space<vmem>>, vector<1x256xf32>
    %mul3A = vector.broadcast %get3A_41 : vector<1x256xf32> to vector<32x256xf32>
    %mul3A_42 = arith.mulf %add3A, %mul3A : vector<32x256xf32>
    %reduce_sum3A_43 = arith.constant dense<0.000000e+00> : vector<32xf32>
    %reduce_sum3A_44 = vector.multi_reduction <add>, %mul3A_42, %reduce_sum3A_43 [1] : vector<32x256xf32> to vector<32xf32>
    %broadcast_in_dim3A_45 = vector.shape_cast %reduce_sum3A_44 : vector<32xf32> to vector<32x1xf32>
    %neg3A = arith.constant 0.000000e+00 : f32
    %neg3A_46 = vector.broadcast %neg3A : f32 to vector<32x1xf32>
    %neg3A_47 = arith.subf %neg3A_46, %broadcast_in_dim3A_45 : vector<32x1xf32>
    %exp3A_48 = math.exp %neg3A_47 : vector<32x1xf32>
    %add3A_49 = arith.constant 1.000000e+00 : f32
    %add3A_50 = vector.broadcast %add3A_49 : f32 to vector<32x1xf32>
    %add3A_51 = arith.addf %add3A_50, %exp3A_48 : vector<32x1xf32>
    %div3A_52 = arith.constant 1.000000e+00 : f32
    %div3A_53 = vector.broadcast %div3A_52 : f32 to vector<32x1xf32>
    %div3A_54 = arith.divf %div3A_53, %add3A_51 : vector<32x1xf32>
    %get3A_55 = arith.constant 0 : index
    %get3A_56 = arith.constant 0 : index
    %get3A_57 = vector.load %arg6[%get3A_55, %get3A_56] : memref<1x256xf32, #tpu.memory_space<vmem>>, vector<1x256xf32>
    %mul3A_58 = vector.broadcast %get3A_57 : vector<1x256xf32> to vector<32x256xf32>
    %mul3A_59 = arith.mulf %add3A, %mul3A_58 : vector<32x256xf32>
    %reduce_sum3A_60 = arith.constant dense<0.000000e+00> : vector<32xf32>
    %reduce_sum3A_61 = vector.multi_reduction <add>, %mul3A_59, %reduce_sum3A_60 [1] : vector<32x256xf32> to vector<32xf32>
    %broadcast_in_dim3A_62 = vector.shape_cast %reduce_sum3A_61 : vector<32xf32> to vector<32x1xf32>
    %get3A_63 = arith.constant 0 : index
    %get3A_64 = arith.constant 1 : index
    %get3A_65 = arith.constant 0 : index
    %get3A_66 = arith.constant 0 : index
    %get3A_67 = vector.load %arg0[%get3A_63, %get3A_64, %get3A_65, %get3A_66] : memref<4x3x400x128xf32, #tpu.memory_space<vmem>>, vector<1x1x400x128xf32>
    %get3A_68 = vector.shape_cast %get3A_67 : vector<1x1x400x128xf32> to vector<400x128xf32>
    %get3A_69 = arith.constant 0 : index
    %get3A_70 = arith.constant 0 : index
    %get3A_71 = vector.load %arg2[%get3A_69, %get3A_70] : memref<128x256xf32, #tpu.memory_space<vmem>>, vector<128x256xf32>
    %dot_general3A_72 = arith.constant dense<0.000000e+00> : vector<400x256xf32>
    %dot_general3A_73 = tpu.matmul %get3A_68, %get3A_71, %dot_general3A_72 {dimension_numbers = #tpu.dot_dimension_numbers<[1], [0], [0], [1], [0, 0, 1, 1], [], []>, transpose_lhs_hint = false} : vector<400x128xf32>, vector<128x256xf32>, vector<400x256xf32> -> vector<400x256xf32>
    %tanh3A_74 = math.tanh %dot_general3A_73 : vector<400x256xf32>
    %dot_general3A_75 = arith.constant dense<0.000000e+00> : vector<32x400xf32>
    %dot_general3A_76 = tpu.matmul %slice3A, %tanh3A_74, %dot_general3A_75 {dimension_numbers = #tpu.dot_dimension_numbers<[1], [1], [0], [0], [0, 0, 1, 0], [], []>, transpose_lhs_hint = false} : vector<32x256xf32>, vector<400x256xf32>, vector<32x400xf32> -> vector<32x400xf32>
    %iota3A_77 = tpu.iota {dimensions = array<i32: 1>} : vector<32x400xi32>
    %get3A_78 = arith.constant 1 : index
    %get3A_79 = memref.load %arg7[%get3A_78] : memref<12xi32, #tpu.memory_space<smem>>
    %lt3A_80 = vector.broadcast %get3A_79 : i32 to vector<32x400xi32>
    %lt3A_81 = arith.cmpi slt, %iota3A_77, %lt3A_80 : vector<32x400xi32>
    %jit3A_82 = arith.constant -1.000000e+09 : f32
    %broadcast_in_dim3A_83 = vector.broadcast %jit3A_82 : f32 to vector<32x400xf32>
    %select_n3A_84 = arith.select %lt3A_81, %dot_general3A_76, %broadcast_in_dim3A_83 : vector<32x400xi1>, vector<32x400xf32>
    %reduce_max3A_85 = arith.constant dense<0xFF800000> : vector<32xf32>
    %reduce_max3A_86 = vector.multi_reduction <maximumf>, %select_n3A_84, %reduce_max3A_85 [1] : vector<32x400xf32> to vector<32xf32>
    %broadcast_in_dim3A_87 = vector.shape_cast %reduce_max3A_86 : vector<32xf32> to vector<32x1xf32>
    %sub3A_88 = vector.broadcast %broadcast_in_dim3A_87 : vector<32x1xf32> to vector<32x400xf32>
    %sub3A_89 = arith.subf %select_n3A_84, %sub3A_88 : vector<32x400xf32>
    %exp3A_90 = math.exp %sub3A_89 : vector<32x400xf32>
    %reduce_sum3A_91 = arith.constant dense<0.000000e+00> : vector<32xf32>
    %reduce_sum3A_92 = vector.multi_reduction <add>, %exp3A_90, %reduce_sum3A_91 [1] : vector<32x400xf32> to vector<32xf32>
    %broadcast_in_dim3A_93 = vector.shape_cast %reduce_sum3A_92 : vector<32xf32> to vector<32x1xf32>
    %div3A_94 = vector.broadcast %broadcast_in_dim3A_93 : vector<32x1xf32> to vector<32x400xf32>
    %div3A_95 = arith.divf %exp3A_90, %div3A_94 : vector<32x400xf32>
    %dot_general3A_96 = arith.constant dense<0.000000e+00> : vector<32x256xf32>
    %dot_general3A_97 = tpu.matmul %div3A_95, %tanh3A_74, %dot_general3A_96 {dimension_numbers = #tpu.dot_dimension_numbers<[1], [0], [0], [1], [0, 0, 1, 1], [], []>, transpose_lhs_hint = false} : vector<32x400xf32>, vector<400x256xf32>, vector<32x256xf32> -> vector<32x256xf32>
    %add3A_98 = arith.addf %dot_general3A_97, %slice3A_13 : vector<32x256xf32>
    %get3A_99 = arith.constant 0 : index
    %get3A_100 = arith.constant 0 : index
    %get3A_101 = vector.load %arg5[%get3A_99, %get3A_100] : memref<1x256xf32, #tpu.memory_space<vmem>>, vector<1x256xf32>
    %mul3A_102 = vector.broadcast %get3A_101 : vector<1x256xf32> to vector<32x256xf32>
    %mul3A_103 = arith.mulf %add3A_98, %mul3A_102 : vector<32x256xf32>
    %reduce_sum3A_104 = arith.constant dense<0.000000e+00> : vector<32xf32>
    %reduce_sum3A_105 = vector.multi_reduction <add>, %mul3A_103, %reduce_sum3A_104 [1] : vector<32x256xf32> to vector<32xf32>
    %broadcast_in_dim3A_106 = vector.shape_cast %reduce_sum3A_105 : vector<32xf32> to vector<32x1xf32>
    %neg3A_107 = arith.constant 0.000000e+00 : f32
    %neg3A_108 = vector.broadcast %neg3A_107 : f32 to vector<32x1xf32>
    %neg3A_109 = arith.subf %neg3A_108, %broadcast_in_dim3A_106 : vector<32x1xf32>
    %exp3A_110 = math.exp %neg3A_109 : vector<32x1xf32>
    %add3A_111 = arith.constant 1.000000e+00 : f32
    %add3A_112 = vector.broadcast %add3A_111 : f32 to vector<32x1xf32>
    %add3A_113 = arith.addf %add3A_112, %exp3A_110 : vector<32x1xf32>
    %div3A_114 = arith.constant 1.000000e+00 : f32
    %div3A_115 = vector.broadcast %div3A_114 : f32 to vector<32x1xf32>
    %div3A_116 = arith.divf %div3A_115, %add3A_113 : vector<32x1xf32>
    %get3A_117 = arith.constant 0 : index
    %get3A_118 = arith.constant 0 : index
    %get3A_119 = vector.load %arg6[%get3A_117, %get3A_118] : memref<1x256xf32, #tpu.memory_space<vmem>>, vector<1x256xf32>
    %mul3A_120 = vector.broadcast %get3A_119 : vector<1x256xf32> to vector<32x256xf32>
    %mul3A_121 = arith.mulf %add3A_98, %mul3A_120 : vector<32x256xf32>
    %reduce_sum3A_122 = arith.constant dense<0.000000e+00> : vector<32xf32>
    %reduce_sum3A_123 = vector.multi_reduction <add>, %mul3A_121, %reduce_sum3A_122 [1] : vector<32x256xf32> to vector<32xf32>
    %broadcast_in_dim3A_124 = vector.shape_cast %reduce_sum3A_123 : vector<32xf32> to vector<32x1xf32>
    %get3A_125 = arith.constant 0 : index
    %get3A_126 = arith.constant 2 : index
    %get3A_127 = arith.constant 0 : index
    %get3A_128 = arith.constant 0 : index
    %get3A_129 = vector.load %arg0[%get3A_125, %get3A_126, %get3A_127, %get3A_128] : memref<4x3x400x128xf32, #tpu.memory_space<vmem>>, vector<1x1x400x128xf32>
    %get3A_130 = vector.shape_cast %get3A_129 : vector<1x1x400x128xf32> to vector<400x128xf32>
    %get3A_131 = arith.constant 0 : index
    %get3A_132 = arith.constant 0 : index
    %get3A_133 = vector.load %arg2[%get3A_131, %get3A_132] : memref<128x256xf32, #tpu.memory_space<vmem>>, vector<128x256xf32>
    %dot_general3A_134 = arith.constant dense<0.000000e+00> : vector<400x256xf32>
    %dot_general3A_135 = tpu.matmul %get3A_130, %get3A_133, %dot_general3A_134 {dimension_numbers = #tpu.dot_dimension_numbers<[1], [0], [0], [1], [0, 0, 1, 1], [], []>, transpose_lhs_hint = false} : vector<400x128xf32>, vector<128x256xf32>, vector<400x256xf32> -> vector<400x256xf32>
    %tanh3A_136 = math.tanh %dot_general3A_135 : vector<400x256xf32>
    %dot_general3A_137 = arith.constant dense<0.000000e+00> : vector<32x400xf32>
    %dot_general3A_138 = tpu.matmul %slice3A, %tanh3A_136, %dot_general3A_137 {dimension_numbers = #tpu.dot_dimension_numbers<[1], [1], [0], [0], [0, 0, 1, 0], [], []>, transpose_lhs_hint = false} : vector<32x256xf32>, vector<400x256xf32>, vector<32x400xf32> -> vector<32x400xf32>
    %iota3A_139 = tpu.iota {dimensions = array<i32: 1>} : vector<32x400xi32>
    %get3A_140 = arith.constant 2 : index
    %get3A_141 = memref.load %arg7[%get3A_140] : memref<12xi32, #tpu.memory_space<smem>>
    %lt3A_142 = vector.broadcast %get3A_141 : i32 to vector<32x400xi32>
    %lt3A_143 = arith.cmpi slt, %iota3A_139, %lt3A_142 : vector<32x400xi32>
    %jit3A_144 = arith.constant -1.000000e+09 : f32
    %broadcast_in_dim3A_145 = vector.broadcast %jit3A_144 : f32 to vector<32x400xf32>
    %select_n3A_146 = arith.select %lt3A_143, %dot_general3A_138, %broadcast_in_dim3A_145 : vector<32x400xi1>, vector<32x400xf32>
    %reduce_max3A_147 = arith.constant dense<0xFF800000> : vector<32xf32>
    %reduce_max3A_148 = vector.multi_reduction <maximumf>, %select_n3A_146, %reduce_max3A_147 [1] : vector<32x400xf32> to vector<32xf32>
    %broadcast_in_dim3A_149 = vector.shape_cast %reduce_max3A_148 : vector<32xf32> to vector<32x1xf32>
    %sub3A_150 = vector.broadcast %broadcast_in_dim3A_149 : vector<32x1xf32> to vector<32x400xf32>
    %sub3A_151 = arith.subf %select_n3A_146, %sub3A_150 : vector<32x400xf32>
    %exp3A_152 = math.exp %sub3A_151 : vector<32x400xf32>
    %reduce_sum3A_153 = arith.constant dense<0.000000e+00> : vector<32xf32>
    %reduce_sum3A_154 = vector.multi_reduction <add>, %exp3A_152, %reduce_sum3A_153 [1] : vector<32x400xf32> to vector<32xf32>
    %broadcast_in_dim3A_155 = vector.shape_cast %reduce_sum3A_154 : vector<32xf32> to vector<32x1xf32>
    %div3A_156 = vector.broadcast %broadcast_in_dim3A_155 : vector<32x1xf32> to vector<32x400xf32>
    %div3A_157 = arith.divf %exp3A_152, %div3A_156 : vector<32x400xf32>
    %dot_general3A_158 = arith.constant dense<0.000000e+00> : vector<32x256xf32>
    %dot_general3A_159 = tpu.matmul %div3A_157, %tanh3A_136, %dot_general3A_158 {dimension_numbers = #tpu.dot_dimension_numbers<[1], [0], [0], [1], [0, 0, 1, 1], [], []>, transpose_lhs_hint = false} : vector<32x400xf32>, vector<400x256xf32>, vector<32x256xf32> -> vector<32x256xf32>
    %add3A_160 = arith.addf %dot_general3A_159, %slice3A_13 : vector<32x256xf32>
    %get3A_161 = arith.constant 0 : index
    %get3A_162 = arith.constant 0 : index
    %get3A_163 = vector.load %arg5[%get3A_161, %get3A_162] : memref<1x256xf32, #tpu.memory_space<vmem>>, vector<1x256xf32>
    %mul3A_164 = vector.broadcast %get3A_163 : vector<1x256xf32> to vector<32x256xf32>
    %mul3A_165 = arith.mulf %add3A_160, %mul3A_164 : vector<32x256xf32>
    %reduce_sum3A_166 = arith.constant dense<0.000000e+00> : vector<32xf32>
    %reduce_sum3A_167 = vector.multi_reduction <add>, %mul3A_165, %reduce_sum3A_166 [1] : vector<32x256xf32> to vector<32xf32>
    %broadcast_in_dim3A_168 = vector.shape_cast %reduce_sum3A_167 : vector<32xf32> to vector<32x1xf32>
    %neg3A_169 = arith.constant 0.000000e+00 : f32
    %neg3A_170 = vector.broadcast %neg3A_169 : f32 to vector<32x1xf32>
    %neg3A_171 = arith.subf %neg3A_170, %broadcast_in_dim3A_168 : vector<32x1xf32>
    %exp3A_172 = math.exp %neg3A_171 : vector<32x1xf32>
    %add3A_173 = arith.constant 1.000000e+00 : f32
    %add3A_174 = vector.broadcast %add3A_173 : f32 to vector<32x1xf32>
    %add3A_175 = arith.addf %add3A_174, %exp3A_172 : vector<32x1xf32>
    %div3A_176 = arith.constant 1.000000e+00 : f32
    %div3A_177 = vector.broadcast %div3A_176 : f32 to vector<32x1xf32>
    %div3A_178 = arith.divf %div3A_177, %add3A_175 : vector<32x1xf32>
    %get3A_179 = arith.constant 0 : index
    %get3A_180 = arith.constant 0 : index
    %get3A_181 = vector.load %arg6[%get3A_179, %get3A_180] : memref<1x256xf32, #tpu.memory_space<vmem>>, vector<1x256xf32>
    %mul3A_182 = vector.broadcast %get3A_181 : vector<1x256xf32> to vector<32x256xf32>
    %mul3A_183 = arith.mulf %add3A_160, %mul3A_182 : vector<32x256xf32>
    %reduce_sum3A_184 = arith.constant dense<0.000000e+00> : vector<32xf32>
    %reduce_sum3A_185 = vector.multi_reduction <add>, %mul3A_183, %reduce_sum3A_184 [1] : vector<32x256xf32> to vector<32xf32>
    %broadcast_in_dim3A_186 = vector.shape_cast %reduce_sum3A_185 : vector<32xf32> to vector<32x1xf32>
    %max3A = arith.maximumf %broadcast_in_dim3A_62, %broadcast_in_dim3A_124 : vector<32x1xf32>
    %max3A_187 = arith.maximumf %max3A, %broadcast_in_dim3A_186 : vector<32x1xf32>
    %sub3A_188 = arith.subf %broadcast_in_dim3A_62, %max3A_187 : vector<32x1xf32>
    %exp3A_189 = math.exp %sub3A_188 : vector<32x1xf32>
    %sub3A_190 = arith.subf %broadcast_in_dim3A_124, %max3A_187 : vector<32x1xf32>
    %exp3A_191 = math.exp %sub3A_190 : vector<32x1xf32>
    %sub3A_192 = arith.subf %broadcast_in_dim3A_186, %max3A_187 : vector<32x1xf32>
    %exp3A_193 = math.exp %sub3A_192 : vector<32x1xf32>
    %add3A_194 = arith.addf %exp3A_189, %exp3A_191 : vector<32x1xf32>
    %add3A_195 = arith.addf %add3A_194, %exp3A_193 : vector<32x1xf32>
    %iota3A_196 = tpu.iota {dimensions = array<i32: 0>} : vector<32x1xi32>
    %get3A_197 = arith.constant 0 : index
    %get3A_198 = memref.load %arg8[%get3A_197] : memref<4xi32, #tpu.memory_space<smem>>
    %lt3A_199 = vector.broadcast %get3A_198 : i32 to vector<32x1xi32>
    %lt3A_200 = arith.cmpi slt, %iota3A_196, %lt3A_199 : vector<32x1xi32>
    %convert_element_type3A = arith.extui %lt3A_200 : vector<32x1xi1> to vector<32x1xi32>
    %convert_element_type3A_201 = arith.sitofp %convert_element_type3A : vector<32x1xi32> to vector<32x1xf32>
    %div3A_202 = arith.divf %exp3A_189, %add3A_195 : vector<32x1xf32>
    %div3A_203 = arith.divf %exp3A_191, %add3A_195 : vector<32x1xf32>
    %div3A_204 = arith.divf %exp3A_193, %add3A_195 : vector<32x1xf32>
    %mul3A_205 = arith.mulf %div3A_202, %div3A_54 : vector<32x1xf32>
    %mul3A_206 = arith.mulf %div3A_203, %div3A_116 : vector<32x1xf32>
    %add3A_207 = arith.addf %mul3A_205, %mul3A_206 : vector<32x1xf32>
    %mul3A_208 = arith.mulf %div3A_204, %div3A_178 : vector<32x1xf32>
    %add3A_209 = arith.addf %add3A_207, %mul3A_208 : vector<32x1xf32>
    %mul3A_210 = arith.mulf %add3A_209, %convert_element_type3A_201 : vector<32x1xf32>
    %swap3A_211 = arith.constant 0 : index
    %swap3A_212 = arith.constant 0 : index
    %swap3A_213 = vector.load %arg10[%swap3A_211, %swap3A_212] : memref<128x1xf32, #tpu.memory_space<vmem>>, vector<32x1xf32>
    tpu.vector_store %arg10[%swap3A_211, %swap3A_212], %mul3A_210 {strides = array<i32>} : memref<128x1xf32, #tpu.memory_space<vmem>>, vector<32x1xf32>,
    %sub3A_214 = arith.constant 1.000000e+00 : f32
    %sub3A_215 = vector.broadcast %sub3A_214 : f32 to vector<32x1xf32>
    %sub3A_216 = arith.subf %sub3A_215, %div3A_54 : vector<32x1xf32>
    %mul3A_217 = arith.mulf %div3A_202, %sub3A_216 : vector<32x1xf32>
    %mul3A_218 = arith.mulf %mul3A_217, %convert_element_type3A_201 : vector<32x1xf32>
    %mul3A_219 = vector.broadcast %mul3A_218 : vector<32x1xf32> to vector<32x400xf32>
    %mul3A_220 = arith.mulf %mul3A_219, %div3A_36 : vector<32x400xf32>
    %swap3A_221 = arith.constant 0 : index
    %swap3A_222 = arith.constant 0 : index
    %swap3A_223 = arith.constant 0 : index
    %swap3A_224 = vector.load %arg11[%swap3A_221, %swap3A_222, %swap3A_223] : memref<3x128x400xf32, #tpu.memory_space<vmem>>, vector<1x32x400xf32>
    %swap3A_225 = vector.shape_cast %swap3A_224 : vector<1x32x400xf32> to vector<32x400xf32>
    %swap3A_226 = vector.shape_cast %mul3A_220 : vector<32x400xf32> to vector<1x32x400xf32>
    tpu.vector_store %arg11[%swap3A_221, %swap3A_222, %swap3A_223], %swap3A_226 {strides = array<i32>} : memref<3x128x400xf32, #tpu.memory_space<vmem>>, vector<1x32x400xf32>,
    %sub3A_227 = arith.constant 1.000000e+00 : f32
    %sub3A_228 = vector.broadcast %sub3A_227 : f32 to vector<32x1xf32>
    %sub3A_229 = arith.subf %sub3A_228, %div3A_116 : vector<32x1xf32>
    %mul3A_230 = arith.mulf %div3A_203, %sub3A_229 : vector<32x1xf32>
    %mul3A_231 = arith.mulf %mul3A_230, %convert_element_type3A_201 : vector<32x1xf32>
    %mul3A_232 = vector.broadcast %mul3A_231 : vector<32x1xf32> to vector<32x400xf32>
    %mul3A_233 = arith.mulf %mul3A_232, %div3A_95 : vector<32x400xf32>
    %swap3A_234 = arith.constant 1 : index
    %swap3A_235 = arith.constant 0 : index
    %swap3A_236 = arith.constant 0 : index
    %swap3A_237 = vector.load %arg11[%swap3A_234, %swap3A_235, %swap3A_236] : memref<3x128x400xf32, #tpu.memory_space<vmem>>, vector<1x32x400xf32>
    %swap3A_238 = vector.shape_cast %swap3A_237 : vector<1x32x400xf32> to vector<32x400xf32>
    %swap3A_239 = vector.shape_cast %mul3A_233 : vector<32x400xf32> to vector<1x32x400xf32>
    tpu.vector_store %arg11[%swap3A_234, %swap3A_235, %swap3A_236], %swap3A_239 {strides = array<i32>} : memref<3x128x400xf32, #tpu.memory_space<vmem>>, vector<1x32x400xf32>,
    %sub3A_240 = arith.constant 1.000000e+00 : f32
    %sub3A_241 = vector.broadcast %sub3A_240 : f32 to vector<32x1xf32>
    %sub3A_242 = arith.subf %sub3A_241, %div3A_178 : vector<32x1xf32>
    %mul3A_243 = arith.mulf %div3A_204, %sub3A_242 : vector<32x1xf32>
    %mul3A_244 = arith.mulf %mul3A_243, %convert_element_type3A_201 : vector<32x1xf32>
    %mul3A_245 = vector.broadcast %mul3A_244 : vector<32x1xf32> to vector<32x400xf32>
    %mul3A_246 = arith.mulf %mul3A_245, %div3A_157 : vector<32x400xf32>
    %swap3A_247 = arith.constant 2 : index
    %swap3A_248 = arith.constant 0 : index
    %swap3A_249 = arith.constant 0 : index
    %swap3A_250 = vector.load %arg11[%swap3A_247, %swap3A_248, %swap3A_249] : memref<3x128x400xf32, #tpu.memory_space<vmem>>, vector<1x32x400xf32>
    %swap3A_251 = vector.shape_cast %swap3A_250 : vector<1x32x400xf32> to vector<32x400xf32>
    %swap3A_252 = vector.shape_cast %mul3A_246 : vector<32x400xf32> to vector<1x32x400xf32>
    tpu.vector_store %arg11[%swap3A_247, %swap3A_248, %swap3A_249], %swap3A_252 {strides = array<i32>} : memref<3x128x400xf32, #tpu.memory_space<vmem>>, vector<1x32x400xf32>,
    %slice3A_253 = vector.extract_strided_slice %dot_general3A_10 {offsets = [32, 0], sizes = [32, 256], strides = [1, 1]} : vector<128x256xf32> to vector<32x256xf32>
    %slice3A_254 = vector.extract_strided_slice %tanh3A {offsets = [32, 0], sizes = [32, 256], strides = [1, 1]} : vector<128x256xf32> to vector<32x256xf32>
    %get3A_255 = arith.constant 1 : index
    %get3A_256 = arith.constant 0 : index
    %get3A_257 = arith.constant 0 : index
    %get3A_258 = arith.constant 0 : index
    %get3A_259 = vector.load %arg0[%get3A_255, %get3A_256, %get3A_257, %get3A_258] : memref<4x3x400x128xf32, #tpu.memory_space<vmem>>, vector<1x1x400x128xf32>
    %get3A_260 = vector.shape_cast %get3A_259 : vector<1x1x400x128xf32> to vector<400x128xf32>
    %get3A_261 = arith.constant 0 : index
    %get3A_262 = arith.constant 0 : index
    %get3A_263 = vector.load %arg2[%get3A_261, %get3A_262] : memref<128x256xf32, #tpu.memory_space<vmem>>, vector<128x256xf32>
    %dot_general3A_264 = arith.constant dense<0.000000e+00> : vector<400x256xf32>
    %dot_general3A_265 = tpu.matmul %get3A_260, %get3A_263, %dot_general3A_264 {dimension_numbers = #tpu.dot_dimension_numbers<[1], [0], [0], [1], [0, 0, 1, 1], [], []>, transpose_lhs_hint = false} : vector<400x128xf32>, vector<128x256xf32>, vector<400x256xf32> -> vector<400x256xf32>
    %tanh3A_266 = math.tanh %dot_general3A_265 : vector<400x256xf32>
    %dot_general3A_267 = arith.constant dense<0.000000e+00> : vector<32x400xf32>
    %dot_general3A_268 = tpu.matmul %slice3A_253, %tanh3A_266, %dot_general3A_267 {dimension_numbers = #tpu.dot_dimension_numbers<[1], [1], [0], [0], [0, 0, 1, 0], [], []>, transpose_lhs_hint = false} : vector<32x256xf32>, vector<400x256xf32>, vector<32x400xf32> -> vector<32x400xf32>
    %iota3A_269 = tpu.iota {dimensions = array<i32: 1>} : vector<32x400xi32>
    %get3A_270 = arith.constant 3 : index
    %get3A_271 = memref.load %arg7[%get3A_270] : memref<12xi32, #tpu.memory_space<smem>>
    %lt3A_272 = vector.broadcast %get3A_271 : i32 to vector<32x400xi32>
    %lt3A_273 = arith.cmpi slt, %iota3A_269, %lt3A_272 : vector<32x400xi32>
    %jit3A_274 = arith.constant -1.000000e+09 : f32
    %broadcast_in_dim3A_275 = vector.broadcast %jit3A_274 : f32 to vector<32x400xf32>
    %select_n3A_276 = arith.select %lt3A_273, %dot_general3A_268, %broadcast_in_dim3A_275 : vector<32x400xi1>, vector<32x400xf32>
    %reduce_max3A_277 = arith.constant dense<0xFF800000> : vector<32xf32>
    %reduce_max3A_278 = vector.multi_reduction <maximumf>, %select_n3A_276, %reduce_max3A_277 [1] : vector<32x400xf32> to vector<32xf32>
    %broadcast_in_dim3A_279 = vector.shape_cast %reduce_max3A_278 : vector<32xf32> to vector<32x1xf32>
    %sub3A_280 = vector.broadcast %broadcast_in_dim3A_279 : vector<32x1xf32> to vector<32x400xf32>
    %sub3A_281 = arith.subf %select_n3A_276, %sub3A_280 : vector<32x400xf32>
    %exp3A_282 = math.exp %sub3A_281 : vector<32x400xf32>
    %reduce_sum3A_283 = arith.constant dense<0.000000e+00> : vector<32xf32>
    %reduce_sum3A_284 = vector.multi_reduction <add>, %exp3A_282, %reduce_sum3A_283 [1] : vector<32x400xf32> to vector<32xf32>
    %broadcast_in_dim3A_285 = vector.shape_cast %reduce_sum3A_284 : vector<32xf32> to vector<32x1xf32>
    %div3A_286 = vector.broadcast %broadcast_in_dim3A_285 : vector<32x1xf32> to vector<32x400xf32>
    %div3A_287 = arith.divf %exp3A_282, %div3A_286 : vector<32x400xf32>
    %dot_general3A_288 = arith.constant dense<0.000000e+00> : vector<32x256xf32>
    %dot_general3A_289 = tpu.matmul %div3A_287, %tanh3A_266, %dot_general3A_288 {dimension_numbers = #tpu.dot_dimension_numbers<[1], [0], [0], [1], [0, 0, 1, 1], [], []>, transpose_lhs_hint = false} : vector<32x400xf32>, vector<400x256xf32>, vector<32x256xf32> -> vector<32x256xf32>
    %add3A_290 = arith.addf %dot_general3A_289, %slice3A_254 : vector<32x256xf32>
    %get3A_291 = arith.constant 0 : index
    %get3A_292 = arith.constant 0 : index
    %get3A_293 = vector.load %arg5[%get3A_291, %get3A_292] : memref<1x256xf32, #tpu.memory_space<vmem>>, vector<1x256xf32>
    %mul3A_294 = vector.broadcast %get3A_293 : vector<1x256xf32> to vector<32x256xf32>
    %mul3A_295 = arith.mulf %add3A_290, %mul3A_294 : vector<32x256xf32>
    %reduce_sum3A_296 = arith.constant dense<0.000000e+00> : vector<32xf32>
    %reduce_sum3A_297 = vector.multi_reduction <add>, %mul3A_295, %reduce_sum3A_296 [1] : vector<32x256xf32> to vector<32xf32>
    %broadcast_in_dim3A_298 = vector.shape_cast %reduce_sum3A_297 : vector<32xf32> to vector<32x1xf32>
    %neg3A_299 = arith.constant 0.000000e+00 : f32
    %neg3A_300 = vector.broadcast %neg3A_299 : f32 to vector<32x1xf32>
    %neg3A_301 = arith.subf %neg3A_300, %broadcast_in_dim3A_298 : vector<32x1xf32>
    %exp3A_302 = math.exp %neg3A_301 : vector<32x1xf32>
    %add3A_303 = arith.constant 1.000000e+00 : f32
    %add3A_304 = vector.broadcast %add3A_303 : f32 to vector<32x1xf32>
    %add3A_305 = arith.addf %add3A_304, %exp3A_302 : vector<32x1xf32>
    %div3A_306 = arith.constant 1.000000e+00 : f32
    %div3A_307 = vector.broadcast %div3A_306 : f32 to vector<32x1xf32>
    %div3A_308 = arith.divf %div3A_307, %add3A_305 : vector<32x1xf32>
    %get3A_309 = arith.constant 0 : index
    %get3A_310 = arith.constant 0 : index
    %get3A_311 = vector.load %arg6[%get3A_309, %get3A_310] : memref<1x256xf32, #tpu.memory_space<vmem>>, vector<1x256xf32>
    %mul3A_312 = vector.broadcast %get3A_311 : vector<1x256xf32> to vector<32x256xf32>
    %mul3A_313 = arith.mulf %add3A_290, %mul3A_312 : vector<32x256xf32>
    %reduce_sum3A_314 = arith.constant dense<0.000000e+00> : vector<32xf32>
    %reduce_sum3A_315 = vector.multi_reduction <add>, %mul3A_313, %reduce_sum3A_314 [1] : vector<32x256xf32> to vector<32xf32>
    %broadcast_in_dim3A_316 = vector.shape_cast %reduce_sum3A_315 : vector<32xf32> to vector<32x1xf32>
    %get3A_317 = arith.constant 1 : index
    %get3A_318 = arith.constant 1 : index
    %get3A_319 = arith.constant 0 : index
    %get3A_320 = arith.constant 0 : index
    %get3A_321 = vector.load %arg0[%get3A_317, %get3A_318, %get3A_319, %get3A_320] : memref<4x3x400x128xf32, #tpu.memory_space<vmem>>, vector<1x1x400x128xf32>
    %get3A_322 = vector.shape_cast %get3A_321 : vector<1x1x400x128xf32> to vector<400x128xf32>
    %get3A_323 = arith.constant 0 : index
    %get3A_324 = arith.constant 0 : index
    %get3A_325 = vector.load %arg2[%get3A_323, %get3A_324] : memref<128x256xf32, #tpu.memory_space<vmem>>, vector<128x256xf32>
    %dot_general3A_326 = arith.constant dense<0.000000e+00> : vector<400x256xf32>
    %dot_general3A_327 = tpu.matmul %get3A_322, %get3A_325, %dot_general3A_326 {dimension_numbers = #tpu.dot_dimension_numbers<[1], [0], [0], [1], [0, 0, 1, 1], [], []>, transpose_lhs_hint = false} : vector<400x128xf32>, vector<128x256xf32>, vector<400x256xf32> -> vector<400x256xf32>
    %tanh3A_328 = math.tanh %dot_general3A_327 : vector<400x256xf32>
    %dot_general3A_329 = arith.constant dense<0.000000e+00> : vector<32x400xf32>
    %dot_general3A_330 = tpu.matmul %slice3A_253, %tanh3A_328, %dot_general3A_329 {dimension_numbers = #tpu.dot_dimension_numbers<[1], [1], [0], [0], [0, 0, 1, 0], [], []>, transpose_lhs_hint = false} : vector<32x256xf32>, vector<400x256xf32>, vector<32x400xf32> -> vector<32x400xf32>
    %iota3A_331 = tpu.iota {dimensions = array<i32: 1>} : vector<32x400xi32>
    %get3A_332 = arith.constant 4 : index
    %get3A_333 = memref.load %arg7[%get3A_332] : memref<12xi32, #tpu.memory_space<smem>>
    %lt3A_334 = vector.broadcast %get3A_333 : i32 to vector<32x400xi32>
    %lt3A_335 = arith.cmpi slt, %iota3A_331, %lt3A_334 : vector<32x400xi32>
    %jit3A_336 = arith.constant -1.000000e+09 : f32
    %broadcast_in_dim3A_337 = vector.broadcast %jit3A_336 : f32 to vector<32x400xf32>
    %select_n3A_338 = arith.select %lt3A_335, %dot_general3A_330, %broadcast_in_dim3A_337 : vector<32x400xi1>, vector<32x400xf32>
    %reduce_max3A_339 = arith.constant dense<0xFF800000> : vector<32xf32>
    %reduce_max3A_340 = vector.multi_reduction <maximumf>, %select_n3A_338, %reduce_max3A_339 [1] : vector<32x400xf32> to vector<32xf32>
    %broadcast_in_dim3A_341 = vector.shape_cast %reduce_max3A_340 : vector<32xf32> to vector<32x1xf32>
    %sub3A_342 = vector.broadcast %broadcast_in_dim3A_341 : vector<32x1xf32> to vector<32x400xf32>
    %sub3A_343 = arith.subf %select_n3A_338, %sub3A_342 : vector<32x400xf32>
    %exp3A_344 = math.exp %sub3A_343 : vector<32x400xf32>
    %reduce_sum3A_345 = arith.constant dense<0.000000e+00> : vector<32xf32>
    %reduce_sum3A_346 = vector.multi_reduction <add>, %exp3A_344, %reduce_sum3A_345 [1] : vector<32x400xf32> to vector<32xf32>
    %broadcast_in_dim3A_347 = vector.shape_cast %reduce_sum3A_346 : vector<32xf32> to vector<32x1xf32>
    %div3A_348 = vector.broadcast %broadcast_in_dim3A_347 : vector<32x1xf32> to vector<32x400xf32>
    %div3A_349 = arith.divf %exp3A_344, %div3A_348 : vector<32x400xf32>
    %dot_general3A_350 = arith.constant dense<0.000000e+00> : vector<32x256xf32>
    %dot_general3A_351 = tpu.matmul %div3A_349, %tanh3A_328, %dot_general3A_350 {dimension_numbers = #tpu.dot_dimension_numbers<[1], [0], [0], [1], [0, 0, 1, 1], [], []>, transpose_lhs_hint = false} : vector<32x400xf32>, vector<400x256xf32>, vector<32x256xf32> -> vector<32x256xf32>
    %add3A_352 = arith.addf %dot_general3A_351, %slice3A_254 : vector<32x256xf32>
    %get3A_353 = arith.constant 0 : index
    %get3A_354 = arith.constant 0 : index
    %get3A_355 = vector.load %arg5[%get3A_353, %get3A_354] : memref<1x256xf32, #tpu.memory_space<vmem>>, vector<1x256xf32>
    %mul3A_356 = vector.broadcast %get3A_355 : vector<1x256xf32> to vector<32x256xf32>
    %mul3A_357 = arith.mulf %add3A_352, %mul3A_356 : vector<32x256xf32>
    %reduce_sum3A_358 = arith.constant dense<0.000000e+00> : vector<32xf32>
    %reduce_sum3A_359 = vector.multi_reduction <add>, %mul3A_357, %reduce_sum3A_358 [1] : vector<32x256xf32> to vector<32xf32>
    %broadcast_in_dim3A_360 = vector.shape_cast %reduce_sum3A_359 : vector<32xf32> to vector<32x1xf32>
    %neg3A_361 = arith.constant 0.000000e+00 : f32
    %neg3A_362 = vector.broadcast %neg3A_361 : f32 to vector<32x1xf32>
    %neg3A_363 = arith.subf %neg3A_362, %broadcast_in_dim3A_360 : vector<32x1xf32>
    %exp3A_364 = math.exp %neg3A_363 : vector<32x1xf32>
    %add3A_365 = arith.constant 1.000000e+00 : f32
    %add3A_366 = vector.broadcast %add3A_365 : f32 to vector<32x1xf32>
    %add3A_367 = arith.addf %add3A_366, %exp3A_364 : vector<32x1xf32>
    %div3A_368 = arith.constant 1.000000e+00 : f32
    %div3A_369 = vector.broadcast %div3A_368 : f32 to vector<32x1xf32>
    %div3A_370 = arith.divf %div3A_369, %add3A_367 : vector<32x1xf32>
    %get3A_371 = arith.constant 0 : index
    %get3A_372 = arith.constant 0 : index
    %get3A_373 = vector.load %arg6[%get3A_371, %get3A_372] : memref<1x256xf32, #tpu.memory_space<vmem>>, vector<1x256xf32>
    %mul3A_374 = vector.broadcast %get3A_373 : vector<1x256xf32> to vector<32x256xf32>
    %mul3A_375 = arith.mulf %add3A_352, %mul3A_374 : vector<32x256xf32>
    %reduce_sum3A_376 = arith.constant dense<0.000000e+00> : vector<32xf32>
    %reduce_sum3A_377 = vector.multi_reduction <add>, %mul3A_375, %reduce_sum3A_376 [1] : vector<32x256xf32> to vector<32xf32>
    %broadcast_in_dim3A_378 = vector.shape_cast %reduce_sum3A_377 : vector<32xf32> to vector<32x1xf32>
    %get3A_379 = arith.constant 1 : index
    %get3A_380 = arith.constant 2 : index
    %get3A_381 = arith.constant 0 : index
    %get3A_382 = arith.constant 0 : index
    %get3A_383 = vector.load %arg0[%get3A_379, %get3A_380, %get3A_381, %get3A_382] : memref<4x3x400x128xf32, #tpu.memory_space<vmem>>, vector<1x1x400x128xf32>
    %get3A_384 = vector.shape_cast %get3A_383 : vector<1x1x400x128xf32> to vector<400x128xf32>
    %get3A_385 = arith.constant 0 : index
    %get3A_386 = arith.constant 0 : index
    %get3A_387 = vector.load %arg2[%get3A_385, %get3A_386] : memref<128x256xf32, #tpu.memory_space<vmem>>, vector<128x256xf32>
    %dot_general3A_388 = arith.constant dense<0.000000e+00> : vector<400x256xf32>
    %dot_general3A_389 = tpu.matmul %get3A_384, %get3A_387, %dot_general3A_388 {dimension_numbers = #tpu.dot_dimension_numbers<[1], [0], [0], [1], [0, 0, 1, 1], [], []>, transpose_lhs_hint = false} : vector<400x128xf32>, vector<128x256xf32>, vector<400x256xf32> -> vector<400x256xf32>
    %tanh3A_390 = math.tanh %dot_general3A_389 : vector<400x256xf32>
    %dot_general3A_391 = arith.constant dense<0.000000e+00> : vector<32x400xf32>
    %dot_general3A_392 = tpu.matmul %slice3A_253, %tanh3A_390, %dot_general3A_391 {dimension_numbers = #tpu.dot_dimension_numbers<[1], [1], [0], [0], [0, 0, 1, 0], [], []>, transpose_lhs_hint = false} : vector<32x256xf32>, vector<400x256xf32>, vector<32x400xf32> -> vector<32x400xf32>
    %iota3A_393 = tpu.iota {dimensions = array<i32: 1>} : vector<32x400xi32>
    %get3A_394 = arith.constant 5 : index
    %get3A_395 = memref.load %arg7[%get3A_394] : memref<12xi32, #tpu.memory_space<smem>>
    %lt3A_396 = vector.broadcast %get3A_395 : i32 to vector<32x400xi32>
    %lt3A_397 = arith.cmpi slt, %iota3A_393, %lt3A_396 : vector<32x400xi32>
    %jit3A_398 = arith.constant -1.000000e+09 : f32
    %broadcast_in_dim3A_399 = vector.broadcast %jit3A_398 : f32 to vector<32x400xf32>
    %select_n3A_400 = arith.select %lt3A_397, %dot_general3A_392, %broadcast_in_dim3A_399 : vector<32x400xi1>, vector<32x400xf32>
    %reduce_max3A_401 = arith.constant dense<0xFF800000> : vector<32xf32>
    %reduce_max3A_402 = vector.multi_reduction <maximumf>, %select_n3A_400, %reduce_max3A_401 [1] : vector<32x400xf32> to vector<32xf32>
    %broadcast_in_dim3A_403 = vector.shape_cast %reduce_max3A_402 : vector<32xf32> to vector<32x1xf32>
    %sub3A_404 = vector.broadcast %broadcast_in_dim3A_403 : vector<32x1xf32> to vector<32x400xf32>
    %sub3A_405 = arith.subf %select_n3A_400, %sub3A_404 : vector<32x400xf32>
    %exp3A_406 = math.exp %sub3A_405 : vector<32x400xf32>
    %reduce_sum3A_407 = arith.constant dense<0.000000e+00> : vector<32xf32>
    %reduce_sum3A_408 = vector.multi_reduction <add>, %exp3A_406, %reduce_sum3A_407 [1] : vector<32x400xf32> to vector<32xf32>
    %broadcast_in_dim3A_409 = vector.shape_cast %reduce_sum3A_408 : vector<32xf32> to vector<32x1xf32>
    %div3A_410 = vector.broadcast %broadcast_in_dim3A_409 : vector<32x1xf32> to vector<32x400xf32>
    %div3A_411 = arith.divf %exp3A_406, %div3A_410 : vector<32x400xf32>
    %dot_general3A_412 = arith.constant dense<0.000000e+00> : vector<32x256xf32>
    %dot_general3A_413 = tpu.matmul %div3A_411, %tanh3A_390, %dot_general3A_412 {dimension_numbers = #tpu.dot_dimension_numbers<[1], [0], [0], [1], [0, 0, 1, 1], [], []>, transpose_lhs_hint = false} : vector<32x400xf32>, vector<400x256xf32>, vector<32x256xf32> -> vector<32x256xf32>
    %add3A_414 = arith.addf %dot_general3A_413, %slice3A_254 : vector<32x256xf32>
    %get3A_415 = arith.constant 0 : index
    %get3A_416 = arith.constant 0 : index
    %get3A_417 = vector.load %arg5[%get3A_415, %get3A_416] : memref<1x256xf32, #tpu.memory_space<vmem>>, vector<1x256xf32>
    %mul3A_418 = vector.broadcast %get3A_417 : vector<1x256xf32> to vector<32x256xf32>
    %mul3A_419 = arith.mulf %add3A_414, %mul3A_418 : vector<32x256xf32>
    %reduce_sum3A_420 = arith.constant dense<0.000000e+00> : vector<32xf32>
    %reduce_sum3A_421 = vector.multi_reduction <add>, %mul3A_419, %reduce_sum3A_420 [1] : vector<32x256xf32> to vector<32xf32>
    %broadcast_in_dim3A_422 = vector.shape_cast %reduce_sum3A_421 : vector<32xf32> to vector<32x1xf32>
    %neg3A_423 = arith.constant 0.000000e+00 : f32
    %neg3A_424 = vector.broadcast %neg3A_423 : f32 to vector<32x1xf32>
    %neg3A_425 = arith.subf %neg3A_424, %broadcast_in_dim3A_422 : vector<32x1xf32>
    %exp3A_426 = math.exp %neg3A_425 : vector<32x1xf32>
    %add3A_427 = arith.constant 1.000000e+00 : f32
    %add3A_428 = vector.broadcast %add3A_427 : f32 to vector<32x1xf32>
    %add3A_429 = arith.addf %add3A_428, %exp3A_426 : vector<32x1xf32>
    %div3A_430 = arith.constant 1.000000e+00 : f32
    %div3A_431 = vector.broadcast %div3A_430 : f32 to vector<32x1xf32>
    %div3A_432 = arith.divf %div3A_431, %add3A_429 : vector<32x1xf32>
    %get3A_433 = arith.constant 0 : index
    %get3A_434 = arith.constant 0 : index
    %get3A_435 = vector.load %arg6[%get3A_433, %get3A_434] : memref<1x256xf32, #tpu.memory_space<vmem>>, vector<1x256xf32>
    %mul3A_436 = vector.broadcast %get3A_435 : vector<1x256xf32> to vector<32x256xf32>
    %mul3A_437 = arith.mulf %add3A_414, %mul3A_436 : vector<32x256xf32>
    %reduce_sum3A_438 = arith.constant dense<0.000000e+00> : vector<32xf32>
    %reduce_sum3A_439 = vector.multi_reduction <add>, %mul3A_437, %reduce_sum3A_438 [1] : vector<32x256xf32> to vector<32xf32>
    %broadcast_in_dim3A_440 = vector.shape_cast %reduce_sum3A_439 : vector<32xf32> to vector<32x1xf32>
    %max3A_441 = arith.maximumf %broadcast_in_dim3A_316, %broadcast_in_dim3A_378 : vector<32x1xf32>
    %max3A_442 = arith.maximumf %max3A_441, %broadcast_in_dim3A_440 : vector<32x1xf32>
    %sub3A_443 = arith.subf %broadcast_in_dim3A_316, %max3A_442 : vector<32x1xf32>
    %exp3A_444 = math.exp %sub3A_443 : vector<32x1xf32>
    %sub3A_445 = arith.subf %broadcast_in_dim3A_378, %max3A_442 : vector<32x1xf32>
    %exp3A_446 = math.exp %sub3A_445 : vector<32x1xf32>
    %sub3A_447 = arith.subf %broadcast_in_dim3A_440, %max3A_442 : vector<32x1xf32>
    %exp3A_448 = math.exp %sub3A_447 : vector<32x1xf32>
    %add3A_449 = arith.addf %exp3A_444, %exp3A_446 : vector<32x1xf32>
    %add3A_450 = arith.addf %add3A_449, %exp3A_448 : vector<32x1xf32>
    %iota3A_451 = tpu.iota {dimensions = array<i32: 0>} : vector<32x1xi32>
    %get3A_452 = arith.constant 1 : index
    %get3A_453 = memref.load %arg8[%get3A_452] : memref<4xi32, #tpu.memory_space<smem>>
    %lt3A_454 = vector.broadcast %get3A_453 : i32 to vector<32x1xi32>
    %lt3A_455 = arith.cmpi slt, %iota3A_451, %lt3A_454 : vector<32x1xi32>
    %convert_element_type3A_456 = arith.extui %lt3A_455 : vector<32x1xi1> to vector<32x1xi32>
    %convert_element_type3A_457 = arith.sitofp %convert_element_type3A_456 : vector<32x1xi32> to vector<32x1xf32>
    %div3A_458 = arith.divf %exp3A_444, %add3A_450 : vector<32x1xf32>
    %div3A_459 = arith.divf %exp3A_446, %add3A_450 : vector<32x1xf32>
    %div3A_460 = arith.divf %exp3A_448, %add3A_450 : vector<32x1xf32>
    %mul3A_461 = arith.mulf %div3A_458, %div3A_308 : vector<32x1xf32>
    %mul3A_462 = arith.mulf %div3A_459, %div3A_370 : vector<32x1xf32>
    %add3A_463 = arith.addf %mul3A_461, %mul3A_462 : vector<32x1xf32>
    %mul3A_464 = arith.mulf %div3A_460, %div3A_432 : vector<32x1xf32>
    %add3A_465 = arith.addf %add3A_463, %mul3A_464 : vector<32x1xf32>
    %mul3A_466 = arith.mulf %add3A_465, %convert_element_type3A_457 : vector<32x1xf32>
    %swap3A_467 = arith.constant 32 : index
    %swap3A_468 = arith.constant 0 : index
    %swap3A_469 = vector.load %arg10[%swap3A_467, %swap3A_468] : memref<128x1xf32, #tpu.memory_space<vmem>>, vector<32x1xf32>
    tpu.vector_store %arg10[%swap3A_467, %swap3A_468], %mul3A_466 {strides = array<i32>} : memref<128x1xf32, #tpu.memory_space<vmem>>, vector<32x1xf32>,
    %sub3A_470 = arith.constant 1.000000e+00 : f32
    %sub3A_471 = vector.broadcast %sub3A_470 : f32 to vector<32x1xf32>
    %sub3A_472 = arith.subf %sub3A_471, %div3A_308 : vector<32x1xf32>
    %mul3A_473 = arith.mulf %div3A_458, %sub3A_472 : vector<32x1xf32>
    %mul3A_474 = arith.mulf %mul3A_473, %convert_element_type3A_457 : vector<32x1xf32>
    %mul3A_475 = vector.broadcast %mul3A_474 : vector<32x1xf32> to vector<32x400xf32>
    %mul3A_476 = arith.mulf %mul3A_475, %div3A_287 : vector<32x400xf32>
    %swap3A_477 = arith.constant 0 : index
    %swap3A_478 = arith.constant 32 : index
    %swap3A_479 = arith.constant 0 : index
    %swap3A_480 = vector.load %arg11[%swap3A_477, %swap3A_478, %swap3A_479] : memref<3x128x400xf32, #tpu.memory_space<vmem>>, vector<1x32x400xf32>
    %swap3A_481 = vector.shape_cast %swap3A_480 : vector<1x32x400xf32> to vector<32x400xf32>
    %swap3A_482 = vector.shape_cast %mul3A_476 : vector<32x400xf32> to vector<1x32x400xf32>
    tpu.vector_store %arg11[%swap3A_477, %swap3A_478, %swap3A_479], %swap3A_482 {strides = array<i32>} : memref<3x128x400xf32, #tpu.memory_space<vmem>>, vector<1x32x400xf32>,
    %sub3A_483 = arith.constant 1.000000e+00 : f32
    %sub3A_484 = vector.broadcast %sub3A_483 : f32 to vector<32x1xf32>
    %sub3A_485 = arith.subf %sub3A_484, %div3A_370 : vector<32x1xf32>
    %mul3A_486 = arith.mulf %div3A_459, %sub3A_485 : vector<32x1xf32>
    %mul3A_487 = arith.mulf %mul3A_486, %convert_element_type3A_457 : vector<32x1xf32>
    %mul3A_488 = vector.broadcast %mul3A_487 : vector<32x1xf32> to vector<32x400xf32>
    %mul3A_489 = arith.mulf %mul3A_488, %div3A_349 : vector<32x400xf32>
    %swap3A_490 = arith.constant 1 : index
    %swap3A_491 = arith.constant 32 : index
    %swap3A_492 = arith.constant 0 : index
    %swap3A_493 = vector.load %arg11[%swap3A_490, %swap3A_491, %swap3A_492] : memref<3x128x400xf32, #tpu.memory_space<vmem>>, vector<1x32x400xf32>
    %swap3A_494 = vector.shape_cast %swap3A_493 : vector<1x32x400xf32> to vector<32x400xf32>
    %swap3A_495 = vector.shape_cast %mul3A_489 : vector<32x400xf32> to vector<1x32x400xf32>
    tpu.vector_store %arg11[%swap3A_490, %swap3A_491, %swap3A_492], %swap3A_495 {strides = array<i32>} : memref<3x128x400xf32, #tpu.memory_space<vmem>>, vector<1x32x400xf32>,
    %sub3A_496 = arith.constant 1.000000e+00 : f32
    %sub3A_497 = vector.broadcast %sub3A_496 : f32 to vector<32x1xf32>
    %sub3A_498 = arith.subf %sub3A_497, %div3A_432 : vector<32x1xf32>
    %mul3A_499 = arith.mulf %div3A_460, %sub3A_498 : vector<32x1xf32>
    %mul3A_500 = arith.mulf %mul3A_499, %convert_element_type3A_457 : vector<32x1xf32>
    %mul3A_501 = vector.broadcast %mul3A_500 : vector<32x1xf32> to vector<32x400xf32>
    %mul3A_502 = arith.mulf %mul3A_501, %div3A_411 : vector<32x400xf32>
    %swap3A_503 = arith.constant 2 : index
    %swap3A_504 = arith.constant 32 : index
    %swap3A_505 = arith.constant 0 : index
    %swap3A_506 = vector.load %arg11[%swap3A_503, %swap3A_504, %swap3A_505] : memref<3x128x400xf32, #tpu.memory_space<vmem>>, vector<1x32x400xf32>
    %swap3A_507 = vector.shape_cast %swap3A_506 : vector<1x32x400xf32> to vector<32x400xf32>
    %swap3A_508 = vector.shape_cast %mul3A_502 : vector<32x400xf32> to vector<1x32x400xf32>
    tpu.vector_store %arg11[%swap3A_503, %swap3A_504, %swap3A_505], %swap3A_508 {strides = array<i32>} : memref<3x128x400xf32, #tpu.memory_space<vmem>>, vector<1x32x400xf32>,
    %slice3A_509 = vector.extract_strided_slice %dot_general3A_10 {offsets = [64, 0], sizes = [32, 256], strides = [1, 1]} : vector<128x256xf32> to vector<32x256xf32>
    %slice3A_510 = vector.extract_strided_slice %tanh3A {offsets = [64, 0], sizes = [32, 256], strides = [1, 1]} : vector<128x256xf32> to vector<32x256xf32>
    %get3A_511 = arith.constant 2 : index
    %get3A_512 = arith.constant 0 : index
    %get3A_513 = arith.constant 0 : index
    %get3A_514 = arith.constant 0 : index
    %get3A_515 = vector.load %arg0[%get3A_511, %get3A_512, %get3A_513, %get3A_514] : memref<4x3x400x128xf32, #tpu.memory_space<vmem>>, vector<1x1x400x128xf32>
    %get3A_516 = vector.shape_cast %get3A_515 : vector<1x1x400x128xf32> to vector<400x128xf32>
    %get3A_517 = arith.constant 0 : index
    %get3A_518 = arith.constant 0 : index
    %get3A_519 = vector.load %arg2[%get3A_517, %get3A_518] : memref<128x256xf32, #tpu.memory_space<vmem>>, vector<128x256xf32>
    %dot_general3A_520 = arith.constant dense<0.000000e+00> : vector<400x256xf32>
    %dot_general3A_521 = tpu.matmul %get3A_516, %get3A_519, %dot_general3A_520 {dimension_numbers = #tpu.dot_dimension_numbers<[1], [0], [0], [1], [0, 0, 1, 1], [], []>, transpose_lhs_hint = false} : vector<400x128xf32>, vector<128x256xf32>, vector<400x256xf32> -> vector<400x256xf32>
    %tanh3A_522 = math.tanh %dot_general3A_521 : vector<400x256xf32>
    %dot_general3A_523 = arith.constant dense<0.000000e+00> : vector<32x400xf32>
    %dot_general3A_524 = tpu.matmul %slice3A_509, %tanh3A_522, %dot_general3A_523 {dimension_numbers = #tpu.dot_dimension_numbers<[1], [1], [0], [0], [0, 0, 1, 0], [], []>, transpose_lhs_hint = false} : vector<32x256xf32>, vector<400x256xf32>, vector<32x400xf32> -> vector<32x400xf32>
    %iota3A_525 = tpu.iota {dimensions = array<i32: 1>} : vector<32x400xi32>
    %get3A_526 = arith.constant 6 : index
    %get3A_527 = memref.load %arg7[%get3A_526] : memref<12xi32, #tpu.memory_space<smem>>
    %lt3A_528 = vector.broadcast %get3A_527 : i32 to vector<32x400xi32>
    %lt3A_529 = arith.cmpi slt, %iota3A_525, %lt3A_528 : vector<32x400xi32>
    %jit3A_530 = arith.constant -1.000000e+09 : f32
    %broadcast_in_dim3A_531 = vector.broadcast %jit3A_530 : f32 to vector<32x400xf32>
    %select_n3A_532 = arith.select %lt3A_529, %dot_general3A_524, %broadcast_in_dim3A_531 : vector<32x400xi1>, vector<32x400xf32>
    %reduce_max3A_533 = arith.constant dense<0xFF800000> : vector<32xf32>
    %reduce_max3A_534 = vector.multi_reduction <maximumf>, %select_n3A_532, %reduce_max3A_533 [1] : vector<32x400xf32> to vector<32xf32>
    %broadcast_in_dim3A_535 = vector.shape_cast %reduce_max3A_534 : vector<32xf32> to vector<32x1xf32>
    %sub3A_536 = vector.broadcast %broadcast_in_dim3A_535 : vector<32x1xf32> to vector<32x400xf32>
    %sub3A_537 = arith.subf %select_n3A_532, %sub3A_536 : vector<32x400xf32>
    %exp3A_538 = math.exp %sub3A_537 : vector<32x400xf32>
    %reduce_sum3A_539 = arith.constant dense<0.000000e+00> : vector<32xf32>
    %reduce_sum3A_540 = vector.multi_reduction <add>, %exp3A_538, %reduce_sum3A_539 [1] : vector<32x400xf32> to vector<32xf32>
    %broadcast_in_dim3A_541 = vector.shape_cast %reduce_sum3A_540 : vector<32xf32> to vector<32x1xf32>
    %div3A_542 = vector.broadcast %broadcast_in_dim3A_541 : vector<32x1xf32> to vector<32x400xf32>
    %div3A_543 = arith.divf %exp3A_538, %div3A_542 : vector<32x400xf32>
    %dot_general3A_544 = arith.constant dense<0.000000e+00> : vector<32x256xf32>
    %dot_general3A_545 = tpu.matmul %div3A_543, %tanh3A_522, %dot_general3A_544 {dimension_numbers = #tpu.dot_dimension_numbers<[1], [0], [0], [1], [0, 0, 1, 1], [], []>, transpose_lhs_hint = false} : vector<32x400xf32>, vector<400x256xf32>, vector<32x256xf32> -> vector<32x256xf32>
    %add3A_546 = arith.addf %dot_general3A_545, %slice3A_510 : vector<32x256xf32>
    %get3A_547 = arith.constant 0 : index
    %get3A_548 = arith.constant 0 : index
    %get3A_549 = vector.load %arg5[%get3A_547, %get3A_548] : memref<1x256xf32, #tpu.memory_space<vmem>>, vector<1x256xf32>
    %mul3A_550 = vector.broadcast %get3A_549 : vector<1x256xf32> to vector<32x256xf32>
    %mul3A_551 = arith.mulf %add3A_546, %mul3A_550 : vector<32x256xf32>
    %reduce_sum3A_552 = arith.constant dense<0.000000e+00> : vector<32xf32>
    %reduce_sum3A_553 = vector.multi_reduction <add>, %mul3A_551, %reduce_sum3A_552 [1] : vector<32x256xf32> to vector<32xf32>
    %broadcast_in_dim3A_554 = vector.shape_cast %reduce_sum3A_553 : vector<32xf32> to vector<32x1xf32>
    %neg3A_555 = arith.constant 0.000000e+00 : f32
    %neg3A_556 = vector.broadcast %neg3A_555 : f32 to vector<32x1xf32>
    %neg3A_557 = arith.subf %neg3A_556, %broadcast_in_dim3A_554 : vector<32x1xf32>
    %exp3A_558 = math.exp %neg3A_557 : vector<32x1xf32>
    %add3A_559 = arith.constant 1.000000e+00 : f32
    %add3A_560 = vector.broadcast %add3A_559 : f32 to vector<32x1xf32>
    %add3A_561 = arith.addf %add3A_560, %exp3A_558 : vector<32x1xf32>
    %div3A_562 = arith.constant 1.000000e+00 : f32
    %div3A_563 = vector.broadcast %div3A_562 : f32 to vector<32x1xf32>
    %div3A_564 = arith.divf %div3A_563, %add3A_561 : vector<32x1xf32>
    %get3A_565 = arith.constant 0 : index
    %get3A_566 = arith.constant 0 : index
    %get3A_567 = vector.load %arg6[%get3A_565, %get3A_566] : memref<1x256xf32, #tpu.memory_space<vmem>>, vector<1x256xf32>
    %mul3A_568 = vector.broadcast %get3A_567 : vector<1x256xf32> to vector<32x256xf32>
    %mul3A_569 = arith.mulf %add3A_546, %mul3A_568 : vector<32x256xf32>
    %reduce_sum3A_570 = arith.constant dense<0.000000e+00> : vector<32xf32>
    %reduce_sum3A_571 = vector.multi_reduction <add>, %mul3A_569, %reduce_sum3A_570 [1] : vector<32x256xf32> to vector<32xf32>
    %broadcast_in_dim3A_572 = vector.shape_cast %reduce_sum3A_571 : vector<32xf32> to vector<32x1xf32>
    %get3A_573 = arith.constant 2 : index
    %get3A_574 = arith.constant 1 : index
    %get3A_575 = arith.constant 0 : index
    %get3A_576 = arith.constant 0 : index
    %get3A_577 = vector.load %arg0[%get3A_573, %get3A_574, %get3A_575, %get3A_576] : memref<4x3x400x128xf32, #tpu.memory_space<vmem>>, vector<1x1x400x128xf32>
    %get3A_578 = vector.shape_cast %get3A_577 : vector<1x1x400x128xf32> to vector<400x128xf32>
    %get3A_579 = arith.constant 0 : index
    %get3A_580 = arith.constant 0 : index
    %get3A_581 = vector.load %arg2[%get3A_579, %get3A_580] : memref<128x256xf32, #tpu.memory_space<vmem>>, vector<128x256xf32>
    %dot_general3A_582 = arith.constant dense<0.000000e+00> : vector<400x256xf32>
    %dot_general3A_583 = tpu.matmul %get3A_578, %get3A_581, %dot_general3A_582 {dimension_numbers = #tpu.dot_dimension_numbers<[1], [0], [0], [1], [0, 0, 1, 1], [], []>, transpose_lhs_hint = false} : vector<400x128xf32>, vector<128x256xf32>, vector<400x256xf32> -> vector<400x256xf32>
    %tanh3A_584 = math.tanh %dot_general3A_583 : vector<400x256xf32>
    %dot_general3A_585 = arith.constant dense<0.000000e+00> : vector<32x400xf32>
    %dot_general3A_586 = tpu.matmul %slice3A_509, %tanh3A_584, %dot_general3A_585 {dimension_numbers = #tpu.dot_dimension_numbers<[1], [1], [0], [0], [0, 0, 1, 0], [], []>, transpose_lhs_hint = false} : vector<32x256xf32>, vector<400x256xf32>, vector<32x400xf32> -> vector<32x400xf32>
    %iota3A_587 = tpu.iota {dimensions = array<i32: 1>} : vector<32x400xi32>
    %get3A_588 = arith.constant 7 : index
    %get3A_589 = memref.load %arg7[%get3A_588] : memref<12xi32, #tpu.memory_space<smem>>
    %lt3A_590 = vector.broadcast %get3A_589 : i32 to vector<32x400xi32>
    %lt3A_591 = arith.cmpi slt, %iota3A_587, %lt3A_590 : vector<32x400xi32>
    %jit3A_592 = arith.constant -1.000000e+09 : f32
    %broadcast_in_dim3A_593 = vector.broadcast %jit3A_592 : f32 to vector<32x400xf32>
    %select_n3A_594 = arith.select %lt3A_591, %dot_general3A_586, %broadcast_in_dim3A_593 : vector<32x400xi1>, vector<32x400xf32>
    %reduce_max3A_595 = arith.constant dense<0xFF800000> : vector<32xf32>
    %reduce_max3A_596 = vector.multi_reduction <maximumf>, %select_n3A_594, %reduce_max3A_595 [1] : vector<32x400xf32> to vector<32xf32>
    %broadcast_in_dim3A_597 = vector.shape_cast %reduce_max3A_596 : vector<32xf32> to vector<32x1xf32>
    %sub3A_598 = vector.broadcast %broadcast_in_dim3A_597 : vector<32x1xf32> to vector<32x400xf32>
    %sub3A_599 = arith.subf %select_n3A_594, %sub3A_598 : vector<32x400xf32>
    %exp3A_600 = math.exp %sub3A_599 : vector<32x400xf32>
    %reduce_sum3A_601 = arith.constant dense<0.000000e+00> : vector<32xf32>
    %reduce_sum3A_602 = vector.multi_reduction <add>, %exp3A_600, %reduce_sum3A_601 [1] : vector<32x400xf32> to vector<32xf32>
    %broadcast_in_dim3A_603 = vector.shape_cast %reduce_sum3A_602 : vector<32xf32> to vector<32x1xf32>
    %div3A_604 = vector.broadcast %broadcast_in_dim3A_603 : vector<32x1xf32> to vector<32x400xf32>
    %div3A_605 = arith.divf %exp3A_600, %div3A_604 : vector<32x400xf32>
    %dot_general3A_606 = arith.constant dense<0.000000e+00> : vector<32x256xf32>
    %dot_general3A_607 = tpu.matmul %div3A_605, %tanh3A_584, %dot_general3A_606 {dimension_numbers = #tpu.dot_dimension_numbers<[1], [0], [0], [1], [0, 0, 1, 1], [], []>, transpose_lhs_hint = false} : vector<32x400xf32>, vector<400x256xf32>, vector<32x256xf32> -> vector<32x256xf32>
    %add3A_608 = arith.addf %dot_general3A_607, %slice3A_510 : vector<32x256xf32>
    %get3A_609 = arith.constant 0 : index
    %get3A_610 = arith.constant 0 : index
    %get3A_611 = vector.load %arg5[%get3A_609, %get3A_610] : memref<1x256xf32, #tpu.memory_space<vmem>>, vector<1x256xf32>
    %mul3A_612 = vector.broadcast %get3A_611 : vector<1x256xf32> to vector<32x256xf32>
    %mul3A_613 = arith.mulf %add3A_608, %mul3A_612 : vector<32x256xf32>
    %reduce_sum3A_614 = arith.constant dense<0.000000e+00> : vector<32xf32>
    %reduce_sum3A_615 = vector.multi_reduction <add>, %mul3A_613, %reduce_sum3A_614 [1] : vector<32x256xf32> to vector<32xf32>
    %broadcast_in_dim3A_616 = vector.shape_cast %reduce_sum3A_615 : vector<32xf32> to vector<32x1xf32>
    %neg3A_617 = arith.constant 0.000000e+00 : f32
    %neg3A_618 = vector.broadcast %neg3A_617 : f32 to vector<32x1xf32>
    %neg3A_619 = arith.subf %neg3A_618, %broadcast_in_dim3A_616 : vector<32x1xf32>
    %exp3A_620 = math.exp %neg3A_619 : vector<32x1xf32>
    %add3A_621 = arith.constant 1.000000e+00 : f32
    %add3A_622 = vector.broadcast %add3A_621 : f32 to vector<32x1xf32>
    %add3A_623 = arith.addf %add3A_622, %exp3A_620 : vector<32x1xf32>
    %div3A_624 = arith.constant 1.000000e+00 : f32
    %div3A_625 = vector.broadcast %div3A_624 : f32 to vector<32x1xf32>
    %div3A_626 = arith.divf %div3A_625, %add3A_623 : vector<32x1xf32>
    %get3A_627 = arith.constant 0 : index
    %get3A_628 = arith.constant 0 : index
    %get3A_629 = vector.load %arg6[%get3A_627, %get3A_628] : memref<1x256xf32, #tpu.memory_space<vmem>>, vector<1x256xf32>
    %mul3A_630 = vector.broadcast %get3A_629 : vector<1x256xf32> to vector<32x256xf32>
    %mul3A_631 = arith.mulf %add3A_608, %mul3A_630 : vector<32x256xf32>
    %reduce_sum3A_632 = arith.constant dense<0.000000e+00> : vector<32xf32>
    %reduce_sum3A_633 = vector.multi_reduction <add>, %mul3A_631, %reduce_sum3A_632 [1] : vector<32x256xf32> to vector<32xf32>
    %broadcast_in_dim3A_634 = vector.shape_cast %reduce_sum3A_633 : vector<32xf32> to vector<32x1xf32>
    %get3A_635 = arith.constant 2 : index
    %get3A_636 = arith.constant 2 : index
    %get3A_637 = arith.constant 0 : index
    %get3A_638 = arith.constant 0 : index
    %get3A_639 = vector.load %arg0[%get3A_635, %get3A_636, %get3A_637, %get3A_638] : memref<4x3x400x128xf32, #tpu.memory_space<vmem>>, vector<1x1x400x128xf32>
    %get3A_640 = vector.shape_cast %get3A_639 : vector<1x1x400x128xf32> to vector<400x128xf32>
    %get3A_641 = arith.constant 0 : index
    %get3A_642 = arith.constant 0 : index
    %get3A_643 = vector.load %arg2[%get3A_641, %get3A_642] : memref<128x256xf32, #tpu.memory_space<vmem>>, vector<128x256xf32>
    %dot_general3A_644 = arith.constant dense<0.000000e+00> : vector<400x256xf32>
    %dot_general3A_645 = tpu.matmul %get3A_640, %get3A_643, %dot_general3A_644 {dimension_numbers = #tpu.dot_dimension_numbers<[1], [0], [0], [1], [0, 0, 1, 1], [], []>, transpose_lhs_hint = false} : vector<400x128xf32>, vector<128x256xf32>, vector<400x256xf32> -> vector<400x256xf32>
    %tanh3A_646 = math.tanh %dot_general3A_645 : vector<400x256xf32>
    %dot_general3A_647 = arith.constant dense<0.000000e+00> : vector<32x400xf32>
    %dot_general3A_648 = tpu.matmul %slice3A_509, %tanh3A_646, %dot_general3A_647 {dimension_numbers = #tpu.dot_dimension_numbers<[1], [1], [0], [0], [0, 0, 1, 0], [], []>, transpose_lhs_hint = false} : vector<32x256xf32>, vector<400x256xf32>, vector<32x400xf32> -> vector<32x400xf32>
    %iota3A_649 = tpu.iota {dimensions = array<i32: 1>} : vector<32x400xi32>
    %get3A_650 = arith.constant 8 : index
    %get3A_651 = memref.load %arg7[%get3A_650] : memref<12xi32, #tpu.memory_space<smem>>
    %lt3A_652 = vector.broadcast %get3A_651 : i32 to vector<32x400xi32>
    %lt3A_653 = arith.cmpi slt, %iota3A_649, %lt3A_652 : vector<32x400xi32>
    %jit3A_654 = arith.constant -1.000000e+09 : f32
    %broadcast_in_dim3A_655 = vector.broadcast %jit3A_654 : f32 to vector<32x400xf32>
    %select_n3A_656 = arith.select %lt3A_653, %dot_general3A_648, %broadcast_in_dim3A_655 : vector<32x400xi1>, vector<32x400xf32>
    %reduce_max3A_657 = arith.constant dense<0xFF800000> : vector<32xf32>
    %reduce_max3A_658 = vector.multi_reduction <maximumf>, %select_n3A_656, %reduce_max3A_657 [1] : vector<32x400xf32> to vector<32xf32>
    %broadcast_in_dim3A_659 = vector.shape_cast %reduce_max3A_658 : vector<32xf32> to vector<32x1xf32>
    %sub3A_660 = vector.broadcast %broadcast_in_dim3A_659 : vector<32x1xf32> to vector<32x400xf32>
    %sub3A_661 = arith.subf %select_n3A_656, %sub3A_660 : vector<32x400xf32>
    %exp3A_662 = math.exp %sub3A_661 : vector<32x400xf32>
    %reduce_sum3A_663 = arith.constant dense<0.000000e+00> : vector<32xf32>
    %reduce_sum3A_664 = vector.multi_reduction <add>, %exp3A_662, %reduce_sum3A_663 [1] : vector<32x400xf32> to vector<32xf32>
    %broadcast_in_dim3A_665 = vector.shape_cast %reduce_sum3A_664 : vector<32xf32> to vector<32x1xf32>
    %div3A_666 = vector.broadcast %broadcast_in_dim3A_665 : vector<32x1xf32> to vector<32x400xf32>
    %div3A_667 = arith.divf %exp3A_662, %div3A_666 : vector<32x400xf32>
    %dot_general3A_668 = arith.constant dense<0.000000e+00> : vector<32x256xf32>
    %dot_general3A_669 = tpu.matmul %div3A_667, %tanh3A_646, %dot_general3A_668 {dimension_numbers = #tpu.dot_dimension_numbers<[1], [0], [0], [1], [0, 0, 1, 1], [], []>, transpose_lhs_hint = false} : vector<32x400xf32>, vector<400x256xf32>, vector<32x256xf32> -> vector<32x256xf32>
    %add3A_670 = arith.addf %dot_general3A_669, %slice3A_510 : vector<32x256xf32>
    %get3A_671 = arith.constant 0 : index
    %get3A_672 = arith.constant 0 : index
    %get3A_673 = vector.load %arg5[%get3A_671, %get3A_672] : memref<1x256xf32, #tpu.memory_space<vmem>>, vector<1x256xf32>
    %mul3A_674 = vector.broadcast %get3A_673 : vector<1x256xf32> to vector<32x256xf32>
    %mul3A_675 = arith.mulf %add3A_670, %mul3A_674 : vector<32x256xf32>
    %reduce_sum3A_676 = arith.constant dense<0.000000e+00> : vector<32xf32>
    %reduce_sum3A_677 = vector.multi_reduction <add>, %mul3A_675, %reduce_sum3A_676 [1] : vector<32x256xf32> to vector<32xf32>
    %broadcast_in_dim3A_678 = vector.shape_cast %reduce_sum3A_677 : vector<32xf32> to vector<32x1xf32>
    %neg3A_679 = arith.constant 0.000000e+00 : f32
    %neg3A_680 = vector.broadcast %neg3A_679 : f32 to vector<32x1xf32>
    %neg3A_681 = arith.subf %neg3A_680, %broadcast_in_dim3A_678 : vector<32x1xf32>
    %exp3A_682 = math.exp %neg3A_681 : vector<32x1xf32>
    %add3A_683 = arith.constant 1.000000e+00 : f32
    %add3A_684 = vector.broadcast %add3A_683 : f32 to vector<32x1xf32>
    %add3A_685 = arith.addf %add3A_684, %exp3A_682 : vector<32x1xf32>
    %div3A_686 = arith.constant 1.000000e+00 : f32
    %div3A_687 = vector.broadcast %div3A_686 : f32 to vector<32x1xf32>
    %div3A_688 = arith.divf %div3A_687, %add3A_685 : vector<32x1xf32>
    %get3A_689 = arith.constant 0 : index
    %get3A_690 = arith.constant 0 : index
    %get3A_691 = vector.load %arg6[%get3A_689, %get3A_690] : memref<1x256xf32, #tpu.memory_space<vmem>>, vector<1x256xf32>
    %mul3A_692 = vector.broadcast %get3A_691 : vector<1x256xf32> to vector<32x256xf32>
    %mul3A_693 = arith.mulf %add3A_670, %mul3A_692 : vector<32x256xf32>
    %reduce_sum3A_694 = arith.constant dense<0.000000e+00> : vector<32xf32>
    %reduce_sum3A_695 = vector.multi_reduction <add>, %mul3A_693, %reduce_sum3A_694 [1] : vector<32x256xf32> to vector<32xf32>
    %broadcast_in_dim3A_696 = vector.shape_cast %reduce_sum3A_695 : vector<32xf32> to vector<32x1xf32>
    %max3A_697 = arith.maximumf %broadcast_in_dim3A_572, %broadcast_in_dim3A_634 : vector<32x1xf32>
    %max3A_698 = arith.maximumf %max3A_697, %broadcast_in_dim3A_696 : vector<32x1xf32>
    %sub3A_699 = arith.subf %broadcast_in_dim3A_572, %max3A_698 : vector<32x1xf32>
    %exp3A_700 = math.exp %sub3A_699 : vector<32x1xf32>
    %sub3A_701 = arith.subf %broadcast_in_dim3A_634, %max3A_698 : vector<32x1xf32>
    %exp3A_702 = math.exp %sub3A_701 : vector<32x1xf32>
    %sub3A_703 = arith.subf %broadcast_in_dim3A_696, %max3A_698 : vector<32x1xf32>
    %exp3A_704 = math.exp %sub3A_703 : vector<32x1xf32>
    %add3A_705 = arith.addf %exp3A_700, %exp3A_702 : vector<32x1xf32>
    %add3A_706 = arith.addf %add3A_705, %exp3A_704 : vector<32x1xf32>
    %iota3A_707 = tpu.iota {dimensions = array<i32: 0>} : vector<32x1xi32>
    %get3A_708 = arith.constant 2 : index
    %get3A_709 = memref.load %arg8[%get3A_708] : memref<4xi32, #tpu.memory_space<smem>>
    %lt3A_710 = vector.broadcast %get3A_709 : i32 to vector<32x1xi32>
    %lt3A_711 = arith.cmpi slt, %iota3A_707, %lt3A_710 : vector<32x1xi32>
    %convert_element_type3A_712 = arith.extui %lt3A_711 : vector<32x1xi1> to vector<32x1xi32>
    %convert_element_type3A_713 = arith.sitofp %convert_element_type3A_712 : vector<32x1xi32> to vector<32x1xf32>
    %div3A_714 = arith.divf %exp3A_700, %add3A_706 : vector<32x1xf32>
    %div3A_715 = arith.divf %exp3A_702, %add3A_706 : vector<32x1xf32>
    %div3A_716 = arith.divf %exp3A_704, %add3A_706 : vector<32x1xf32>
    %mul3A_717 = arith.mulf %div3A_714, %div3A_564 : vector<32x1xf32>
    %mul3A_718 = arith.mulf %div3A_715, %div3A_626 : vector<32x1xf32>
    %add3A_719 = arith.addf %mul3A_717, %mul3A_718 : vector<32x1xf32>
    %mul3A_720 = arith.mulf %div3A_716, %div3A_688 : vector<32x1xf32>
    %add3A_721 = arith.addf %add3A_719, %mul3A_720 : vector<32x1xf32>
    %mul3A_722 = arith.mulf %add3A_721, %convert_element_type3A_713 : vector<32x1xf32>
    %swap3A_723 = arith.constant 64 : index
    %swap3A_724 = arith.constant 0 : index
    %swap3A_725 = vector.load %arg10[%swap3A_723, %swap3A_724] : memref<128x1xf32, #tpu.memory_space<vmem>>, vector<32x1xf32>
    tpu.vector_store %arg10[%swap3A_723, %swap3A_724], %mul3A_722 {strides = array<i32>} : memref<128x1xf32, #tpu.memory_space<vmem>>, vector<32x1xf32>,
    %sub3A_726 = arith.constant 1.000000e+00 : f32
    %sub3A_727 = vector.broadcast %sub3A_726 : f32 to vector<32x1xf32>
    %sub3A_728 = arith.subf %sub3A_727, %div3A_564 : vector<32x1xf32>
    %mul3A_729 = arith.mulf %div3A_714, %sub3A_728 : vector<32x1xf32>
    %mul3A_730 = arith.mulf %mul3A_729, %convert_element_type3A_713 : vector<32x1xf32>
    %mul3A_731 = vector.broadcast %mul3A_730 : vector<32x1xf32> to vector<32x400xf32>
    %mul3A_732 = arith.mulf %mul3A_731, %div3A_543 : vector<32x400xf32>
    %swap3A_733 = arith.constant 0 : index
    %swap3A_734 = arith.constant 64 : index
    %swap3A_735 = arith.constant 0 : index
    %swap3A_736 = vector.load %arg11[%swap3A_733, %swap3A_734, %swap3A_735] : memref<3x128x400xf32, #tpu.memory_space<vmem>>, vector<1x32x400xf32>
    %swap3A_737 = vector.shape_cast %swap3A_736 : vector<1x32x400xf32> to vector<32x400xf32>
    %swap3A_738 = vector.shape_cast %mul3A_732 : vector<32x400xf32> to vector<1x32x400xf32>
    tpu.vector_store %arg11[%swap3A_733, %swap3A_734, %swap3A_735], %swap3A_738 {strides = array<i32>} : memref<3x128x400xf32, #tpu.memory_space<vmem>>, vector<1x32x400xf32>,
    %sub3A_739 = arith.constant 1.000000e+00 : f32
    %sub3A_740 = vector.broadcast %sub3A_739 : f32 to vector<32x1xf32>
    %sub3A_741 = arith.subf %sub3A_740, %div3A_626 : vector<32x1xf32>
    %mul3A_742 = arith.mulf %div3A_715, %sub3A_741 : vector<32x1xf32>
    %mul3A_743 = arith.mulf %mul3A_742, %convert_element_type3A_713 : vector<32x1xf32>
    %mul3A_744 = vector.broadcast %mul3A_743 : vector<32x1xf32> to vector<32x400xf32>
    %mul3A_745 = arith.mulf %mul3A_744, %div3A_605 : vector<32x400xf32>
    %swap3A_746 = arith.constant 1 : index
    %swap3A_747 = arith.constant 64 : index
    %swap3A_748 = arith.constant 0 : index
    %swap3A_749 = vector.load %arg11[%swap3A_746, %swap3A_747, %swap3A_748] : memref<3x128x400xf32, #tpu.memory_space<vmem>>, vector<1x32x400xf32>
    %swap3A_750 = vector.shape_cast %swap3A_749 : vector<1x32x400xf32> to vector<32x400xf32>
    %swap3A_751 = vector.shape_cast %mul3A_745 : vector<32x400xf32> to vector<1x32x400xf32>
    tpu.vector_store %arg11[%swap3A_746, %swap3A_747, %swap3A_748], %swap3A_751 {strides = array<i32>} : memref<3x128x400xf32, #tpu.memory_space<vmem>>, vector<1x32x400xf32>,
    %sub3A_752 = arith.constant 1.000000e+00 : f32
    %sub3A_753 = vector.broadcast %sub3A_752 : f32 to vector<32x1xf32>
    %sub3A_754 = arith.subf %sub3A_753, %div3A_688 : vector<32x1xf32>
    %mul3A_755 = arith.mulf %div3A_716, %sub3A_754 : vector<32x1xf32>
    %mul3A_756 = arith.mulf %mul3A_755, %convert_element_type3A_713 : vector<32x1xf32>
    %mul3A_757 = vector.broadcast %mul3A_756 : vector<32x1xf32> to vector<32x400xf32>
    %mul3A_758 = arith.mulf %mul3A_757, %div3A_667 : vector<32x400xf32>
    %swap3A_759 = arith.constant 2 : index
    %swap3A_760 = arith.constant 64 : index
    %swap3A_761 = arith.constant 0 : index
    %swap3A_762 = vector.load %arg11[%swap3A_759, %swap3A_760, %swap3A_761] : memref<3x128x400xf32, #tpu.memory_space<vmem>>, vector<1x32x400xf32>
    %swap3A_763 = vector.shape_cast %swap3A_762 : vector<1x32x400xf32> to vector<32x400xf32>
    %swap3A_764 = vector.shape_cast %mul3A_758 : vector<32x400xf32> to vector<1x32x400xf32>
    tpu.vector_store %arg11[%swap3A_759, %swap3A_760, %swap3A_761], %swap3A_764 {strides = array<i32>} : memref<3x128x400xf32, #tpu.memory_space<vmem>>, vector<1x32x400xf32>,
    %slice3A_765 = vector.extract_strided_slice %dot_general3A_10 {offsets = [96, 0], sizes = [32, 256], strides = [1, 1]} : vector<128x256xf32> to vector<32x256xf32>
    %slice3A_766 = vector.extract_strided_slice %tanh3A {offsets = [96, 0], sizes = [32, 256], strides = [1, 1]} : vector<128x256xf32> to vector<32x256xf32>
    %get3A_767 = arith.constant 3 : index
    %get3A_768 = arith.constant 0 : index
    %get3A_769 = arith.constant 0 : index
    %get3A_770 = arith.constant 0 : index
    %get3A_771 = vector.load %arg0[%get3A_767, %get3A_768, %get3A_769, %get3A_770] : memref<4x3x400x128xf32, #tpu.memory_space<vmem>>, vector<1x1x400x128xf32>
    %get3A_772 = vector.shape_cast %get3A_771 : vector<1x1x400x128xf32> to vector<400x128xf32>
    %get3A_773 = arith.constant 0 : index
    %get3A_774 = arith.constant 0 : index
    %get3A_775 = vector.load %arg2[%get3A_773, %get3A_774] : memref<128x256xf32, #tpu.memory_space<vmem>>, vector<128x256xf32>
    %dot_general3A_776 = arith.constant dense<0.000000e+00> : vector<400x256xf32>
    %dot_general3A_777 = tpu.matmul %get3A_772, %get3A_775, %dot_general3A_776 {dimension_numbers = #tpu.dot_dimension_numbers<[1], [0], [0], [1], [0, 0, 1, 1], [], []>, transpose_lhs_hint = false} : vector<400x128xf32>, vector<128x256xf32>, vector<400x256xf32> -> vector<400x256xf32>
    %tanh3A_778 = math.tanh %dot_general3A_777 : vector<400x256xf32>
    %dot_general3A_779 = arith.constant dense<0.000000e+00> : vector<32x400xf32>
    %dot_general3A_780 = tpu.matmul %slice3A_765, %tanh3A_778, %dot_general3A_779 {dimension_numbers = #tpu.dot_dimension_numbers<[1], [1], [0], [0], [0, 0, 1, 0], [], []>, transpose_lhs_hint = false} : vector<32x256xf32>, vector<400x256xf32>, vector<32x400xf32> -> vector<32x400xf32>
    %iota3A_781 = tpu.iota {dimensions = array<i32: 1>} : vector<32x400xi32>
    %get3A_782 = arith.constant 9 : index
    %get3A_783 = memref.load %arg7[%get3A_782] : memref<12xi32, #tpu.memory_space<smem>>
    %lt3A_784 = vector.broadcast %get3A_783 : i32 to vector<32x400xi32>
    %lt3A_785 = arith.cmpi slt, %iota3A_781, %lt3A_784 : vector<32x400xi32>
    %jit3A_786 = arith.constant -1.000000e+09 : f32
    %broadcast_in_dim3A_787 = vector.broadcast %jit3A_786 : f32 to vector<32x400xf32>
    %select_n3A_788 = arith.select %lt3A_785, %dot_general3A_780, %broadcast_in_dim3A_787 : vector<32x400xi1>, vector<32x400xf32>
    %reduce_max3A_789 = arith.constant dense<0xFF800000> : vector<32xf32>
    %reduce_max3A_790 = vector.multi_reduction <maximumf>, %select_n3A_788, %reduce_max3A_789 [1] : vector<32x400xf32> to vector<32xf32>
    %broadcast_in_dim3A_791 = vector.shape_cast %reduce_max3A_790 : vector<32xf32> to vector<32x1xf32>
    %sub3A_792 = vector.broadcast %broadcast_in_dim3A_791 : vector<32x1xf32> to vector<32x400xf32>
    %sub3A_793 = arith.subf %select_n3A_788, %sub3A_792 : vector<32x400xf32>
    %exp3A_794 = math.exp %sub3A_793 : vector<32x400xf32>
    %reduce_sum3A_795 = arith.constant dense<0.000000e+00> : vector<32xf32>
    %reduce_sum3A_796 = vector.multi_reduction <add>, %exp3A_794, %reduce_sum3A_795 [1] : vector<32x400xf32> to vector<32xf32>
    %broadcast_in_dim3A_797 = vector.shape_cast %reduce_sum3A_796 : vector<32xf32> to vector<32x1xf32>
    %div3A_798 = vector.broadcast %broadcast_in_dim3A_797 : vector<32x1xf32> to vector<32x400xf32>
    %div3A_799 = arith.divf %exp3A_794, %div3A_798 : vector<32x400xf32>
    %dot_general3A_800 = arith.constant dense<0.000000e+00> : vector<32x256xf32>
    %dot_general3A_801 = tpu.matmul %div3A_799, %tanh3A_778, %dot_general3A_800 {dimension_numbers = #tpu.dot_dimension_numbers<[1], [0], [0], [1], [0, 0, 1, 1], [], []>, transpose_lhs_hint = false} : vector<32x400xf32>, vector<400x256xf32>, vector<32x256xf32> -> vector<32x256xf32>
    %add3A_802 = arith.addf %dot_general3A_801, %slice3A_766 : vector<32x256xf32>
    %get3A_803 = arith.constant 0 : index
    %get3A_804 = arith.constant 0 : index
    %get3A_805 = vector.load %arg5[%get3A_803, %get3A_804] : memref<1x256xf32, #tpu.memory_space<vmem>>, vector<1x256xf32>
    %mul3A_806 = vector.broadcast %get3A_805 : vector<1x256xf32> to vector<32x256xf32>
    %mul3A_807 = arith.mulf %add3A_802, %mul3A_806 : vector<32x256xf32>
    %reduce_sum3A_808 = arith.constant dense<0.000000e+00> : vector<32xf32>
    %reduce_sum3A_809 = vector.multi_reduction <add>, %mul3A_807, %reduce_sum3A_808 [1] : vector<32x256xf32> to vector<32xf32>
    %broadcast_in_dim3A_810 = vector.shape_cast %reduce_sum3A_809 : vector<32xf32> to vector<32x1xf32>
    %neg3A_811 = arith.constant 0.000000e+00 : f32
    %neg3A_812 = vector.broadcast %neg3A_811 : f32 to vector<32x1xf32>
    %neg3A_813 = arith.subf %neg3A_812, %broadcast_in_dim3A_810 : vector<32x1xf32>
    %exp3A_814 = math.exp %neg3A_813 : vector<32x1xf32>
    %add3A_815 = arith.constant 1.000000e+00 : f32
    %add3A_816 = vector.broadcast %add3A_815 : f32 to vector<32x1xf32>
    %add3A_817 = arith.addf %add3A_816, %exp3A_814 : vector<32x1xf32>
    %div3A_818 = arith.constant 1.000000e+00 : f32
    %div3A_819 = vector.broadcast %div3A_818 : f32 to vector<32x1xf32>
    %div3A_820 = arith.divf %div3A_819, %add3A_817 : vector<32x1xf32>
    %get3A_821 = arith.constant 0 : index
    %get3A_822 = arith.constant 0 : index
    %get3A_823 = vector.load %arg6[%get3A_821, %get3A_822] : memref<1x256xf32, #tpu.memory_space<vmem>>, vector<1x256xf32>
    %mul3A_824 = vector.broadcast %get3A_823 : vector<1x256xf32> to vector<32x256xf32>
    %mul3A_825 = arith.mulf %add3A_802, %mul3A_824 : vector<32x256xf32>
    %reduce_sum3A_826 = arith.constant dense<0.000000e+00> : vector<32xf32>
    %reduce_sum3A_827 = vector.multi_reduction <add>, %mul3A_825, %reduce_sum3A_826 [1] : vector<32x256xf32> to vector<32xf32>
    %broadcast_in_dim3A_828 = vector.shape_cast %reduce_sum3A_827 : vector<32xf32> to vector<32x1xf32>
    %get3A_829 = arith.constant 3 : index
    %get3A_830 = arith.constant 1 : index
    %get3A_831 = arith.constant 0 : index
    %get3A_832 = arith.constant 0 : index
    %get3A_833 = vector.load %arg0[%get3A_829, %get3A_830, %get3A_831, %get3A_832] : memref<4x3x400x128xf32, #tpu.memory_space<vmem>>, vector<1x1x400x128xf32>
    %get3A_834 = vector.shape_cast %get3A_833 : vector<1x1x400x128xf32> to vector<400x128xf32>
    %get3A_835 = arith.constant 0 : index
    %get3A_836 = arith.constant 0 : index
    %get3A_837 = vector.load %arg2[%get3A_835, %get3A_836] : memref<128x256xf32, #tpu.memory_space<vmem>>, vector<128x256xf32>
    %dot_general3A_838 = arith.constant dense<0.000000e+00> : vector<400x256xf32>
    %dot_general3A_839 = tpu.matmul %get3A_834, %get3A_837, %dot_general3A_838 {dimension_numbers = #tpu.dot_dimension_numbers<[1], [0], [0], [1], [0, 0, 1, 1], [], []>, transpose_lhs_hint = false} : vector<400x128xf32>, vector<128x256xf32>, vector<400x256xf32> -> vector<400x256xf32>
    %tanh3A_840 = math.tanh %dot_general3A_839 : vector<400x256xf32>
    %dot_general3A_841 = arith.constant dense<0.000000e+00> : vector<32x400xf32>
    %dot_general3A_842 = tpu.matmul %slice3A_765, %tanh3A_840, %dot_general3A_841 {dimension_numbers = #tpu.dot_dimension_numbers<[1], [1], [0], [0], [0, 0, 1, 0], [], []>, transpose_lhs_hint = false} : vector<32x256xf32>, vector<400x256xf32>, vector<32x400xf32> -> vector<32x400xf32>
    %iota3A_843 = tpu.iota {dimensions = array<i32: 1>} : vector<32x400xi32>
    %get3A_844 = arith.constant 10 : index
    %get3A_845 = memref.load %arg7[%get3A_844] : memref<12xi32, #tpu.memory_space<smem>>
    %lt3A_846 = vector.broadcast %get3A_845 : i32 to vector<32x400xi32>
    %lt3A_847 = arith.cmpi slt, %iota3A_843, %lt3A_846 : vector<32x400xi32>
    %jit3A_848 = arith.constant -1.000000e+09 : f32
    %broadcast_in_dim3A_849 = vector.broadcast %jit3A_848 : f32 to vector<32x400xf32>
    %select_n3A_850 = arith.select %lt3A_847, %dot_general3A_842, %broadcast_in_dim3A_849 : vector<32x400xi1>, vector<32x400xf32>
    %reduce_max3A_851 = arith.constant dense<0xFF800000> : vector<32xf32>
    %reduce_max3A_852 = vector.multi_reduction <maximumf>, %select_n3A_850, %reduce_max3A_851 [1] : vector<32x400xf32> to vector<32xf32>
    %broadcast_in_dim3A_853 = vector.shape_cast %reduce_max3A_852 : vector<32xf32> to vector<32x1xf32>
    %sub3A_854 = vector.broadcast %broadcast_in_dim3A_853 : vector<32x1xf32> to vector<32x400xf32>
    %sub3A_855 = arith.subf %select_n3A_850, %sub3A_854 : vector<32x400xf32>
    %exp3A_856 = math.exp %sub3A_855 : vector<32x400xf32>
    %reduce_sum3A_857 = arith.constant dense<0.000000e+00> : vector<32xf32>
    %reduce_sum3A_858 = vector.multi_reduction <add>, %exp3A_856, %reduce_sum3A_857 [1] : vector<32x400xf32> to vector<32xf32>
    %broadcast_in_dim3A_859 = vector.shape_cast %reduce_sum3A_858 : vector<32xf32> to vector<32x1xf32>
    %div3A_860 = vector.broadcast %broadcast_in_dim3A_859 : vector<32x1xf32> to vector<32x400xf32>
    %div3A_861 = arith.divf %exp3A_856, %div3A_860 : vector<32x400xf32>
    %dot_general3A_862 = arith.constant dense<0.000000e+00> : vector<32x256xf32>
    %dot_general3A_863 = tpu.matmul %div3A_861, %tanh3A_840, %dot_general3A_862 {dimension_numbers = #tpu.dot_dimension_numbers<[1], [0], [0], [1], [0, 0, 1, 1], [], []>, transpose_lhs_hint = false} : vector<32x400xf32>, vector<400x256xf32>, vector<32x256xf32> -> vector<32x256xf32>
    %add3A_864 = arith.addf %dot_general3A_863, %slice3A_766 : vector<32x256xf32>
    %get3A_865 = arith.constant 0 : index
    %get3A_866 = arith.constant 0 : index
    %get3A_867 = vector.load %arg5[%get3A_865, %get3A_866] : memref<1x256xf32, #tpu.memory_space<vmem>>, vector<1x256xf32>
    %mul3A_868 = vector.broadcast %get3A_867 : vector<1x256xf32> to vector<32x256xf32>
    %mul3A_869 = arith.mulf %add3A_864, %mul3A_868 : vector<32x256xf32>
    %reduce_sum3A_870 = arith.constant dense<0.000000e+00> : vector<32xf32>
    %reduce_sum3A_871 = vector.multi_reduction <add>, %mul3A_869, %reduce_sum3A_870 [1] : vector<32x256xf32> to vector<32xf32>
    %broadcast_in_dim3A_872 = vector.shape_cast %reduce_sum3A_871 : vector<32xf32> to vector<32x1xf32>
    %neg3A_873 = arith.constant 0.000000e+00 : f32
    %neg3A_874 = vector.broadcast %neg3A_873 : f32 to vector<32x1xf32>
    %neg3A_875 = arith.subf %neg3A_874, %broadcast_in_dim3A_872 : vector<32x1xf32>
    %exp3A_876 = math.exp %neg3A_875 : vector<32x1xf32>
    %add3A_877 = arith.constant 1.000000e+00 : f32
    %add3A_878 = vector.broadcast %add3A_877 : f32 to vector<32x1xf32>
    %add3A_879 = arith.addf %add3A_878, %exp3A_876 : vector<32x1xf32>
    %div3A_880 = arith.constant 1.000000e+00 : f32
    %div3A_881 = vector.broadcast %div3A_880 : f32 to vector<32x1xf32>
    %div3A_882 = arith.divf %div3A_881, %add3A_879 : vector<32x1xf32>
    %get3A_883 = arith.constant 0 : index
    %get3A_884 = arith.constant 0 : index
    %get3A_885 = vector.load %arg6[%get3A_883, %get3A_884] : memref<1x256xf32, #tpu.memory_space<vmem>>, vector<1x256xf32>
    %mul3A_886 = vector.broadcast %get3A_885 : vector<1x256xf32> to vector<32x256xf32>
    %mul3A_887 = arith.mulf %add3A_864, %mul3A_886 : vector<32x256xf32>
    %reduce_sum3A_888 = arith.constant dense<0.000000e+00> : vector<32xf32>
    %reduce_sum3A_889 = vector.multi_reduction <add>, %mul3A_887, %reduce_sum3A_888 [1] : vector<32x256xf32> to vector<32xf32>
    %broadcast_in_dim3A_890 = vector.shape_cast %reduce_sum3A_889 : vector<32xf32> to vector<32x1xf32>
    %get3A_891 = arith.constant 3 : index
    %get3A_892 = arith.constant 2 : index
    %get3A_893 = arith.constant 0 : index
    %get3A_894 = arith.constant 0 : index
    %get3A_895 = vector.load %arg0[%get3A_891, %get3A_892, %get3A_893, %get3A_894] : memref<4x3x400x128xf32, #tpu.memory_space<vmem>>, vector<1x1x400x128xf32>
    %get3A_896 = vector.shape_cast %get3A_895 : vector<1x1x400x128xf32> to vector<400x128xf32>
    %get3A_897 = arith.constant 0 : index
    %get3A_898 = arith.constant 0 : index
    %get3A_899 = vector.load %arg2[%get3A_897, %get3A_898] : memref<128x256xf32, #tpu.memory_space<vmem>>, vector<128x256xf32>
    %dot_general3A_900 = arith.constant dense<0.000000e+00> : vector<400x256xf32>
    %dot_general3A_901 = tpu.matmul %get3A_896, %get3A_899, %dot_general3A_900 {dimension_numbers = #tpu.dot_dimension_numbers<[1], [0], [0], [1], [0, 0, 1, 1], [], []>, transpose_lhs_hint = false} : vector<400x128xf32>, vector<128x256xf32>, vector<400x256xf32> -> vector<400x256xf32>
    %tanh3A_902 = math.tanh %dot_general3A_901 : vector<400x256xf32>
    %dot_general3A_903 = arith.constant dense<0.000000e+00> : vector<32x400xf32>
    %dot_general3A_904 = tpu.matmul %slice3A_765, %tanh3A_902, %dot_general3A_903 {dimension_numbers = #tpu.dot_dimension_numbers<[1], [1], [0], [0], [0, 0, 1, 0], [], []>, transpose_lhs_hint = false} : vector<32x256xf32>, vector<400x256xf32>, vector<32x400xf32> -> vector<32x400xf32>
    %iota3A_905 = tpu.iota {dimensions = array<i32: 1>} : vector<32x400xi32>
    %get3A_906 = arith.constant 11 : index
    %get3A_907 = memref.load %arg7[%get3A_906] : memref<12xi32, #tpu.memory_space<smem>>
    %lt3A_908 = vector.broadcast %get3A_907 : i32 to vector<32x400xi32>
    %lt3A_909 = arith.cmpi slt, %iota3A_905, %lt3A_908 : vector<32x400xi32>
    %jit3A_910 = arith.constant -1.000000e+09 : f32
    %broadcast_in_dim3A_911 = vector.broadcast %jit3A_910 : f32 to vector<32x400xf32>
    %select_n3A_912 = arith.select %lt3A_909, %dot_general3A_904, %broadcast_in_dim3A_911 : vector<32x400xi1>, vector<32x400xf32>
    %reduce_max3A_913 = arith.constant dense<0xFF800000> : vector<32xf32>
    %reduce_max3A_914 = vector.multi_reduction <maximumf>, %select_n3A_912, %reduce_max3A_913 [1] : vector<32x400xf32> to vector<32xf32>
    %broadcast_in_dim3A_915 = vector.shape_cast %reduce_max3A_914 : vector<32xf32> to vector<32x1xf32>
    %sub3A_916 = vector.broadcast %broadcast_in_dim3A_915 : vector<32x1xf32> to vector<32x400xf32>
    %sub3A_917 = arith.subf %select_n3A_912, %sub3A_916 : vector<32x400xf32>
    %exp3A_918 = math.exp %sub3A_917 : vector<32x400xf32>
    %reduce_sum3A_919 = arith.constant dense<0.000000e+00> : vector<32xf32>
    %reduce_sum3A_920 = vector.multi_reduction <add>, %exp3A_918, %reduce_sum3A_919 [1] : vector<32x400xf32> to vector<32xf32>
    %broadcast_in_dim3A_921 = vector.shape_cast %reduce_sum3A_920 : vector<32xf32> to vector<32x1xf32>
    %div3A_922 = vector.broadcast %broadcast_in_dim3A_921 : vector<32x1xf32> to vector<32x400xf32>
    %div3A_923 = arith.divf %exp3A_918, %div3A_922 : vector<32x400xf32>
    %dot_general3A_924 = arith.constant dense<0.000000e+00> : vector<32x256xf32>
    %dot_general3A_925 = tpu.matmul %div3A_923, %tanh3A_902, %dot_general3A_924 {dimension_numbers = #tpu.dot_dimension_numbers<[1], [0], [0], [1], [0, 0, 1, 1], [], []>, transpose_lhs_hint = false} : vector<32x400xf32>, vector<400x256xf32>, vector<32x256xf32> -> vector<32x256xf32>
    %add3A_926 = arith.addf %dot_general3A_925, %slice3A_766 : vector<32x256xf32>
    %get3A_927 = arith.constant 0 : index
    %get3A_928 = arith.constant 0 : index
    %get3A_929 = vector.load %arg5[%get3A_927, %get3A_928] : memref<1x256xf32, #tpu.memory_space<vmem>>, vector<1x256xf32>
    %mul3A_930 = vector.broadcast %get3A_929 : vector<1x256xf32> to vector<32x256xf32>
    %mul3A_931 = arith.mulf %add3A_926, %mul3A_930 : vector<32x256xf32>
    %reduce_sum3A_932 = arith.constant dense<0.000000e+00> : vector<32xf32>
    %reduce_sum3A_933 = vector.multi_reduction <add>, %mul3A_931, %reduce_sum3A_932 [1] : vector<32x256xf32> to vector<32xf32>
    %broadcast_in_dim3A_934 = vector.shape_cast %reduce_sum3A_933 : vector<32xf32> to vector<32x1xf32>
    %neg3A_935 = arith.constant 0.000000e+00 : f32
    %neg3A_936 = vector.broadcast %neg3A_935 : f32 to vector<32x1xf32>
    %neg3A_937 = arith.subf %neg3A_936, %broadcast_in_dim3A_934 : vector<32x1xf32>
    %exp3A_938 = math.exp %neg3A_937 : vector<32x1xf32>
    %add3A_939 = arith.constant 1.000000e+00 : f32
    %add3A_940 = vector.broadcast %add3A_939 : f32 to vector<32x1xf32>
    %add3A_941 = arith.addf %add3A_940, %exp3A_938 : vector<32x1xf32>
    %div3A_942 = arith.constant 1.000000e+00 : f32
    %div3A_943 = vector.broadcast %div3A_942 : f32 to vector<32x1xf32>
    %div3A_944 = arith.divf %div3A_943, %add3A_941 : vector<32x1xf32>
    %get3A_945 = arith.constant 0 : index
    %get3A_946 = arith.constant 0 : index
    %get3A_947 = vector.load %arg6[%get3A_945, %get3A_946] : memref<1x256xf32, #tpu.memory_space<vmem>>, vector<1x256xf32>
    %mul3A_948 = vector.broadcast %get3A_947 : vector<1x256xf32> to vector<32x256xf32>
    %mul3A_949 = arith.mulf %add3A_926, %mul3A_948 : vector<32x256xf32>
    %reduce_sum3A_950 = arith.constant dense<0.000000e+00> : vector<32xf32>
    %reduce_sum3A_951 = vector.multi_reduction <add>, %mul3A_949, %reduce_sum3A_950 [1] : vector<32x256xf32> to vector<32xf32>
    %broadcast_in_dim3A_952 = vector.shape_cast %reduce_sum3A_951 : vector<32xf32> to vector<32x1xf32>
    %max3A_953 = arith.maximumf %broadcast_in_dim3A_828, %broadcast_in_dim3A_890 : vector<32x1xf32>
    %max3A_954 = arith.maximumf %max3A_953, %broadcast_in_dim3A_952 : vector<32x1xf32>
    %sub3A_955 = arith.subf %broadcast_in_dim3A_828, %max3A_954 : vector<32x1xf32>
    %exp3A_956 = math.exp %sub3A_955 : vector<32x1xf32>
    %sub3A_957 = arith.subf %broadcast_in_dim3A_890, %max3A_954 : vector<32x1xf32>
    %exp3A_958 = math.exp %sub3A_957 : vector<32x1xf32>
    %sub3A_959 = arith.subf %broadcast_in_dim3A_952, %max3A_954 : vector<32x1xf32>
    %exp3A_960 = math.exp %sub3A_959 : vector<32x1xf32>
    %add3A_961 = arith.addf %exp3A_956, %exp3A_958 : vector<32x1xf32>
    %add3A_962 = arith.addf %add3A_961, %exp3A_960 : vector<32x1xf32>
    %iota3A_963 = tpu.iota {dimensions = array<i32: 0>} : vector<32x1xi32>
    %get3A_964 = arith.constant 3 : index
    %get3A_965 = memref.load %arg8[%get3A_964] : memref<4xi32, #tpu.memory_space<smem>>
    %lt3A_966 = vector.broadcast %get3A_965 : i32 to vector<32x1xi32>
    %lt3A_967 = arith.cmpi slt, %iota3A_963, %lt3A_966 : vector<32x1xi32>
    %convert_element_type3A_968 = arith.extui %lt3A_967 : vector<32x1xi1> to vector<32x1xi32>
    %convert_element_type3A_969 = arith.sitofp %convert_element_type3A_968 : vector<32x1xi32> to vector<32x1xf32>
    %div3A_970 = arith.divf %exp3A_956, %add3A_962 : vector<32x1xf32>
    %div3A_971 = arith.divf %exp3A_958, %add3A_962 : vector<32x1xf32>
    %div3A_972 = arith.divf %exp3A_960, %add3A_962 : vector<32x1xf32>
    %mul3A_973 = arith.mulf %div3A_970, %div3A_820 : vector<32x1xf32>
    %mul3A_974 = arith.mulf %div3A_971, %div3A_882 : vector<32x1xf32>
    %add3A_975 = arith.addf %mul3A_973, %mul3A_974 : vector<32x1xf32>
    %mul3A_976 = arith.mulf %div3A_972, %div3A_944 : vector<32x1xf32>
    %add3A_977 = arith.addf %add3A_975, %mul3A_976 : vector<32x1xf32>
    %mul3A_978 = arith.mulf %add3A_977, %convert_element_type3A_969 : vector<32x1xf32>
    %swap3A_979 = arith.constant 96 : index
    %swap3A_980 = arith.constant 0 : index
    %swap3A_981 = vector.load %arg10[%swap3A_979, %swap3A_980] : memref<128x1xf32, #tpu.memory_space<vmem>>, vector<32x1xf32>
    tpu.vector_store %arg10[%swap3A_979, %swap3A_980], %mul3A_978 {strides = array<i32>} : memref<128x1xf32, #tpu.memory_space<vmem>>, vector<32x1xf32>,
    %sub3A_982 = arith.constant 1.000000e+00 : f32
    %sub3A_983 = vector.broadcast %sub3A_982 : f32 to vector<32x1xf32>
    %sub3A_984 = arith.subf %sub3A_983, %div3A_820 : vector<32x1xf32>
    %mul3A_985 = arith.mulf %div3A_970, %sub3A_984 : vector<32x1xf32>
    %mul3A_986 = arith.mulf %mul3A_985, %convert_element_type3A_969 : vector<32x1xf32>
    %mul3A_987 = vector.broadcast %mul3A_986 : vector<32x1xf32> to vector<32x400xf32>
    %mul3A_988 = arith.mulf %mul3A_987, %div3A_799 : vector<32x400xf32>
    %swap3A_989 = arith.constant 0 : index
    %swap3A_990 = arith.constant 96 : index
    %swap3A_991 = arith.constant 0 : index
    %swap3A_992 = vector.load %arg11[%swap3A_989, %swap3A_990, %swap3A_991] : memref<3x128x400xf32, #tpu.memory_space<vmem>>, vector<1x32x400xf32>
    %swap3A_993 = vector.shape_cast %swap3A_992 : vector<1x32x400xf32> to vector<32x400xf32>
    %swap3A_994 = vector.shape_cast %mul3A_988 : vector<32x400xf32> to vector<1x32x400xf32>
    tpu.vector_store %arg11[%swap3A_989, %swap3A_990, %swap3A_991], %swap3A_994 {strides = array<i32>} : memref<3x128x400xf32, #tpu.memory_space<vmem>>, vector<1x32x400xf32>,
    %sub3A_995 = arith.constant 1.000000e+00 : f32
    %sub3A_996 = vector.broadcast %sub3A_995 : f32 to vector<32x1xf32>
    %sub3A_997 = arith.subf %sub3A_996, %div3A_882 : vector<32x1xf32>
    %mul3A_998 = arith.mulf %div3A_971, %sub3A_997 : vector<32x1xf32>
    %mul3A_999 = arith.mulf %mul3A_998, %convert_element_type3A_969 : vector<32x1xf32>
    %mul3A_1000 = vector.broadcast %mul3A_999 : vector<32x1xf32> to vector<32x400xf32>
    %mul3A_1001 = arith.mulf %mul3A_1000, %div3A_861 : vector<32x400xf32>
    %swap3A_1002 = arith.constant 1 : index
    %swap3A_1003 = arith.constant 96 : index
    %swap3A_1004 = arith.constant 0 : index
    %swap3A_1005 = vector.load %arg11[%swap3A_1002, %swap3A_1003, %swap3A_1004] : memref<3x128x400xf32, #tpu.memory_space<vmem>>, vector<1x32x400xf32>
    %swap3A_1006 = vector.shape_cast %swap3A_1005 : vector<1x32x400xf32> to vector<32x400xf32>
    %swap3A_1007 = vector.shape_cast %mul3A_1001 : vector<32x400xf32> to vector<1x32x400xf32>
    tpu.vector_store %arg11[%swap3A_1002, %swap3A_1003, %swap3A_1004], %swap3A_1007 {strides = array<i32>} : memref<3x128x400xf32, #tpu.memory_space<vmem>>, vector<1x32x400xf32>,
    %sub3A_1008 = arith.constant 1.000000e+00 : f32
    %sub3A_1009 = vector.broadcast %sub3A_1008 : f32 to vector<32x1xf32>
    %sub3A_1010 = arith.subf %sub3A_1009, %div3A_944 : vector<32x1xf32>
    %mul3A_1011 = arith.mulf %div3A_972, %sub3A_1010 : vector<32x1xf32>
    %mul3A_1012 = arith.mulf %mul3A_1011, %convert_element_type3A_969 : vector<32x1xf32>
    %mul3A_1013 = vector.broadcast %mul3A_1012 : vector<32x1xf32> to vector<32x400xf32>
    %mul3A_1014 = arith.mulf %mul3A_1013, %div3A_923 : vector<32x400xf32>
    %swap3A_1015 = arith.constant 2 : index
    %swap3A_1016 = arith.constant 96 : index
    %swap3A_1017 = arith.constant 0 : index
    %swap3A_1018 = vector.load %arg11[%swap3A_1015, %swap3A_1016, %swap3A_1017] : memref<3x128x400xf32, #tpu.memory_space<vmem>>, vector<1x32x400xf32>
    %swap3A_1019 = vector.shape_cast %swap3A_1018 : vector<1x32x400xf32> to vector<32x400xf32>
    %swap3A_1020 = vector.shape_cast %mul3A_1014 : vector<32x400xf32> to vector<1x32x400xf32>
    tpu.vector_store %arg11[%swap3A_1015, %swap3A_1016, %swap3A_1017], %swap3A_1020 {strides = array<i32>} : memref<3x128x400xf32, #tpu.memory_space<vmem>>, vector<1x32x400xf32>,
    return
  }
}

module attributes {stable_mosaic.version = 14 : i64} {
  func.func @body(%arg0: i32, %arg1: memref<128x256xf32, #tpu.memory_space<vmem>>, %arg2: memref<2048x256xf32, #tpu.memory_space<vmem>>, %arg3: memref<128x2048xbf16, #tpu.memory_space<vmem>>, %arg4: memref<128x1xf32, #tpu.memory_space<vmem>>) attributes {dimension_semantics = [#tpu.dimension_semantics<arbitrary>], iteration_bounds = array<i64: 25>, scalar_prefetch = 0 : i64, scratch_operands = 0 : i64, tpu.core_type = #tpu.core_type<tc>, window_params = [{pipeline_mode = #tpu.pipeline_mode<synchronous>, transform_indices = @transform_0, window_bounds = array<i64: 128, 256>}, {transform_indices = @transform_1, window_bounds = array<i64: 2048, 256>}, {transform_indices = @transform_2, window_bounds = array<i64: 128, 2048>}, {pipeline_mode = #tpu.pipeline_mode<synchronous>, transform_indices = @transform_3, window_bounds = array<i64: 128, 1>}]} {
    %eq3A = arith.constant 0 : i32
    %eq3A_0 = arith.cmpi eq, %arg0, %eq3A : i32
    %convert_element_type3A = arith.extui %eq3A_0 : i1 to i32
    %cond3A = arith.constant 0 : i32
    %cond3A_1 = arith.cmpi ne, %convert_element_type3A, %cond3A : i32
    scf.if %cond3A_1 {
      %broadcast_in_dim3A_24 = arith.constant 0.000000e+00 : f32
      %broadcast_in_dim3A_25 = vector.broadcast %broadcast_in_dim3A_24 : f32 to vector<128x1xf32>
      %swap3A_26 = arith.constant 0 : index
      %swap3A_27 = arith.constant 0 : index
      %swap3A_28 = vector.load %arg4[%swap3A_26, %swap3A_27] : memref<128x1xf32, #tpu.memory_space<vmem>>, vector<128x1xf32>
      tpu.vector_store %arg4[%swap3A_26, %swap3A_27], %broadcast_in_dim3A_25 {strides = array<i32>} : memref<128x1xf32, #tpu.memory_space<vmem>>, vector<128x1xf32>,
    } else {
    }
    %get3A = arith.constant 0 : index
    %get3A_2 = arith.constant 0 : index
    %get3A_3 = vector.load %arg1[%get3A, %get3A_2] : memref<128x256xf32, #tpu.memory_space<vmem>>, vector<128x256xf32>
    %get3A_4 = arith.constant 0 : index
    %get3A_5 = arith.constant 0 : index
    %get3A_6 = vector.load %arg2[%get3A_4, %get3A_5] : memref<2048x256xf32, #tpu.memory_space<vmem>>, vector<2048x256xf32>
    %dot_general3A = arith.constant dense<0.000000e+00> : vector<128x2048xf32>
    %dot_general3A_7 = tpu.matmul %get3A_3, %get3A_6, %dot_general3A {dimension_numbers = #tpu.dot_dimension_numbers<[1], [1], [0], [0], [0, 0, 1, 0], [], []>, transpose_lhs_hint = false} : vector<128x256xf32>, vector<2048x256xf32>, vector<128x2048xf32> -> vector<128x2048xf32>
    %mul3A = arith.constant 2048 : i32
    %mul3A_8 = arith.muli %arg0, %mul3A : i32
    %iota3A = tpu.iota {dimensions = array<i32: 1>} : vector<128x2048xi32>
    %add3A = vector.broadcast %mul3A_8 : i32 to vector<128x2048xi32>
    %add3A_9 = arith.addi %add3A, %iota3A : vector<128x2048xi32>
    %lt3A = arith.constant 50000 : i32
    %lt3A_10 = vector.broadcast %lt3A : i32 to vector<128x2048xi32>
    %lt3A_11 = arith.cmpi slt, %add3A_9, %lt3A_10 : vector<128x2048xi32>
    %exp3A = math.exp %dot_general3A_7 : vector<128x2048xf32>
    %jit3A = arith.constant 0.000000e+00 : f32
    %broadcast_in_dim3A = vector.broadcast %jit3A : f32 to vector<128x2048xf32>
    %select_n3A = arith.select %lt3A_11, %exp3A, %broadcast_in_dim3A : vector<128x2048xi1>, vector<128x2048xf32>
    %convert_element_type3A_12 = arith.truncf %select_n3A : vector<128x2048xf32> to vector<128x2048xbf16>
    %swap3A = arith.constant 0 : index
    %swap3A_13 = arith.constant 0 : index
    %swap3A_14 = vector.load %arg3[%swap3A, %swap3A_13] : memref<128x2048xbf16, #tpu.memory_space<vmem>>, vector<128x2048xbf16>
    tpu.vector_store %arg3[%swap3A, %swap3A_13], %convert_element_type3A_12 {strides = array<i32>} : memref<128x2048xbf16, #tpu.memory_space<vmem>>, vector<128x2048xbf16>,
    %get3A_15 = arith.constant 0 : index
    %get3A_16 = arith.constant 0 : index
    %get3A_17 = vector.load %arg4[%get3A_15, %get3A_16] : memref<128x1xf32, #tpu.memory_space<vmem>>, vector<128x1xf32>
    %reduce_sum3A = arith.constant dense<0.000000e+00> : vector<128xf32>
    %reduce_sum3A_18 = vector.multi_reduction <add>, %select_n3A, %reduce_sum3A [1] : vector<128x2048xf32> to vector<128xf32>
    %broadcast_in_dim3A_19 = vector.shape_cast %reduce_sum3A_18 : vector<128xf32> to vector<128x1xf32>
    %add3A_20 = arith.addf %get3A_17, %broadcast_in_dim3A_19 : vector<128x1xf32>
    %swap3A_21 = arith.constant 0 : index
    %swap3A_22 = arith.constant 0 : index
    %swap3A_23 = vector.load %arg4[%swap3A_21, %swap3A_22] : memref<128x1xf32, #tpu.memory_space<vmem>>, vector<128x1xf32>
    tpu.vector_store %arg4[%swap3A_21, %swap3A_22], %add3A_20 {strides = array<i32>} : memref<128x1xf32, #tpu.memory_space<vmem>>, vector<128x1xf32>,
    return
  }
  func.func @transform_0(%arg0: i32) -> (i32, i32) {
    %c0_i32 = arith.constant 0 : i32
    %c0_i32_0 = arith.constant 0 : i32
    %c0_i32_1 = arith.constant 0 : i32
    return %c0_i32, %c0_i32_0 : i32, i32
  }
  func.func @transform_1(%arg0: i32) -> (i32, i32) {
    %min3A = arith.constant 24 : i32
    %min3A_0 = arith.minsi %arg0, %min3A : i32
    %c0_i32 = arith.constant 0 : i32
    %c0_i32_1 = arith.constant 0 : i32
    return %min3A_0, %c0_i32 : i32, i32
  }
  func.func @transform_2(%arg0: i32) -> (i32, i32) {
    %c0_i32 = arith.constant 0 : i32
    %c0_i32_0 = arith.constant 0 : i32
    return %c0_i32, %arg0 : i32, i32
  }
  func.func @transform_3(%arg0: i32) -> (i32, i32) {
    %c0_i32 = arith.constant 0 : i32
    %c0_i32_0 = arith.constant 0 : i32
    %c0_i32_1 = arith.constant 0 : i32
    return %c0_i32, %c0_i32_0 : i32, i32
  }
}

module attributes {stable_mosaic.version = 14 : i64} {
  func.func @body(%arg0: i32, %arg1: memref<128x2048xbf16, #tpu.memory_space<vmem>>, %arg2: memref<128x1xf32, #tpu.memory_space<vmem>>, %arg3: memref<128x1xf32, #tpu.memory_space<vmem>>, %arg4: memref<16x8x1x16x128xf32, #tpu.memory_space<vmem>>, %arg5: memref<128x2048xf32, #tpu.memory_space<vmem>>, %arg6: memref<128x1xf32, #tpu.memory_space<vmem>>) attributes {dimension_semantics = [#tpu.dimension_semantics<arbitrary>], iteration_bounds = array<i64: 25>, scalar_prefetch = 0 : i64, scratch_operands = 1 : i64, tpu.core_type = #tpu.core_type<tc>, window_params = [{transform_indices = @transform_0, window_bounds = array<i64: 128, 2048>}, {pipeline_mode = #tpu.pipeline_mode<synchronous>, transform_indices = @transform_1, window_bounds = array<i64: 128, 1>}, {pipeline_mode = #tpu.pipeline_mode<synchronous>, transform_indices = @transform_2, window_bounds = array<i64: 128, 1>}, {transform_indices = @transform_3, window_bounds = array<i64: 16, 8, 1, 16, 128>}, {transform_indices = @transform_4, window_bounds = array<i64: 128, 2048>}]} {
    %eq3A = arith.constant 0 : i32
    %eq3A_0 = arith.cmpi eq, %arg0, %eq3A : i32
    %convert_element_type3A = arith.extui %eq3A_0 : i1 to i32
    %cond3A = arith.constant 0 : i32
    %cond3A_1 = arith.cmpi ne, %convert_element_type3A, %cond3A : i32
    scf.if %cond3A_1 {
      %get3A_138 = arith.constant 0 : index
      %get3A_139 = arith.constant 0 : index
      %get3A_140 = vector.load %arg3[%get3A_138, %get3A_139] : memref<128x1xf32, #tpu.memory_space<vmem>>, vector<128x1xf32>
      %get3A_141 = arith.constant 0 : index
      %get3A_142 = arith.constant 0 : index
      %get3A_143 = vector.load %arg2[%get3A_141, %get3A_142] : memref<128x1xf32, #tpu.memory_space<vmem>>, vector<128x1xf32>
      %div3A = arith.divf %get3A_140, %get3A_143 : vector<128x1xf32>
      %swap3A_144 = arith.constant 0 : index
      %swap3A_145 = arith.constant 0 : index
      %swap3A_146 = vector.load %arg6[%swap3A_144, %swap3A_145] : memref<128x1xf32, #tpu.memory_space<vmem>>, vector<128x1xf32>
      tpu.vector_store %arg6[%swap3A_144, %swap3A_145], %div3A {strides = array<i32>} : memref<128x1xf32, #tpu.memory_space<vmem>>, vector<128x1xf32>,
    } else {
    }
    %get3A = arith.constant 0 : index
    %get3A_2 = arith.constant 0 : index
    %get3A_3 = arith.constant 0 : index
    %get3A_4 = arith.constant 0 : index
    %get3A_5 = arith.constant 0 : index
    %get3A_6 = vector.load %arg4[%get3A, %get3A_2, %get3A_3, %get3A_4, %get3A_5] : memref<16x8x1x16x128xf32, #tpu.memory_space<vmem>>, vector<16x8x1x1x128xf32>
    %get3A_7 = vector.shape_cast %get3A_6 : vector<16x8x1x1x128xf32> to vector<16x8x128xf32>
    %reshape3A = vector.shape_cast %get3A_7 : vector<16x8x128xf32> to vector<128x128xf32>
    %get3A_8 = arith.constant 0 : index
    %get3A_9 = arith.constant 0 : index
    %get3A_10 = arith.constant 0 : index
    %get3A_11 = arith.constant 1 : index
    %get3A_12 = arith.constant 0 : index
    %get3A_13 = vector.load %arg4[%get3A_8, %get3A_9, %get3A_10, %get3A_11, %get3A_12] : memref<16x8x1x16x128xf32, #tpu.memory_space<vmem>>, vector<16x8x1x1x128xf32>
    %get3A_14 = vector.shape_cast %get3A_13 : vector<16x8x1x1x128xf32> to vector<16x8x128xf32>
    %reshape3A_15 = vector.shape_cast %get3A_14 : vector<16x8x128xf32> to vector<128x128xf32>
    %get3A_16 = arith.constant 0 : index
    %get3A_17 = arith.constant 0 : index
    %get3A_18 = arith.constant 0 : index
    %get3A_19 = arith.constant 2 : index
    %get3A_20 = arith.constant 0 : index
    %get3A_21 = vector.load %arg4[%get3A_16, %get3A_17, %get3A_18, %get3A_19, %get3A_20] : memref<16x8x1x16x128xf32, #tpu.memory_space<vmem>>, vector<16x8x1x1x128xf32>
    %get3A_22 = vector.shape_cast %get3A_21 : vector<16x8x1x1x128xf32> to vector<16x8x128xf32>
    %reshape3A_23 = vector.shape_cast %get3A_22 : vector<16x8x128xf32> to vector<128x128xf32>
    %get3A_24 = arith.constant 0 : index
    %get3A_25 = arith.constant 0 : index
    %get3A_26 = arith.constant 0 : index
    %get3A_27 = arith.constant 3 : index
    %get3A_28 = arith.constant 0 : index
    %get3A_29 = vector.load %arg4[%get3A_24, %get3A_25, %get3A_26, %get3A_27, %get3A_28] : memref<16x8x1x16x128xf32, #tpu.memory_space<vmem>>, vector<16x8x1x1x128xf32>
    %get3A_30 = vector.shape_cast %get3A_29 : vector<16x8x1x1x128xf32> to vector<16x8x128xf32>
    %reshape3A_31 = vector.shape_cast %get3A_30 : vector<16x8x128xf32> to vector<128x128xf32>
    %get3A_32 = arith.constant 0 : index
    %get3A_33 = arith.constant 0 : index
    %get3A_34 = arith.constant 0 : index
    %get3A_35 = arith.constant 4 : index
    %get3A_36 = arith.constant 0 : index
    %get3A_37 = vector.load %arg4[%get3A_32, %get3A_33, %get3A_34, %get3A_35, %get3A_36] : memref<16x8x1x16x128xf32, #tpu.memory_space<vmem>>, vector<16x8x1x1x128xf32>
    %get3A_38 = vector.shape_cast %get3A_37 : vector<16x8x1x1x128xf32> to vector<16x8x128xf32>
    %reshape3A_39 = vector.shape_cast %get3A_38 : vector<16x8x128xf32> to vector<128x128xf32>
    %get3A_40 = arith.constant 0 : index
    %get3A_41 = arith.constant 0 : index
    %get3A_42 = arith.constant 0 : index
    %get3A_43 = arith.constant 5 : index
    %get3A_44 = arith.constant 0 : index
    %get3A_45 = vector.load %arg4[%get3A_40, %get3A_41, %get3A_42, %get3A_43, %get3A_44] : memref<16x8x1x16x128xf32, #tpu.memory_space<vmem>>, vector<16x8x1x1x128xf32>
    %get3A_46 = vector.shape_cast %get3A_45 : vector<16x8x1x1x128xf32> to vector<16x8x128xf32>
    %reshape3A_47 = vector.shape_cast %get3A_46 : vector<16x8x128xf32> to vector<128x128xf32>
    %get3A_48 = arith.constant 0 : index
    %get3A_49 = arith.constant 0 : index
    %get3A_50 = arith.constant 0 : index
    %get3A_51 = arith.constant 6 : index
    %get3A_52 = arith.constant 0 : index
    %get3A_53 = vector.load %arg4[%get3A_48, %get3A_49, %get3A_50, %get3A_51, %get3A_52] : memref<16x8x1x16x128xf32, #tpu.memory_space<vmem>>, vector<16x8x1x1x128xf32>
    %get3A_54 = vector.shape_cast %get3A_53 : vector<16x8x1x1x128xf32> to vector<16x8x128xf32>
    %reshape3A_55 = vector.shape_cast %get3A_54 : vector<16x8x128xf32> to vector<128x128xf32>
    %get3A_56 = arith.constant 0 : index
    %get3A_57 = arith.constant 0 : index
    %get3A_58 = arith.constant 0 : index
    %get3A_59 = arith.constant 7 : index
    %get3A_60 = arith.constant 0 : index
    %get3A_61 = vector.load %arg4[%get3A_56, %get3A_57, %get3A_58, %get3A_59, %get3A_60] : memref<16x8x1x16x128xf32, #tpu.memory_space<vmem>>, vector<16x8x1x1x128xf32>
    %get3A_62 = vector.shape_cast %get3A_61 : vector<16x8x1x1x128xf32> to vector<16x8x128xf32>
    %reshape3A_63 = vector.shape_cast %get3A_62 : vector<16x8x128xf32> to vector<128x128xf32>
    %get3A_64 = arith.constant 0 : index
    %get3A_65 = arith.constant 0 : index
    %get3A_66 = arith.constant 0 : index
    %get3A_67 = arith.constant 8 : index
    %get3A_68 = arith.constant 0 : index
    %get3A_69 = vector.load %arg4[%get3A_64, %get3A_65, %get3A_66, %get3A_67, %get3A_68] : memref<16x8x1x16x128xf32, #tpu.memory_space<vmem>>, vector<16x8x1x1x128xf32>
    %get3A_70 = vector.shape_cast %get3A_69 : vector<16x8x1x1x128xf32> to vector<16x8x128xf32>
    %reshape3A_71 = vector.shape_cast %get3A_70 : vector<16x8x128xf32> to vector<128x128xf32>
    %get3A_72 = arith.constant 0 : index
    %get3A_73 = arith.constant 0 : index
    %get3A_74 = arith.constant 0 : index
    %get3A_75 = arith.constant 9 : index
    %get3A_76 = arith.constant 0 : index
    %get3A_77 = vector.load %arg4[%get3A_72, %get3A_73, %get3A_74, %get3A_75, %get3A_76] : memref<16x8x1x16x128xf32, #tpu.memory_space<vmem>>, vector<16x8x1x1x128xf32>
    %get3A_78 = vector.shape_cast %get3A_77 : vector<16x8x1x1x128xf32> to vector<16x8x128xf32>
    %reshape3A_79 = vector.shape_cast %get3A_78 : vector<16x8x128xf32> to vector<128x128xf32>
    %get3A_80 = arith.constant 0 : index
    %get3A_81 = arith.constant 0 : index
    %get3A_82 = arith.constant 0 : index
    %get3A_83 = arith.constant 10 : index
    %get3A_84 = arith.constant 0 : index
    %get3A_85 = vector.load %arg4[%get3A_80, %get3A_81, %get3A_82, %get3A_83, %get3A_84] : memref<16x8x1x16x128xf32, #tpu.memory_space<vmem>>, vector<16x8x1x1x128xf32>
    %get3A_86 = vector.shape_cast %get3A_85 : vector<16x8x1x1x128xf32> to vector<16x8x128xf32>
    %reshape3A_87 = vector.shape_cast %get3A_86 : vector<16x8x128xf32> to vector<128x128xf32>
    %get3A_88 = arith.constant 0 : index
    %get3A_89 = arith.constant 0 : index
    %get3A_90 = arith.constant 0 : index
    %get3A_91 = arith.constant 11 : index
    %get3A_92 = arith.constant 0 : index
    %get3A_93 = vector.load %arg4[%get3A_88, %get3A_89, %get3A_90, %get3A_91, %get3A_92] : memref<16x8x1x16x128xf32, #tpu.memory_space<vmem>>, vector<16x8x1x1x128xf32>
    %get3A_94 = vector.shape_cast %get3A_93 : vector<16x8x1x1x128xf32> to vector<16x8x128xf32>
    %reshape3A_95 = vector.shape_cast %get3A_94 : vector<16x8x128xf32> to vector<128x128xf32>
    %get3A_96 = arith.constant 0 : index
    %get3A_97 = arith.constant 0 : index
    %get3A_98 = arith.constant 0 : index
    %get3A_99 = arith.constant 12 : index
    %get3A_100 = arith.constant 0 : index
    %get3A_101 = vector.load %arg4[%get3A_96, %get3A_97, %get3A_98, %get3A_99, %get3A_100] : memref<16x8x1x16x128xf32, #tpu.memory_space<vmem>>, vector<16x8x1x1x128xf32>
    %get3A_102 = vector.shape_cast %get3A_101 : vector<16x8x1x1x128xf32> to vector<16x8x128xf32>
    %reshape3A_103 = vector.shape_cast %get3A_102 : vector<16x8x128xf32> to vector<128x128xf32>
    %get3A_104 = arith.constant 0 : index
    %get3A_105 = arith.constant 0 : index
    %get3A_106 = arith.constant 0 : index
    %get3A_107 = arith.constant 13 : index
    %get3A_108 = arith.constant 0 : index
    %get3A_109 = vector.load %arg4[%get3A_104, %get3A_105, %get3A_106, %get3A_107, %get3A_108] : memref<16x8x1x16x128xf32, #tpu.memory_space<vmem>>, vector<16x8x1x1x128xf32>
    %get3A_110 = vector.shape_cast %get3A_109 : vector<16x8x1x1x128xf32> to vector<16x8x128xf32>
    %reshape3A_111 = vector.shape_cast %get3A_110 : vector<16x8x128xf32> to vector<128x128xf32>
    %get3A_112 = arith.constant 0 : index
    %get3A_113 = arith.constant 0 : index
    %get3A_114 = arith.constant 0 : index
    %get3A_115 = arith.constant 14 : index
    %get3A_116 = arith.constant 0 : index
    %get3A_117 = vector.load %arg4[%get3A_112, %get3A_113, %get3A_114, %get3A_115, %get3A_116] : memref<16x8x1x16x128xf32, #tpu.memory_space<vmem>>, vector<16x8x1x1x128xf32>
    %get3A_118 = vector.shape_cast %get3A_117 : vector<16x8x1x1x128xf32> to vector<16x8x128xf32>
    %reshape3A_119 = vector.shape_cast %get3A_118 : vector<16x8x128xf32> to vector<128x128xf32>
    %get3A_120 = arith.constant 0 : index
    %get3A_121 = arith.constant 0 : index
    %get3A_122 = arith.constant 0 : index
    %get3A_123 = arith.constant 15 : index
    %get3A_124 = arith.constant 0 : index
    %get3A_125 = vector.load %arg4[%get3A_120, %get3A_121, %get3A_122, %get3A_123, %get3A_124] : memref<16x8x1x16x128xf32, #tpu.memory_space<vmem>>, vector<16x8x1x1x128xf32>
    %get3A_126 = vector.shape_cast %get3A_125 : vector<16x8x1x1x128xf32> to vector<16x8x128xf32>
    %reshape3A_127 = vector.shape_cast %get3A_126 : vector<16x8x128xf32> to vector<128x128xf32>
    %concatenate3A = tpu.concatenate %reshape3A, %reshape3A_15, %reshape3A_23, %reshape3A_31, %reshape3A_39, %reshape3A_47, %reshape3A_55, %reshape3A_63, %reshape3A_71, %reshape3A_79, %reshape3A_87, %reshape3A_95, %reshape3A_103, %reshape3A_111, %reshape3A_119, %reshape3A_127 in 1 : vector<128x128xf32>, vector<128x128xf32>, vector<128x128xf32>, vector<128x128xf32>, vector<128x128xf32>, vector<128x128xf32>, vector<128x128xf32>, vector<128x128xf32>, vector<128x128xf32>, vector<128x128xf32>, vector<128x128xf32>, vector<128x128xf32>, vector<128x128xf32>, vector<128x128xf32>, vector<128x128xf32>, vector<128x128xf32> -> vector<128x2048xf32>
    %get3A_128 = arith.constant 0 : index
    %get3A_129 = arith.constant 0 : index
    %get3A_130 = vector.load %arg6[%get3A_128, %get3A_129] : memref<128x1xf32, #tpu.memory_space<vmem>>, vector<128x1xf32>
    %get3A_131 = arith.constant 0 : index
    %get3A_132 = arith.constant 0 : index
    %get3A_133 = vector.load %arg1[%get3A_131, %get3A_132] : memref<128x2048xbf16, #tpu.memory_space<vmem>>, vector<128x2048xbf16>
    %convert_element_type3A_134 = arith.extf %get3A_133 : vector<128x2048xbf16> to vector<128x2048xf32>
    %mul3A = vector.broadcast %get3A_130 : vector<128x1xf32> to vector<128x2048xf32>
    %mul3A_135 = arith.mulf %mul3A, %convert_element_type3A_134 : vector<128x2048xf32>
    %add3A = arith.addf %mul3A_135, %concatenate3A : vector<128x2048xf32>
    %swap3A = arith.constant 0 : index
    %swap3A_136 = arith.constant 0 : index
    %swap3A_137 = vector.load %arg5[%swap3A, %swap3A_136] : memref<128x2048xf32, #tpu.memory_space<vmem>>, vector<128x2048xf32>
    tpu.vector_store %arg5[%swap3A, %swap3A_136], %add3A {strides = array<i32>} : memref<128x2048xf32, #tpu.memory_space<vmem>>, vector<128x2048xf32>,
    return
  }
  func.func @transform_0(%arg0: i32) -> (i32, i32) {
    %c0_i32 = arith.constant 0 : i32
    %c0_i32_0 = arith.constant 0 : i32
    return %c0_i32, %arg0 : i32, i32
  }
  func.func @transform_1(%arg0: i32) -> (i32, i32) {
    %c0_i32 = arith.constant 0 : i32
    %c0_i32_0 = arith.constant 0 : i32
    %c0_i32_1 = arith.constant 0 : i32
    return %c0_i32, %c0_i32_0 : i32, i32
  }
  func.func @transform_2(%arg0: i32) -> (i32, i32) {
    %c0_i32 = arith.constant 0 : i32
    %c0_i32_0 = arith.constant 0 : i32
    %c0_i32_1 = arith.constant 0 : i32
    return %c0_i32, %c0_i32_0 : i32, i32
  }
  func.func @transform_3(%arg0: i32) -> (i32, i32, i32, i32, i32) {
    %c0_i32 = arith.constant 0 : i32
    %c0_i32_0 = arith.constant 0 : i32
    %c0_i32_1 = arith.constant 0 : i32
    %c0_i32_2 = arith.constant 0 : i32
    %c0_i32_3 = arith.constant 0 : i32
    return %c0_i32, %c0_i32_0, %arg0, %c0_i32_1, %c0_i32_2 : i32, i32, i32, i32, i32
  }
  func.func @transform_4(%arg0: i32) -> (i32, i32) {
    %c0_i32 = arith.constant 0 : i32
    %c0_i32_0 = arith.constant 0 : i32
    return %c0_i32, %arg0 : i32, i32
  }
}

</mosaic_0001>

<sc_bundles>
// kernel: kernel.10.cloned.1.call-start
scs
__scs_entry_jumppad:
0x0: {  	(pc) =	sbr.rel $0x88, $3  }
0x1: {  	(tag) =	ssettag $0x0;
	lr =	simm.s32 $0x1  }
0x2: {  	[smem:$0x3F96] =	sst lr;
	_ =	strace $0xD0000000  }
0x3: {  	_ = 	snop  }
0x4: {  	_ = 	snop  }
0x5: {  	_ = 	snop  }
0x6: {  	_ = 	snop  }
0x7: {  	_ = 	snop  }
__scs_overlays_trampoline_lowered:
0x8: {  	[smem:$0x3FA5] =	sst s0  }
0x9: {  	[smem:$0x3FA6] =	sst s1  }
0xa: {  	[smem:$0x3FA7] =	sst s2  }
0xb: {  	[smem:$0x3FA8] =	sst s3  }
0xc: {  	[smem:$0x3FA9] =	sst s4  }
0xd: {  	[smem:$0x3FAA] =	sst s5  }
0xe: {  	[smem:$0x3FAB] =	sst s6  }
0xf: {  	[smem:$0x3FAC] =	sst s7  }
0x10: {  	[smem:$0x3FAD] =	sst s8  }
0x11: {  	[smem:$0x3FAE] =	sst s9;
	s0 =	simm.s32 @!p0 $0x0  }
0x12: {  	s1 =	sld [smem:$0x3F94];
	s0 =	simm.s32 @p0 $0x1  }
0x13: {  	[smem:$0x3FAF] =	sst s0;
	s0 =	simm.s32 @!p1 $0x0  }
0x14: {  	s2 =	sld [smem:$0x3F93];
	s0 =	simm.s32 @p1 $0x1  }
0x15: {  	[smem:$0x3FB0] =	sst s0;
	s0 =	simm.s32 @!p2 $0x0  }
0x16: {  	s3 =	sld [smem:$0x3FDB];
	s0 =	simm.s32 @p2 $0x1  }
0x17: {  	s4 =	simm.s32 $0x1BF5;
	[smem:$0x3FB2] =	sst s0  }
0x18: {  	s0 =	sld [smem:$0x3F95];
	_ =	swait.ge [sflag:s4], $0x0  }
0x19: {  	s7 =	sld [smem:$0x3F96]  }
0x1a: {  	s8 =	sadd.s32 $0xFFFFE003, lr  }
0x1b: {  	s9 =	sadd.s32 $0xFFFFFEF7, lr;
	s5 =	simm.s32 $0xFFFFFFFF;
	p2 =	slt.u32 s8, $0xFFFFF086  }
0x1c: {  	p1 =	slt.u32 s9, $0xF7A;
	s5 =	simm.s32 @!p2 $0x0  }
0x1d: {  	s5 =	simm.s32 @p1 $0x1;
	p0 =	seq.s32 s7, s2  }
0x1e: {  	s7 =	smul.u32 @!p0 $0xF7A, s2;
	p2 =	seq.s32 @!p0 s5, $0x0  }
0x1f: {  	s9 =	smul.u32 $0xF7A, s1;
	s8 =	simm.s32 @!p0 $0x1BF5;
	p2 =	por !p2, p0  }
0x20: {  	[sflag:s8] =	ssyncset.s32 @!p0 $0xFFFFF086;
	s6 =	sadd.s32 @!p0 s3, s7;
	s7 =	simm.s32 @!p0 $0x108  }
0x21: {  	s3 =	sadd.s32 s3, s9;
	s6 =	sadd.s32 @!p0 $0x88, s6;
	s7 =	simm.s32 @p2 $0x1082  }
0x22: {  	[simem:s7], [sflag:s8] =	dma.local @!p0 [hbm:s6], $0xF7A  }
0x23: {  	s9 =	sor.u32 $0xD0000000, s2;
	s6 =	simm.s32 $0x108;
	_ =	swait.ge @!p0 [sflag:s8], $0x0  }
0x24: {  	s3 =	sadd.s32 $0x88, s3;
	s6 =	simm.s32 @!p1 $0x1082;
	[sflag:s4] =	ssyncset.s32 $0xFFFFF086  }
0x25: {  	[simem:s6], [sflag:s4] =	dma.local [hbm:s3], $0xF7A  }
0x26: {  	[smem:$0x3F96] =	sst s1;
	(tag) =	ssettag s2;
	_ =	strace s9  }
0x27: {  	s1 =	sld [smem:$0x3FA6]  }
0x28: {  	s2 =	sld [smem:$0x3FA7]  }
0x29: {  	s4 =	sld [smem:$0x3FA9]  }
0x2a: {  	p0 =	seq.s32 s5, $0x0;
	s5 =	sld [smem:$0x3FAA]  }
0x2b: {  	s6 =	sld [smem:$0x3FAB]  }
0x2c: {  	s7 =	sld [smem:$0x3FAC]  }
0x2d: {  	s3 =	simm.s32 $0x108;
	s8 =	sld [smem:$0x3FAD]  }
0x2e: {  	s3 =	simm.s32 @!p0 $0x1082;
	s9 =	sld [smem:$0x3FAE]  }
0x2f: {  	lr =	sadd.s32 s0, s3;
	s0 =	sld [smem:$0x3FA5]  }
0x30: {  	s3 =	sld [smem:$0x3FA8]  }
0x31: {  	[smem:$0x3FB1] =	sst s10  }
0x32: {  	s10 =	sld [smem:$0x3FAF];
	_ =	sdelay $0x3  }
0x33: {  	p0 =	seq.s32 s10, $0x1;
	s10 =	sld [smem:$0x3FB1];
	_ =	sdelay $0x3  }
0x34: {  	[smem:$0x3FB1] =	sst s10  }
0x35: {  	s10 =	sld [smem:$0x3FB0];
	_ =	sdelay $0x3  }
0x36: {  	p1 =	seq.s32 s10, $0x1;
	s10 =	sld [smem:$0x3FB1];
	_ =	sdelay $0x3  }
0x37: {  	[smem:$0x3FB1] =	sst s10  }
0x38: {  	s10 =	sld [smem:$0x3FB2]  }
0x39: {  	_ = 	snop;
	(pc) =	sbr.ind lr, $3  }
0x3a: {  	_ = 	snop  }
0x3b: {  	_ = 	snop  }
0x3c: {  	p2 =	seq.s32 s10, $0x1;
	s10 =	sld [smem:$0x3FB1]  }
0x3d: {  	_ =	shalt  }
0x3e: {  	_ =	shalt  }
0x3f: {  	_ =	shalt  }
0x40: {  	_ =	shalt  }
0x41: {  	_ =	shalt  }
0x42: {  	_ =	shalt  }
0x43: {  	_ =	shalt  }
0x44: {  	_ =	shalt  }
0x45: {  	_ =	shalt  }
0x46: {  	_ =	shalt  }
0x47: {  	_ =	shalt  }
0x48: {  	_ =	shalt  }
0x49: {  	_ =	shalt  }
0x4a: {  	_ =	shalt  }
0x4b: {  	_ =	shalt  }
0x4c: {  	_ =	shalt  }
0x4d: {  	_ =	shalt  }
0x4e: {  	_ =	shalt  }
0x4f: {  	_ =	shalt  }
0x50: {  	_ =	shalt  }
0x51: {  	_ =	shalt  }
0x52: {  	_ =	shalt  }
0x53: {  	_ =	shalt  }
0x54: {  	_ =	shalt  }
0x55: {  	_ =	shalt  }
0x56: {  	_ =	shalt  }
0x57: {  	_ =	shalt  }
0x58: {  	_ =	shalt  }
0x59: {  	_ =	shalt  }
0x5a: {  	_ =	shalt  }
0x5b: {  	_ =	shalt  }
0x5c: {  	_ =	shalt  }
0x5d: {  	_ =	shalt  }
0x5e: {  	_ =	shalt  }
0x5f: {  	_ =	shalt  }
0x60: {  	_ =	shalt  }
0x61: {  	_ =	shalt  }
0x62: {  	_ =	shalt  }
0x63: {  	_ =	shalt  }
0x64: {  	_ =	shalt  }
0x65: {  	_ =	shalt  }
0x66: {  	_ =	shalt  }
0x67: {  	_ =	shalt  }
0x68: {  	_ =	shalt  }
0x69: {  	_ =	shalt  }
0x6a: {  	_ =	shalt  }
0x6b: {  	_ =	shalt  }
0x6c: {  	_ =	shalt  }
0x6d: {  	_ =	shalt  }
0x6e: {  	_ =	shalt  }
0x6f: {  	_ =	shalt  }
0x70: {  	_ =	shalt  }
0x71: {  	_ =	shalt  }
0x72: {  	_ =	shalt  }
0x73: {  	_ =	shalt  }
0x74: {  	_ =	shalt  }
0x75: {  	_ =	shalt  }
0x76: {  	_ =	shalt  }
0x77: {  	_ =	shalt  }
0x78: {  	_ =	shalt  }
0x79: {  	_ =	shalt  }
0x7a: {  	_ =	shalt  }
0x7b: {  	_ =	shalt  }
0x7c: {  	_ =	shalt  }
0x7d: {  	_ =	shalt  }
0x7e: {  	_ =	shalt  }
0x7f: {  	_ =	shalt  }
0x80: {  	_ =	shalt  }
0x81: {  	_ =	shalt  }
0x82: {  	_ =	shalt  }
0x83: {  	_ =	shalt  }
0x84: {  	_ =	shalt  }
0x85: {  	_ =	shalt  }
0x86: {  	_ =	shalt  }
0x87: {  	_ =	shalt  }
.Lfunc_end0:
.L_simem_size_0:
called_computation.1_lowered:
.L_overlay_start_0:
0x88: {  	s2 =	sld [smem:$0x3FD9]  }
0x89: {  	s3 =	sld [smem:$0x3FFE];
	_ =	sdelay $0x1  }
0x8a: {  	s1 =	srdreg.scid  }
0x8b: {  	s0 =	sand.u32 $0x1, s1  }
0x8c: {  	s17 =	sshll.u32 s0, $0xA;
	s2 =	sadd.s32 s3, s2  }
0x8d: {  	s2 =	sadd.s32 s2, s17  }
0x8e: {  	[smem:$0x3FBD] =	sst s2  }
0x8f: {  	_ = 	snop  }
0x90: {  	s2 =	sld [smem:$0x3FD0];
	(tm) =	ssettm $0x1  }
0x91: {  	s18 =	sld [smem:$0x3FFB];
	_ =	sdelay $0x3  }
0x92: {  	_ =	strace s18  }
0x93: {  	s3 =	sld [smem:$0x3FFC];
	_ =	sdelay $0x3  }
0x94: {  	_ =	strace s3  }
0x95: {  	s3 =	sld [smem:$0x3FFD];
	_ =	sdelay $0x3  }
0x96: {  	_ =	strace s3  }
0x97: {  	_ =	strace $0x8FFFFFFF  }
0x98: {  	s19 =	sld [smem:$0x3FDB];
	_ =	sdelay $0x1  }
0x99: {  	s4 =	simm.s32 $_scs_section_size  }
0x9a: {  	s5 =	simm.s32 $_size__tile_overlayer_lowered;
	s6 =	simm.s32 $_tile_overlayer_lowered  }
0x9b: {  	s22 =	simm.s32 $0x1BFF;
	s21 =	sshll.u32 s6, $0x1;
	s3 =	sadd.s32 s4, s19  }
0x9c: {  	s7 =	simm.s32 $0x0;
	s20 =	sshll.u32 s5, $0x1;
	s5 =	sadd.s32 s21, s3  }
0x9d: {  	[timem:s7], [sflag:s22] =	dma.local [hbm:s5], s20  }
0x9e: {  	_ =	swait.ge [sflag:s22], s20  }
0x9f: {  	s4 =	ssub.s32 $0x0, s20;
	[sflag:s22] =	ssyncset.done $0x0  }
0xa0: {  	[sflag:s22] =	ssyncadd.s32 s4;
	_ =	sdelay $0x1  }
0xa1: {  	s23 =	simm.s32 $0x1B8B  }
0xa2: {  	_ =	swait.ge [sflag:s23], $0x1  }
0xa3: {  	[sflag:s23] =	ssyncset.done $0x0  }
0xa4: {  	s25 =	simm.s32 $0x1B8E;
	s24 =	sld [smem:$0x3FFE];
	[sflag:s23] =	ssyncadd.s32 $0xFFFFFFFF  }
0xa5: {  	s26 =	simm.s32 $execute0_lowered;
	[smem:$0x3FD2] =	sst s25  }
0xa6: {  	s5 =	sshll.u32 s26, $0x1;
	_ =	strace $0x80000049;
	[dreg:$0x1] =	wrdreg $0xFFFFFFFF  }
0xa7: {  	s28 =	simm.s32 $_size_execute0_lowered;
	s3 =	sadd.s32 s3, s5;
	[dreg:$0x0] =	wrdreg $0x0  }
0xa8: {  	s5 =	sshll.u32 s28, $0x1;
	[dreg:$0x2] =	wrdreg s3  }
0xa9: {  	[dreg:$0x3] =	wrdreg s5  }
0xaa: {  	[dreg:$0x4] =	wrdreg $0xC0  }
0xab: {  	_ =	task [dreg:s7], $0x5FFFF  }
0xac: {  	[dreg:$0x1] =	wrdreg $0xFFFFFFFF  }
0xad: {  	[dreg:$0x0] =	wrdreg $0x60  }
0xae: {  	[dreg:$0x2] =	wrdreg s2  }
0xaf: {  	[dreg:$0x3] =	wrdreg s24  }
0xb0: {  	[dreg:$0x4] =	wrdreg $0x9  }
0xb1: {  	_ =	task.clear_ibuf [dreg:s7], $0x5FFFF;
	_ =	strace $0x90000049  }
0xb2: {  	s29 =	simm.s32 $0x9;
	_ =	strace $0x8000004B  }
0xb3: {  	_ =	swait.ge [sflag:s29], $0x1  }
0xb4: {  	[sflag:s29] =	ssyncadd.s32 $0xFFFFFFFF  }
0xb5: {  	_ =	strace $0x9000004B  }
0xb6: {  	_ =	sfence  }
0xb7: {  	s30 =	sld [smem:$0x0];
	_ =	sdelay $0x2  }
0xb8: {  	s31 =	sshll.u32 s1, $0xD;
	s1 =	sshrl.u32 s1, $0x2  }
0xb9: {  	s3 =	sand.u32 $0x4000, s31;
	s1 =	sadd.s32 s1, s30  }
0xba: {  	s0 =	sor.u32 s3, s0;
	s1 =	sshll.u32 s1, $0x11  }
0xbb: {  	s0 =	sor.u32 s1, s0  }
0xbc: {  	s0 =	sadd.s32 $0x8F2B, s0  }
0xbd: {  	[sflag:s0] =	ssyncadd.remote.s32 $0x1  }
0xbe: {  	_ =	sfence.sel $0xFFFF  }
0xbf: {  	[dreg:$0x0] =	wrdreg $0xFFFFFFFF;
	(pc) =	sbr.abs _section_cstart, $3  }
0xc0: {  	[dreg:$0x1] =	wrdreg $0xFFFFFFFF  }
0xc1: {  	_ =	task.clear_ibuf [dreg:s7], $0x2FFFF;
	_ =	strace $0x9FFFFFFF  }
0xc2: {  	(tm) =	ssettm $0x7FFFFFFF  }
0xc3: {  	_ =	shalt  }
tec
execute0_lowered:
.L_overlay_start_1:
0x0: {  	(tag) =	ssettag $0x1  }
0x1: {  	s0 =	rddreg [dreg:$0x0]  }
0x2: {  	s1 =	rddreg [dreg:$0x1];
	s2 =	simm.s32 $0x0  }
0x3: {  	s5 =	stileid.u32;
	s4 =	srdreg.scid;
	s21 =	simm.s32 $0x4  }
0x4: {  	s22 =	simm.s32 $0x1630;
	s23 =	simm.s32 $0x3;
	s24 =	simm.s32 $0x1800  }
0x5: {  	s3 =	sshrl.u32 s5, $0x2;
	s4 =	sand.u32 $0x1, s4;
	s5 =	sshll.u32 s5, $0x1  }
0x6: {  	s28 =	simm.s32 $0x2;
	s3 =	smul.u32 $0x96, s3;
	s10 =	sor.u32 s4, s5  }
0x7: {  	s29 =	simm.s32 $0x0;
	[smem:$0x7FF] =	sst s2;
	s5 =	smul.u32 $0xC8, s10  }
0x8: {  	_ =	strace $0x8000004A;
	s4 =	ssub.s32 $0x2, s4;
	s7 =	smul.u32 $0x640, s10  }
0x9: {  	s6 =	sshrl.u32 s4, $0x1;
	s16 =	sshllo.u32 s10, $0x2;
	s17 =	smul.u32 $0x6400, s10  }
0xa: {  	s25 =	sshll.u32 s10, $0x2;
	s3 =	sadd.s32 s3, s1;
	s13 =	smul.u32 $0x32, s16  }
0xb: {  	s1 =	sadd.s32 $0x2600, s1;
	s12 =	sor.u32 $0x1, s25;
	s19 =	smul.u32 $0x1900, s16  }
0xc: {  	s20 =	ssub.s32 s4, s6;
	s14 =	sor.u32 $0x2, s25;
	s30 =	smul.u32 $0x32, s12  }
0xd: {  	s25 =	simm.s32 $0xE000;
	s3 =	sadd.s32 $0x2200, s3;
	s11 =	smul.u32 $0x32, s14  }
0xe: {  	s4 =	sadd.s32 s0, s5;
	s26 =	sshrl.u32 s7, $0x3;
	s18 =	smul.u32 $0x1900, s12  }
0xf: {  	s31 =	smul.u32 $0x1900, s14;
	s16 =	sadd.s32 s1, s17;
	s20 =	smax.u32 s20, $0x1  }
0x10: {  	s15 =	sadd.s32 s0, s26;
	s13 =	sadd.s32 s0, s13;
	s19 =	sadd.s32 s1, s19  }
0x11: {  	s26 =	simm.s32 $0x1;
	s5 =	sadd.s32 $0x1900, s15;
	s6 =	sadd.s32 $0x3200, s15  }
0x12: {  	s7 =	sadd.s32 s0, s30;
	s8 =	sadd.s32 $0x1932, s15;
	s9 =	sadd.s32 $0x3232, s15  }
0x13: {  	s10 =	sadd.s32 s0, s11;
	s11 =	sadd.s32 $0x1964, s15;
	s12 =	sadd.s32 $0x3264, s15  }
0x14: {  	s14 =	sadd.s32 $0x1996, s15;
	s15 =	sadd.s32 $0x3296, s15;
	s17 =	sadd.s32 s1, s18  }
0x15: {  	v0 =	vimm.f32 $0.0e+00;
	s18 =	sadd.s32 s1, s31;
	s0 =	simm.s32 $0x1310;
	s1 =	simm.s32 $0x14A0  }
.LBB2_1:
0x16: {  	[tilespmem:s2], [sflag:$0x4] =	stream.linear.gather [hbm4b:s3+s2], $0x4B0, $0x38;
	[tilespmem:$0x1A800] =	vst v63  }
0x17: {  	_ =	swait.ge [sflag:s21], $0x4B0  }
0x18: {  	[sflag:s21] =	ssyncset.done $0x0  }
0x19: {  	s30 =	simm.s32 $0x500;
	[sflag:s21] =	ssyncadd.s32 $0xFFFFFB50  }
0x1a: {  	[tilespmem:s30], [sflag:$0x3] =	stream.linear.gather [hbm4b:s4+s2], $0x190, $0x38;
	[tilespmem:$0x1A800] =	vst v63  }
0x1b: {  	s30 =	simm.s32 $0x690  }
0x1c: {  	[tilespmem:s30], [sflag:$0x3] =	stream.linear.gather [hbm4b:s5+s2], $0x190, $0x38;
	[tilespmem:$0x1A800] =	vst v63  }
0x1d: {  	s30 =	simm.s32 $0x820  }
0x1e: {  	[tilespmem:s30], [sflag:$0x3] =	stream.linear.gather [hbm4b:s6+s2], $0x190, $0x38;
	[tilespmem:$0x1A800] =	vst v63  }
0x1f: {  	s30 =	simm.s32 $0x9B0  }
0x20: {  	[tilespmem:s30], [sflag:$0x3] =	stream.linear.gather [hbm4b:s7+s2], $0x190, $0x38;
	[tilespmem:$0x1A800] =	vst v63  }
0x21: {  	s30 =	simm.s32 $0xB40  }
0x22: {  	[tilespmem:s30], [sflag:$0x3] =	stream.linear.gather [hbm4b:s8+s2], $0x190, $0x38;
	[tilespmem:$0x1A800] =	vst v63  }
0x23: {  	s30 =	simm.s32 $0xCD0  }
0x24: {  	[tilespmem:s30], [sflag:$0x3] =	stream.linear.gather [hbm4b:s9+s2], $0x190, $0x38;
	[tilespmem:$0x1A800] =	vst v63  }
0x25: {  	s30 =	simm.s32 $0xE60  }
0x26: {  	[tilespmem:s30], [sflag:$0x3] =	stream.linear.gather [hbm4b:s10+s2], $0x190, $0x38;
	[tilespmem:$0x1A800] =	vst v63  }
0x27: {  	s30 =	simm.s32 $0xFF0  }
0x28: {  	[tilespmem:s30], [sflag:$0x3] =	stream.linear.gather [hbm4b:s11+s2], $0x190, $0x38;
	[tilespmem:$0x1A800] =	vst v63  }
0x29: {  	s30 =	simm.s32 $0x1180  }
0x2a: {  	[tilespmem:s30], [sflag:$0x3] =	stream.linear.gather [hbm4b:s12+s2], $0x190, $0x38;
	[tilespmem:$0x1A800] =	vst v63  }
0x2b: {  	_ = 	snop  }
0x2c: {  	[tilespmem:s0], [sflag:$0x3] =	stream.linear.gather [hbm4b:s13+s2], $0x190, $0x38;
	[tilespmem:$0x1A800] =	vst v63  }
0x2d: {  	_ = 	snop  }
0x2e: {  	[tilespmem:s1], [sflag:$0x3] =	stream.linear.gather [hbm4b:s14+s2], $0x190, $0x38;
	[tilespmem:$0x1A800] =	vst v63  }
0x2f: {  	s31 =	simm.s32 $0x200;
	s30 =	simm.s32 $0x0  }
0x30: {  	[tilespmem:s22], [sflag:$0x3] =	stream.linear.gather [hbm4b:s15+s2], $0x190, $0x38;
	[tilespmem:$0x1A800] =	vst v63  }
.LBB2_2:
0x31: {  	p0 =	sne.s32 s31, $0x31E00;
	[tilespmem:s30+$0xE070] =	vst v0  }
0x32: {  	[tilespmem:s30+$0x1800] =	vst v0  }
0x33: {  	[tilespmem:s30+$0xE000] =	vst v0  }
0x34: {  	[tilespmem:s30+$0x1810] =	vst v0  }
0x35: {  	[tilespmem:s30+$0xE010] =	vst v0  }
0x36: {  	[tilespmem:s30+$0x1820] =	vst v0  }
0x37: {  	[tilespmem:s30+$0xE020] =	vst v0  }
0x38: {  	[tilespmem:s30+$0x1830] =	vst v0  }
0x39: {  	[tilespmem:s30+$0xE030] =	vst v0  }
0x3a: {  	[tilespmem:s30+$0x1840] =	vst v0  }
0x3b: {  	[tilespmem:s30+$0xE040] =	vst v0  }
.Ltmp0:
0x3c: {  	[tilespmem:s30+$0x1850] =	vst v0;
	(pc) =	sbr.rel @p0 .LBB2_2-.Ltmp0, $4  }
0x3d: {  	[tilespmem:s30+$0xE050] =	vst v0  }
0x3e: {  	[tilespmem:s30+$0x1860] =	vst v0  }
0x3f: {  	[tilespmem:s30+$0xE060] =	vst v0  }
0x40: {  	[tilespmem:s30+$0x1870] =	vst v0;
	s30 =	sshra.s32 s31, $0x2;
	s31 =	sadd.s32 $0x200, s31  }
0x41: {  	[tilespmem:s30+$0xE070] =	vst v0  }
0x42: {  	[tilespmem:s30+$0x1800] =	vst v0  }
0x43: {  	[tilespmem:s30+$0xE000] =	vst v0  }
0x44: {  	[tilespmem:s30+$0x1810] =	vst v0  }
0x45: {  	[tilespmem:s30+$0xE010] =	vst v0  }
0x46: {  	[tilespmem:s30+$0x1820] =	vst v0  }
0x47: {  	[tilespmem:s30+$0xE020] =	vst v0  }
0x48: {  	[tilespmem:s30+$0x1830] =	vst v0  }
0x49: {  	[tilespmem:s30+$0xE030] =	vst v0  }
0x4a: {  	[tilespmem:s30+$0x1840] =	vst v0  }
0x4b: {  	[tilespmem:s30+$0xE040] =	vst v0  }
0x4c: {  	[tilespmem:s30+$0x1850] =	vst v0  }
0x4d: {  	[tilespmem:s30+$0xE050] =	vst v0  }
0x4e: {  	[tilespmem:s30+$0x1860] =	vst v0  }
0x4f: {  	[tilespmem:s30+$0xE060] =	vst v0  }
0x50: {  	[tilespmem:s30+$0x1870] =	vst v0  }
0x51: {  	_ =	swait.ge [sflag:s23], $0x190  }
0x52: {  	[sflag:s23] =	ssyncset.done $0x0  }
0x53: {  	[sflag:s23] =	ssyncadd.s32 $0xFFFFFE70  }
0x54: {  	_ =	swait.ge [sflag:s23], $0x190  }
0x55: {  	[sflag:s23] =	ssyncset.done $0x0  }
0x56: {  	[sflag:s23] =	ssyncadd.s32 $0xFFFFFE70  }
0x57: {  	_ =	swait.ge [sflag:s23], $0x190  }
0x58: {  	[sflag:s23] =	ssyncset.done $0x0  }
0x59: {  	[sflag:s23] =	ssyncadd.s32 $0xFFFFFE70  }
0x5a: {  	_ =	swait.ge [sflag:s23], $0x190  }
0x5b: {  	[sflag:s23] =	ssyncset.done $0x0  }
0x5c: {  	[sflag:s23] =	ssyncadd.s32 $0xFFFFFE70  }
0x5d: {  	_ =	swait.ge [sflag:s23], $0x190  }
0x5e: {  	[sflag:s23] =	ssyncset.done $0x0  }
0x5f: {  	[sflag:s23] =	ssyncadd.s32 $0xFFFFFE70  }
0x60: {  	_ =	swait.ge [sflag:s23], $0x190  }
0x61: {  	[sflag:s23] =	ssyncset.done $0x0  }
0x62: {  	[sflag:s23] =	ssyncadd.s32 $0xFFFFFE70  }
0x63: {  	_ =	swait.ge [sflag:s23], $0x190  }
0x64: {  	[sflag:s23] =	ssyncset.done $0x0  }
0x65: {  	[sflag:s23] =	ssyncadd.s32 $0xFFFFFE70  }
0x66: {  	_ =	swait.ge [sflag:s23], $0x190  }
0x67: {  	[sflag:s23] =	ssyncset.done $0x0  }
0x68: {  	[sflag:s23] =	ssyncadd.s32 $0xFFFFFE70  }
0x69: {  	_ =	swait.ge [sflag:s23], $0x190  }
0x6a: {  	[sflag:s23] =	ssyncset.done $0x0  }
0x6b: {  	[sflag:s23] =	ssyncadd.s32 $0xFFFFFE70  }
0x6c: {  	_ =	swait.ge [sflag:s23], $0x190  }
0x6d: {  	[sflag:s23] =	ssyncset.done $0x0  }
0x6e: {  	[sflag:s23] =	ssyncadd.s32 $0xFFFFFE70  }
0x6f: {  	_ =	swait.ge [sflag:s23], $0x190  }
0x70: {  	[sflag:s23] =	ssyncset.done $0x0  }
0x71: {  	[sflag:s23] =	ssyncadd.s32 $0xFFFFFE70  }
0x72: {  	_ =	swait.ge [sflag:s23], $0x190  }
0x73: {  	[sflag:s23] =	ssyncset.done $0x0  }
0x74: {  	[sflag:s23] =	ssyncadd.s32 $0xFFFFFE70  }
0x75: {  	v1 =	vld [tilespmem:$0x0];
	_ =	sdelay $0x2  }
0x76: {  	v2 =	vld [tilespmem:$0x500];
	_ =	sdelay $0x4  }
0x77: {  	[tilespmem:v1+s24+$0x0] =	vst.idx.add.f32.msk $0xffff, v2  }
0x78: {  	v1 =	vld [tilespmem:$0x10];
	_ =	sdelay $0x2  }
0x79: {  	v2 =	vld [tilespmem:$0x510];
	_ =	sdelay $0x4  }
0x7a: {  	[tilespmem:v1+s24+$0x0] =	vst.idx.add.f32.msk $0xffff, v2  }
0x7b: {  	v1 =	vld [tilespmem:$0x20];
	_ =	sdelay $0x2  }
0x7c: {  	v2 =	vld [tilespmem:$0x520];
	_ =	sdelay $0x4  }
0x7d: {  	[tilespmem:v1+s24+$0x0] =	vst.idx.add.f32.msk $0xffff, v2  }
0x7e: {  	v1 =	vld [tilespmem:$0x30];
	_ =	sdelay $0x2  }
0x7f: {  	v2 =	vld [tilespmem:$0x530];
	_ =	sdelay $0x4  }
0x80: {  	[tilespmem:v1+s24+$0x0] =	vst.idx.add.f32.msk $0xffff, v2  }
0x81: {  	v1 =	vld [tilespmem:$0x40];
	_ =	sdelay $0x2  }
0x82: {  	v2 =	vld [tilespmem:$0x540];
	_ =	sdelay $0x4  }
0x83: {  	[tilespmem:v1+s24+$0x0] =	vst.idx.add.f32.msk $0xffff, v2  }
0x84: {  	v1 =	vld [tilespmem:$0x50];
	_ =	sdelay $0x2  }
0x85: {  	v2 =	vld [tilespmem:$0x550];
	_ =	sdelay $0x4  }
0x86: {  	[tilespmem:v1+s24+$0x0] =	vst.idx.add.f32.msk $0xffff, v2  }
0x87: {  	v1 =	vld [tilespmem:$0x60];
	_ =	sdelay $0x2  }
0x88: {  	v2 =	vld [tilespmem:$0x560];
	_ =	sdelay $0x4  }
0x89: {  	[tilespmem:v1+s24+$0x0] =	vst.idx.add.f32.msk $0xffff, v2  }
0x8a: {  	v1 =	vld [tilespmem:$0x70];
	_ =	sdelay $0x2  }
0x8b: {  	v2 =	vld [tilespmem:$0x570];
	_ =	sdelay $0x4  }
0x8c: {  	[tilespmem:v1+s24+$0x0] =	vst.idx.add.f32.msk $0xffff, v2  }
0x8d: {  	v1 =	vld [tilespmem:$0x80];
	_ =	sdelay $0x2  }
0x8e: {  	v2 =	vld [tilespmem:$0x580];
	_ =	sdelay $0x4  }
0x8f: {  	[tilespmem:v1+s24+$0x0] =	vst.idx.add.f32.msk $0xffff, v2  }
0x90: {  	v1 =	vld [tilespmem:$0x90];
	_ =	sdelay $0x2  }
0x91: {  	v2 =	vld [tilespmem:$0x590];
	_ =	sdelay $0x4  }
0x92: {  	[tilespmem:v1+s24+$0x0] =	vst.idx.add.f32.msk $0xffff, v2  }
0x93: {  	v1 =	vld [tilespmem:$0xA0];
	_ =	sdelay $0x2  }
0x94: {  	v2 =	vld [tilespmem:$0x5A0];
	_ =	sdelay $0x4  }
0x95: {  	[tilespmem:v1+s24+$0x0] =	vst.idx.add.f32.msk $0xffff, v2  }
0x96: {  	v1 =	vld [tilespmem:$0xB0];
	_ =	sdelay $0x2  }
0x97: {  	v2 =	vld [tilespmem:$0x5B0];
	_ =	sdelay $0x4  }
0x98: {  	[tilespmem:v1+s24+$0x0] =	vst.idx.add.f32.msk $0xffff, v2  }
0x99: {  	v1 =	vld [tilespmem:$0xC0];
	_ =	sdelay $0x2  }
0x9a: {  	v2 =	vld [tilespmem:$0x5C0];
	_ =	sdelay $0x4  }
0x9b: {  	[tilespmem:v1+s24+$0x0] =	vst.idx.add.f32.msk $0xffff, v2  }
0x9c: {  	v1 =	vld [tilespmem:$0xD0];
	_ =	sdelay $0x2  }
0x9d: {  	v2 =	vld [tilespmem:$0x5D0];
	_ =	sdelay $0x4  }
0x9e: {  	[tilespmem:v1+s24+$0x0] =	vst.idx.add.f32.msk $0xffff, v2  }
0x9f: {  	v1 =	vld [tilespmem:$0xE0];
	_ =	sdelay $0x2  }
0xa0: {  	v2 =	vld [tilespmem:$0x5E0];
	_ =	sdelay $0x4  }
0xa1: {  	[tilespmem:v1+s24+$0x0] =	vst.idx.add.f32.msk $0xffff, v2  }
0xa2: {  	v1 =	vld [tilespmem:$0xF0];
	_ =	sdelay $0x2  }
0xa3: {  	v2 =	vld [tilespmem:$0x5F0];
	_ =	sdelay $0x4  }
0xa4: {  	[tilespmem:v1+s24+$0x0] =	vst.idx.add.f32.msk $0xffff, v2  }
0xa5: {  	v1 =	vld [tilespmem:$0x100];
	_ =	sdelay $0x2  }
0xa6: {  	v2 =	vld [tilespmem:$0x600];
	_ =	sdelay $0x4  }
0xa7: {  	[tilespmem:v1+s24+$0x0] =	vst.idx.add.f32.msk $0xffff, v2  }
0xa8: {  	v1 =	vld [tilespmem:$0x110];
	_ =	sdelay $0x2  }
0xa9: {  	v2 =	vld [tilespmem:$0x610];
	_ =	sdelay $0x4  }
0xaa: {  	[tilespmem:v1+s24+$0x0] =	vst.idx.add.f32.msk $0xffff, v2  }
0xab: {  	v1 =	vld [tilespmem:$0x120];
	_ =	sdelay $0x2  }
0xac: {  	v2 =	vld [tilespmem:$0x620];
	_ =	sdelay $0x4  }
0xad: {  	[tilespmem:v1+s24+$0x0] =	vst.idx.add.f32.msk $0xffff, v2  }
0xae: {  	v1 =	vld [tilespmem:$0x130];
	_ =	sdelay $0x2  }
0xaf: {  	v2 =	vld [tilespmem:$0x630];
	_ =	sdelay $0x4  }
0xb0: {  	[tilespmem:v1+s24+$0x0] =	vst.idx.add.f32.msk $0xffff, v2  }
0xb1: {  	v1 =	vld [tilespmem:$0x140];
	_ =	sdelay $0x2  }
0xb2: {  	v2 =	vld [tilespmem:$0x640];
	_ =	sdelay $0x4  }
0xb3: {  	[tilespmem:v1+s24+$0x0] =	vst.idx.add.f32.msk $0xffff, v2  }
0xb4: {  	v1 =	vld [tilespmem:$0x150];
	_ =	sdelay $0x2  }
0xb5: {  	v2 =	vld [tilespmem:$0x650];
	_ =	sdelay $0x4  }
0xb6: {  	[tilespmem:v1+s24+$0x0] =	vst.idx.add.f32.msk $0xffff, v2  }
0xb7: {  	v1 =	vld [tilespmem:$0x160];
	_ =	sdelay $0x2  }
0xb8: {  	v2 =	vld [tilespmem:$0x660];
	_ =	sdelay $0x4  }
0xb9: {  	[tilespmem:v1+s24+$0x0] =	vst.idx.add.f32.msk $0xffff, v2  }
0xba: {  	v1 =	vld [tilespmem:$0x170];
	_ =	sdelay $0x2  }
0xbb: {  	v2 =	vld [tilespmem:$0x670];
	_ =	sdelay $0x4  }
0xbc: {  	[tilespmem:v1+s24+$0x0] =	vst.idx.add.f32.msk $0xffff, v2  }
0xbd: {  	v1 =	vld [tilespmem:$0x180];
	_ =	sdelay $0x2  }
0xbe: {  	v2 =	vld [tilespmem:$0x680];
	_ =	sdelay $0x4  }
0xbf: {  	[tilespmem:v1+s24+$0x0] =	vst.idx.add.f32.msk $0xffff, v2  }
0xc0: {  	v1 =	vld [tilespmem:$0x190];
	_ =	sdelay $0x2  }
0xc1: {  	v2 =	vld [tilespmem:$0x690];
	_ =	sdelay $0x4  }
0xc2: {  	[tilespmem:v1+s24+$0x0] =	vst.idx.add.f32.msk $0xffff, v2  }
0xc3: {  	v1 =	vld [tilespmem:$0x1A0];
	_ =	sdelay $0x2  }
0xc4: {  	v2 =	vld [tilespmem:$0x6A0];
	_ =	sdelay $0x4  }
0xc5: {  	[tilespmem:v1+s24+$0x0] =	vst.idx.add.f32.msk $0xffff, v2  }
0xc6: {  	v1 =	vld [tilespmem:$0x1B0];
	_ =	sdelay $0x2  }
0xc7: {  	v2 =	vld [tilespmem:$0x6B0];
	_ =	sdelay $0x4  }
0xc8: {  	[tilespmem:v1+s24+$0x0] =	vst.idx.add.f32.msk $0xffff, v2  }
0xc9: {  	v1 =	vld [tilespmem:$0x1C0];
	_ =	sdelay $0x2  }
0xca: {  	v2 =	vld [tilespmem:$0x6C0];
	_ =	sdelay $0x4  }
0xcb: {  	[tilespmem:v1+s24+$0x0] =	vst.idx.add.f32.msk $0xffff, v2  }
0xcc: {  	v1 =	vld [tilespmem:$0x1D0];
	_ =	sdelay $0x2  }
0xcd: {  	v2 =	vld [tilespmem:$0x6D0];
	_ =	sdelay $0x4  }
0xce: {  	[tilespmem:v1+s24+$0x0] =	vst.idx.add.f32.msk $0xffff, v2  }
0xcf: {  	v1 =	vld [tilespmem:$0x1E0];
	_ =	sdelay $0x2  }
0xd0: {  	v2 =	vld [tilespmem:$0x6E0];
	_ =	sdelay $0x4  }
0xd1: {  	[tilespmem:v1+s24+$0x0] =	vst.idx.add.f32.msk $0xffff, v2  }
0xd2: {  	v1 =	vld [tilespmem:$0x1F0];
	_ =	sdelay $0x2  }
0xd3: {  	v2 =	vld [tilespmem:$0x6F0];
	_ =	sdelay $0x4  }
0xd4: {  	[tilespmem:v1+s24+$0x0] =	vst.idx.add.f32.msk $0xffff, v2  }
0xd5: {  	v1 =	vld [tilespmem:$0x200];
	_ =	sdelay $0x2  }
0xd6: {  	v2 =	vld [tilespmem:$0x700];
	_ =	sdelay $0x4  }
0xd7: {  	[tilespmem:v1+s24+$0x0] =	vst.idx.add.f32.msk $0xffff, v2  }
0xd8: {  	v1 =	vld [tilespmem:$0x210];
	_ =	sdelay $0x2  }
0xd9: {  	v2 =	vld [tilespmem:$0x710];
	_ =	sdelay $0x4  }
0xda: {  	[tilespmem:v1+s24+$0x0] =	vst.idx.add.f32.msk $0xffff, v2  }
0xdb: {  	v1 =	vld [tilespmem:$0x220];
	_ =	sdelay $0x2  }
0xdc: {  	v2 =	vld [tilespmem:$0x720];
	_ =	sdelay $0x4  }
0xdd: {  	[tilespmem:v1+s24+$0x0] =	vst.idx.add.f32.msk $0xffff, v2  }
0xde: {  	v1 =	vld [tilespmem:$0x230];
	_ =	sdelay $0x2  }
0xdf: {  	v2 =	vld [tilespmem:$0x730];
	_ =	sdelay $0x4  }
0xe0: {  	[tilespmem:v1+s24+$0x0] =	vst.idx.add.f32.msk $0xffff, v2  }
0xe1: {  	v1 =	vld [tilespmem:$0x240];
	_ =	sdelay $0x2  }
0xe2: {  	v2 =	vld [tilespmem:$0x740];
	_ =	sdelay $0x4  }
0xe3: {  	[tilespmem:v1+s24+$0x0] =	vst.idx.add.f32.msk $0xffff, v2  }
0xe4: {  	v1 =	vld [tilespmem:$0x250];
	_ =	sdelay $0x2  }
0xe5: {  	v2 =	vld [tilespmem:$0x750];
	_ =	sdelay $0x4  }
0xe6: {  	[tilespmem:v1+s24+$0x0] =	vst.idx.add.f32.msk $0xffff, v2  }
0xe7: {  	v1 =	vld [tilespmem:$0x260];
	_ =	sdelay $0x2  }
0xe8: {  	v2 =	vld [tilespmem:$0x760];
	_ =	sdelay $0x4  }
0xe9: {  	[tilespmem:v1+s24+$0x0] =	vst.idx.add.f32.msk $0xffff, v2  }
0xea: {  	v1 =	vld [tilespmem:$0x270];
	_ =	sdelay $0x2  }
0xeb: {  	v2 =	vld [tilespmem:$0x770];
	_ =	sdelay $0x4  }
0xec: {  	[tilespmem:v1+s24+$0x0] =	vst.idx.add.f32.msk $0xffff, v2  }
0xed: {  	v1 =	vld [tilespmem:$0x280];
	_ =	sdelay $0x2  }
0xee: {  	v2 =	vld [tilespmem:$0x780];
	_ =	sdelay $0x4  }
0xef: {  	[tilespmem:v1+s24+$0x0] =	vst.idx.add.f32.msk $0xffff, v2  }
0xf0: {  	v1 =	vld [tilespmem:$0x290];
	_ =	sdelay $0x2  }
0xf1: {  	v2 =	vld [tilespmem:$0x790];
	_ =	sdelay $0x4  }
0xf2: {  	[tilespmem:v1+s24+$0x0] =	vst.idx.add.f32.msk $0xffff, v2  }
0xf3: {  	v1 =	vld [tilespmem:$0x2A0];
	_ =	sdelay $0x2  }
0xf4: {  	v2 =	vld [tilespmem:$0x7A0];
	_ =	sdelay $0x4  }
0xf5: {  	[tilespmem:v1+s24+$0x0] =	vst.idx.add.f32.msk $0xffff, v2  }
0xf6: {  	v1 =	vld [tilespmem:$0x2B0];
	_ =	sdelay $0x2  }
0xf7: {  	v2 =	vld [tilespmem:$0x7B0];
	_ =	sdelay $0x4  }
0xf8: {  	[tilespmem:v1+s24+$0x0] =	vst.idx.add.f32.msk $0xffff, v2  }
0xf9: {  	v1 =	vld [tilespmem:$0x2C0];
	_ =	sdelay $0x2  }
0xfa: {  	v2 =	vld [tilespmem:$0x7C0];
	_ =	sdelay $0x4  }
0xfb: {  	[tilespmem:v1+s24+$0x0] =	vst.idx.add.f32.msk $0xffff, v2  }
0xfc: {  	v1 =	vld [tilespmem:$0x2D0];
	_ =	sdelay $0x2  }
0xfd: {  	v2 =	vld [tilespmem:$0x7D0];
	_ =	sdelay $0x4  }
0xfe: {  	[tilespmem:v1+s24+$0x0] =	vst.idx.add.f32.msk $0xffff, v2  }
0xff: {  	v1 =	vld [tilespmem:$0x2E0];
	_ =	sdelay $0x2  }
0x100: {  	v2 =	vld [tilespmem:$0x7E0];
	_ =	sdelay $0x4  }
0x101: {  	[tilespmem:v1+s24+$0x0] =	vst.idx.add.f32.msk $0xffff, v2  }
0x102: {  	v1 =	vld [tilespmem:$0x2F0];
	_ =	sdelay $0x2  }
0x103: {  	v2 =	vld [tilespmem:$0x7F0];
	_ =	sdelay $0x4  }
0x104: {  	[tilespmem:v1+s24+$0x0] =	vst.idx.add.f32.msk $0xffff, v2  }
0x105: {  	v1 =	vld [tilespmem:$0x300];
	_ =	sdelay $0x2  }
0x106: {  	v2 =	vld [tilespmem:$0x800];
	_ =	sdelay $0x4  }
0x107: {  	[tilespmem:v1+s24+$0x0] =	vst.idx.add.f32.msk $0xffff, v2  }
0x108: {  	v1 =	vld [tilespmem:$0x310];
	_ =	sdelay $0x2  }
0x109: {  	v2 =	vld [tilespmem:$0x810];
	_ =	sdelay $0x4  }
0x10a: {  	[tilespmem:v1+s24+$0x0] =	vst.idx.add.f32.msk $0xffff, v2  }
0x10b: {  	v1 =	vld [tilespmem:$0x320];
	_ =	sdelay $0x2  }
0x10c: {  	v2 =	vld [tilespmem:$0x820];
	_ =	sdelay $0x4  }
0x10d: {  	[tilespmem:v1+s24+$0x0] =	vst.idx.add.f32.msk $0xffff, v2  }
0x10e: {  	v1 =	vld [tilespmem:$0x330];
	_ =	sdelay $0x2  }
0x10f: {  	v2 =	vld [tilespmem:$0x830];
	_ =	sdelay $0x4  }
0x110: {  	[tilespmem:v1+s24+$0x0] =	vst.idx.add.f32.msk $0xffff, v2  }
0x111: {  	v1 =	vld [tilespmem:$0x340];
	_ =	sdelay $0x2  }
0x112: {  	v2 =	vld [tilespmem:$0x840];
	_ =	sdelay $0x4  }
0x113: {  	[tilespmem:v1+s24+$0x0] =	vst.idx.add.f32.msk $0xffff, v2  }
0x114: {  	v1 =	vld [tilespmem:$0x350];
	_ =	sdelay $0x2  }
0x115: {  	v2 =	vld [tilespmem:$0x850];
	_ =	sdelay $0x4  }
0x116: {  	[tilespmem:v1+s24+$0x0] =	vst.idx.add.f32.msk $0xffff, v2  }
0x117: {  	v1 =	vld [tilespmem:$0x360];
	_ =	sdelay $0x2  }
0x118: {  	v2 =	vld [tilespmem:$0x860];
	_ =	sdelay $0x4  }
0x119: {  	[tilespmem:v1+s24+$0x0] =	vst.idx.add.f32.msk $0xffff, v2  }
0x11a: {  	v1 =	vld [tilespmem:$0x370];
	_ =	sdelay $0x2  }
0x11b: {  	v2 =	vld [tilespmem:$0x870];
	_ =	sdelay $0x4  }
0x11c: {  	[tilespmem:v1+s24+$0x0] =	vst.idx.add.f32.msk $0xffff, v2  }
0x11d: {  	v1 =	vld [tilespmem:$0x380];
	_ =	sdelay $0x2  }
0x11e: {  	v2 =	vld [tilespmem:$0x880];
	_ =	sdelay $0x4  }
0x11f: {  	[tilespmem:v1+s24+$0x0] =	vst.idx.add.f32.msk $0xffff, v2  }
0x120: {  	v1 =	vld [tilespmem:$0x390];
	_ =	sdelay $0x2  }
0x121: {  	v2 =	vld [tilespmem:$0x890];
	_ =	sdelay $0x4  }
0x122: {  	[tilespmem:v1+s24+$0x0] =	vst.idx.add.f32.msk $0xffff, v2  }
0x123: {  	v1 =	vld [tilespmem:$0x3A0];
	_ =	sdelay $0x2  }
0x124: {  	v2 =	vld [tilespmem:$0x8A0];
	_ =	sdelay $0x4  }
0x125: {  	[tilespmem:v1+s24+$0x0] =	vst.idx.add.f32.msk $0xffff, v2  }
0x126: {  	v1 =	vld [tilespmem:$0x3B0];
	_ =	sdelay $0x2  }
0x127: {  	v2 =	vld [tilespmem:$0x8B0];
	_ =	sdelay $0x4  }
0x128: {  	[tilespmem:v1+s24+$0x0] =	vst.idx.add.f32.msk $0xffff, v2  }
0x129: {  	v1 =	vld [tilespmem:$0x3C0];
	_ =	sdelay $0x2  }
0x12a: {  	v2 =	vld [tilespmem:$0x8C0];
	_ =	sdelay $0x4  }
0x12b: {  	[tilespmem:v1+s24+$0x0] =	vst.idx.add.f32.msk $0xffff, v2  }
0x12c: {  	v1 =	vld [tilespmem:$0x3D0];
	_ =	sdelay $0x2  }
0x12d: {  	v2 =	vld [tilespmem:$0x8D0];
	_ =	sdelay $0x4  }
0x12e: {  	[tilespmem:v1+s24+$0x0] =	vst.idx.add.f32.msk $0xffff, v2  }
0x12f: {  	v1 =	vld [tilespmem:$0x3E0];
	_ =	sdelay $0x2  }
0x130: {  	v2 =	vld [tilespmem:$0x8E0];
	_ =	sdelay $0x4  }
0x131: {  	[tilespmem:v1+s24+$0x0] =	vst.idx.add.f32.msk $0xffff, v2  }
0x132: {  	v1 =	vld [tilespmem:$0x3F0];
	_ =	sdelay $0x2  }
0x133: {  	v2 =	vld [tilespmem:$0x8F0];
	_ =	sdelay $0x4  }
0x134: {  	[tilespmem:v1+s24+$0x0] =	vst.idx.add.f32.msk $0xffff, v2  }
0x135: {  	v1 =	vld [tilespmem:$0x400];
	_ =	sdelay $0x2  }
0x136: {  	v2 =	vld [tilespmem:$0x900];
	_ =	sdelay $0x4  }
0x137: {  	[tilespmem:v1+s24+$0x0] =	vst.idx.add.f32.msk $0xffff, v2  }
0x138: {  	v1 =	vld [tilespmem:$0x410];
	_ =	sdelay $0x2  }
0x139: {  	v2 =	vld [tilespmem:$0x910];
	_ =	sdelay $0x4  }
0x13a: {  	[tilespmem:v1+s24+$0x0] =	vst.idx.add.f32.msk $0xffff, v2  }
0x13b: {  	v1 =	vld [tilespmem:$0x420];
	_ =	sdelay $0x2  }
0x13c: {  	v2 =	vld [tilespmem:$0x920];
	_ =	sdelay $0x4  }
0x13d: {  	[tilespmem:v1+s24+$0x0] =	vst.idx.add.f32.msk $0xffff, v2  }
0x13e: {  	v1 =	vld [tilespmem:$0x430];
	_ =	sdelay $0x2  }
0x13f: {  	v2 =	vld [tilespmem:$0x930];
	_ =	sdelay $0x4  }
0x140: {  	[tilespmem:v1+s24+$0x0] =	vst.idx.add.f32.msk $0xffff, v2  }
0x141: {  	v1 =	vld [tilespmem:$0x440];
	_ =	sdelay $0x2  }
0x142: {  	v2 =	vld [tilespmem:$0x940];
	_ =	sdelay $0x4  }
0x143: {  	[tilespmem:v1+s24+$0x0] =	vst.idx.add.f32.msk $0xffff, v2  }
0x144: {  	v1 =	vld [tilespmem:$0x450];
	_ =	sdelay $0x2  }
0x145: {  	v2 =	vld [tilespmem:$0x950];
	_ =	sdelay $0x4  }
0x146: {  	[tilespmem:v1+s24+$0x0] =	vst.idx.add.f32.msk $0xffff, v2  }
0x147: {  	v1 =	vld [tilespmem:$0x460];
	_ =	sdelay $0x2  }
0x148: {  	v2 =	vld [tilespmem:$0x960];
	_ =	sdelay $0x4  }
0x149: {  	[tilespmem:v1+s24+$0x0] =	vst.idx.add.f32.msk $0xffff, v2  }
0x14a: {  	v1 =	vld [tilespmem:$0x470];
	_ =	sdelay $0x2  }
0x14b: {  	v2 =	vld [tilespmem:$0x970];
	_ =	sdelay $0x4  }
0x14c: {  	[tilespmem:v1+s24+$0x0] =	vst.idx.add.f32.msk $0xffff, v2  }
0x14d: {  	v1 =	vld [tilespmem:$0x480];
	_ =	sdelay $0x2  }
0x14e: {  	v2 =	vld [tilespmem:$0x980];
	_ =	sdelay $0x4  }
0x14f: {  	[tilespmem:v1+s24+$0x0] =	vst.idx.add.f32.msk $0xffff, v2  }
0x150: {  	v1 =	vld [tilespmem:$0x490];
	_ =	sdelay $0x2  }
0x151: {  	v2 =	vld [tilespmem:$0x990];
	_ =	sdelay $0x4  }
0x152: {  	[tilespmem:v1+s24+$0x0] =	vst.idx.add.f32.msk $0xffff, v2  }
0x153: {  	v1 =	vld [tilespmem:$0x4A0];
	_ =	sdelay $0x2  }
0x154: {  	v2 =	vld [tilespmem:$0x9A0];
	_ =	sdelay $0x4  }
0x155: {  	[tilespmem:v1+s24+$0x0] =	vst.idx.add.f32.msk $0xffff, v2  }
0x156: {  	[hbm4b:s16+s2] =	stream.linear.scatter [tilespmem:s24], [sflag:$0x1], $0xC800, $0x38;
	[tilespmem:$0x1A800] =	vst v63  }
0x157: {  	v1 =	vld [tilespmem:$0x0];
	_ =	sdelay $0x2  }
0x158: {  	v2 =	vld [tilespmem:$0x9B0];
	_ =	sdelay $0x4  }
0x159: {  	[tilespmem:v1+s25+$0x0] =	vst.idx.add.f32.msk $0xffff, v2  }
0x15a: {  	v1 =	vld [tilespmem:$0x10];
	_ =	sdelay $0x2  }
0x15b: {  	v2 =	vld [tilespmem:$0x9C0];
	_ =	sdelay $0x4  }
0x15c: {  	[tilespmem:v1+s25+$0x0] =	vst.idx.add.f32.msk $0xffff, v2  }
0x15d: {  	v1 =	vld [tilespmem:$0x20];
	_ =	sdelay $0x2  }
0x15e: {  	v2 =	vld [tilespmem:$0x9D0];
	_ =	sdelay $0x4  }
0x15f: {  	[tilespmem:v1+s25+$0x0] =	vst.idx.add.f32.msk $0xffff, v2  }
0x160: {  	v1 =	vld [tilespmem:$0x30];
	_ =	sdelay $0x2  }
0x161: {  	v2 =	vld [tilespmem:$0x9E0];
	_ =	sdelay $0x4  }
0x162: {  	[tilespmem:v1+s25+$0x0] =	vst.idx.add.f32.msk $0xffff, v2  }
0x163: {  	v1 =	vld [tilespmem:$0x40];
	_ =	sdelay $0x2  }
0x164: {  	v2 =	vld [tilespmem:$0x9F0];
	_ =	sdelay $0x4  }
0x165: {  	[tilespmem:v1+s25+$0x0] =	vst.idx.add.f32.msk $0xffff, v2  }
0x166: {  	v1 =	vld [tilespmem:$0x50];
	_ =	sdelay $0x2  }
0x167: {  	v2 =	vld [tilespmem:$0xA00];
	_ =	sdelay $0x4  }
0x168: {  	[tilespmem:v1+s25+$0x0] =	vst.idx.add.f32.msk $0xffff, v2  }
0x169: {  	v1 =	vld [tilespmem:$0x60];
	_ =	sdelay $0x2  }
0x16a: {  	v2 =	vld [tilespmem:$0xA10];
	_ =	sdelay $0x4  }
0x16b: {  	[tilespmem:v1+s25+$0x0] =	vst.idx.add.f32.msk $0xffff, v2  }
0x16c: {  	v1 =	vld [tilespmem:$0x70];
	_ =	sdelay $0x2  }
0x16d: {  	v2 =	vld [tilespmem:$0xA20];
	_ =	sdelay $0x4  }
0x16e: {  	[tilespmem:v1+s25+$0x0] =	vst.idx.add.f32.msk $0xffff, v2  }
0x16f: {  	v1 =	vld [tilespmem:$0x80];
	_ =	sdelay $0x2  }
0x170: {  	v2 =	vld [tilespmem:$0xA30];
	_ =	sdelay $0x4  }
0x171: {  	[tilespmem:v1+s25+$0x0] =	vst.idx.add.f32.msk $0xffff, v2  }
0x172: {  	v1 =	vld [tilespmem:$0x90];
	_ =	sdelay $0x2  }
0x173: {  	v2 =	vld [tilespmem:$0xA40];
	_ =	sdelay $0x4  }
0x174: {  	[tilespmem:v1+s25+$0x0] =	vst.idx.add.f32.msk $0xffff, v2  }
0x175: {  	v1 =	vld [tilespmem:$0xA0];
	_ =	sdelay $0x2  }
0x176: {  	v2 =	vld [tilespmem:$0xA50];
	_ =	sdelay $0x4  }
0x177: {  	[tilespmem:v1+s25+$0x0] =	vst.idx.add.f32.msk $0xffff, v2  }
0x178: {  	v1 =	vld [tilespmem:$0xB0];
	_ =	sdelay $0x2  }
0x179: {  	v2 =	vld [tilespmem:$0xA60];
	_ =	sdelay $0x4  }
0x17a: {  	[tilespmem:v1+s25+$0x0] =	vst.idx.add.f32.msk $0xffff, v2  }
0x17b: {  	v1 =	vld [tilespmem:$0xC0];
	_ =	sdelay $0x2  }
0x17c: {  	v2 =	vld [tilespmem:$0xA70];
	_ =	sdelay $0x4  }
0x17d: {  	[tilespmem:v1+s25+$0x0] =	vst.idx.add.f32.msk $0xffff, v2  }
0x17e: {  	v1 =	vld [tilespmem:$0xD0];
	_ =	sdelay $0x2  }
0x17f: {  	v2 =	vld [tilespmem:$0xA80];
	_ =	sdelay $0x4  }
0x180: {  	[tilespmem:v1+s25+$0x0] =	vst.idx.add.f32.msk $0xffff, v2  }
0x181: {  	v1 =	vld [tilespmem:$0xE0];
	_ =	sdelay $0x2  }
0x182: {  	v2 =	vld [tilespmem:$0xA90];
	_ =	sdelay $0x4  }
0x183: {  	[tilespmem:v1+s25+$0x0] =	vst.idx.add.f32.msk $0xffff, v2  }
0x184: {  	v1 =	vld [tilespmem:$0xF0];
	_ =	sdelay $0x2  }
0x185: {  	v2 =	vld [tilespmem:$0xAA0];
	_ =	sdelay $0x4  }
0x186: {  	[tilespmem:v1+s25+$0x0] =	vst.idx.add.f32.msk $0xffff, v2  }
0x187: {  	v1 =	vld [tilespmem:$0x100];
	_ =	sdelay $0x2  }
0x188: {  	v2 =	vld [tilespmem:$0xAB0];
	_ =	sdelay $0x4  }
0x189: {  	[tilespmem:v1+s25+$0x0] =	vst.idx.add.f32.msk $0xffff, v2  }
0x18a: {  	v1 =	vld [tilespmem:$0x110];
	_ =	sdelay $0x2  }
0x18b: {  	v2 =	vld [tilespmem:$0xAC0];
	_ =	sdelay $0x4  }
0x18c: {  	[tilespmem:v1+s25+$0x0] =	vst.idx.add.f32.msk $0xffff, v2  }
0x18d: {  	v1 =	vld [tilespmem:$0x120];
	_ =	sdelay $0x2  }
0x18e: {  	v2 =	vld [tilespmem:$0xAD0];
	_ =	sdelay $0x4  }
0x18f: {  	[tilespmem:v1+s25+$0x0] =	vst.idx.add.f32.msk $0xffff, v2  }
0x190: {  	v1 =	vld [tilespmem:$0x130];
	_ =	sdelay $0x2  }
0x191: {  	v2 =	vld [tilespmem:$0xAE0];
	_ =	sdelay $0x4  }
0x192: {  	[tilespmem:v1+s25+$0x0] =	vst.idx.add.f32.msk $0xffff, v2  }
0x193: {  	v1 =	vld [tilespmem:$0x140];
	_ =	sdelay $0x2  }
0x194: {  	v2 =	vld [tilespmem:$0xAF0];
	_ =	sdelay $0x4  }
0x195: {  	[tilespmem:v1+s25+$0x0] =	vst.idx.add.f32.msk $0xffff, v2  }
0x196: {  	v1 =	vld [tilespmem:$0x150];
	_ =	sdelay $0x2  }
0x197: {  	v2 =	vld [tilespmem:$0xB00];
	_ =	sdelay $0x4  }
0x198: {  	[tilespmem:v1+s25+$0x0] =	vst.idx.add.f32.msk $0xffff, v2  }
0x199: {  	v1 =	vld [tilespmem:$0x160];
	_ =	sdelay $0x2  }
0x19a: {  	v2 =	vld [tilespmem:$0xB10];
	_ =	sdelay $0x4  }
0x19b: {  	[tilespmem:v1+s25+$0x0] =	vst.idx.add.f32.msk $0xffff, v2  }
0x19c: {  	v1 =	vld [tilespmem:$0x170];
	_ =	sdelay $0x2  }
0x19d: {  	v2 =	vld [tilespmem:$0xB20];
	_ =	sdelay $0x4  }
0x19e: {  	[tilespmem:v1+s25+$0x0] =	vst.idx.add.f32.msk $0xffff, v2  }
0x19f: {  	v1 =	vld [tilespmem:$0x180];
	_ =	sdelay $0x2  }
0x1a0: {  	v2 =	vld [tilespmem:$0xB30];
	_ =	sdelay $0x4  }
0x1a1: {  	[tilespmem:v1+s25+$0x0] =	vst.idx.add.f32.msk $0xffff, v2  }
0x1a2: {  	v1 =	vld [tilespmem:$0x190];
	_ =	sdelay $0x2  }
0x1a3: {  	v2 =	vld [tilespmem:$0xB40];
	_ =	sdelay $0x4  }
0x1a4: {  	[tilespmem:v1+s25+$0x0] =	vst.idx.add.f32.msk $0xffff, v2  }
0x1a5: {  	v1 =	vld [tilespmem:$0x1A0];
	_ =	sdelay $0x2  }
0x1a6: {  	v2 =	vld [tilespmem:$0xB50];
	_ =	sdelay $0x4  }
0x1a7: {  	[tilespmem:v1+s25+$0x0] =	vst.idx.add.f32.msk $0xffff, v2  }
0x1a8: {  	v1 =	vld [tilespmem:$0x1B0];
	_ =	sdelay $0x2  }
0x1a9: {  	v2 =	vld [tilespmem:$0xB60];
	_ =	sdelay $0x4  }
0x1aa: {  	[tilespmem:v1+s25+$0x0] =	vst.idx.add.f32.msk $0xffff, v2  }
0x1ab: {  	v1 =	vld [tilespmem:$0x1C0];
	_ =	sdelay $0x2  }
0x1ac: {  	v2 =	vld [tilespmem:$0xB70];
	_ =	sdelay $0x4  }
0x1ad: {  	[tilespmem:v1+s25+$0x0] =	vst.idx.add.f32.msk $0xffff, v2  }
0x1ae: {  	v1 =	vld [tilespmem:$0x1D0];
	_ =	sdelay $0x2  }
0x1af: {  	v2 =	vld [tilespmem:$0xB80];
	_ =	sdelay $0x4  }
0x1b0: {  	[tilespmem:v1+s25+$0x0] =	vst.idx.add.f32.msk $0xffff, v2  }
0x1b1: {  	v1 =	vld [tilespmem:$0x1E0];
	_ =	sdelay $0x2  }
0x1b2: {  	v2 =	vld [tilespmem:$0xB90];
	_ =	sdelay $0x4  }
0x1b3: {  	[tilespmem:v1+s25+$0x0] =	vst.idx.add.f32.msk $0xffff, v2  }
0x1b4: {  	v1 =	vld [tilespmem:$0x1F0];
	_ =	sdelay $0x2  }
0x1b5: {  	v2 =	vld [tilespmem:$0xBA0];
	_ =	sdelay $0x4  }
0x1b6: {  	[tilespmem:v1+s25+$0x0] =	vst.idx.add.f32.msk $0xffff, v2  }
0x1b7: {  	v1 =	vld [tilespmem:$0x200];
	_ =	sdelay $0x2  }
0x1b8: {  	v2 =	vld [tilespmem:$0xBB0];
	_ =	sdelay $0x4  }
0x1b9: {  	[tilespmem:v1+s25+$0x0] =	vst.idx.add.f32.msk $0xffff, v2  }
0x1ba: {  	v1 =	vld [tilespmem:$0x210];
	_ =	sdelay $0x2  }
0x1bb: {  	v2 =	vld [tilespmem:$0xBC0];
	_ =	sdelay $0x4  }
0x1bc: {  	[tilespmem:v1+s25+$0x0] =	vst.idx.add.f32.msk $0xffff, v2  }
0x1bd: {  	v1 =	vld [tilespmem:$0x220];
	_ =	sdelay $0x2  }
0x1be: {  	v2 =	vld [tilespmem:$0xBD0];
	_ =	sdelay $0x4  }
0x1bf: {  	[tilespmem:v1+s25+$0x0] =	vst.idx.add.f32.msk $0xffff, v2  }
0x1c0: {  	v1 =	vld [tilespmem:$0x230];
	_ =	sdelay $0x2  }
0x1c1: {  	v2 =	vld [tilespmem:$0xBE0];
	_ =	sdelay $0x4  }
0x1c2: {  	[tilespmem:v1+s25+$0x0] =	vst.idx.add.f32.msk $0xffff, v2  }
0x1c3: {  	v1 =	vld [tilespmem:$0x240];
	_ =	sdelay $0x2  }
0x1c4: {  	v2 =	vld [tilespmem:$0xBF0];
	_ =	sdelay $0x4  }
0x1c5: {  	[tilespmem:v1+s25+$0x0] =	vst.idx.add.f32.msk $0xffff, v2  }
0x1c6: {  	v1 =	vld [tilespmem:$0x250];
	_ =	sdelay $0x2  }
0x1c7: {  	v2 =	vld [tilespmem:$0xC00];
	_ =	sdelay $0x4  }
0x1c8: {  	[tilespmem:v1+s25+$0x0] =	vst.idx.add.f32.msk $0xffff, v2  }
0x1c9: {  	v1 =	vld [tilespmem:$0x260];
	_ =	sdelay $0x2  }
0x1ca: {  	v2 =	vld [tilespmem:$0xC10];
	_ =	sdelay $0x4  }
0x1cb: {  	[tilespmem:v1+s25+$0x0] =	vst.idx.add.f32.msk $0xffff, v2  }
0x1cc: {  	v1 =	vld [tilespmem:$0x270];
	_ =	sdelay $0x2  }
0x1cd: {  	v2 =	vld [tilespmem:$0xC20];
	_ =	sdelay $0x4  }
0x1ce: {  	[tilespmem:v1+s25+$0x0] =	vst.idx.add.f32.msk $0xffff, v2  }
0x1cf: {  	v1 =	vld [tilespmem:$0x280];
	_ =	sdelay $0x2  }
0x1d0: {  	v2 =	vld [tilespmem:$0xC30];
	_ =	sdelay $0x4  }
0x1d1: {  	[tilespmem:v1+s25+$0x0] =	vst.idx.add.f32.msk $0xffff, v2  }
0x1d2: {  	v1 =	vld [tilespmem:$0x290];
	_ =	sdelay $0x2  }
0x1d3: {  	v2 =	vld [tilespmem:$0xC40];
	_ =	sdelay $0x4  }
0x1d4: {  	[tilespmem:v1+s25+$0x0] =	vst.idx.add.f32.msk $0xffff, v2  }
0x1d5: {  	v1 =	vld [tilespmem:$0x2A0];
	_ =	sdelay $0x2  }
0x1d6: {  	v2 =	vld [tilespmem:$0xC50];
	_ =	sdelay $0x4  }
0x1d7: {  	[tilespmem:v1+s25+$0x0] =	vst.idx.add.f32.msk $0xffff, v2  }
0x1d8: {  	v1 =	vld [tilespmem:$0x2B0];
	_ =	sdelay $0x2  }
0x1d9: {  	v2 =	vld [tilespmem:$0xC60];
	_ =	sdelay $0x4  }
0x1da: {  	[tilespmem:v1+s25+$0x0] =	vst.idx.add.f32.msk $0xffff, v2  }
0x1db: {  	v1 =	vld [tilespmem:$0x2C0];
	_ =	sdelay $0x2  }
0x1dc: {  	v2 =	vld [tilespmem:$0xC70];
	_ =	sdelay $0x4  }
0x1dd: {  	[tilespmem:v1+s25+$0x0] =	vst.idx.add.f32.msk $0xffff, v2  }
0x1de: {  	v1 =	vld [tilespmem:$0x2D0];
	_ =	sdelay $0x2  }
0x1df: {  	v2 =	vld [tilespmem:$0xC80];
	_ =	sdelay $0x4  }
0x1e0: {  	[tilespmem:v1+s25+$0x0] =	vst.idx.add.f32.msk $0xffff, v2  }
0x1e1: {  	v1 =	vld [tilespmem:$0x2E0];
	_ =	sdelay $0x2  }
0x1e2: {  	v2 =	vld [tilespmem:$0xC90];
	_ =	sdelay $0x4  }
0x1e3: {  	[tilespmem:v1+s25+$0x0] =	vst.idx.add.f32.msk $0xffff, v2  }
0x1e4: {  	v1 =	vld [tilespmem:$0x2F0];
	_ =	sdelay $0x2  }
0x1e5: {  	v2 =	vld [tilespmem:$0xCA0];
	_ =	sdelay $0x4  }
0x1e6: {  	[tilespmem:v1+s25+$0x0] =	vst.idx.add.f32.msk $0xffff, v2  }
0x1e7: {  	v1 =	vld [tilespmem:$0x300];
	_ =	sdelay $0x2  }
0x1e8: {  	v2 =	vld [tilespmem:$0xCB0];
	_ =	sdelay $0x4  }
0x1e9: {  	[tilespmem:v1+s25+$0x0] =	vst.idx.add.f32.msk $0xffff, v2  }
0x1ea: {  	v1 =	vld [tilespmem:$0x310];
	_ =	sdelay $0x2  }
0x1eb: {  	v2 =	vld [tilespmem:$0xCC0];
	_ =	sdelay $0x4  }
0x1ec: {  	[tilespmem:v1+s25+$0x0] =	vst.idx.add.f32.msk $0xffff, v2  }
0x1ed: {  	v1 =	vld [tilespmem:$0x320];
	_ =	sdelay $0x2  }
0x1ee: {  	v2 =	vld [tilespmem:$0xCD0];
	_ =	sdelay $0x4  }
0x1ef: {  	[tilespmem:v1+s25+$0x0] =	vst.idx.add.f32.msk $0xffff, v2  }
0x1f0: {  	v1 =	vld [tilespmem:$0x330];
	_ =	sdelay $0x2  }
0x1f1: {  	v2 =	vld [tilespmem:$0xCE0];
	_ =	sdelay $0x4  }
0x1f2: {  	[tilespmem:v1+s25+$0x0] =	vst.idx.add.f32.msk $0xffff, v2  }
0x1f3: {  	v1 =	vld [tilespmem:$0x340];
	_ =	sdelay $0x2  }
0x1f4: {  	v2 =	vld [tilespmem:$0xCF0];
	_ =	sdelay $0x4  }
0x1f5: {  	[tilespmem:v1+s25+$0x0] =	vst.idx.add.f32.msk $0xffff, v2  }
0x1f6: {  	v1 =	vld [tilespmem:$0x350];
	_ =	sdelay $0x2  }
0x1f7: {  	v2 =	vld [tilespmem:$0xD00];
	_ =	sdelay $0x4  }
0x1f8: {  	[tilespmem:v1+s25+$0x0] =	vst.idx.add.f32.msk $0xffff, v2  }
0x1f9: {  	v1 =	vld [tilespmem:$0x360];
	_ =	sdelay $0x2  }
0x1fa: {  	v2 =	vld [tilespmem:$0xD10];
	_ =	sdelay $0x4  }
0x1fb: {  	[tilespmem:v1+s25+$0x0] =	vst.idx.add.f32.msk $0xffff, v2  }
0x1fc: {  	v1 =	vld [tilespmem:$0x370];
	_ =	sdelay $0x2  }
0x1fd: {  	v2 =	vld [tilespmem:$0xD20];
	_ =	sdelay $0x4  }
0x1fe: {  	[tilespmem:v1+s25+$0x0] =	vst.idx.add.f32.msk $0xffff, v2  }
0x1ff: {  	v1 =	vld [tilespmem:$0x380];
	_ =	sdelay $0x2  }
0x200: {  	v2 =	vld [tilespmem:$0xD30];
	_ =	sdelay $0x4  }
0x201: {  	[tilespmem:v1+s25+$0x0] =	vst.idx.add.f32.msk $0xffff, v2  }
0x202: {  	v1 =	vld [tilespmem:$0x390];
	_ =	sdelay $0x2  }
0x203: {  	v2 =	vld [tilespmem:$0xD40];
	_ =	sdelay $0x4  }
0x204: {  	[tilespmem:v1+s25+$0x0] =	vst.idx.add.f32.msk $0xffff, v2  }
0x205: {  	v1 =	vld [tilespmem:$0x3A0];
	_ =	sdelay $0x2  }
0x206: {  	v2 =	vld [tilespmem:$0xD50];
	_ =	sdelay $0x4  }
0x207: {  	[tilespmem:v1+s25+$0x0] =	vst.idx.add.f32.msk $0xffff, v2  }
0x208: {  	v1 =	vld [tilespmem:$0x3B0];
	_ =	sdelay $0x2  }
0x209: {  	v2 =	vld [tilespmem:$0xD60];
	_ =	sdelay $0x4  }
0x20a: {  	[tilespmem:v1+s25+$0x0] =	vst.idx.add.f32.msk $0xffff, v2  }
0x20b: {  	v1 =	vld [tilespmem:$0x3C0];
	_ =	sdelay $0x2  }
0x20c: {  	v2 =	vld [tilespmem:$0xD70];
	_ =	sdelay $0x4  }
0x20d: {  	[tilespmem:v1+s25+$0x0] =	vst.idx.add.f32.msk $0xffff, v2  }
0x20e: {  	v1 =	vld [tilespmem:$0x3D0];
	_ =	sdelay $0x2  }
0x20f: {  	v2 =	vld [tilespmem:$0xD80];
	_ =	sdelay $0x4  }
0x210: {  	[tilespmem:v1+s25+$0x0] =	vst.idx.add.f32.msk $0xffff, v2  }
0x211: {  	v1 =	vld [tilespmem:$0x3E0];
	_ =	sdelay $0x2  }
0x212: {  	v2 =	vld [tilespmem:$0xD90];
	_ =	sdelay $0x4  }
0x213: {  	[tilespmem:v1+s25+$0x0] =	vst.idx.add.f32.msk $0xffff, v2  }
0x214: {  	v1 =	vld [tilespmem:$0x3F0];
	_ =	sdelay $0x2  }
0x215: {  	v2 =	vld [tilespmem:$0xDA0];
	_ =	sdelay $0x4  }
0x216: {  	[tilespmem:v1+s25+$0x0] =	vst.idx.add.f32.msk $0xffff, v2  }
0x217: {  	v1 =	vld [tilespmem:$0x400];
	_ =	sdelay $0x2  }
0x218: {  	v2 =	vld [tilespmem:$0xDB0];
	_ =	sdelay $0x4  }
0x219: {  	[tilespmem:v1+s25+$0x0] =	vst.idx.add.f32.msk $0xffff, v2  }
0x21a: {  	v1 =	vld [tilespmem:$0x410];
	_ =	sdelay $0x2  }
0x21b: {  	v2 =	vld [tilespmem:$0xDC0];
	_ =	sdelay $0x4  }
0x21c: {  	[tilespmem:v1+s25+$0x0] =	vst.idx.add.f32.msk $0xffff, v2  }
0x21d: {  	v1 =	vld [tilespmem:$0x420];
	_ =	sdelay $0x2  }
0x21e: {  	v2 =	vld [tilespmem:$0xDD0];
	_ =	sdelay $0x4  }
0x21f: {  	[tilespmem:v1+s25+$0x0] =	vst.idx.add.f32.msk $0xffff, v2  }
0x220: {  	v1 =	vld [tilespmem:$0x430];
	_ =	sdelay $0x2  }
0x221: {  	v2 =	vld [tilespmem:$0xDE0];
	_ =	sdelay $0x4  }
0x222: {  	[tilespmem:v1+s25+$0x0] =	vst.idx.add.f32.msk $0xffff, v2  }
0x223: {  	v1 =	vld [tilespmem:$0x440];
	_ =	sdelay $0x2  }
0x224: {  	v2 =	vld [tilespmem:$0xDF0];
	_ =	sdelay $0x4  }
0x225: {  	[tilespmem:v1+s25+$0x0] =	vst.idx.add.f32.msk $0xffff, v2  }
0x226: {  	v1 =	vld [tilespmem:$0x450];
	_ =	sdelay $0x2  }
0x227: {  	v2 =	vld [tilespmem:$0xE00];
	_ =	sdelay $0x4  }
0x228: {  	[tilespmem:v1+s25+$0x0] =	vst.idx.add.f32.msk $0xffff, v2  }
0x229: {  	v1 =	vld [tilespmem:$0x460];
	_ =	sdelay $0x2  }
0x22a: {  	v2 =	vld [tilespmem:$0xE10];
	_ =	sdelay $0x4  }
0x22b: {  	[tilespmem:v1+s25+$0x0] =	vst.idx.add.f32.msk $0xffff, v2  }
0x22c: {  	v1 =	vld [tilespmem:$0x470];
	_ =	sdelay $0x2  }
0x22d: {  	v2 =	vld [tilespmem:$0xE20];
	_ =	sdelay $0x4  }
0x22e: {  	[tilespmem:v1+s25+$0x0] =	vst.idx.add.f32.msk $0xffff, v2  }
0x22f: {  	v1 =	vld [tilespmem:$0x480];
	_ =	sdelay $0x2  }
0x230: {  	v2 =	vld [tilespmem:$0xE30];
	_ =	sdelay $0x4  }
0x231: {  	[tilespmem:v1+s25+$0x0] =	vst.idx.add.f32.msk $0xffff, v2  }
0x232: {  	v1 =	vld [tilespmem:$0x490];
	_ =	sdelay $0x2  }
0x233: {  	v2 =	vld [tilespmem:$0xE40];
	_ =	sdelay $0x4  }
0x234: {  	[tilespmem:v1+s25+$0x0] =	vst.idx.add.f32.msk $0xffff, v2  }
0x235: {  	v1 =	vld [tilespmem:$0x4A0];
	_ =	sdelay $0x2  }
0x236: {  	v2 =	vld [tilespmem:$0xE50];
	_ =	sdelay $0x4  }
0x237: {  	[tilespmem:v1+s25+$0x0] =	vst.idx.add.f32.msk $0xffff, v2  }
0x238: {  	[hbm4b:s17+s2] =	stream.linear.scatter [tilespmem:s25], [sflag:$0x2], $0xC800, $0x38;
	[tilespmem:$0x1A800] =	vst v63  }
0x239: {  	_ =	swait.ge [sflag:s26], $0xC800  }
0x23a: {  	[sflag:s26] =	ssyncset.done $0x0  }
0x23b: {  	[sflag:s26] =	ssyncadd.s32 $0xFFFF3800  }
0x23c: {  	v1 =	vld [tilespmem:$0x0];
	_ =	sdelay $0x7  }
0x23d: {  	[tilespmem:v1+s24+$0x0] =	vst.idx.msk $0xffff, v0  }
0x23e: {  	v1 =	vld [tilespmem:$0x10];
	_ =	sdelay $0x7  }
0x23f: {  	[tilespmem:v1+s24+$0x0] =	vst.idx.msk $0xffff, v0  }
0x240: {  	v1 =	vld [tilespmem:$0x20];
	_ =	sdelay $0x7  }
0x241: {  	[tilespmem:v1+s24+$0x0] =	vst.idx.msk $0xffff, v0  }
0x242: {  	v1 =	vld [tilespmem:$0x30];
	_ =	sdelay $0x7  }
0x243: {  	[tilespmem:v1+s24+$0x0] =	vst.idx.msk $0xffff, v0  }
0x244: {  	v1 =	vld [tilespmem:$0x40];
	_ =	sdelay $0x7  }
0x245: {  	[tilespmem:v1+s24+$0x0] =	vst.idx.msk $0xffff, v0  }
0x246: {  	v1 =	vld [tilespmem:$0x50];
	_ =	sdelay $0x7  }
0x247: {  	[tilespmem:v1+s24+$0x0] =	vst.idx.msk $0xffff, v0  }
0x248: {  	v1 =	vld [tilespmem:$0x60];
	_ =	sdelay $0x7  }
0x249: {  	[tilespmem:v1+s24+$0x0] =	vst.idx.msk $0xffff, v0  }
0x24a: {  	v1 =	vld [tilespmem:$0x70];
	_ =	sdelay $0x7  }
0x24b: {  	[tilespmem:v1+s24+$0x0] =	vst.idx.msk $0xffff, v0  }
0x24c: {  	v1 =	vld [tilespmem:$0x80];
	_ =	sdelay $0x7  }
0x24d: {  	[tilespmem:v1+s24+$0x0] =	vst.idx.msk $0xffff, v0  }
0x24e: {  	v1 =	vld [tilespmem:$0x90];
	_ =	sdelay $0x7  }
0x24f: {  	[tilespmem:v1+s24+$0x0] =	vst.idx.msk $0xffff, v0  }
0x250: {  	v1 =	vld [tilespmem:$0xA0];
	_ =	sdelay $0x7  }
0x251: {  	[tilespmem:v1+s24+$0x0] =	vst.idx.msk $0xffff, v0  }
0x252: {  	v1 =	vld [tilespmem:$0xB0];
	_ =	sdelay $0x7  }
0x253: {  	[tilespmem:v1+s24+$0x0] =	vst.idx.msk $0xffff, v0  }
0x254: {  	v1 =	vld [tilespmem:$0xC0];
	_ =	sdelay $0x7  }
0x255: {  	[tilespmem:v1+s24+$0x0] =	vst.idx.msk $0xffff, v0  }
0x256: {  	v1 =	vld [tilespmem:$0xD0];
	_ =	sdelay $0x7  }
0x257: {  	[tilespmem:v1+s24+$0x0] =	vst.idx.msk $0xffff, v0  }
0x258: {  	v1 =	vld [tilespmem:$0xE0];
	_ =	sdelay $0x7  }
0x259: {  	[tilespmem:v1+s24+$0x0] =	vst.idx.msk $0xffff, v0  }
0x25a: {  	v1 =	vld [tilespmem:$0xF0];
	_ =	sdelay $0x7  }
0x25b: {  	[tilespmem:v1+s24+$0x0] =	vst.idx.msk $0xffff, v0  }
0x25c: {  	v1 =	vld [tilespmem:$0x100];
	_ =	sdelay $0x7  }
0x25d: {  	[tilespmem:v1+s24+$0x0] =	vst.idx.msk $0xffff, v0  }
0x25e: {  	v1 =	vld [tilespmem:$0x110];
	_ =	sdelay $0x7  }
0x25f: {  	[tilespmem:v1+s24+$0x0] =	vst.idx.msk $0xffff, v0  }
0x260: {  	v1 =	vld [tilespmem:$0x120];
	_ =	sdelay $0x7  }
0x261: {  	[tilespmem:v1+s24+$0x0] =	vst.idx.msk $0xffff, v0  }
0x262: {  	v1 =	vld [tilespmem:$0x130];
	_ =	sdelay $0x7  }
0x263: {  	[tilespmem:v1+s24+$0x0] =	vst.idx.msk $0xffff, v0  }
0x264: {  	v1 =	vld [tilespmem:$0x140];
	_ =	sdelay $0x7  }
0x265: {  	[tilespmem:v1+s24+$0x0] =	vst.idx.msk $0xffff, v0  }
0x266: {  	v1 =	vld [tilespmem:$0x150];
	_ =	sdelay $0x7  }
0x267: {  	[tilespmem:v1+s24+$0x0] =	vst.idx.msk $0xffff, v0  }
0x268: {  	v1 =	vld [tilespmem:$0x160];
	_ =	sdelay $0x7  }
0x269: {  	[tilespmem:v1+s24+$0x0] =	vst.idx.msk $0xffff, v0  }
0x26a: {  	v1 =	vld [tilespmem:$0x170];
	_ =	sdelay $0x7  }
0x26b: {  	[tilespmem:v1+s24+$0x0] =	vst.idx.msk $0xffff, v0  }
0x26c: {  	v1 =	vld [tilespmem:$0x180];
	_ =	sdelay $0x7  }
0x26d: {  	[tilespmem:v1+s24+$0x0] =	vst.idx.msk $0xffff, v0  }
0x26e: {  	v1 =	vld [tilespmem:$0x190];
	_ =	sdelay $0x7  }
0x26f: {  	[tilespmem:v1+s24+$0x0] =	vst.idx.msk $0xffff, v0  }
0x270: {  	v1 =	vld [tilespmem:$0x1A0];
	_ =	sdelay $0x7  }
0x271: {  	[tilespmem:v1+s24+$0x0] =	vst.idx.msk $0xffff, v0  }
0x272: {  	v1 =	vld [tilespmem:$0x1B0];
	_ =	sdelay $0x7  }
0x273: {  	[tilespmem:v1+s24+$0x0] =	vst.idx.msk $0xffff, v0  }
0x274: {  	v1 =	vld [tilespmem:$0x1C0];
	_ =	sdelay $0x7  }
0x275: {  	[tilespmem:v1+s24+$0x0] =	vst.idx.msk $0xffff, v0  }
0x276: {  	v1 =	vld [tilespmem:$0x1D0];
	_ =	sdelay $0x7  }
0x277: {  	[tilespmem:v1+s24+$0x0] =	vst.idx.msk $0xffff, v0  }
0x278: {  	v1 =	vld [tilespmem:$0x1E0];
	_ =	sdelay $0x7  }
0x279: {  	[tilespmem:v1+s24+$0x0] =	vst.idx.msk $0xffff, v0  }
0x27a: {  	v1 =	vld [tilespmem:$0x1F0];
	_ =	sdelay $0x7  }
0x27b: {  	[tilespmem:v1+s24+$0x0] =	vst.idx.msk $0xffff, v0  }
0x27c: {  	v1 =	vld [tilespmem:$0x200];
	_ =	sdelay $0x7  }
0x27d: {  	[tilespmem:v1+s24+$0x0] =	vst.idx.msk $0xffff, v0  }
0x27e: {  	v1 =	vld [tilespmem:$0x210];
	_ =	sdelay $0x7  }
0x27f: {  	[tilespmem:v1+s24+$0x0] =	vst.idx.msk $0xffff, v0  }
0x280: {  	v1 =	vld [tilespmem:$0x220];
	_ =	sdelay $0x7  }
0x281: {  	[tilespmem:v1+s24+$0x0] =	vst.idx.msk $0xffff, v0  }
0x282: {  	v1 =	vld [tilespmem:$0x230];
	_ =	sdelay $0x7  }
0x283: {  	[tilespmem:v1+s24+$0x0] =	vst.idx.msk $0xffff, v0  }
0x284: {  	v1 =	vld [tilespmem:$0x240];
	_ =	sdelay $0x7  }
0x285: {  	[tilespmem:v1+s24+$0x0] =	vst.idx.msk $0xffff, v0  }
0x286: {  	v1 =	vld [tilespmem:$0x250];
	_ =	sdelay $0x7  }
0x287: {  	[tilespmem:v1+s24+$0x0] =	vst.idx.msk $0xffff, v0  }
0x288: {  	v1 =	vld [tilespmem:$0x260];
	_ =	sdelay $0x7  }
0x289: {  	[tilespmem:v1+s24+$0x0] =	vst.idx.msk $0xffff, v0  }
0x28a: {  	v1 =	vld [tilespmem:$0x270];
	_ =	sdelay $0x7  }
0x28b: {  	[tilespmem:v1+s24+$0x0] =	vst.idx.msk $0xffff, v0  }
0x28c: {  	v1 =	vld [tilespmem:$0x280];
	_ =	sdelay $0x7  }
0x28d: {  	[tilespmem:v1+s24+$0x0] =	vst.idx.msk $0xffff, v0  }
0x28e: {  	v1 =	vld [tilespmem:$0x290];
	_ =	sdelay $0x7  }
0x28f: {  	[tilespmem:v1+s24+$0x0] =	vst.idx.msk $0xffff, v0  }
0x290: {  	v1 =	vld [tilespmem:$0x2A0];
	_ =	sdelay $0x7  }
0x291: {  	[tilespmem:v1+s24+$0x0] =	vst.idx.msk $0xffff, v0  }
0x292: {  	v1 =	vld [tilespmem:$0x2B0];
	_ =	sdelay $0x7  }
0x293: {  	[tilespmem:v1+s24+$0x0] =	vst.idx.msk $0xffff, v0  }
0x294: {  	v1 =	vld [tilespmem:$0x2C0];
	_ =	sdelay $0x7  }
0x295: {  	[tilespmem:v1+s24+$0x0] =	vst.idx.msk $0xffff, v0  }
0x296: {  	v1 =	vld [tilespmem:$0x2D0];
	_ =	sdelay $0x7  }
0x297: {  	[tilespmem:v1+s24+$0x0] =	vst.idx.msk $0xffff, v0  }
0x298: {  	v1 =	vld [tilespmem:$0x2E0];
	_ =	sdelay $0x7  }
0x299: {  	[tilespmem:v1+s24+$0x0] =	vst.idx.msk $0xffff, v0  }
0x29a: {  	v1 =	vld [tilespmem:$0x2F0];
	_ =	sdelay $0x7  }
0x29b: {  	[tilespmem:v1+s24+$0x0] =	vst.idx.msk $0xffff, v0  }
0x29c: {  	v1 =	vld [tilespmem:$0x300];
	_ =	sdelay $0x7  }
0x29d: {  	[tilespmem:v1+s24+$0x0] =	vst.idx.msk $0xffff, v0  }
0x29e: {  	v1 =	vld [tilespmem:$0x310];
	_ =	sdelay $0x7  }
0x29f: {  	[tilespmem:v1+s24+$0x0] =	vst.idx.msk $0xffff, v0  }
0x2a0: {  	v1 =	vld [tilespmem:$0x320];
	_ =	sdelay $0x7  }
0x2a1: {  	[tilespmem:v1+s24+$0x0] =	vst.idx.msk $0xffff, v0  }
0x2a2: {  	v1 =	vld [tilespmem:$0x330];
	_ =	sdelay $0x7  }
0x2a3: {  	[tilespmem:v1+s24+$0x0] =	vst.idx.msk $0xffff, v0  }
0x2a4: {  	v1 =	vld [tilespmem:$0x340];
	_ =	sdelay $0x7  }
0x2a5: {  	[tilespmem:v1+s24+$0x0] =	vst.idx.msk $0xffff, v0  }
0x2a6: {  	v1 =	vld [tilespmem:$0x350];
	_ =	sdelay $0x7  }
0x2a7: {  	[tilespmem:v1+s24+$0x0] =	vst.idx.msk $0xffff, v0  }
0x2a8: {  	v1 =	vld [tilespmem:$0x360];
	_ =	sdelay $0x7  }
0x2a9: {  	[tilespmem:v1+s24+$0x0] =	vst.idx.msk $0xffff, v0  }
0x2aa: {  	v1 =	vld [tilespmem:$0x370];
	_ =	sdelay $0x7  }
0x2ab: {  	[tilespmem:v1+s24+$0x0] =	vst.idx.msk $0xffff, v0  }
0x2ac: {  	v1 =	vld [tilespmem:$0x380];
	_ =	sdelay $0x7  }
0x2ad: {  	[tilespmem:v1+s24+$0x0] =	vst.idx.msk $0xffff, v0  }
0x2ae: {  	v1 =	vld [tilespmem:$0x390];
	_ =	sdelay $0x7  }
0x2af: {  	[tilespmem:v1+s24+$0x0] =	vst.idx.msk $0xffff, v0  }
0x2b0: {  	v1 =	vld [tilespmem:$0x3A0];
	_ =	sdelay $0x7  }
0x2b1: {  	[tilespmem:v1+s24+$0x0] =	vst.idx.msk $0xffff, v0  }
0x2b2: {  	v1 =	vld [tilespmem:$0x3B0];
	_ =	sdelay $0x7  }
0x2b3: {  	[tilespmem:v1+s24+$0x0] =	vst.idx.msk $0xffff, v0  }
0x2b4: {  	v1 =	vld [tilespmem:$0x3C0];
	_ =	sdelay $0x7  }
0x2b5: {  	[tilespmem:v1+s24+$0x0] =	vst.idx.msk $0xffff, v0  }
0x2b6: {  	v1 =	vld [tilespmem:$0x3D0];
	_ =	sdelay $0x7  }
0x2b7: {  	[tilespmem:v1+s24+$0x0] =	vst.idx.msk $0xffff, v0  }
0x2b8: {  	v1 =	vld [tilespmem:$0x3E0];
	_ =	sdelay $0x7  }
0x2b9: {  	[tilespmem:v1+s24+$0x0] =	vst.idx.msk $0xffff, v0  }
0x2ba: {  	v1 =	vld [tilespmem:$0x3F0];
	_ =	sdelay $0x7  }
0x2bb: {  	[tilespmem:v1+s24+$0x0] =	vst.idx.msk $0xffff, v0  }
0x2bc: {  	v1 =	vld [tilespmem:$0x400];
	_ =	sdelay $0x7  }
0x2bd: {  	[tilespmem:v1+s24+$0x0] =	vst.idx.msk $0xffff, v0  }
0x2be: {  	v1 =	vld [tilespmem:$0x410];
	_ =	sdelay $0x7  }
0x2bf: {  	[tilespmem:v1+s24+$0x0] =	vst.idx.msk $0xffff, v0  }
0x2c0: {  	v1 =	vld [tilespmem:$0x420];
	_ =	sdelay $0x7  }
0x2c1: {  	[tilespmem:v1+s24+$0x0] =	vst.idx.msk $0xffff, v0  }
0x2c2: {  	v1 =	vld [tilespmem:$0x430];
	_ =	sdelay $0x7  }
0x2c3: {  	[tilespmem:v1+s24+$0x0] =	vst.idx.msk $0xffff, v0  }
0x2c4: {  	v1 =	vld [tilespmem:$0x440];
	_ =	sdelay $0x7  }
0x2c5: {  	[tilespmem:v1+s24+$0x0] =	vst.idx.msk $0xffff, v0  }
0x2c6: {  	v1 =	vld [tilespmem:$0x450];
	_ =	sdelay $0x7  }
0x2c7: {  	[tilespmem:v1+s24+$0x0] =	vst.idx.msk $0xffff, v0  }
0x2c8: {  	v1 =	vld [tilespmem:$0x460];
	_ =	sdelay $0x7  }
0x2c9: {  	[tilespmem:v1+s24+$0x0] =	vst.idx.msk $0xffff, v0  }
0x2ca: {  	v1 =	vld [tilespmem:$0x470];
	_ =	sdelay $0x7  }
0x2cb: {  	[tilespmem:v1+s24+$0x0] =	vst.idx.msk $0xffff, v0  }
0x2cc: {  	v1 =	vld [tilespmem:$0x480];
	_ =	sdelay $0x7  }
0x2cd: {  	[tilespmem:v1+s24+$0x0] =	vst.idx.msk $0xffff, v0  }
0x2ce: {  	v1 =	vld [tilespmem:$0x490];
	_ =	sdelay $0x7  }
0x2cf: {  	[tilespmem:v1+s24+$0x0] =	vst.idx.msk $0xffff, v0  }
0x2d0: {  	v1 =	vld [tilespmem:$0x4A0];
	_ =	sdelay $0x7  }
0x2d1: {  	[tilespmem:v1+s24+$0x0] =	vst.idx.msk $0xffff, v0  }
0x2d2: {  	v1 =	vld [tilespmem:$0x0];
	_ =	sdelay $0x2  }
0x2d3: {  	v2 =	vld [tilespmem:$0xE60];
	_ =	sdelay $0x4  }
0x2d4: {  	[tilespmem:v1+s24+$0x0] =	vst.idx.add.f32.msk $0xffff, v2  }
0x2d5: {  	v1 =	vld [tilespmem:$0x10];
	_ =	sdelay $0x2  }
0x2d6: {  	v2 =	vld [tilespmem:$0xE70];
	_ =	sdelay $0x4  }
0x2d7: {  	[tilespmem:v1+s24+$0x0] =	vst.idx.add.f32.msk $0xffff, v2  }
0x2d8: {  	v1 =	vld [tilespmem:$0x20];
	_ =	sdelay $0x2  }
0x2d9: {  	v2 =	vld [tilespmem:$0xE80];
	_ =	sdelay $0x4  }
0x2da: {  	[tilespmem:v1+s24+$0x0] =	vst.idx.add.f32.msk $0xffff, v2  }
0x2db: {  	v1 =	vld [tilespmem:$0x30];
	_ =	sdelay $0x2  }
0x2dc: {  	v2 =	vld [tilespmem:$0xE90];
	_ =	sdelay $0x4  }
0x2dd: {  	[tilespmem:v1+s24+$0x0] =	vst.idx.add.f32.msk $0xffff, v2  }
0x2de: {  	v1 =	vld [tilespmem:$0x40];
	_ =	sdelay $0x2  }
0x2df: {  	v2 =	vld [tilespmem:$0xEA0];
	_ =	sdelay $0x4  }
0x2e0: {  	[tilespmem:v1+s24+$0x0] =	vst.idx.add.f32.msk $0xffff, v2  }
0x2e1: {  	v1 =	vld [tilespmem:$0x50];
	_ =	sdelay $0x2  }
0x2e2: {  	v2 =	vld [tilespmem:$0xEB0];
	_ =	sdelay $0x4  }
0x2e3: {  	[tilespmem:v1+s24+$0x0] =	vst.idx.add.f32.msk $0xffff, v2  }
0x2e4: {  	v1 =	vld [tilespmem:$0x60];
	_ =	sdelay $0x2  }
0x2e5: {  	v2 =	vld [tilespmem:$0xEC0];
	_ =	sdelay $0x4  }
0x2e6: {  	[tilespmem:v1+s24+$0x0] =	vst.idx.add.f32.msk $0xffff, v2  }
0x2e7: {  	v1 =	vld [tilespmem:$0x70];
	_ =	sdelay $0x2  }
0x2e8: {  	v2 =	vld [tilespmem:$0xED0];
	_ =	sdelay $0x4  }
0x2e9: {  	[tilespmem:v1+s24+$0x0] =	vst.idx.add.f32.msk $0xffff, v2  }
0x2ea: {  	v1 =	vld [tilespmem:$0x80];
	_ =	sdelay $0x2  }
0x2eb: {  	v2 =	vld [tilespmem:$0xEE0];
	_ =	sdelay $0x4  }
0x2ec: {  	[tilespmem:v1+s24+$0x0] =	vst.idx.add.f32.msk $0xffff, v2  }
0x2ed: {  	v1 =	vld [tilespmem:$0x90];
	_ =	sdelay $0x2  }
0x2ee: {  	v2 =	vld [tilespmem:$0xEF0];
	_ =	sdelay $0x4  }
0x2ef: {  	[tilespmem:v1+s24+$0x0] =	vst.idx.add.f32.msk $0xffff, v2  }
0x2f0: {  	v1 =	vld [tilespmem:$0xA0];
	_ =	sdelay $0x2  }
0x2f1: {  	v2 =	vld [tilespmem:$0xF00];
	_ =	sdelay $0x4  }
0x2f2: {  	[tilespmem:v1+s24+$0x0] =	vst.idx.add.f32.msk $0xffff, v2  }
0x2f3: {  	v1 =	vld [tilespmem:$0xB0];
	_ =	sdelay $0x2  }
0x2f4: {  	v2 =	vld [tilespmem:$0xF10];
	_ =	sdelay $0x4  }
0x2f5: {  	[tilespmem:v1+s24+$0x0] =	vst.idx.add.f32.msk $0xffff, v2  }
0x2f6: {  	v1 =	vld [tilespmem:$0xC0];
	_ =	sdelay $0x2  }
0x2f7: {  	v2 =	vld [tilespmem:$0xF20];
	_ =	sdelay $0x4  }
0x2f8: {  	[tilespmem:v1+s24+$0x0] =	vst.idx.add.f32.msk $0xffff, v2  }
0x2f9: {  	v1 =	vld [tilespmem:$0xD0];
	_ =	sdelay $0x2  }
0x2fa: {  	v2 =	vld [tilespmem:$0xF30];
	_ =	sdelay $0x4  }
0x2fb: {  	[tilespmem:v1+s24+$0x0] =	vst.idx.add.f32.msk $0xffff, v2  }
0x2fc: {  	v1 =	vld [tilespmem:$0xE0];
	_ =	sdelay $0x2  }
0x2fd: {  	v2 =	vld [tilespmem:$0xF40];
	_ =	sdelay $0x4  }
0x2fe: {  	[tilespmem:v1+s24+$0x0] =	vst.idx.add.f32.msk $0xffff, v2  }
0x2ff: {  	v1 =	vld [tilespmem:$0xF0];
	_ =	sdelay $0x2  }
0x300: {  	v2 =	vld [tilespmem:$0xF50];
	_ =	sdelay $0x4  }
0x301: {  	[tilespmem:v1+s24+$0x0] =	vst.idx.add.f32.msk $0xffff, v2  }
0x302: {  	v1 =	vld [tilespmem:$0x100];
	_ =	sdelay $0x2  }
0x303: {  	v2 =	vld [tilespmem:$0xF60];
	_ =	sdelay $0x4  }
0x304: {  	[tilespmem:v1+s24+$0x0] =	vst.idx.add.f32.msk $0xffff, v2  }
0x305: {  	v1 =	vld [tilespmem:$0x110];
	_ =	sdelay $0x2  }
0x306: {  	v2 =	vld [tilespmem:$0xF70];
	_ =	sdelay $0x4  }
0x307: {  	[tilespmem:v1+s24+$0x0] =	vst.idx.add.f32.msk $0xffff, v2  }
0x308: {  	v1 =	vld [tilespmem:$0x120];
	_ =	sdelay $0x2  }
0x309: {  	v2 =	vld [tilespmem:$0xF80];
	_ =	sdelay $0x4  }
0x30a: {  	[tilespmem:v1+s24+$0x0] =	vst.idx.add.f32.msk $0xffff, v2  }
0x30b: {  	v1 =	vld [tilespmem:$0x130];
	_ =	sdelay $0x2  }
0x30c: {  	v2 =	vld [tilespmem:$0xF90];
	_ =	sdelay $0x4  }
0x30d: {  	[tilespmem:v1+s24+$0x0] =	vst.idx.add.f32.msk $0xffff, v2  }
0x30e: {  	v1 =	vld [tilespmem:$0x140];
	_ =	sdelay $0x2  }
0x30f: {  	v2 =	vld [tilespmem:$0xFA0];
	_ =	sdelay $0x4  }
0x310: {  	[tilespmem:v1+s24+$0x0] =	vst.idx.add.f32.msk $0xffff, v2  }
0x311: {  	v1 =	vld [tilespmem:$0x150];
	_ =	sdelay $0x2  }
0x312: {  	v2 =	vld [tilespmem:$0xFB0];
	_ =	sdelay $0x4  }
0x313: {  	[tilespmem:v1+s24+$0x0] =	vst.idx.add.f32.msk $0xffff, v2  }
0x314: {  	v1 =	vld [tilespmem:$0x160];
	_ =	sdelay $0x2  }
0x315: {  	v2 =	vld [tilespmem:$0xFC0];
	_ =	sdelay $0x4  }
0x316: {  	[tilespmem:v1+s24+$0x0] =	vst.idx.add.f32.msk $0xffff, v2  }
0x317: {  	v1 =	vld [tilespmem:$0x170];
	_ =	sdelay $0x2  }
0x318: {  	v2 =	vld [tilespmem:$0xFD0];
	_ =	sdelay $0x4  }
0x319: {  	[tilespmem:v1+s24+$0x0] =	vst.idx.add.f32.msk $0xffff, v2  }
0x31a: {  	v1 =	vld [tilespmem:$0x180];
	_ =	sdelay $0x2  }
0x31b: {  	v2 =	vld [tilespmem:$0xFE0];
	_ =	sdelay $0x4  }
0x31c: {  	[tilespmem:v1+s24+$0x0] =	vst.idx.add.f32.msk $0xffff, v2  }
0x31d: {  	v1 =	vld [tilespmem:$0x190];
	_ =	sdelay $0x2  }
0x31e: {  	v2 =	vld [tilespmem:$0xFF0];
	_ =	sdelay $0x4  }
0x31f: {  	[tilespmem:v1+s24+$0x0] =	vst.idx.add.f32.msk $0xffff, v2  }
0x320: {  	v1 =	vld [tilespmem:$0x1A0];
	_ =	sdelay $0x2  }
0x321: {  	v2 =	vld [tilespmem:$0x1000];
	_ =	sdelay $0x4  }
0x322: {  	[tilespmem:v1+s24+$0x0] =	vst.idx.add.f32.msk $0xffff, v2  }
0x323: {  	v1 =	vld [tilespmem:$0x1B0];
	_ =	sdelay $0x2  }
0x324: {  	v2 =	vld [tilespmem:$0x1010];
	_ =	sdelay $0x4  }
0x325: {  	[tilespmem:v1+s24+$0x0] =	vst.idx.add.f32.msk $0xffff, v2  }
0x326: {  	v1 =	vld [tilespmem:$0x1C0];
	_ =	sdelay $0x2  }
0x327: {  	v2 =	vld [tilespmem:$0x1020];
	_ =	sdelay $0x4  }
0x328: {  	[tilespmem:v1+s24+$0x0] =	vst.idx.add.f32.msk $0xffff, v2  }
0x329: {  	v1 =	vld [tilespmem:$0x1D0];
	_ =	sdelay $0x2  }
0x32a: {  	v2 =	vld [tilespmem:$0x1030];
	_ =	sdelay $0x4  }
0x32b: {  	[tilespmem:v1+s24+$0x0] =	vst.idx.add.f32.msk $0xffff, v2  }
0x32c: {  	v1 =	vld [tilespmem:$0x1E0];
	_ =	sdelay $0x2  }
0x32d: {  	v2 =	vld [tilespmem:$0x1040];
	_ =	sdelay $0x4  }
0x32e: {  	[tilespmem:v1+s24+$0x0] =	vst.idx.add.f32.msk $0xffff, v2  }
0x32f: {  	v1 =	vld [tilespmem:$0x1F0];
	_ =	sdelay $0x2  }
0x330: {  	v2 =	vld [tilespmem:$0x1050];
	_ =	sdelay $0x4  }
0x331: {  	[tilespmem:v1+s24+$0x0] =	vst.idx.add.f32.msk $0xffff, v2  }
0x332: {  	v1 =	vld [tilespmem:$0x200];
	_ =	sdelay $0x2  }
0x333: {  	v2 =	vld [tilespmem:$0x1060];
	_ =	sdelay $0x4  }
0x334: {  	[tilespmem:v1+s24+$0x0] =	vst.idx.add.f32.msk $0xffff, v2  }
0x335: {  	v1 =	vld [tilespmem:$0x210];
	_ =	sdelay $0x2  }
0x336: {  	v2 =	vld [tilespmem:$0x1070];
	_ =	sdelay $0x4  }
0x337: {  	[tilespmem:v1+s24+$0x0] =	vst.idx.add.f32.msk $0xffff, v2  }
0x338: {  	v1 =	vld [tilespmem:$0x220];
	_ =	sdelay $0x2  }
0x339: {  	v2 =	vld [tilespmem:$0x1080];
	_ =	sdelay $0x4  }
0x33a: {  	[tilespmem:v1+s24+$0x0] =	vst.idx.add.f32.msk $0xffff, v2  }
0x33b: {  	v1 =	vld [tilespmem:$0x230];
	_ =	sdelay $0x2  }
0x33c: {  	v2 =	vld [tilespmem:$0x1090];
	_ =	sdelay $0x4  }
0x33d: {  	[tilespmem:v1+s24+$0x0] =	vst.idx.add.f32.msk $0xffff, v2  }
0x33e: {  	v1 =	vld [tilespmem:$0x240];
	_ =	sdelay $0x2  }
0x33f: {  	v2 =	vld [tilespmem:$0x10A0];
	_ =	sdelay $0x4  }
0x340: {  	[tilespmem:v1+s24+$0x0] =	vst.idx.add.f32.msk $0xffff, v2  }
0x341: {  	v1 =	vld [tilespmem:$0x250];
	_ =	sdelay $0x2  }
0x342: {  	v2 =	vld [tilespmem:$0x10B0];
	_ =	sdelay $0x4  }
0x343: {  	[tilespmem:v1+s24+$0x0] =	vst.idx.add.f32.msk $0xffff, v2  }
0x344: {  	v1 =	vld [tilespmem:$0x260];
	_ =	sdelay $0x2  }
0x345: {  	v2 =	vld [tilespmem:$0x10C0];
	_ =	sdelay $0x4  }
0x346: {  	[tilespmem:v1+s24+$0x0] =	vst.idx.add.f32.msk $0xffff, v2  }
0x347: {  	v1 =	vld [tilespmem:$0x270];
	_ =	sdelay $0x2  }
0x348: {  	v2 =	vld [tilespmem:$0x10D0];
	_ =	sdelay $0x4  }
0x349: {  	[tilespmem:v1+s24+$0x0] =	vst.idx.add.f32.msk $0xffff, v2  }
0x34a: {  	v1 =	vld [tilespmem:$0x280];
	_ =	sdelay $0x2  }
0x34b: {  	v2 =	vld [tilespmem:$0x10E0];
	_ =	sdelay $0x4  }
0x34c: {  	[tilespmem:v1+s24+$0x0] =	vst.idx.add.f32.msk $0xffff, v2  }
0x34d: {  	v1 =	vld [tilespmem:$0x290];
	_ =	sdelay $0x2  }
0x34e: {  	v2 =	vld [tilespmem:$0x10F0];
	_ =	sdelay $0x4  }
0x34f: {  	[tilespmem:v1+s24+$0x0] =	vst.idx.add.f32.msk $0xffff, v2  }
0x350: {  	v1 =	vld [tilespmem:$0x2A0];
	_ =	sdelay $0x2  }
0x351: {  	v2 =	vld [tilespmem:$0x1100];
	_ =	sdelay $0x4  }
0x352: {  	[tilespmem:v1+s24+$0x0] =	vst.idx.add.f32.msk $0xffff, v2  }
0x353: {  	v1 =	vld [tilespmem:$0x2B0];
	_ =	sdelay $0x2  }
0x354: {  	v2 =	vld [tilespmem:$0x1110];
	_ =	sdelay $0x4  }
0x355: {  	[tilespmem:v1+s24+$0x0] =	vst.idx.add.f32.msk $0xffff, v2  }
0x356: {  	v1 =	vld [tilespmem:$0x2C0];
	_ =	sdelay $0x2  }
0x357: {  	v2 =	vld [tilespmem:$0x1120];
	_ =	sdelay $0x4  }
0x358: {  	[tilespmem:v1+s24+$0x0] =	vst.idx.add.f32.msk $0xffff, v2  }
0x359: {  	v1 =	vld [tilespmem:$0x2D0];
	_ =	sdelay $0x2  }
0x35a: {  	v2 =	vld [tilespmem:$0x1130];
	_ =	sdelay $0x4  }
0x35b: {  	[tilespmem:v1+s24+$0x0] =	vst.idx.add.f32.msk $0xffff, v2  }
0x35c: {  	v1 =	vld [tilespmem:$0x2E0];
	_ =	sdelay $0x2  }
0x35d: {  	v2 =	vld [tilespmem:$0x1140];
	_ =	sdelay $0x4  }
0x35e: {  	[tilespmem:v1+s24+$0x0] =	vst.idx.add.f32.msk $0xffff, v2  }
0x35f: {  	v1 =	vld [tilespmem:$0x2F0];
	_ =	sdelay $0x2  }
0x360: {  	v2 =	vld [tilespmem:$0x1150];
	_ =	sdelay $0x4  }
0x361: {  	[tilespmem:v1+s24+$0x0] =	vst.idx.add.f32.msk $0xffff, v2  }
0x362: {  	v1 =	vld [tilespmem:$0x300];
	_ =	sdelay $0x2  }
0x363: {  	v2 =	vld [tilespmem:$0x1160];
	_ =	sdelay $0x4  }
0x364: {  	[tilespmem:v1+s24+$0x0] =	vst.idx.add.f32.msk $0xffff, v2  }
0x365: {  	v1 =	vld [tilespmem:$0x310];
	_ =	sdelay $0x2  }
0x366: {  	v2 =	vld [tilespmem:$0x1170];
	_ =	sdelay $0x4  }
0x367: {  	[tilespmem:v1+s24+$0x0] =	vst.idx.add.f32.msk $0xffff, v2  }
0x368: {  	v1 =	vld [tilespmem:$0x320];
	_ =	sdelay $0x2  }
0x369: {  	v2 =	vld [tilespmem:$0x1180];
	_ =	sdelay $0x4  }
0x36a: {  	[tilespmem:v1+s24+$0x0] =	vst.idx.add.f32.msk $0xffff, v2  }
0x36b: {  	v1 =	vld [tilespmem:$0x330];
	_ =	sdelay $0x2  }
0x36c: {  	v2 =	vld [tilespmem:$0x1190];
	_ =	sdelay $0x4  }
0x36d: {  	[tilespmem:v1+s24+$0x0] =	vst.idx.add.f32.msk $0xffff, v2  }
0x36e: {  	v1 =	vld [tilespmem:$0x340];
	_ =	sdelay $0x2  }
0x36f: {  	v2 =	vld [tilespmem:$0x11A0];
	_ =	sdelay $0x4  }
0x370: {  	[tilespmem:v1+s24+$0x0] =	vst.idx.add.f32.msk $0xffff, v2  }
0x371: {  	v1 =	vld [tilespmem:$0x350];
	_ =	sdelay $0x2  }
0x372: {  	v2 =	vld [tilespmem:$0x11B0];
	_ =	sdelay $0x4  }
0x373: {  	[tilespmem:v1+s24+$0x0] =	vst.idx.add.f32.msk $0xffff, v2  }
0x374: {  	v1 =	vld [tilespmem:$0x360];
	_ =	sdelay $0x2  }
0x375: {  	v2 =	vld [tilespmem:$0x11C0];
	_ =	sdelay $0x4  }
0x376: {  	[tilespmem:v1+s24+$0x0] =	vst.idx.add.f32.msk $0xffff, v2  }
0x377: {  	v1 =	vld [tilespmem:$0x370];
	_ =	sdelay $0x2  }
0x378: {  	v2 =	vld [tilespmem:$0x11D0];
	_ =	sdelay $0x4  }
0x379: {  	[tilespmem:v1+s24+$0x0] =	vst.idx.add.f32.msk $0xffff, v2  }
0x37a: {  	v1 =	vld [tilespmem:$0x380];
	_ =	sdelay $0x2  }
0x37b: {  	v2 =	vld [tilespmem:$0x11E0];
	_ =	sdelay $0x4  }
0x37c: {  	[tilespmem:v1+s24+$0x0] =	vst.idx.add.f32.msk $0xffff, v2  }
0x37d: {  	v1 =	vld [tilespmem:$0x390];
	_ =	sdelay $0x2  }
0x37e: {  	v2 =	vld [tilespmem:$0x11F0];
	_ =	sdelay $0x4  }
0x37f: {  	[tilespmem:v1+s24+$0x0] =	vst.idx.add.f32.msk $0xffff, v2  }
0x380: {  	v1 =	vld [tilespmem:$0x3A0];
	_ =	sdelay $0x2  }
0x381: {  	v2 =	vld [tilespmem:$0x1200];
	_ =	sdelay $0x4  }
0x382: {  	[tilespmem:v1+s24+$0x0] =	vst.idx.add.f32.msk $0xffff, v2  }
0x383: {  	v1 =	vld [tilespmem:$0x3B0];
	_ =	sdelay $0x2  }
0x384: {  	v2 =	vld [tilespmem:$0x1210];
	_ =	sdelay $0x4  }
0x385: {  	[tilespmem:v1+s24+$0x0] =	vst.idx.add.f32.msk $0xffff, v2  }
0x386: {  	v1 =	vld [tilespmem:$0x3C0];
	_ =	sdelay $0x2  }
0x387: {  	v2 =	vld [tilespmem:$0x1220];
	_ =	sdelay $0x4  }
0x388: {  	[tilespmem:v1+s24+$0x0] =	vst.idx.add.f32.msk $0xffff, v2  }
0x389: {  	v1 =	vld [tilespmem:$0x3D0];
	_ =	sdelay $0x2  }
0x38a: {  	v2 =	vld [tilespmem:$0x1230];
	_ =	sdelay $0x4  }
0x38b: {  	[tilespmem:v1+s24+$0x0] =	vst.idx.add.f32.msk $0xffff, v2  }
0x38c: {  	v1 =	vld [tilespmem:$0x3E0];
	_ =	sdelay $0x2  }
0x38d: {  	v2 =	vld [tilespmem:$0x1240];
	_ =	sdelay $0x4  }
0x38e: {  	[tilespmem:v1+s24+$0x0] =	vst.idx.add.f32.msk $0xffff, v2  }
0x38f: {  	v1 =	vld [tilespmem:$0x3F0];
	_ =	sdelay $0x2  }
0x390: {  	v2 =	vld [tilespmem:$0x1250];
	_ =	sdelay $0x4  }
0x391: {  	[tilespmem:v1+s24+$0x0] =	vst.idx.add.f32.msk $0xffff, v2  }
0x392: {  	v1 =	vld [tilespmem:$0x400];
	_ =	sdelay $0x2  }
0x393: {  	v2 =	vld [tilespmem:$0x1260];
	_ =	sdelay $0x4  }
0x394: {  	[tilespmem:v1+s24+$0x0] =	vst.idx.add.f32.msk $0xffff, v2  }
0x395: {  	v1 =	vld [tilespmem:$0x410];
	_ =	sdelay $0x2  }
0x396: {  	v2 =	vld [tilespmem:$0x1270];
	_ =	sdelay $0x4  }
0x397: {  	[tilespmem:v1+s24+$0x0] =	vst.idx.add.f32.msk $0xffff, v2  }
0x398: {  	v1 =	vld [tilespmem:$0x420];
	_ =	sdelay $0x2  }
0x399: {  	v2 =	vld [tilespmem:$0x1280];
	_ =	sdelay $0x4  }
0x39a: {  	[tilespmem:v1+s24+$0x0] =	vst.idx.add.f32.msk $0xffff, v2  }
0x39b: {  	v1 =	vld [tilespmem:$0x430];
	_ =	sdelay $0x2  }
0x39c: {  	v2 =	vld [tilespmem:$0x1290];
	_ =	sdelay $0x4  }
0x39d: {  	[tilespmem:v1+s24+$0x0] =	vst.idx.add.f32.msk $0xffff, v2  }
0x39e: {  	v1 =	vld [tilespmem:$0x440];
	_ =	sdelay $0x2  }
0x39f: {  	v2 =	vld [tilespmem:$0x12A0];
	_ =	sdelay $0x4  }
0x3a0: {  	[tilespmem:v1+s24+$0x0] =	vst.idx.add.f32.msk $0xffff, v2  }
0x3a1: {  	v1 =	vld [tilespmem:$0x450];
	_ =	sdelay $0x2  }
0x3a2: {  	v2 =	vld [tilespmem:$0x12B0];
	_ =	sdelay $0x4  }
0x3a3: {  	[tilespmem:v1+s24+$0x0] =	vst.idx.add.f32.msk $0xffff, v2  }
0x3a4: {  	v1 =	vld [tilespmem:$0x460];
	_ =	sdelay $0x2  }
0x3a5: {  	v2 =	vld [tilespmem:$0x12C0];
	_ =	sdelay $0x4  }
0x3a6: {  	[tilespmem:v1+s24+$0x0] =	vst.idx.add.f32.msk $0xffff, v2  }
0x3a7: {  	v1 =	vld [tilespmem:$0x470];
	_ =	sdelay $0x2  }
0x3a8: {  	v2 =	vld [tilespmem:$0x12D0];
	_ =	sdelay $0x4  }
0x3a9: {  	[tilespmem:v1+s24+$0x0] =	vst.idx.add.f32.msk $0xffff, v2  }
0x3aa: {  	v1 =	vld [tilespmem:$0x480];
	_ =	sdelay $0x2  }
0x3ab: {  	v2 =	vld [tilespmem:$0x12E0];
	_ =	sdelay $0x4  }
0x3ac: {  	[tilespmem:v1+s24+$0x0] =	vst.idx.add.f32.msk $0xffff, v2  }
0x3ad: {  	v1 =	vld [tilespmem:$0x490];
	_ =	sdelay $0x2  }
0x3ae: {  	v2 =	vld [tilespmem:$0x12F0];
	_ =	sdelay $0x4  }
0x3af: {  	[tilespmem:v1+s24+$0x0] =	vst.idx.add.f32.msk $0xffff, v2  }
0x3b0: {  	v1 =	vld [tilespmem:$0x4A0];
	_ =	sdelay $0x2  }
0x3b1: {  	v2 =	vld [tilespmem:$0x1300];
	_ =	sdelay $0x4  }
0x3b2: {  	[tilespmem:v1+s24+$0x0] =	vst.idx.add.f32.msk $0xffff, v2  }
0x3b3: {  	[hbm4b:s18+s2] =	stream.linear.scatter [tilespmem:s24], [sflag:$0x1], $0xC800, $0x38;
	[tilespmem:$0x1A800] =	vst v63  }
0x3b4: {  	_ =	swait.ge [sflag:s28], $0xC800  }
0x3b5: {  	[sflag:s28] =	ssyncset.done $0x0  }
0x3b6: {  	[sflag:s28] =	ssyncadd.s32 $0xFFFF3800  }
0x3b7: {  	v1 =	vld [tilespmem:$0x0];
	_ =	sdelay $0x7  }
0x3b8: {  	[tilespmem:v1+s25+$0x0] =	vst.idx.msk $0xffff, v0  }
0x3b9: {  	v1 =	vld [tilespmem:$0x10];
	_ =	sdelay $0x7  }
0x3ba: {  	[tilespmem:v1+s25+$0x0] =	vst.idx.msk $0xffff, v0  }
0x3bb: {  	v1 =	vld [tilespmem:$0x20];
	_ =	sdelay $0x7  }
0x3bc: {  	[tilespmem:v1+s25+$0x0] =	vst.idx.msk $0xffff, v0  }
0x3bd: {  	v1 =	vld [tilespmem:$0x30];
	_ =	sdelay $0x7  }
0x3be: {  	[tilespmem:v1+s25+$0x0] =	vst.idx.msk $0xffff, v0  }
0x3bf: {  	v1 =	vld [tilespmem:$0x40];
	_ =	sdelay $0x7  }
0x3c0: {  	[tilespmem:v1+s25+$0x0] =	vst.idx.msk $0xffff, v0  }
0x3c1: {  	v1 =	vld [tilespmem:$0x50];
	_ =	sdelay $0x7  }
0x3c2: {  	[tilespmem:v1+s25+$0x0] =	vst.idx.msk $0xffff, v0  }
0x3c3: {  	v1 =	vld [tilespmem:$0x60];
	_ =	sdelay $0x7  }
0x3c4: {  	[tilespmem:v1+s25+$0x0] =	vst.idx.msk $0xffff, v0  }
0x3c5: {  	v1 =	vld [tilespmem:$0x70];
	_ =	sdelay $0x7  }
0x3c6: {  	[tilespmem:v1+s25+$0x0] =	vst.idx.msk $0xffff, v0  }
0x3c7: {  	v1 =	vld [tilespmem:$0x80];
	_ =	sdelay $0x7  }
0x3c8: {  	[tilespmem:v1+s25+$0x0] =	vst.idx.msk $0xffff, v0  }
0x3c9: {  	v1 =	vld [tilespmem:$0x90];
	_ =	sdelay $0x7  }
0x3ca: {  	[tilespmem:v1+s25+$0x0] =	vst.idx.msk $0xffff, v0  }
0x3cb: {  	v1 =	vld [tilespmem:$0xA0];
	_ =	sdelay $0x7  }
0x3cc: {  	[tilespmem:v1+s25+$0x0] =	vst.idx.msk $0xffff, v0  }
0x3cd: {  	v1 =	vld [tilespmem:$0xB0];
	_ =	sdelay $0x7  }
0x3ce: {  	[tilespmem:v1+s25+$0x0] =	vst.idx.msk $0xffff, v0  }
0x3cf: {  	v1 =	vld [tilespmem:$0xC0];
	_ =	sdelay $0x7  }
0x3d0: {  	[tilespmem:v1+s25+$0x0] =	vst.idx.msk $0xffff, v0  }
0x3d1: {  	v1 =	vld [tilespmem:$0xD0];
	_ =	sdelay $0x7  }
0x3d2: {  	[tilespmem:v1+s25+$0x0] =	vst.idx.msk $0xffff, v0  }
0x3d3: {  	v1 =	vld [tilespmem:$0xE0];
	_ =	sdelay $0x7  }
0x3d4: {  	[tilespmem:v1+s25+$0x0] =	vst.idx.msk $0xffff, v0  }
0x3d5: {  	v1 =	vld [tilespmem:$0xF0];
	_ =	sdelay $0x7  }
0x3d6: {  	[tilespmem:v1+s25+$0x0] =	vst.idx.msk $0xffff, v0  }
0x3d7: {  	v1 =	vld [tilespmem:$0x100];
	_ =	sdelay $0x7  }
0x3d8: {  	[tilespmem:v1+s25+$0x0] =	vst.idx.msk $0xffff, v0  }
0x3d9: {  	v1 =	vld [tilespmem:$0x110];
	_ =	sdelay $0x7  }
0x3da: {  	[tilespmem:v1+s25+$0x0] =	vst.idx.msk $0xffff, v0  }
0x3db: {  	v1 =	vld [tilespmem:$0x120];
	_ =	sdelay $0x7  }
0x3dc: {  	[tilespmem:v1+s25+$0x0] =	vst.idx.msk $0xffff, v0  }
0x3dd: {  	v1 =	vld [tilespmem:$0x130];
	_ =	sdelay $0x7  }
0x3de: {  	[tilespmem:v1+s25+$0x0] =	vst.idx.msk $0xffff, v0  }
0x3df: {  	v1 =	vld [tilespmem:$0x140];
	_ =	sdelay $0x7  }
0x3e0: {  	[tilespmem:v1+s25+$0x0] =	vst.idx.msk $0xffff, v0  }
0x3e1: {  	v1 =	vld [tilespmem:$0x150];
	_ =	sdelay $0x7  }
0x3e2: {  	[tilespmem:v1+s25+$0x0] =	vst.idx.msk $0xffff, v0  }
0x3e3: {  	v1 =	vld [tilespmem:$0x160];
	_ =	sdelay $0x7  }
0x3e4: {  	[tilespmem:v1+s25+$0x0] =	vst.idx.msk $0xffff, v0  }
0x3e5: {  	v1 =	vld [tilespmem:$0x170];
	_ =	sdelay $0x7  }
0x3e6: {  	[tilespmem:v1+s25+$0x0] =	vst.idx.msk $0xffff, v0  }
0x3e7: {  	v1 =	vld [tilespmem:$0x180];
	_ =	sdelay $0x7  }
0x3e8: {  	[tilespmem:v1+s25+$0x0] =	vst.idx.msk $0xffff, v0  }
0x3e9: {  	v1 =	vld [tilespmem:$0x190];
	_ =	sdelay $0x7  }
0x3ea: {  	[tilespmem:v1+s25+$0x0] =	vst.idx.msk $0xffff, v0  }
0x3eb: {  	v1 =	vld [tilespmem:$0x1A0];
	_ =	sdelay $0x7  }
0x3ec: {  	[tilespmem:v1+s25+$0x0] =	vst.idx.msk $0xffff, v0  }
0x3ed: {  	v1 =	vld [tilespmem:$0x1B0];
	_ =	sdelay $0x7  }
0x3ee: {  	[tilespmem:v1+s25+$0x0] =	vst.idx.msk $0xffff, v0  }
0x3ef: {  	v1 =	vld [tilespmem:$0x1C0];
	_ =	sdelay $0x7  }
0x3f0: {  	[tilespmem:v1+s25+$0x0] =	vst.idx.msk $0xffff, v0  }
0x3f1: {  	v1 =	vld [tilespmem:$0x1D0];
	_ =	sdelay $0x7  }
0x3f2: {  	[tilespmem:v1+s25+$0x0] =	vst.idx.msk $0xffff, v0  }
0x3f3: {  	v1 =	vld [tilespmem:$0x1E0];
	_ =	sdelay $0x7  }
0x3f4: {  	[tilespmem:v1+s25+$0x0] =	vst.idx.msk $0xffff, v0  }
0x3f5: {  	v1 =	vld [tilespmem:$0x1F0];
	_ =	sdelay $0x7  }
0x3f6: {  	[tilespmem:v1+s25+$0x0] =	vst.idx.msk $0xffff, v0  }
0x3f7: {  	v1 =	vld [tilespmem:$0x200];
	_ =	sdelay $0x7  }
0x3f8: {  	[tilespmem:v1+s25+$0x0] =	vst.idx.msk $0xffff, v0  }
0x3f9: {  	v1 =	vld [tilespmem:$0x210];
	_ =	sdelay $0x7  }
0x3fa: {  	[tilespmem:v1+s25+$0x0] =	vst.idx.msk $0xffff, v0  }
0x3fb: {  	v1 =	vld [tilespmem:$0x220];
	_ =	sdelay $0x7  }
0x3fc: {  	[tilespmem:v1+s25+$0x0] =	vst.idx.msk $0xffff, v0  }
0x3fd: {  	v1 =	vld [tilespmem:$0x230];
	_ =	sdelay $0x7  }
0x3fe: {  	[tilespmem:v1+s25+$0x0] =	vst.idx.msk $0xffff, v0  }
0x3ff: {  	v1 =	vld [tilespmem:$0x240];
	_ =	sdelay $0x7  }
0x400: {  	[tilespmem:v1+s25+$0x0] =	vst.idx.msk $0xffff, v0  }
0x401: {  	v1 =	vld [tilespmem:$0x250];
	_ =	sdelay $0x7  }
0x402: {  	[tilespmem:v1+s25+$0x0] =	vst.idx.msk $0xffff, v0  }
0x403: {  	v1 =	vld [tilespmem:$0x260];
	_ =	sdelay $0x7  }
0x404: {  	[tilespmem:v1+s25+$0x0] =	vst.idx.msk $0xffff, v0  }
0x405: {  	v1 =	vld [tilespmem:$0x270];
	_ =	sdelay $0x7  }
0x406: {  	[tilespmem:v1+s25+$0x0] =	vst.idx.msk $0xffff, v0  }
0x407: {  	v1 =	vld [tilespmem:$0x280];
	_ =	sdelay $0x7  }
0x408: {  	[tilespmem:v1+s25+$0x0] =	vst.idx.msk $0xffff, v0  }
0x409: {  	v1 =	vld [tilespmem:$0x290];
	_ =	sdelay $0x7  }
0x40a: {  	[tilespmem:v1+s25+$0x0] =	vst.idx.msk $0xffff, v0  }
0x40b: {  	v1 =	vld [tilespmem:$0x2A0];
	_ =	sdelay $0x7  }
0x40c: {  	[tilespmem:v1+s25+$0x0] =	vst.idx.msk $0xffff, v0  }
0x40d: {  	v1 =	vld [tilespmem:$0x2B0];
	_ =	sdelay $0x7  }
0x40e: {  	[tilespmem:v1+s25+$0x0] =	vst.idx.msk $0xffff, v0  }
0x40f: {  	v1 =	vld [tilespmem:$0x2C0];
	_ =	sdelay $0x7  }
0x410: {  	[tilespmem:v1+s25+$0x0] =	vst.idx.msk $0xffff, v0  }
0x411: {  	v1 =	vld [tilespmem:$0x2D0];
	_ =	sdelay $0x7  }
0x412: {  	[tilespmem:v1+s25+$0x0] =	vst.idx.msk $0xffff, v0  }
0x413: {  	v1 =	vld [tilespmem:$0x2E0];
	_ =	sdelay $0x7  }
0x414: {  	[tilespmem:v1+s25+$0x0] =	vst.idx.msk $0xffff, v0  }
0x415: {  	v1 =	vld [tilespmem:$0x2F0];
	_ =	sdelay $0x7  }
0x416: {  	[tilespmem:v1+s25+$0x0] =	vst.idx.msk $0xffff, v0  }
0x417: {  	v1 =	vld [tilespmem:$0x300];
	_ =	sdelay $0x7  }
0x418: {  	[tilespmem:v1+s25+$0x0] =	vst.idx.msk $0xffff, v0  }
0x419: {  	v1 =	vld [tilespmem:$0x310];
	_ =	sdelay $0x7  }
0x41a: {  	[tilespmem:v1+s25+$0x0] =	vst.idx.msk $0xffff, v0  }
0x41b: {  	v1 =	vld [tilespmem:$0x320];
	_ =	sdelay $0x7  }
0x41c: {  	[tilespmem:v1+s25+$0x0] =	vst.idx.msk $0xffff, v0  }
0x41d: {  	v1 =	vld [tilespmem:$0x330];
	_ =	sdelay $0x7  }
0x41e: {  	[tilespmem:v1+s25+$0x0] =	vst.idx.msk $0xffff, v0  }
0x41f: {  	v1 =	vld [tilespmem:$0x340];
	_ =	sdelay $0x7  }
0x420: {  	[tilespmem:v1+s25+$0x0] =	vst.idx.msk $0xffff, v0  }
0x421: {  	v1 =	vld [tilespmem:$0x350];
	_ =	sdelay $0x7  }
0x422: {  	[tilespmem:v1+s25+$0x0] =	vst.idx.msk $0xffff, v0  }
0x423: {  	v1 =	vld [tilespmem:$0x360];
	_ =	sdelay $0x7  }
0x424: {  	[tilespmem:v1+s25+$0x0] =	vst.idx.msk $0xffff, v0  }
0x425: {  	v1 =	vld [tilespmem:$0x370];
	_ =	sdelay $0x7  }
0x426: {  	[tilespmem:v1+s25+$0x0] =	vst.idx.msk $0xffff, v0  }
0x427: {  	v1 =	vld [tilespmem:$0x380];
	_ =	sdelay $0x7  }
0x428: {  	[tilespmem:v1+s25+$0x0] =	vst.idx.msk $0xffff, v0  }
0x429: {  	v1 =	vld [tilespmem:$0x390];
	_ =	sdelay $0x7  }
0x42a: {  	[tilespmem:v1+s25+$0x0] =	vst.idx.msk $0xffff, v0  }
0x42b: {  	v1 =	vld [tilespmem:$0x3A0];
	_ =	sdelay $0x7  }
0x42c: {  	[tilespmem:v1+s25+$0x0] =	vst.idx.msk $0xffff, v0  }
0x42d: {  	v1 =	vld [tilespmem:$0x3B0];
	_ =	sdelay $0x7  }
0x42e: {  	[tilespmem:v1+s25+$0x0] =	vst.idx.msk $0xffff, v0  }
0x42f: {  	v1 =	vld [tilespmem:$0x3C0];
	_ =	sdelay $0x7  }
0x430: {  	[tilespmem:v1+s25+$0x0] =	vst.idx.msk $0xffff, v0  }
0x431: {  	v1 =	vld [tilespmem:$0x3D0];
	_ =	sdelay $0x7  }
0x432: {  	[tilespmem:v1+s25+$0x0] =	vst.idx.msk $0xffff, v0  }
0x433: {  	v1 =	vld [tilespmem:$0x3E0];
	_ =	sdelay $0x7  }
0x434: {  	[tilespmem:v1+s25+$0x0] =	vst.idx.msk $0xffff, v0  }
0x435: {  	v1 =	vld [tilespmem:$0x3F0];
	_ =	sdelay $0x7  }
0x436: {  	[tilespmem:v1+s25+$0x0] =	vst.idx.msk $0xffff, v0  }
0x437: {  	v1 =	vld [tilespmem:$0x400];
	_ =	sdelay $0x7  }
0x438: {  	[tilespmem:v1+s25+$0x0] =	vst.idx.msk $0xffff, v0  }
0x439: {  	v1 =	vld [tilespmem:$0x410];
	_ =	sdelay $0x7  }
0x43a: {  	[tilespmem:v1+s25+$0x0] =	vst.idx.msk $0xffff, v0  }
0x43b: {  	v1 =	vld [tilespmem:$0x420];
	_ =	sdelay $0x7  }
0x43c: {  	[tilespmem:v1+s25+$0x0] =	vst.idx.msk $0xffff, v0  }
0x43d: {  	v1 =	vld [tilespmem:$0x430];
	_ =	sdelay $0x7  }
0x43e: {  	[tilespmem:v1+s25+$0x0] =	vst.idx.msk $0xffff, v0  }
0x43f: {  	v1 =	vld [tilespmem:$0x440];
	_ =	sdelay $0x7  }
0x440: {  	[tilespmem:v1+s25+$0x0] =	vst.idx.msk $0xffff, v0  }
0x441: {  	v1 =	vld [tilespmem:$0x450];
	_ =	sdelay $0x7  }
0x442: {  	[tilespmem:v1+s25+$0x0] =	vst.idx.msk $0xffff, v0  }
0x443: {  	v1 =	vld [tilespmem:$0x460];
	_ =	sdelay $0x7  }
0x444: {  	[tilespmem:v1+s25+$0x0] =	vst.idx.msk $0xffff, v0  }
0x445: {  	v1 =	vld [tilespmem:$0x470];
	_ =	sdelay $0x7  }
0x446: {  	[tilespmem:v1+s25+$0x0] =	vst.idx.msk $0xffff, v0  }
0x447: {  	v1 =	vld [tilespmem:$0x480];
	_ =	sdelay $0x7  }
0x448: {  	[tilespmem:v1+s25+$0x0] =	vst.idx.msk $0xffff, v0  }
0x449: {  	v1 =	vld [tilespmem:$0x490];
	_ =	sdelay $0x7  }
0x44a: {  	[tilespmem:v1+s25+$0x0] =	vst.idx.msk $0xffff, v0  }
0x44b: {  	v1 =	vld [tilespmem:$0x4A0];
	_ =	sdelay $0x7  }
0x44c: {  	[tilespmem:v1+s25+$0x0] =	vst.idx.msk $0xffff, v0  }
0x44d: {  	v1 =	vld [tilespmem:$0x0];
	_ =	sdelay $0x2  }
0x44e: {  	v2 =	vld [tilespmem:$0x1310];
	_ =	sdelay $0x4  }
0x44f: {  	[tilespmem:v1+s25+$0x0] =	vst.idx.add.f32.msk $0xffff, v2  }
0x450: {  	v1 =	vld [tilespmem:$0x10];
	_ =	sdelay $0x2  }
0x451: {  	v2 =	vld [tilespmem:$0x1320];
	_ =	sdelay $0x4  }
0x452: {  	[tilespmem:v1+s25+$0x0] =	vst.idx.add.f32.msk $0xffff, v2  }
0x453: {  	v1 =	vld [tilespmem:$0x20];
	_ =	sdelay $0x2  }
0x454: {  	v2 =	vld [tilespmem:$0x1330];
	_ =	sdelay $0x4  }
0x455: {  	[tilespmem:v1+s25+$0x0] =	vst.idx.add.f32.msk $0xffff, v2  }
0x456: {  	v1 =	vld [tilespmem:$0x30];
	_ =	sdelay $0x2  }
0x457: {  	v2 =	vld [tilespmem:$0x1340];
	_ =	sdelay $0x4  }
0x458: {  	[tilespmem:v1+s25+$0x0] =	vst.idx.add.f32.msk $0xffff, v2  }
0x459: {  	v1 =	vld [tilespmem:$0x40];
	_ =	sdelay $0x2  }
0x45a: {  	v2 =	vld [tilespmem:$0x1350];
	_ =	sdelay $0x4  }
0x45b: {  	[tilespmem:v1+s25+$0x0] =	vst.idx.add.f32.msk $0xffff, v2  }
0x45c: {  	v1 =	vld [tilespmem:$0x50];
	_ =	sdelay $0x2  }
0x45d: {  	v2 =	vld [tilespmem:$0x1360];
	_ =	sdelay $0x4  }
0x45e: {  	[tilespmem:v1+s25+$0x0] =	vst.idx.add.f32.msk $0xffff, v2  }
0x45f: {  	v1 =	vld [tilespmem:$0x60];
	_ =	sdelay $0x2  }
0x460: {  	v2 =	vld [tilespmem:$0x1370];
	_ =	sdelay $0x4  }
0x461: {  	[tilespmem:v1+s25+$0x0] =	vst.idx.add.f32.msk $0xffff, v2  }
0x462: {  	v1 =	vld [tilespmem:$0x70];
	_ =	sdelay $0x2  }
0x463: {  	v2 =	vld [tilespmem:$0x1380];
	_ =	sdelay $0x4  }
0x464: {  	[tilespmem:v1+s25+$0x0] =	vst.idx.add.f32.msk $0xffff, v2  }
0x465: {  	v1 =	vld [tilespmem:$0x80];
	_ =	sdelay $0x2  }
0x466: {  	v2 =	vld [tilespmem:$0x1390];
	_ =	sdelay $0x4  }
0x467: {  	[tilespmem:v1+s25+$0x0] =	vst.idx.add.f32.msk $0xffff, v2  }
0x468: {  	v1 =	vld [tilespmem:$0x90];
	_ =	sdelay $0x2  }
0x469: {  	v2 =	vld [tilespmem:$0x13A0];
	_ =	sdelay $0x4  }
0x46a: {  	[tilespmem:v1+s25+$0x0] =	vst.idx.add.f32.msk $0xffff, v2  }
0x46b: {  	v1 =	vld [tilespmem:$0xA0];
	_ =	sdelay $0x2  }
0x46c: {  	v2 =	vld [tilespmem:$0x13B0];
	_ =	sdelay $0x4  }
0x46d: {  	[tilespmem:v1+s25+$0x0] =	vst.idx.add.f32.msk $0xffff, v2  }
0x46e: {  	v1 =	vld [tilespmem:$0xB0];
	_ =	sdelay $0x2  }
0x46f: {  	v2 =	vld [tilespmem:$0x13C0];
	_ =	sdelay $0x4  }
0x470: {  	[tilespmem:v1+s25+$0x0] =	vst.idx.add.f32.msk $0xffff, v2  }
0x471: {  	v1 =	vld [tilespmem:$0xC0];
	_ =	sdelay $0x2  }
0x472: {  	v2 =	vld [tilespmem:$0x13D0];
	_ =	sdelay $0x4  }
0x473: {  	[tilespmem:v1+s25+$0x0] =	vst.idx.add.f32.msk $0xffff, v2  }
0x474: {  	v1 =	vld [tilespmem:$0xD0];
	_ =	sdelay $0x2  }
0x475: {  	v2 =	vld [tilespmem:$0x13E0];
	_ =	sdelay $0x4  }
0x476: {  	[tilespmem:v1+s25+$0x0] =	vst.idx.add.f32.msk $0xffff, v2  }
0x477: {  	v1 =	vld [tilespmem:$0xE0];
	_ =	sdelay $0x2  }
0x478: {  	v2 =	vld [tilespmem:$0x13F0];
	_ =	sdelay $0x4  }
0x479: {  	[tilespmem:v1+s25+$0x0] =	vst.idx.add.f32.msk $0xffff, v2  }
0x47a: {  	v1 =	vld [tilespmem:$0xF0];
	_ =	sdelay $0x2  }
0x47b: {  	v2 =	vld [tilespmem:$0x1400];
	_ =	sdelay $0x4  }
0x47c: {  	[tilespmem:v1+s25+$0x0] =	vst.idx.add.f32.msk $0xffff, v2  }
0x47d: {  	v1 =	vld [tilespmem:$0x100];
	_ =	sdelay $0x2  }
0x47e: {  	v2 =	vld [tilespmem:$0x1410];
	_ =	sdelay $0x4  }
0x47f: {  	[tilespmem:v1+s25+$0x0] =	vst.idx.add.f32.msk $0xffff, v2  }
0x480: {  	v1 =	vld [tilespmem:$0x110];
	_ =	sdelay $0x2  }
0x481: {  	v2 =	vld [tilespmem:$0x1420];
	_ =	sdelay $0x4  }
0x482: {  	[tilespmem:v1+s25+$0x0] =	vst.idx.add.f32.msk $0xffff, v2  }
0x483: {  	v1 =	vld [tilespmem:$0x120];
	_ =	sdelay $0x2  }
0x484: {  	v2 =	vld [tilespmem:$0x1430];
	_ =	sdelay $0x4  }
0x485: {  	[tilespmem:v1+s25+$0x0] =	vst.idx.add.f32.msk $0xffff, v2  }
0x486: {  	v1 =	vld [tilespmem:$0x130];
	_ =	sdelay $0x2  }
0x487: {  	v2 =	vld [tilespmem:$0x1440];
	_ =	sdelay $0x4  }
0x488: {  	[tilespmem:v1+s25+$0x0] =	vst.idx.add.f32.msk $0xffff, v2  }
0x489: {  	v1 =	vld [tilespmem:$0x140];
	_ =	sdelay $0x2  }
0x48a: {  	v2 =	vld [tilespmem:$0x1450];
	_ =	sdelay $0x4  }
0x48b: {  	[tilespmem:v1+s25+$0x0] =	vst.idx.add.f32.msk $0xffff, v2  }
0x48c: {  	v1 =	vld [tilespmem:$0x150];
	_ =	sdelay $0x2  }
0x48d: {  	v2 =	vld [tilespmem:$0x1460];
	_ =	sdelay $0x4  }
0x48e: {  	[tilespmem:v1+s25+$0x0] =	vst.idx.add.f32.msk $0xffff, v2  }
0x48f: {  	v1 =	vld [tilespmem:$0x160];
	_ =	sdelay $0x2  }
0x490: {  	v2 =	vld [tilespmem:$0x1470];
	_ =	sdelay $0x4  }
0x491: {  	[tilespmem:v1+s25+$0x0] =	vst.idx.add.f32.msk $0xffff, v2  }
0x492: {  	v1 =	vld [tilespmem:$0x170];
	_ =	sdelay $0x2  }
0x493: {  	v2 =	vld [tilespmem:$0x1480];
	_ =	sdelay $0x4  }
0x494: {  	[tilespmem:v1+s25+$0x0] =	vst.idx.add.f32.msk $0xffff, v2  }
0x495: {  	v1 =	vld [tilespmem:$0x180];
	_ =	sdelay $0x2  }
0x496: {  	v2 =	vld [tilespmem:$0x1490];
	_ =	sdelay $0x4  }
0x497: {  	[tilespmem:v1+s25+$0x0] =	vst.idx.add.f32.msk $0xffff, v2  }
0x498: {  	v1 =	vld [tilespmem:$0x190];
	_ =	sdelay $0x2  }
0x499: {  	v2 =	vld [tilespmem:$0x14A0];
	_ =	sdelay $0x4  }
0x49a: {  	[tilespmem:v1+s25+$0x0] =	vst.idx.add.f32.msk $0xffff, v2  }
0x49b: {  	v1 =	vld [tilespmem:$0x1A0];
	_ =	sdelay $0x2  }
0x49c: {  	v2 =	vld [tilespmem:$0x14B0];
	_ =	sdelay $0x4  }
0x49d: {  	[tilespmem:v1+s25+$0x0] =	vst.idx.add.f32.msk $0xffff, v2  }
0x49e: {  	v1 =	vld [tilespmem:$0x1B0];
	_ =	sdelay $0x2  }
0x49f: {  	v2 =	vld [tilespmem:$0x14C0];
	_ =	sdelay $0x4  }
0x4a0: {  	[tilespmem:v1+s25+$0x0] =	vst.idx.add.f32.msk $0xffff, v2  }
0x4a1: {  	v1 =	vld [tilespmem:$0x1C0];
	_ =	sdelay $0x2  }
0x4a2: {  	v2 =	vld [tilespmem:$0x14D0];
	_ =	sdelay $0x4  }
0x4a3: {  	[tilespmem:v1+s25+$0x0] =	vst.idx.add.f32.msk $0xffff, v2  }
0x4a4: {  	v1 =	vld [tilespmem:$0x1D0];
	_ =	sdelay $0x2  }
0x4a5: {  	v2 =	vld [tilespmem:$0x14E0];
	_ =	sdelay $0x4  }
0x4a6: {  	[tilespmem:v1+s25+$0x0] =	vst.idx.add.f32.msk $0xffff, v2  }
0x4a7: {  	v1 =	vld [tilespmem:$0x1E0];
	_ =	sdelay $0x2  }
0x4a8: {  	v2 =	vld [tilespmem:$0x14F0];
	_ =	sdelay $0x4  }
0x4a9: {  	[tilespmem:v1+s25+$0x0] =	vst.idx.add.f32.msk $0xffff, v2  }
0x4aa: {  	v1 =	vld [tilespmem:$0x1F0];
	_ =	sdelay $0x2  }
0x4ab: {  	v2 =	vld [tilespmem:$0x1500];
	_ =	sdelay $0x4  }
0x4ac: {  	[tilespmem:v1+s25+$0x0] =	vst.idx.add.f32.msk $0xffff, v2  }
0x4ad: {  	v1 =	vld [tilespmem:$0x200];
	_ =	sdelay $0x2  }
0x4ae: {  	v2 =	vld [tilespmem:$0x1510];
	_ =	sdelay $0x4  }
0x4af: {  	[tilespmem:v1+s25+$0x0] =	vst.idx.add.f32.msk $0xffff, v2  }
0x4b0: {  	v1 =	vld [tilespmem:$0x210];
	_ =	sdelay $0x2  }
0x4b1: {  	v2 =	vld [tilespmem:$0x1520];
	_ =	sdelay $0x4  }
0x4b2: {  	[tilespmem:v1+s25+$0x0] =	vst.idx.add.f32.msk $0xffff, v2  }
0x4b3: {  	v1 =	vld [tilespmem:$0x220];
	_ =	sdelay $0x2  }
0x4b4: {  	v2 =	vld [tilespmem:$0x1530];
	_ =	sdelay $0x4  }
0x4b5: {  	[tilespmem:v1+s25+$0x0] =	vst.idx.add.f32.msk $0xffff, v2  }
0x4b6: {  	v1 =	vld [tilespmem:$0x230];
	_ =	sdelay $0x2  }
0x4b7: {  	v2 =	vld [tilespmem:$0x1540];
	_ =	sdelay $0x4  }
0x4b8: {  	[tilespmem:v1+s25+$0x0] =	vst.idx.add.f32.msk $0xffff, v2  }
0x4b9: {  	v1 =	vld [tilespmem:$0x240];
	_ =	sdelay $0x2  }
0x4ba: {  	v2 =	vld [tilespmem:$0x1550];
	_ =	sdelay $0x4  }
0x4bb: {  	[tilespmem:v1+s25+$0x0] =	vst.idx.add.f32.msk $0xffff, v2  }
0x4bc: {  	v1 =	vld [tilespmem:$0x250];
	_ =	sdelay $0x2  }
0x4bd: {  	v2 =	vld [tilespmem:$0x1560];
	_ =	sdelay $0x4  }
0x4be: {  	[tilespmem:v1+s25+$0x0] =	vst.idx.add.f32.msk $0xffff, v2  }
0x4bf: {  	v1 =	vld [tilespmem:$0x260];
	_ =	sdelay $0x2  }
0x4c0: {  	v2 =	vld [tilespmem:$0x1570];
	_ =	sdelay $0x4  }
0x4c1: {  	[tilespmem:v1+s25+$0x0] =	vst.idx.add.f32.msk $0xffff, v2  }
0x4c2: {  	v1 =	vld [tilespmem:$0x270];
	_ =	sdelay $0x2  }
0x4c3: {  	v2 =	vld [tilespmem:$0x1580];
	_ =	sdelay $0x4  }
0x4c4: {  	[tilespmem:v1+s25+$0x0] =	vst.idx.add.f32.msk $0xffff, v2  }
0x4c5: {  	v1 =	vld [tilespmem:$0x280];
	_ =	sdelay $0x2  }
0x4c6: {  	v2 =	vld [tilespmem:$0x1590];
	_ =	sdelay $0x4  }
0x4c7: {  	[tilespmem:v1+s25+$0x0] =	vst.idx.add.f32.msk $0xffff, v2  }
0x4c8: {  	v1 =	vld [tilespmem:$0x290];
	_ =	sdelay $0x2  }
0x4c9: {  	v2 =	vld [tilespmem:$0x15A0];
	_ =	sdelay $0x4  }
0x4ca: {  	[tilespmem:v1+s25+$0x0] =	vst.idx.add.f32.msk $0xffff, v2  }
0x4cb: {  	v1 =	vld [tilespmem:$0x2A0];
	_ =	sdelay $0x2  }
0x4cc: {  	v2 =	vld [tilespmem:$0x15B0];
	_ =	sdelay $0x4  }
0x4cd: {  	[tilespmem:v1+s25+$0x0] =	vst.idx.add.f32.msk $0xffff, v2  }
0x4ce: {  	v1 =	vld [tilespmem:$0x2B0];
	_ =	sdelay $0x2  }
0x4cf: {  	v2 =	vld [tilespmem:$0x15C0];
	_ =	sdelay $0x4  }
0x4d0: {  	[tilespmem:v1+s25+$0x0] =	vst.idx.add.f32.msk $0xffff, v2  }
0x4d1: {  	v1 =	vld [tilespmem:$0x2C0];
	_ =	sdelay $0x2  }
0x4d2: {  	v2 =	vld [tilespmem:$0x15D0];
	_ =	sdelay $0x4  }
0x4d3: {  	[tilespmem:v1+s25+$0x0] =	vst.idx.add.f32.msk $0xffff, v2  }
0x4d4: {  	v1 =	vld [tilespmem:$0x2D0];
	_ =	sdelay $0x2  }
0x4d5: {  	v2 =	vld [tilespmem:$0x15E0];
	_ =	sdelay $0x4  }
0x4d6: {  	[tilespmem:v1+s25+$0x0] =	vst.idx.add.f32.msk $0xffff, v2  }
0x4d7: {  	v1 =	vld [tilespmem:$0x2E0];
	_ =	sdelay $0x2  }
0x4d8: {  	v2 =	vld [tilespmem:$0x15F0];
	_ =	sdelay $0x4  }
0x4d9: {  	[tilespmem:v1+s25+$0x0] =	vst.idx.add.f32.msk $0xffff, v2  }
0x4da: {  	v1 =	vld [tilespmem:$0x2F0];
	_ =	sdelay $0x2  }
0x4db: {  	v2 =	vld [tilespmem:$0x1600];
	_ =	sdelay $0x4  }
0x4dc: {  	[tilespmem:v1+s25+$0x0] =	vst.idx.add.f32.msk $0xffff, v2  }
0x4dd: {  	v1 =	vld [tilespmem:$0x300];
	_ =	sdelay $0x2  }
0x4de: {  	v2 =	vld [tilespmem:$0x1610];
	_ =	sdelay $0x4  }
0x4df: {  	[tilespmem:v1+s25+$0x0] =	vst.idx.add.f32.msk $0xffff, v2  }
0x4e0: {  	v1 =	vld [tilespmem:$0x310];
	_ =	sdelay $0x2  }
0x4e1: {  	v2 =	vld [tilespmem:$0x1620];
	_ =	sdelay $0x4  }
0x4e2: {  	[tilespmem:v1+s25+$0x0] =	vst.idx.add.f32.msk $0xffff, v2  }
0x4e3: {  	v1 =	vld [tilespmem:$0x320];
	_ =	sdelay $0x2  }
0x4e4: {  	v2 =	vld [tilespmem:$0x1630];
	_ =	sdelay $0x4  }
0x4e5: {  	[tilespmem:v1+s25+$0x0] =	vst.idx.add.f32.msk $0xffff, v2  }
0x4e6: {  	v1 =	vld [tilespmem:$0x330];
	_ =	sdelay $0x2  }
0x4e7: {  	v2 =	vld [tilespmem:$0x1640];
	_ =	sdelay $0x4  }
0x4e8: {  	[tilespmem:v1+s25+$0x0] =	vst.idx.add.f32.msk $0xffff, v2  }
0x4e9: {  	v1 =	vld [tilespmem:$0x340];
	_ =	sdelay $0x2  }
0x4ea: {  	v2 =	vld [tilespmem:$0x1650];
	_ =	sdelay $0x4  }
0x4eb: {  	[tilespmem:v1+s25+$0x0] =	vst.idx.add.f32.msk $0xffff, v2  }
0x4ec: {  	v1 =	vld [tilespmem:$0x350];
	_ =	sdelay $0x2  }
0x4ed: {  	v2 =	vld [tilespmem:$0x1660];
	_ =	sdelay $0x4  }
0x4ee: {  	[tilespmem:v1+s25+$0x0] =	vst.idx.add.f32.msk $0xffff, v2  }
0x4ef: {  	v1 =	vld [tilespmem:$0x360];
	_ =	sdelay $0x2  }
0x4f0: {  	v2 =	vld [tilespmem:$0x1670];
	_ =	sdelay $0x4  }
0x4f1: {  	[tilespmem:v1+s25+$0x0] =	vst.idx.add.f32.msk $0xffff, v2  }
0x4f2: {  	v1 =	vld [tilespmem:$0x370];
	_ =	sdelay $0x2  }
0x4f3: {  	v2 =	vld [tilespmem:$0x1680];
	_ =	sdelay $0x4  }
0x4f4: {  	[tilespmem:v1+s25+$0x0] =	vst.idx.add.f32.msk $0xffff, v2  }
0x4f5: {  	v1 =	vld [tilespmem:$0x380];
	_ =	sdelay $0x2  }
0x4f6: {  	v2 =	vld [tilespmem:$0x1690];
	_ =	sdelay $0x4  }
0x4f7: {  	[tilespmem:v1+s25+$0x0] =	vst.idx.add.f32.msk $0xffff, v2  }
0x4f8: {  	v1 =	vld [tilespmem:$0x390];
	_ =	sdelay $0x2  }
0x4f9: {  	v2 =	vld [tilespmem:$0x16A0];
	_ =	sdelay $0x4  }
0x4fa: {  	[tilespmem:v1+s25+$0x0] =	vst.idx.add.f32.msk $0xffff, v2  }
0x4fb: {  	v1 =	vld [tilespmem:$0x3A0];
	_ =	sdelay $0x2  }
0x4fc: {  	v2 =	vld [tilespmem:$0x16B0];
	_ =	sdelay $0x4  }
0x4fd: {  	[tilespmem:v1+s25+$0x0] =	vst.idx.add.f32.msk $0xffff, v2  }
0x4fe: {  	v1 =	vld [tilespmem:$0x3B0];
	_ =	sdelay $0x2  }
0x4ff: {  	v2 =	vld [tilespmem:$0x16C0];
	_ =	sdelay $0x4  }
0x500: {  	[tilespmem:v1+s25+$0x0] =	vst.idx.add.f32.msk $0xffff, v2  }
0x501: {  	v1 =	vld [tilespmem:$0x3C0];
	_ =	sdelay $0x2  }
0x502: {  	v2 =	vld [tilespmem:$0x16D0];
	_ =	sdelay $0x4  }
0x503: {  	[tilespmem:v1+s25+$0x0] =	vst.idx.add.f32.msk $0xffff, v2  }
0x504: {  	v1 =	vld [tilespmem:$0x3D0];
	_ =	sdelay $0x2  }
0x505: {  	v2 =	vld [tilespmem:$0x16E0];
	_ =	sdelay $0x4  }
0x506: {  	[tilespmem:v1+s25+$0x0] =	vst.idx.add.f32.msk $0xffff, v2  }
0x507: {  	v1 =	vld [tilespmem:$0x3E0];
	_ =	sdelay $0x2  }
0x508: {  	v2 =	vld [tilespmem:$0x16F0];
	_ =	sdelay $0x4  }
0x509: {  	[tilespmem:v1+s25+$0x0] =	vst.idx.add.f32.msk $0xffff, v2  }
0x50a: {  	v1 =	vld [tilespmem:$0x3F0];
	_ =	sdelay $0x2  }
0x50b: {  	v2 =	vld [tilespmem:$0x1700];
	_ =	sdelay $0x4  }
0x50c: {  	[tilespmem:v1+s25+$0x0] =	vst.idx.add.f32.msk $0xffff, v2  }
0x50d: {  	v1 =	vld [tilespmem:$0x400];
	_ =	sdelay $0x2  }
0x50e: {  	v2 =	vld [tilespmem:$0x1710];
	_ =	sdelay $0x4  }
0x50f: {  	[tilespmem:v1+s25+$0x0] =	vst.idx.add.f32.msk $0xffff, v2  }
0x510: {  	v1 =	vld [tilespmem:$0x410];
	_ =	sdelay $0x2  }
0x511: {  	v2 =	vld [tilespmem:$0x1720];
	_ =	sdelay $0x4  }
0x512: {  	[tilespmem:v1+s25+$0x0] =	vst.idx.add.f32.msk $0xffff, v2  }
0x513: {  	v1 =	vld [tilespmem:$0x420];
	_ =	sdelay $0x2  }
0x514: {  	v2 =	vld [tilespmem:$0x1730];
	_ =	sdelay $0x4  }
0x515: {  	[tilespmem:v1+s25+$0x0] =	vst.idx.add.f32.msk $0xffff, v2  }
0x516: {  	v1 =	vld [tilespmem:$0x430];
	_ =	sdelay $0x2  }
0x517: {  	v2 =	vld [tilespmem:$0x1740];
	_ =	sdelay $0x4  }
0x518: {  	[tilespmem:v1+s25+$0x0] =	vst.idx.add.f32.msk $0xffff, v2  }
0x519: {  	v1 =	vld [tilespmem:$0x440];
	_ =	sdelay $0x2  }
0x51a: {  	v2 =	vld [tilespmem:$0x1750];
	_ =	sdelay $0x4  }
0x51b: {  	[tilespmem:v1+s25+$0x0] =	vst.idx.add.f32.msk $0xffff, v2  }
0x51c: {  	v1 =	vld [tilespmem:$0x450];
	_ =	sdelay $0x2  }
0x51d: {  	v2 =	vld [tilespmem:$0x1760];
	_ =	sdelay $0x4  }
0x51e: {  	[tilespmem:v1+s25+$0x0] =	vst.idx.add.f32.msk $0xffff, v2  }
0x51f: {  	v1 =	vld [tilespmem:$0x460];
	_ =	sdelay $0x2  }
0x520: {  	v2 =	vld [tilespmem:$0x1770];
	_ =	sdelay $0x4  }
0x521: {  	[tilespmem:v1+s25+$0x0] =	vst.idx.add.f32.msk $0xffff, v2  }
0x522: {  	v1 =	vld [tilespmem:$0x470];
	_ =	sdelay $0x2  }
0x523: {  	v2 =	vld [tilespmem:$0x1780];
	_ =	sdelay $0x4  }
0x524: {  	[tilespmem:v1+s25+$0x0] =	vst.idx.add.f32.msk $0xffff, v2  }
0x525: {  	v1 =	vld [tilespmem:$0x480];
	_ =	sdelay $0x2  }
0x526: {  	v2 =	vld [tilespmem:$0x1790];
	_ =	sdelay $0x4  }
0x527: {  	[tilespmem:v1+s25+$0x0] =	vst.idx.add.f32.msk $0xffff, v2  }
0x528: {  	v1 =	vld [tilespmem:$0x490];
	_ =	sdelay $0x2  }
0x529: {  	v2 =	vld [tilespmem:$0x17A0];
	_ =	sdelay $0x4  }
0x52a: {  	[tilespmem:v1+s25+$0x0] =	vst.idx.add.f32.msk $0xffff, v2  }
0x52b: {  	v1 =	vld [tilespmem:$0x4A0];
	_ =	sdelay $0x2  }
0x52c: {  	v2 =	vld [tilespmem:$0x17B0];
	_ =	sdelay $0x4  }
0x52d: {  	s29 =	sadd.s32 $0x1, s29;
	[tilespmem:v1+s25+$0x0] =	vst.idx.add.f32.msk $0xffff, v2  }
0x52e: {  	[hbm4b:s19+s2] =	stream.linear.scatter [tilespmem:s25], [sflag:$0x2], $0xC800, $0x38;
	[tilespmem:$0x1A800] =	vst v63  }
0x52f: {  	p0 =	sne.s32 s29, s20;
	_ =	swait.ge [sflag:s26], $0xC800  }
.Ltmp1:
0x530: {  	[sflag:s26] =	ssyncset.done $0x0;
	(pc) =	sbr.rel @p0 .LBB2_1-.Ltmp1, $4  }
0x531: {  	[sflag:s26] =	ssyncadd.s32 $0xFFFF3800  }
0x532: {  	_ =	swait.ge [sflag:s28], $0xC800  }
0x533: {  	[sflag:s28] =	ssyncset.done $0x0  }
0x534: {  	[sflag:s28] =	ssyncadd.s32 $0xFFFF3800  }
0x535: {  	_ =	sfence.sel $0x180000  }
0x536: {  	[bflag:$0x0] =	sbarrier.arrive $0xFFFF  }
0x537: {  	_ =	strace $0x9000004A  }
0x538: {  	s0 =	stileid.u32;
	[bflag:$0x2] =	sbarrier.arrive $0xFFFF  }
0x539: {  	p0 =	sne.s32 s0, $0x0;
	s0 =	rddreg [dreg:$0x2]  }
0x53a: {  	s0 =	sadd.s32 @!p0 $0x100000, s0  }
0x53b: {  	[sflag:s0] =	ssyncadd.tile.s32 @!p0 $0x1;
	_ =	shalt  }
.Lfunc_end2:
_tile_overlayer_lowered:
.L_overlay_start_2:
0x53c: {  	(tag) =	ssettag $0x2  }
0x53d: {  	s0 =	rddreg [dreg:$0x0];
	s2 =	stileid.u32  }
0x53e: {  	s1 =	rddreg [dreg:$0x1];
	p0 =	sne.s32 s2, $0x0  }
0x53f: {  	s3 =	rddreg [dreg:$0x2];
	[bflag:$0x3] =	sbarrier.arrive $0xFFFF;
	s2 =	simm.s32 @!p0 $0x1C04  }
0x540: {  	[timem:s3], [sflag:s2] =	dma.local @!p0 [hbm:s0], s1  }
0x541: {  	s0 =	simm.s32 @!p0 $0x4  }
0x542: {  	_ =	swait.ge @!p0 [sflag:s0], s1  }
0x543: {  	s1 =	ssub.s32 @!p0 $0x0, s1;
	[sflag:s0] =	ssyncset.done @!p0 $0x0  }
0x544: {  	[sflag:s0] =	ssyncadd.s32 @!p0 s1  }
0x545: {  	[bflag:$0x3] =	sbarrier.arrive $0xFFFF  }
0x546: {  	_ =	shalt  }

// kernel: kernel.7.cloned.1.call-start
scs
__scs_entry_jumppad:
0x0: {  	(pc) =	sbr.rel $0x88, $3  }
0x1: {  	(tag) =	ssettag $0x0;
	lr =	simm.s32 $0x1  }
0x2: {  	[smem:$0x3F96] =	sst lr;
	_ =	strace $0xD0000000  }
0x3: {  	_ = 	snop  }
0x4: {  	_ = 	snop  }
0x5: {  	_ = 	snop  }
0x6: {  	_ = 	snop  }
0x7: {  	_ = 	snop  }
__scs_overlays_trampoline_lowered:
0x8: {  	[smem:$0x3FA5] =	sst s0  }
0x9: {  	[smem:$0x3FA6] =	sst s1  }
0xa: {  	[smem:$0x3FA7] =	sst s2  }
0xb: {  	[smem:$0x3FA8] =	sst s3  }
0xc: {  	[smem:$0x3FA9] =	sst s4  }
0xd: {  	[smem:$0x3FAA] =	sst s5  }
0xe: {  	[smem:$0x3FAB] =	sst s6  }
0xf: {  	[smem:$0x3FAC] =	sst s7  }
0x10: {  	[smem:$0x3FAD] =	sst s8  }
0x11: {  	[smem:$0x3FAE] =	sst s9;
	s0 =	simm.s32 @!p0 $0x0  }
0x12: {  	s1 =	sld [smem:$0x3F94];
	s0 =	simm.s32 @p0 $0x1  }
0x13: {  	[smem:$0x3FAF] =	sst s0;
	s0 =	simm.s32 @!p1 $0x0  }
0x14: {  	s2 =	sld [smem:$0x3F93];
	s0 =	simm.s32 @p1 $0x1  }
0x15: {  	[smem:$0x3FB0] =	sst s0;
	s0 =	simm.s32 @!p2 $0x0  }
0x16: {  	s3 =	sld [smem:$0x3FDB];
	s0 =	simm.s32 @p2 $0x1  }
0x17: {  	s4 =	simm.s32 $0x1BF5;
	[smem:$0x3FB2] =	sst s0  }
0x18: {  	s0 =	sld [smem:$0x3F95];
	_ =	swait.ge [sflag:s4], $0x0  }
0x19: {  	s7 =	sld [smem:$0x3F96]  }
0x1a: {  	s8 =	sadd.s32 $0xFFFFE003, lr  }
0x1b: {  	s9 =	sadd.s32 $0xFFFFFEF7, lr;
	s5 =	simm.s32 $0xFFFFFFFF;
	p2 =	slt.u32 s8, $0xFFFFF086  }
0x1c: {  	p1 =	slt.u32 s9, $0xF7A;
	s5 =	simm.s32 @!p2 $0x0  }
0x1d: {  	s5 =	simm.s32 @p1 $0x1;
	p0 =	seq.s32 s7, s2  }
0x1e: {  	s7 =	smul.u32 @!p0 $0xF7A, s2;
	p2 =	seq.s32 @!p0 s5, $0x0  }
0x1f: {  	s9 =	smul.u32 $0xF7A, s1;
	s8 =	simm.s32 @!p0 $0x1BF5;
	p2 =	por !p2, p0  }
0x20: {  	[sflag:s8] =	ssyncset.s32 @!p0 $0xFFFFF086;
	s6 =	sadd.s32 @!p0 s3, s7;
	s7 =	simm.s32 @!p0 $0x108  }
0x21: {  	s3 =	sadd.s32 s3, s9;
	s6 =	sadd.s32 @!p0 $0x88, s6;
	s7 =	simm.s32 @p2 $0x1082  }
0x22: {  	[simem:s7], [sflag:s8] =	dma.local @!p0 [hbm:s6], $0xF7A  }
0x23: {  	s9 =	sor.u32 $0xD0000000, s2;
	s6 =	simm.s32 $0x108;
	_ =	swait.ge @!p0 [sflag:s8], $0x0  }
0x24: {  	s3 =	sadd.s32 $0x88, s3;
	s6 =	simm.s32 @!p1 $0x1082;
	[sflag:s4] =	ssyncset.s32 $0xFFFFF086  }
0x25: {  	[simem:s6], [sflag:s4] =	dma.local [hbm:s3], $0xF7A  }
0x26: {  	[smem:$0x3F96] =	sst s1;
	(tag) =	ssettag s2;
	_ =	strace s9  }
0x27: {  	s1 =	sld [smem:$0x3FA6]  }
0x28: {  	s2 =	sld [smem:$0x3FA7]  }
0x29: {  	s4 =	sld [smem:$0x3FA9]  }
0x2a: {  	p0 =	seq.s32 s5, $0x0;
	s5 =	sld [smem:$0x3FAA]  }
0x2b: {  	s6 =	sld [smem:$0x3FAB]  }
0x2c: {  	s7 =	sld [smem:$0x3FAC]  }
0x2d: {  	s3 =	simm.s32 $0x108;
	s8 =	sld [smem:$0x3FAD]  }
0x2e: {  	s3 =	simm.s32 @!p0 $0x1082;
	s9 =	sld [smem:$0x3FAE]  }
0x2f: {  	lr =	sadd.s32 s0, s3;
	s0 =	sld [smem:$0x3FA5]  }
0x30: {  	s3 =	sld [smem:$0x3FA8]  }
0x31: {  	[smem:$0x3FB1] =	sst s10  }
0x32: {  	s10 =	sld [smem:$0x3FAF];
	_ =	sdelay $0x3  }
0x33: {  	p0 =	seq.s32 s10, $0x1;
	s10 =	sld [smem:$0x3FB1];
	_ =	sdelay $0x3  }
0x34: {  	[smem:$0x3FB1] =	sst s10  }
0x35: {  	s10 =	sld [smem:$0x3FB0];
	_ =	sdelay $0x3  }
0x36: {  	p1 =	seq.s32 s10, $0x1;
	s10 =	sld [smem:$0x3FB1];
	_ =	sdelay $0x3  }
0x37: {  	[smem:$0x3FB1] =	sst s10  }
0x38: {  	s10 =	sld [smem:$0x3FB2]  }
0x39: {  	_ = 	snop;
	(pc) =	sbr.ind lr, $3  }
0x3a: {  	_ = 	snop  }
0x3b: {  	_ = 	snop  }
0x3c: {  	p2 =	seq.s32 s10, $0x1;
	s10 =	sld [smem:$0x3FB1]  }
0x3d: {  	_ =	shalt  }
0x3e: {  	_ =	shalt  }
0x3f: {  	_ =	shalt  }
0x40: {  	_ =	shalt  }
0x41: {  	_ =	shalt  }
0x42: {  	_ =	shalt  }
0x43: {  	_ =	shalt  }
0x44: {  	_ =	shalt  }
0x45: {  	_ =	shalt  }
0x46: {  	_ =	shalt  }
0x47: {  	_ =	shalt  }
0x48: {  	_ =	shalt  }
0x49: {  	_ =	shalt  }
0x4a: {  	_ =	shalt  }
0x4b: {  	_ =	shalt  }
0x4c: {  	_ =	shalt  }
0x4d: {  	_ =	shalt  }
0x4e: {  	_ =	shalt  }
0x4f: {  	_ =	shalt  }
0x50: {  	_ =	shalt  }
0x51: {  	_ =	shalt  }
0x52: {  	_ =	shalt  }
0x53: {  	_ =	shalt  }
0x54: {  	_ =	shalt  }
0x55: {  	_ =	shalt  }
0x56: {  	_ =	shalt  }
0x57: {  	_ =	shalt  }
0x58: {  	_ =	shalt  }
0x59: {  	_ =	shalt  }
0x5a: {  	_ =	shalt  }
0x5b: {  	_ =	shalt  }
0x5c: {  	_ =	shalt  }
0x5d: {  	_ =	shalt  }
0x5e: {  	_ =	shalt  }
0x5f: {  	_ =	shalt  }
0x60: {  	_ =	shalt  }
0x61: {  	_ =	shalt  }
0x62: {  	_ =	shalt  }
0x63: {  	_ =	shalt  }
0x64: {  	_ =	shalt  }
0x65: {  	_ =	shalt  }
0x66: {  	_ =	shalt  }
0x67: {  	_ =	shalt  }
0x68: {  	_ =	shalt  }
0x69: {  	_ =	shalt  }
0x6a: {  	_ =	shalt  }
0x6b: {  	_ =	shalt  }
0x6c: {  	_ =	shalt  }
0x6d: {  	_ =	shalt  }
0x6e: {  	_ =	shalt  }
0x6f: {  	_ =	shalt  }
0x70: {  	_ =	shalt  }
0x71: {  	_ =	shalt  }
0x72: {  	_ =	shalt  }
0x73: {  	_ =	shalt  }
0x74: {  	_ =	shalt  }
0x75: {  	_ =	shalt  }
0x76: {  	_ =	shalt  }
0x77: {  	_ =	shalt  }
0x78: {  	_ =	shalt  }
0x79: {  	_ =	shalt  }
0x7a: {  	_ =	shalt  }
0x7b: {  	_ =	shalt  }
0x7c: {  	_ =	shalt  }
0x7d: {  	_ =	shalt  }
0x7e: {  	_ =	shalt  }
0x7f: {  	_ =	shalt  }
0x80: {  	_ =	shalt  }
0x81: {  	_ =	shalt  }
0x82: {  	_ =	shalt  }
0x83: {  	_ =	shalt  }
0x84: {  	_ =	shalt  }
0x85: {  	_ =	shalt  }
0x86: {  	_ =	shalt  }
0x87: {  	_ =	shalt  }
.Lfunc_end0:
.L_simem_size_0:
called_computation_lowered:
.L_overlay_start_0:
0x88: {  	s2 =	sld [smem:$0x3FD9]  }
0x89: {  	s3 =	sld [smem:$0x3FFE];
	_ =	sdelay $0x1  }
0x8a: {  	s1 =	srdreg.scid  }
0x8b: {  	s0 =	sand.u32 $0x1, s1  }
0x8c: {  	s17 =	sshll.u32 s0, $0xA;
	s2 =	sadd.s32 s3, s2  }
0x8d: {  	s2 =	sadd.s32 s2, s17  }
0x8e: {  	[smem:$0x3FBD] =	sst s2  }
0x8f: {  	_ = 	snop  }
0x90: {  	s2 =	sld [smem:$0x3FC5]  }
0x91: {  	s18 =	sld [smem:$0x3FD0];
	(tm) =	ssettm $0x1  }
0x92: {  	s4 =	sld [smem:$0x3FFB];
	_ =	sdelay $0x3  }
0x93: {  	_ =	strace s4  }
0x94: {  	s4 =	sld [smem:$0x3FFC];
	_ =	sdelay $0x3  }
0x95: {  	_ =	strace s4  }
0x96: {  	s4 =	sld [smem:$0x3FFD];
	_ =	sdelay $0x3  }
0x97: {  	_ =	strace s4  }
0x98: {  	_ =	strace $0x8FFFFFFF  }
0x99: {  	s19 =	sld [smem:$0x3FDB];
	_ =	sdelay $0x1  }
0x9a: {  	s5 =	simm.s32 $_scs_section_size  }
0x9b: {  	s6 =	simm.s32 $_size__tile_overlayer_lowered;
	s7 =	simm.s32 $_tile_overlayer_lowered  }
0x9c: {  	s22 =	simm.s32 $0x1BFF;
	s21 =	sshll.u32 s7, $0x1;
	s4 =	sadd.s32 s5, s19  }
0x9d: {  	s8 =	simm.s32 $0x0;
	s20 =	sshll.u32 s6, $0x1;
	s6 =	sadd.s32 s21, s4  }
0x9e: {  	[timem:s8], [sflag:s22] =	dma.local [hbm:s6], s20  }
0x9f: {  	_ =	swait.ge [sflag:s22], s20  }
0xa0: {  	s5 =	ssub.s32 $0x0, s20;
	[sflag:s22] =	ssyncset.done $0x0  }
0xa1: {  	[sflag:s22] =	ssyncadd.s32 s5;
	_ =	sdelay $0x1  }
0xa2: {  	s23 =	simm.s32 $0x1B8B  }
0xa3: {  	_ =	swait.ge [sflag:s23], $0x1  }
0xa4: {  	[sflag:s23] =	ssyncset.done $0x0  }
0xa5: {  	s25 =	simm.s32 $0x1B8E;
	s24 =	sld [smem:$0x3FFE];
	[sflag:s23] =	ssyncadd.s32 $0xFFFFFFFF  }
0xa6: {  	s26 =	simm.s32 $execute0_lowered;
	[smem:$0x3FD2] =	sst s25  }
0xa7: {  	s6 =	sshll.u32 s26, $0x1;
	_ =	strace $0x80000046;
	[dreg:$0x1] =	wrdreg $0xFFFFFFFF  }
0xa8: {  	s28 =	simm.s32 $_size_execute0_lowered;
	s4 =	sadd.s32 s4, s6;
	[dreg:$0x0] =	wrdreg $0x0  }
0xa9: {  	s6 =	sshll.u32 s28, $0x1;
	[dreg:$0x2] =	wrdreg s4  }
0xaa: {  	[dreg:$0x3] =	wrdreg s6  }
0xab: {  	[dreg:$0x4] =	wrdreg $0xC0  }
0xac: {  	_ =	task [dreg:s8], $0x5FFFF  }
0xad: {  	[dreg:$0x1] =	wrdreg $0xFFFFFFFF  }
0xae: {  	[dreg:$0x0] =	wrdreg $0x60  }
0xaf: {  	[dreg:$0x2] =	wrdreg s2  }
0xb0: {  	[dreg:$0x3] =	wrdreg s24  }
0xb1: {  	[dreg:$0x4] =	wrdreg s18  }
0xb2: {  	[dreg:$0x5] =	wrdreg $0x9  }
0xb3: {  	_ =	task.clear_ibuf [dreg:s8], $0x6FFFF;
	_ =	strace $0x90000046  }
0xb4: {  	s29 =	simm.s32 $0x9;
	_ =	strace $0x80000048  }
0xb5: {  	_ =	swait.ge [sflag:s29], $0x1  }
0xb6: {  	[sflag:s29] =	ssyncadd.s32 $0xFFFFFFFF  }
0xb7: {  	_ =	strace $0x90000048  }
0xb8: {  	_ =	sfence  }
0xb9: {  	s30 =	sld [smem:$0x0];
	_ =	sdelay $0x2  }
0xba: {  	s31 =	sshll.u32 s1, $0xD;
	s1 =	sshrl.u32 s1, $0x2  }
0xbb: {  	s3 =	sand.u32 $0x4000, s31;
	s1 =	sadd.s32 s1, s30  }
0xbc: {  	s0 =	sor.u32 s3, s0;
	s1 =	sshll.u32 s1, $0x11  }
0xbd: {  	s0 =	sor.u32 s1, s0  }
0xbe: {  	s0 =	sadd.s32 $0x8F2B, s0  }
0xbf: {  	[sflag:s0] =	ssyncadd.remote.s32 $0x1  }
0xc0: {  	_ =	sfence.sel $0xFFFF  }
0xc1: {  	[dreg:$0x0] =	wrdreg $0xFFFFFFFF;
	(pc) =	sbr.abs _section_cstart, $3  }
0xc2: {  	[dreg:$0x1] =	wrdreg $0xFFFFFFFF  }
0xc3: {  	_ =	task.clear_ibuf [dreg:s8], $0x2FFFF;
	_ =	strace $0x9FFFFFFF  }
0xc4: {  	(tm) =	ssettm $0x7FFFFFFF  }
0xc5: {  	_ =	shalt  }
tec
execute0_lowered:
.L_overlay_start_1:
0x0: {  	(tag) =	ssettag $0x1  }
0x1: {  	s1 =	srdreg.scid;
	s0 =	stileid.u32  }
0x2: {  	s4 =	sand.u32 $0x1, s1;
	s28 =	sshll.u32 s0, $0x1  }
0x3: {  	s2 =	rddreg [dreg:$0x0];
	s5 =	sor.u32 s4, s28;
	s4 =	ssub.s32 $0x2, s4  }
0x4: {  	s3 =	rddreg [dreg:$0x1];
	s9 =	sshrl.u32 s4, $0x1  }
0x5: {  	s6 =	rddreg [dreg:$0x2];
	s7 =	simm.s32 $0x0;
	s4 =	ssub.s32 s4, s9  }
0x6: {  	p1 =	por $0x0, $0x0;
	s1 =	rddreg [dreg:$0x3];
	s10 =	smax.u32 s4, $0x1  }
0x7: {  	[smem:$0x7FF] =	sst s7;
	s8 =	smul.u32 $0x50, s5;
	s21 =	sadd.s32 $0xFFFFFFFF, s10  }
0x8: {  	p0 =	seq.s32 s0, $0xF;
	s29 =	smul.u32 $0xA0, s5;
	p2 =	sne.s32 s21, $0x0  }
.Ltmp0:
0x9: {  	_ =	strace $0x80000047;
	s8 =	sadd.s32 $0xFFFFF6A0, s8;
	(pc) =	sbr.rel @!p2 .LBB2_3-.Ltmp0, $4  }
0xa: {  	s31 =	smul.u32 $0xA00, s5;
	s7 =	sshrl.u32 s29, $0x3;
	s30 =	sshrl.u32 s8, $0x3  }
0xb: {  	s7 =	sadd.s32 s7, s3;
	s8 =	sshll.u32 s8, $0x4;
	s9 =	sadd.s32 s30, s3  }
0xc: {  	s8 =	sadd.s32 s8, s3;
	s5 =	sadd.s32 $0x2200, s7;
	s4 =	sadd.s32 $0x220A, s7  }
0xd: {  	s3 =	sadd.s32 s6, s31;
	s7 =	sadd.s32 $0x2600, s9;
	s6 =	sadd.s32 $0x2800, s8  }
0xe: {  	s8 =	simm.s32 @p0 $0x0;
	s9 =	simm.s32 @p0 $0x3  }
0xf: {  	[tilespmem:s8], [sflag:$0x3] =	stream.linear.gather @p0 [hbm4b:s7+s8], $0x50, $0x38;
	[tilespmem:$0x5100] =	vst v63  }
0x10: {  	_ =	swait.ge @p0 [sflag:s9], $0x50  }
0x11: {  	s10 =	simm.s32 @p0 $0x1;
	[sflag:s9] =	ssyncset.done @p0 $0x0  }
0x12: {  	s11 =	simm.s32 @p0 $0x50;
	s12 =	simm.s32 @p0 $0x100;
	[sflag:s9] =	ssyncadd.s32 @p0 $0xFFFFFFB0  }
0x13: {  	[tilespmem:s12], [sflag:$0x1] =	stream.indirect.gather @p0 [hbm4b:s2+s11], $0x80, s8, s11, $0xb8;
	[tilespmem:$0x5100] =	vst v63  }
0x14: {  	_ =	swait.ge @p0 [sflag:s10], $0x2800  }
0x15: {  	[sflag:s10] =	ssyncset.done @p0 $0x0  }
0x16: {  	[sflag:s10] =	ssyncadd.s32 @p0 $0xFFFFD800  }
0x17: {  	[hbm4b:s6+s8] =	stream.linear.scatter @p0 [tilespmem:s12], [sflag:$0x3], $0x2800, $0x38;
	[tilespmem:$0x5100] =	vst v63  }
0x18: {  	_ =	swait.ge @p0 [sflag:s9], $0x2800  }
0x19: {  	[sflag:s9] =	ssyncset.done @p0 $0x0  }
0x1a: {  	s14 =	simm.s32 @!p0 $0x0;
	s13 =	simm.s32 @!p0 $0x3;
	[sflag:s9] =	ssyncadd.s32 @p0 $0xFFFFD800  }
0x1b: {  	[tilespmem:s14], [sflag:$0x3] =	stream.linear.gather @!p0 [hbm4b:s5+s14], $0x50, $0x38;
	[tilespmem:$0x5100] =	vst v63  }
0x1c: {  	_ =	swait.ge @!p0 [sflag:s13], $0x50  }
0x1d: {  	[sflag:s13] =	ssyncset.done @!p0 $0x0  }
0x1e: {  	s15 =	simm.s32 @!p0 $0x50;
	s16 =	simm.s32 @!p0 $0x100;
	[sflag:s13] =	ssyncadd.s32 @!p0 $0xFFFFFFB0  }
0x1f: {  	[tilespmem:s16], [sflag:$0x1] =	stream.indirect.gather @!p0 [hbm4b:s2+s15], $0x80, s14, s15, $0xb8;
	[tilespmem:$0x5100] =	vst v63  }
0x20: {  	s17 =	simm.s32 @!p0 $0x80  }
0x21: {  	[tilespmem:s17], [sflag:$0x3] =	stream.linear.gather @!p0 [hbm4b:s4+s14], $0x50, $0x38;
	[tilespmem:$0x5100] =	vst v63  }
0x22: {  	_ =	swait.ge @!p0 [sflag:s13], $0x50  }
0x23: {  	[sflag:s13] =	ssyncset.done @!p0 $0x0  }
0x24: {  	s18 =	simm.s32 @!p0 $0x2900;
	s19 =	simm.s32 @!p0 $0x1;
	[sflag:s13] =	ssyncadd.s32 @!p0 $0xFFFFFFB0  }
0x25: {  	[tilespmem:s18], [sflag:$0x2] =	stream.indirect.gather @!p0 [hbm4b:s2+s15], $0x80, s17, s15, $0xb8;
	[tilespmem:$0x5100] =	vst v63  }
0x26: {  	_ =	swait.ge @!p0 [sflag:s19], $0x2800  }
0x27: {  	[sflag:s19] =	ssyncset.done @!p0 $0x0  }
0x28: {  	s20 =	simm.s32 @!p0 $0x2;
	s21 =	sadd.s32 $0xFFFFFFFF, s21;
	[sflag:s19] =	ssyncadd.s32 @!p0 $0xFFFFD800  }
0x29: {  	p2 =	sne.s32 s21, $0x0;
	_ =	swait.ge @!p0 [sflag:s20], $0x2800  }
.Ltmp1:
0x2a: {  	[sflag:s20] =	ssyncset.done @!p0 $0x0;
	(pc) =	sbr.rel @!p2 .LBB2_3-.Ltmp1, $4  }
0x2b: {  	[sflag:s20] =	ssyncadd.s32 @!p0 $0xFFFFD800  }
0x2c: {  	[hbm4b:s3+s14] =	stream.linear.scatter @!p0 [tilespmem:s16], [sflag:$0x3], $0x5000, $0x38;
	[tilespmem:$0x5100] =	vst v63  }
0x2d: {  	_ =	swait.ge @!p0 [sflag:s13], $0x5000  }
0x2e: {  	p1 =	por $0x1, $0x1;
	[sflag:s13] =	ssyncset.done @!p0 $0x0  }
.LBB2_2:
0x2f: {  	[sflag:s13] =	ssyncadd.s32 @!p0 $0xFFFFB000  }
0x30: {  	[tilespmem:s8], [sflag:$0x3] =	stream.linear.gather @p0 [hbm4b:s7+s8], $0x50, $0x38;
	[tilespmem:$0x5100] =	vst v63  }
0x31: {  	s21 =	sadd.s32 $0xFFFFFFFF, s21;
	_ =	swait.ge @p0 [sflag:s9], $0x50  }
0x32: {  	p2 =	sne.s32 s21, $0x0;
	[sflag:s9] =	ssyncset.done @p0 $0x0  }
0x33: {  	[sflag:s9] =	ssyncadd.s32 @p0 $0xFFFFFFB0  }
0x34: {  	[tilespmem:s12], [sflag:$0x1] =	stream.indirect.gather @p0 [hbm4b:s2+s11], $0x80, s8, s11, $0xb8;
	[tilespmem:$0x5100] =	vst v63  }
0x35: {  	_ =	swait.ge @p0 [sflag:s10], $0x2800  }
0x36: {  	[sflag:s10] =	ssyncset.done @p0 $0x0  }
0x37: {  	[sflag:s10] =	ssyncadd.s32 @p0 $0xFFFFD800  }
0x38: {  	[hbm4b:s6+s8] =	stream.linear.scatter @p0 [tilespmem:s12], [sflag:$0x3], $0x2800, $0x38;
	[tilespmem:$0x5100] =	vst v63  }
0x39: {  	_ =	swait.ge @p0 [sflag:s9], $0x2800  }
0x3a: {  	[sflag:s9] =	ssyncset.done @p0 $0x0  }
0x3b: {  	[sflag:s9] =	ssyncadd.s32 @p0 $0xFFFFD800  }
0x3c: {  	[tilespmem:s14], [sflag:$0x3] =	stream.linear.gather @!p0 [hbm4b:s5+s14], $0x50, $0x38;
	[tilespmem:$0x5100] =	vst v63  }
0x3d: {  	_ =	swait.ge @!p0 [sflag:s13], $0x50  }
0x3e: {  	[sflag:s13] =	ssyncset.done @!p0 $0x0  }
0x3f: {  	[sflag:s13] =	ssyncadd.s32 @!p0 $0xFFFFFFB0  }
0x40: {  	[tilespmem:s16], [sflag:$0x1] =	stream.indirect.gather @!p0 [hbm4b:s2+s15], $0x80, s14, s15, $0xb8;
	[tilespmem:$0x5100] =	vst v63  }
0x41: {  	_ = 	snop  }
0x42: {  	[tilespmem:s17], [sflag:$0x3] =	stream.linear.gather @!p0 [hbm4b:s4+s14], $0x50, $0x38;
	[tilespmem:$0x5100] =	vst v63  }
0x43: {  	_ =	swait.ge @!p0 [sflag:s13], $0x50  }
0x44: {  	[sflag:s13] =	ssyncset.done @!p0 $0x0  }
0x45: {  	[sflag:s13] =	ssyncadd.s32 @!p0 $0xFFFFFFB0  }
0x46: {  	[tilespmem:s18], [sflag:$0x2] =	stream.indirect.gather @!p0 [hbm4b:s2+s15], $0x80, s17, s15, $0xb8;
	[tilespmem:$0x5100] =	vst v63  }
0x47: {  	_ =	swait.ge @!p0 [sflag:s19], $0x2800  }
0x48: {  	[sflag:s19] =	ssyncset.done @!p0 $0x0  }
0x49: {  	[sflag:s19] =	ssyncadd.s32 @!p0 $0xFFFFD800  }
0x4a: {  	_ =	swait.ge @!p0 [sflag:s20], $0x2800  }
.Ltmp2:
0x4b: {  	[sflag:s20] =	ssyncset.done @!p0 $0x0;
	(pc) =	sbr.rel @p2 .LBB2_2-.Ltmp2, $4  }
0x4c: {  	[sflag:s20] =	ssyncadd.s32 @!p0 $0xFFFFD800  }
0x4d: {  	[hbm4b:s3+s14] =	stream.linear.scatter @!p0 [tilespmem:s16], [sflag:$0x3], $0x5000, $0x38;
	[tilespmem:$0x5100] =	vst v63  }
0x4e: {  	_ =	swait.ge @!p0 [sflag:s13], $0x5000  }
0x4f: {  	[sflag:s13] =	ssyncset.done @!p0 $0x0  }
.LBB2_3:
0x50: {  	p1 =	por p0, !p1  }
0x51: {  	s8 =	simm.s32 @p0 $0x0;
	s9 =	simm.s32 @p0 $0x3;
	[sflag:s13] =	ssyncadd.s32 @!p1 $0xFFFFB000  }
0x52: {  	[tilespmem:s8], [sflag:$0x3] =	stream.linear.gather @p0 [hbm4b:s7+s8], $0x50, $0x38;
	[tilespmem:$0x5100] =	vst v63  }
0x53: {  	_ =	swait.ge @p0 [sflag:s9], $0x50  }
0x54: {  	s10 =	simm.s32 @p0 $0x50;
	[sflag:s9] =	ssyncset.done @p0 $0x0  }
0x55: {  	s11 =	simm.s32 @p0 $0x100;
	s7 =	simm.s32 @p0 $0x1;
	[sflag:s9] =	ssyncadd.s32 @p0 $0xFFFFFFB0  }
0x56: {  	[tilespmem:s11], [sflag:$0x1] =	stream.indirect.gather @p0 [hbm4b:s2+s10], $0x80, s8, s10, $0xb8;
	[tilespmem:$0x5100] =	vst v63  }
0x57: {  	_ =	swait.ge @p0 [sflag:s7], $0x2800  }
0x58: {  	[sflag:s7] =	ssyncset.done @p0 $0x0  }
0x59: {  	[sflag:s7] =	ssyncadd.s32 @p0 $0xFFFFD800  }
0x5a: {  	[hbm4b:s6+s8] =	stream.linear.scatter @p0 [tilespmem:s11], [sflag:$0x3], $0x2800, $0x38;
	[tilespmem:$0x5100] =	vst v63  }
0x5b: {  	_ =	swait.ge @p0 [sflag:s9], $0x2800  }
0x5c: {  	[sflag:s9] =	ssyncset.done @p0 $0x0  }
0x5d: {  	s7 =	simm.s32 @!p0 $0x3;
	s6 =	simm.s32 @!p0 $0x0;
	[sflag:s9] =	ssyncadd.s32 @p0 $0xFFFFD800  }
0x5e: {  	[tilespmem:s6], [sflag:$0x3] =	stream.linear.gather @!p0 [hbm4b:s5+s6], $0x50, $0x38;
	[tilespmem:$0x5100] =	vst v63  }
0x5f: {  	_ =	swait.ge @!p0 [sflag:s7], $0x50  }
0x60: {  	[sflag:s7] =	ssyncset.done @!p0 $0x0  }
0x61: {  	s8 =	simm.s32 @!p0 $0x100;
	s5 =	simm.s32 @!p0 $0x50;
	[sflag:s7] =	ssyncadd.s32 @!p0 $0xFFFFFFB0  }
0x62: {  	[tilespmem:s8], [sflag:$0x1] =	stream.indirect.gather @!p0 [hbm4b:s2+s5], $0x80, s6, s5, $0xb8;
	[tilespmem:$0x5100] =	vst v63  }
0x63: {  	s9 =	simm.s32 @!p0 $0x80  }
0x64: {  	[tilespmem:s9], [sflag:$0x3] =	stream.linear.gather @!p0 [hbm4b:s4+s6], $0x50, $0x38;
	[tilespmem:$0x5100] =	vst v63  }
0x65: {  	_ =	swait.ge @!p0 [sflag:s7], $0x50  }
0x66: {  	[sflag:s7] =	ssyncset.done @!p0 $0x0  }
0x67: {  	s10 =	simm.s32 @!p0 $0x1;
	s4 =	simm.s32 @!p0 $0x2900;
	[sflag:s7] =	ssyncadd.s32 @!p0 $0xFFFFFFB0  }
0x68: {  	[tilespmem:s4], [sflag:$0x2] =	stream.indirect.gather @!p0 [hbm4b:s2+s5], $0x80, s9, s5, $0xb8;
	[tilespmem:$0x5100] =	vst v63  }
0x69: {  	_ =	swait.ge @!p0 [sflag:s10], $0x2800  }
0x6a: {  	[sflag:s10] =	ssyncset.done @!p0 $0x0  }
0x6b: {  	s2 =	simm.s32 @!p0 $0x2;
	[sflag:s10] =	ssyncadd.s32 @!p0 $0xFFFFD800  }
0x6c: {  	_ =	swait.ge @!p0 [sflag:s2], $0x2800  }
0x6d: {  	[sflag:s2] =	ssyncset.done @!p0 $0x0  }
0x6e: {  	[sflag:s2] =	ssyncadd.s32 @!p0 $0xFFFFD800  }
0x6f: {  	[hbm4b:s3+s6] =	stream.linear.scatter @!p0 [tilespmem:s8], [sflag:$0x3], $0x5000, $0x38;
	[tilespmem:$0x5100] =	vst v63  }
0x70: {  	_ =	swait.ge @!p0 [sflag:s7], $0x5000  }
0x71: {  	[sflag:s7] =	ssyncset.done @!p0 $0x0  }
0x72: {  	[sflag:s7] =	ssyncadd.s32 @!p0 $0xFFFFB000  }
0x73: {  	_ =	sfence.sel $0x180000  }
0x74: {  	[bflag:$0x0] =	sbarrier.arrive $0xFFFF  }
0x75: {  	p0 =	sne.s32 s0, $0x0;
	_ =	strace $0x90000047  }
0x76: {  	s0 =	sadd.s32 @!p0 $0x100000, s1;
	[bflag:$0x2] =	sbarrier.arrive $0xFFFF  }
0x77: {  	[sflag:s0] =	ssyncadd.tile.s32 @!p0 $0x1;
	_ =	shalt  }
.Lfunc_end2:
_tile_overlayer_lowered:
.L_overlay_start_2:
0x78: {  	(tag) =	ssettag $0x2  }
0x79: {  	s0 =	rddreg [dreg:$0x0];
	s2 =	stileid.u32  }
0x7a: {  	s1 =	rddreg [dreg:$0x1];
	p0 =	sne.s32 s2, $0x0  }
0x7b: {  	s3 =	rddreg [dreg:$0x2];
	[bflag:$0x3] =	sbarrier.arrive $0xFFFF;
	s2 =	simm.s32 @!p0 $0x1C03  }
0x7c: {  	[timem:s3], [sflag:s2] =	dma.local @!p0 [hbm:s0], s1  }
0x7d: {  	s0 =	simm.s32 @!p0 $0x3  }
0x7e: {  	_ =	swait.ge @!p0 [sflag:s0], s1  }
0x7f: {  	s1 =	ssub.s32 @!p0 $0x0, s1;
	[sflag:s0] =	ssyncset.done @!p0 $0x0  }
0x80: {  	[sflag:s0] =	ssyncadd.s32 @!p0 s1  }
0x81: {  	[bflag:$0x3] =	sbarrier.arrive $0xFFFF  }
0x82: {  	_ =	shalt  }

</sc_bundles>
